<compile_context>
chip_gen: v7x
topology: tpu7x:2x2x1
jax: 0.10.2.dev20260603
libtpu: 0.0.44.dev20260713+nightly
codegen_flags: <defaults>
</compile_context>

<pallas_src>
import functools
import numpy as np
import jax
import jax.numpy as jnp
from jax import lax
from jax.experimental import pallas as pl
from jax.experimental.pallas import tpu as pltpu
from jax.experimental.pallas import tpu_sc as plsc

_P = 0.1
_S = 1.0 - 2.0 * _P
_tmp = np.tile(np.array([_P, _S, _P], dtype=np.float32), (3, 3, 1))
_tmp[2, 1] = np.array([0.0, _S / (_P + _S), _P / (_P + _S)], dtype=np.float32)
_LOGITS = np.where(_tmp > 0, np.log(np.maximum(_tmp, 1e-30)), -1e30).astype(np.float32)
_LN = _LOGITS[0, 0]
_LS = _LOGITS[2, 1]

_LANES = 16
_CHUNK = 256
_NCHUNK = 16


def _chain_body(g_hbm, d_hbm, gbuf0, gbuf1, dbuf0, dbuf1,
                gsem0, gsem1, dsem0, dsem1):
    cid = lax.axis_index("c")
    sid = lax.axis_index("s")

    @pl.when(sid == 0)
    def _():
        gbufs = (gbuf0, gbuf1)
        dbufs = (dbuf0, dbuf1)
        gsems = (gsem0, gsem1)
        dsems = (dsem0, dsem1)

        ln0 = jnp.float32(_LN[0])
        ln1 = jnp.float32(_LN[1])
        ln2 = jnp.float32(_LN[2])
        ls1 = jnp.float32(_LS[1])
        ls2 = jnp.float32(_LS[2])

        def step(j, carry, gbuf, dbuf):
            p1, p2 = carry
            g0 = gbuf[j, 0]
            g1 = gbuf[j, 1]
            g2 = gbuf[j, 2]
            v0 = g0 + ln0
            v1 = g1 + ln1
            v2 = g2 + ln2
            a = jnp.where(v2 > jnp.maximum(v0, v1), 2,
                          jnp.where(v1 > v0, 1, 0)).astype(jnp.int32)
            c = jnp.where(g2 + ls2 > g1 + ls1, 2, 1).astype(jnp.int32)
            samp = jnp.where((p1 == 2) & (p2 == 1), c, a)
            dbuf[j] = samp
            return (samp, p1)

        dbuf0[0] = jnp.ones((_LANES,), jnp.int32)
        ones = dbuf0[0]
        carry = (ones, ones)

        g_in = [None, None]
        d_out = [None, None]
        g_in[0] = pltpu.async_copy(
            g_hbm.at[cid, pl.ds(0, _CHUNK)], gbufs[0], gsems[0])
        for ch in range(_NCHUNK):
            cur = ch % 2
            nxt = 1 - cur
            if ch + 1 < _NCHUNK:
                g_in[nxt] = pltpu.async_copy(
                    g_hbm.at[cid, pl.ds((ch + 1) * _CHUNK, _CHUNK)],
                    gbufs[nxt], gsems[nxt])
            g_in[cur].wait()
            if d_out[cur] is not None:
                d_out[cur].wait()

            def step2(i, carry, gbuf, dbuf, base):
                j = base + 2 * i
                carry = step(j, carry, gbuf, dbuf)
                return step(j + 1, carry, gbuf, dbuf)

            if ch == 0:
                carry = step(1, carry, gbufs[cur], dbufs[cur])
                base, pairs = 2, (_CHUNK - 2) // 2
            else:
                base, pairs = 0, _CHUNK // 2
            carry = lax.fori_loop(
                0, pairs,
                functools.partial(step2, gbuf=gbufs[cur], dbuf=dbufs[cur],
                                  base=base),
                carry)
            d_out[cur] = pltpu.async_copy(
                dbufs[cur], d_hbm.at[cid, pl.ds(ch * _CHUNK, _CHUNK)],
                dsems[cur])
        d_out[0].wait()
        d_out[1].wait()


def _chain_offsets(g):
    n1, B, _ = g.shape
    ntile = B // _LANES
    npad = _NCHUNK * _CHUNK
    g_pad = jnp.pad(g, ((1, npad - n1 - 1), (0, 0), (0, 0)))
    g_sc = g_pad.reshape(npad, ntile, _LANES, 3).transpose(1, 0, 3, 2)

    chain = pl.kernel(
        _chain_body,
        out_type=jax.ShapeDtypeStruct((ntile, npad, _LANES), jnp.int32),
        mesh=plsc.VectorSubcoreMesh(core_axis_name="c", subcore_axis_name="s"),
        scratch_types=[
            pltpu.VMEM((_CHUNK, 3, _LANES), jnp.float32),
            pltpu.VMEM((_CHUNK, 3, _LANES), jnp.float32),
            pltpu.VMEM((_CHUNK, _LANES), jnp.int32),
            pltpu.VMEM((_CHUNK, _LANES), jnp.int32),
            pltpu.SemaphoreType.DMA,
            pltpu.SemaphoreType.DMA,
            pltpu.SemaphoreType.DMA,
            pltpu.SemaphoreType.DMA,
        ],
        compiler_params=pltpu.CompilerParams(use_tc_tiling_on_sc=False),
    )
    d = chain(g_sc)
    return d.transpose(0, 2, 1).reshape(B, npad)


def _select_kernel(d_ref, x_ref, o_ref):
    n = o_ref.shape[2]
    d = d_ref[0, :, pl.ds(0, n)]
    x0 = x_ref[0, :, pl.ds(0, n)]
    x1 = x_ref[0, :, pl.ds(1, n)]
    x2 = x_ref[0, :, pl.ds(2, n)]
    o_ref[0] = jnp.where(d == 0, x0, jnp.where(d == 1, x1, x2))


def kernel(x):
    B, I, T = x.shape
    n_win = T - 2
    n1 = n_win - 1

    keys = jax.random.split(jax.random.key(42), n1)
    g = jax.vmap(lambda k: jax.random.gumbel(k, (B, 3), jnp.float32))(keys)

    d = _chain_offsets(g)
    d3 = d.reshape(B, 1, d.shape[1])

    out = pl.pallas_call(
        _select_kernel,
        grid=(B,),
        in_specs=[
            pl.BlockSpec((1, 1, d.shape[1]), lambda b: (b, 0, 0)),
            pl.BlockSpec((1, I, T), lambda b: (b, 0, 0)),
        ],
        out_specs=pl.BlockSpec((1, I, n_win), lambda b: (b, 0, 0)),
        out_shape=jax.ShapeDtypeStruct((B, I, n_win), x.dtype),
    )(d3, x)
    return out

# --- scband reference (transcript-rebuilt; emitter-appended) ---
"""Pipeline reference for scband-jitter-73220602462337 (READ-ONLY COPY).

The authoritative reference and input builder live on the scoring server;
editing this copy changes nothing except your own understanding.
"""

import jax, jax.numpy as jnp
import numpy as np

REPLACE_PROB = 0.1


def _build_table(p):
    s = 1.0 - 2.0 * p
    tmp = np.tile(np.array([p, s, p], dtype=np.float32), (3, 3, 1))
    tmp[2, 1] = np.array([0.0, s / (p + s), p / (p + s)], dtype=np.float32)
    return tmp


def _gen_mindex(key, n_batch, n_win, p):
    # Faithful port of Jitter.gen_mask: 2nd-order Markov chain over {0,1,2}.
    # torch code indexes cond2d[m_{t-2}][m_{t-1}] which (due to the nested
    # comprehension ordering) resolves to Categorical(tmp[m_{t-1}][m_{t-2}]).
    tmp = _build_table(p)
    logits_table = jnp.asarray(np.where(tmp > 0, np.log(np.maximum(tmp, 1e-30)), -1e30).astype(np.float32))

    def step(carry, k):
        prev2, prev1 = carry
        logits = logits_table[prev1, prev2]  # (B, 3)
        samp = jax.random.categorical(k, logits, axis=-1).astype(jnp.int32)
        return (prev1, samp), samp

    keys = jax.random.split(key, n_win - 1)  # t = 2 .. n_win inclusive
    init = (jnp.ones((n_batch,), jnp.int32), jnp.ones((n_batch,), jnp.int32))
    _, samples = jax.lax.scan(step, init, keys)  # (n_win-1, B)
    samples = samples.T  # (B, n_win-1)
    ones = jnp.ones((n_batch, 1), jnp.int32)
    mindex = jnp.concatenate([ones, ones, samples, ones], axis=1)  # (B, n_win+2)
    mindex = mindex + (jnp.arange(n_win + 2, dtype=jnp.int32)[None, :] - 1)
    return mindex


def setup_inputs(seed: int = 0) -> dict:
    key = jax.random.key(seed)
    x = jax.random.normal(key, (32, 128, 4096), dtype=jnp.float32)
    return {"x": x}


def reference(x):
    # Input: (B, I, T). mindex has T = n_win + 2 columns -> n_win = T - 2.
    n_batch, _, T = x.shape
    n_win = T - 2
    mindex = _gen_mindex(jax.random.key(42), n_batch, n_win, REPLACE_PROB)  # (B, T), values in [0, T-1]
    # y[b] = index_select(x[b], dim=1(time), mindex[b])
    y = jnp.take_along_axis(x, mindex[:, None, :], axis=2)  # (B, I, T)
    return y[:, :, 1:-1]  # (B, I, T-2)

if __name__ == "__main__":
    import jax
    _d = setup_inputs()
    print(jax.jit(kernel)(*tuple(_d.values())))

</pallas_src>

<mosaic_0001>
#map = affine_map<(d0, d1) -> (0, 0, 0, 0)>
#map1 = affine_map<(d0, d1) -> (0, 0, 0)>
module attributes {stable_mosaic.version = 14 : i64} {
  func.func @_chain_body(%arg0: i32, %arg1: i32, %arg2: memref<2x4096x3x16xf32, #tpu.memory_space<hbm>>, %arg3: memref<2x4096x16xi32, #tpu.memory_space<hbm>>, %arg4: memref<256x3x16xf32, #tpu.memory_space<vmem>>, %arg5: memref<256x3x16xf32, #tpu.memory_space<vmem>>, %arg6: memref<256x16xi32, #tpu.memory_space<vmem>>, %arg7: memref<256x16xi32, #tpu.memory_space<vmem>>, %arg8: memref<!tpu.dma_semaphore, #tpu.memory_space<semaphore_mem>>, %arg9: memref<!tpu.dma_semaphore, #tpu.memory_space<semaphore_mem>>, %arg10: memref<!tpu.dma_semaphore, #tpu.memory_space<semaphore_mem>>, %arg11: memref<!tpu.dma_semaphore, #tpu.memory_space<semaphore_mem>>) attributes {dimension_semantics = [#tpu.dimension_semantics<core_parallel>, #tpu.dimension_semantics<subcore_parallel>], iteration_bounds = array<i64: 2, 16>, scalar_prefetch = 0 : i64, scratch_operands = 8 : i64, tpu.core_type = #tpu.core_type<sc_vector_subcore>, window_params = [{transform_indices = #map}, {transform_indices = #map1}]} {
    %eq3A = arith.constant 0 : i32
    %eq3A_0 = arith.cmpi eq, %arg1, %eq3A : i32
    %convert_element_type3A = arith.extui %eq3A_0 : i1 to i32
    %cond3A = arith.constant 0 : i32
    %cond3A_1 = arith.cmpi ne, %convert_element_type3A, %cond3A : i32
    scf.if %cond3A_1 {
      %broadcast_in_dim3A = arith.constant 1 : i32
      %broadcast_in_dim3A_2 = vector.broadcast %broadcast_in_dim3A : i32 to vector<16xi32>
      %swap3A = arith.constant 0 : i32
      %swap3A_3 = arith.index_cast %swap3A : i32 to index
      %swap3A_4 = arith.constant 0 : index
      %swap3A_5 = tpu.vector_load %arg6[%swap3A_3, %swap3A_4] {strides = array<i32>} : memref<256x16xi32, #tpu.memory_space<vmem>>, vector<1x16xi32>,
      %swap3A_6 = vector.shape_cast %swap3A_5 : vector<1x16xi32> to vector<16xi32>
      %swap3A_7 = vector.shape_cast %broadcast_in_dim3A_2 : vector<16xi32> to vector<1x16xi32>
      tpu.vector_store %arg6[%swap3A_3, %swap3A_4], %swap3A_7 {strides = array<i32>} : memref<256x16xi32, #tpu.memory_space<vmem>>, vector<1x16xi32>,
      %get3A = arith.constant 0 : i32
      %get3A_8 = arith.index_cast %get3A : i32 to index
      %get3A_9 = arith.constant 0 : index
      %get3A_10 = tpu.vector_load %arg6[%get3A_8, %get3A_9] {strides = array<i32>} : memref<256x16xi32, #tpu.memory_space<vmem>>, vector<1x16xi32>,
      %get3A_11 = vector.shape_cast %get3A_10 : vector<1x16xi32> to vector<16xi32>
      %dma_start3A = arith.constant 0 : i32
      %dma_start3A_12 = arith.constant 0 : i32
      %dma_start3A_13 = arith.constant 0 : i32
      %dma_start3A_14 = tpu.memref_slice %arg2[%arg0, %dma_start3A, %dma_start3A_12, %dma_start3A_13] : memref<2x4096x3x16xf32, #tpu.memory_space<hbm>> -> memref<1x256x3x16xf32, #tpu.memory_space<hbm>>
      %dma_start3A_15 = tpu.memref_squeeze %dma_start3A_14 : memref<1x256x3x16xf32, #tpu.memory_space<hbm>> -> memref<256x3x16xf32, #tpu.memory_space<hbm>>
      %dma_start3A_16 = arith.constant 0 : i32
      %dma_start3A_17 = arith.constant 0 : i32
      %dma_start3A_18 = arith.constant 0 : i32
      %dma_start3A_19 = tpu.memref_slice %arg2[%arg0, %dma_start3A_16, %dma_start3A_17, %dma_start3A_18] : memref<2x4096x3x16xf32, #tpu.memory_space<hbm>> -> memref<1x256x3x16xf32, #tpu.memory_space<hbm>>
      %dma_start3A_20 = tpu.memref_squeeze %dma_start3A_19 : memref<1x256x3x16xf32, #tpu.memory_space<hbm>> -> memref<256x3x16xf32, #tpu.memory_space<hbm>>
      tpu.enqueue_dma source(%dma_start3A_20 : memref<256x3x16xf32, #tpu.memory_space<hbm>>) target(%arg4 : memref<256x3x16xf32, #tpu.memory_space<vmem>>) target_semaphore(%arg8 : memref<!tpu.dma_semaphore, #tpu.memory_space<semaphore_mem>>)
      %dma_start3A_21 = arith.constant 256 : i32
      %dma_start3A_22 = arith.constant 0 : i32
      %dma_start3A_23 = arith.constant 0 : i32
      %dma_start3A_24 = tpu.memref_slice %arg2[%arg0, %dma_start3A_21, %dma_start3A_22, %dma_start3A_23] : memref<2x4096x3x16xf32, #tpu.memory_space<hbm>> -> memref<1x256x3x16xf32, #tpu.memory_space<hbm>>
      %dma_start3A_25 = tpu.memref_squeeze %dma_start3A_24 : memref<1x256x3x16xf32, #tpu.memory_space<hbm>> -> memref<256x3x16xf32, #tpu.memory_space<hbm>>
      %dma_start3A_26 = arith.constant 256 : i32
      %dma_start3A_27 = arith.constant 0 : i32
      %dma_start3A_28 = arith.constant 0 : i32
      %dma_start3A_29 = tpu.memref_slice %arg2[%arg0, %dma_start3A_26, %dma_start3A_27, %dma_start3A_28] : memref<2x4096x3x16xf32, #tpu.memory_space<hbm>> -> memref<1x256x3x16xf32, #tpu.memory_space<hbm>>
      %dma_start3A_30 = tpu.memref_squeeze %dma_start3A_29 : memref<1x256x3x16xf32, #tpu.memory_space<hbm>> -> memref<256x3x16xf32, #tpu.memory_space<hbm>>
      tpu.enqueue_dma source(%dma_start3A_30 : memref<256x3x16xf32, #tpu.memory_space<hbm>>) target(%arg5 : memref<256x3x16xf32, #tpu.memory_space<vmem>>) target_semaphore(%arg9 : memref<!tpu.dma_semaphore, #tpu.memory_space<semaphore_mem>>)
      %dma_wait3A = arith.constant 0 : i32
      %dma_wait3A_31 = arith.constant 0 : i32
      %dma_wait3A_32 = arith.constant 0 : i32
      %dma_wait3A_33 = tpu.memref_slice %arg2[%arg0, %dma_wait3A, %dma_wait3A_31, %dma_wait3A_32] : memref<2x4096x3x16xf32, #tpu.memory_space<hbm>> -> memref<1x256x3x16xf32, #tpu.memory_space<hbm>>
      %dma_wait3A_34 = tpu.memref_squeeze %dma_wait3A_33 : memref<1x256x3x16xf32, #tpu.memory_space<hbm>> -> memref<256x3x16xf32, #tpu.memory_space<hbm>>
      %dma_wait3A_35 = arith.constant 0 : i32
      %dma_wait3A_36 = arith.constant 0 : i32
      %dma_wait3A_37 = arith.constant 0 : i32
      %dma_wait3A_38 = tpu.memref_slice %arg2[%arg0, %dma_wait3A_35, %dma_wait3A_36, %dma_wait3A_37] : memref<2x4096x3x16xf32, #tpu.memory_space<hbm>> -> memref<1x256x3x16xf32, #tpu.memory_space<hbm>>
      %dma_wait3A_39 = tpu.memref_squeeze %dma_wait3A_38 : memref<1x256x3x16xf32, #tpu.memory_space<hbm>> -> memref<256x3x16xf32, #tpu.memory_space<hbm>>
      tpu.wait_dma2 semaphore(%arg8 : memref<!tpu.dma_semaphore, #tpu.memory_space<semaphore_mem>>) src(%dma_wait3A_39 : memref<256x3x16xf32, #tpu.memory_space<hbm>>) dst(%arg4 : memref<256x3x16xf32, #tpu.memory_space<vmem>>)
      %get3A_40 = arith.constant 1 : i32
      %get3A_41 = arith.constant 0 : i32
      %get3A_42 = arith.index_cast %get3A_40 : i32 to index
      %get3A_43 = arith.index_cast %get3A_41 : i32 to index
      %get3A_44 = arith.constant 0 : index
      %get3A_45 = tpu.vector_load %arg4[%get3A_42, %get3A_43, %get3A_44] {strides = array<i32>} : memref<256x3x16xf32, #tpu.memory_space<vmem>>, vector<1x1x16xf32>,
      %get3A_46 = vector.shape_cast %get3A_45 : vector<1x1x16xf32> to vector<16xf32>
      %get3A_47 = arith.constant 1 : i32
      %get3A_48 = arith.constant 1 : i32
      %get3A_49 = arith.index_cast %get3A_47 : i32 to index
      %get3A_50 = arith.index_cast %get3A_48 : i32 to index
      %get3A_51 = arith.constant 0 : index
      %get3A_52 = tpu.vector_load %arg4[%get3A_49, %get3A_50, %get3A_51] {strides = array<i32>} : memref<256x3x16xf32, #tpu.memory_space<vmem>>, vector<1x1x16xf32>,
      %get3A_53 = vector.shape_cast %get3A_52 : vector<1x1x16xf32> to vector<16xf32>
      %get3A_54 = arith.constant 1 : i32
      %get3A_55 = arith.constant 2 : i32
      %get3A_56 = arith.index_cast %get3A_54 : i32 to index
      %get3A_57 = arith.index_cast %get3A_55 : i32 to index
      %get3A_58 = arith.constant 0 : index
      %get3A_59 = tpu.vector_load %arg4[%get3A_56, %get3A_57, %get3A_58] {strides = array<i32>} : memref<256x3x16xf32, #tpu.memory_space<vmem>>, vector<1x1x16xf32>,
      %get3A_60 = vector.shape_cast %get3A_59 : vector<1x1x16xf32> to vector<16xf32>
      %add3A = arith.constant -2.30258512 : f32
      %add3A_61 = vector.broadcast %add3A : f32 to vector<16xf32>
      %add3A_62 = arith.addf %get3A_46, %add3A_61 : vector<16xf32>
      %add3A_63 = arith.constant -0.223143533 : f32
      %add3A_64 = vector.broadcast %add3A_63 : f32 to vector<16xf32>
      %add3A_65 = arith.addf %get3A_53, %add3A_64 : vector<16xf32>
      %add3A_66 = arith.constant -2.30258512 : f32
      %add3A_67 = vector.broadcast %add3A_66 : f32 to vector<16xf32>
      %add3A_68 = arith.addf %get3A_60, %add3A_67 : vector<16xf32>
      %max3A = arith.maximumf %add3A_62, %add3A_65 : vector<16xf32>
      %gt3A = arith.cmpf ogt, %add3A_68, %max3A : vector<16xf32>
      %gt3A_69 = arith.cmpf ogt, %add3A_65, %add3A_62 : vector<16xf32>
      %jit3A = arith.constant 1 : i32
      %jit3A_70 = arith.constant 0 : i32
      %broadcast_in_dim3A_71 = vector.broadcast %jit3A : i32 to vector<16xi32>
      %broadcast_in_dim3A_72 = vector.broadcast %jit3A_70 : i32 to vector<16xi32>
      %select_n3A = arith.select %gt3A_69, %broadcast_in_dim3A_71, %broadcast_in_dim3A_72 : vector<16xi1>, vector<16xi32>
      %jit3A_73 = arith.constant 2 : i32
      %broadcast_in_dim3A_74 = vector.broadcast %jit3A_73 : i32 to vector<16xi32>
      %select_n3A_75 = arith.select %gt3A, %broadcast_in_dim3A_74, %select_n3A : vector<16xi1>, vector<16xi32>
      %add3A_76 = arith.constant -2.19722462 : f32
      %add3A_77 = vector.broadcast %add3A_76 : f32 to vector<16xf32>
      %add3A_78 = arith.addf %get3A_60, %add3A_77 : vector<16xf32>
      %add3A_79 = arith.constant -0.117783032 : f32
      %add3A_80 = vector.broadcast %add3A_79 : f32 to vector<16xf32>
      %add3A_81 = arith.addf %get3A_53, %add3A_80 : vector<16xf32>
      %gt3A_82 = arith.cmpf ogt, %add3A_78, %add3A_81 : vector<16xf32>
      %jit3A_83 = arith.constant 2 : i32
      %jit3A_84 = arith.constant 1 : i32
      %broadcast_in_dim3A_85 = vector.broadcast %jit3A_83 : i32 to vector<16xi32>
      %broadcast_in_dim3A_86 = vector.broadcast %jit3A_84 : i32 to vector<16xi32>
      %select_n3A_87 = arith.select %gt3A_82, %broadcast_in_dim3A_85, %broadcast_in_dim3A_86 : vector<16xi1>, vector<16xi32>
      %eq3A_88 = arith.constant 2 : i32
      %eq3A_89 = vector.broadcast %eq3A_88 : i32 to vector<16xi32>
      %eq3A_90 = arith.cmpi eq, %get3A_11, %eq3A_89 : vector<16xi32>
      %eq3A_91 = arith.constant 1 : i32
      %eq3A_92 = vector.broadcast %eq3A_91 : i32 to vector<16xi32>
      %eq3A_93 = arith.cmpi eq, %get3A_11, %eq3A_92 : vector<16xi32>
      %and3A = arith.andi %eq3A_90, %eq3A_93 : vector<16xi1>
      %select_n3A_94 = arith.select %and3A, %select_n3A_87, %select_n3A_75 : vector<16xi1>, vector<16xi32>
      %swap3A_95 = arith.constant 1 : i32
      %swap3A_96 = arith.index_cast %swap3A_95 : i32 to index
      %swap3A_97 = arith.constant 0 : index
      %swap3A_98 = tpu.vector_load %arg6[%swap3A_96, %swap3A_97] {strides = array<i32>} : memref<256x16xi32, #tpu.memory_space<vmem>>, vector<1x16xi32>,
      %swap3A_99 = vector.shape_cast %swap3A_98 : vector<1x16xi32> to vector<16xi32>
      %swap3A_100 = vector.shape_cast %select_n3A_94 : vector<16xi32> to vector<1x16xi32>
      tpu.vector_store %arg6[%swap3A_96, %swap3A_97], %swap3A_100 {strides = array<i32>} : memref<256x16xi32, #tpu.memory_space<vmem>>, vector<1x16xi32>,
      %scan3A = arith.constant -2.30258512 : f32
      %scan3A_101 = arith.constant -0.223143533 : f32
      %scan3A_102 = arith.constant -2.30258512 : f32
      %scan3A_103 = arith.constant -2.19722462 : f32
      %scan3A_104 = arith.constant -0.117783032 : f32
      %scan3A_105 = arith.constant 0 : i32
      %scan3A_106 = arith.constant 127 : i32
      %scan3A_107 = arith.addi %scan3A_105, %scan3A_106 : i32
      %scan3A_108 = arith.constant 1 : i32
      %scan3A_109:2 = scf.for %scan3A_822 = %scan3A_105 to %scan3A_107 step %scan3A_108 iter_args(%scan3A_823 = %select_n3A_94, %scan3A_824 = %get3A_11) -> (vector<16xi32>, vector<16xi32>)  : i32 {
        %mul3A = arith.constant 2 : i32
        %mul3A_825 = arith.muli %mul3A, %scan3A_822 : i32
        %add3A_826 = arith.constant 2 : i32
        %add3A_827 = arith.addi %add3A_826, %mul3A_825 : i32
        %get3A_828 = arith.constant 0 : i32
        %get3A_829 = arith.index_cast %add3A_827 : i32 to index
        %get3A_830 = arith.index_cast %get3A_828 : i32 to index
        %get3A_831 = arith.constant 0 : index
        %get3A_832 = tpu.vector_load %arg4[%get3A_829, %get3A_830, %get3A_831] {strides = array<i32>} : memref<256x3x16xf32, #tpu.memory_space<vmem>>, vector<1x1x16xf32>,
        %get3A_833 = vector.shape_cast %get3A_832 : vector<1x1x16xf32> to vector<16xf32>
        %get3A_834 = arith.constant 1 : i32
        %get3A_835 = arith.index_cast %add3A_827 : i32 to index
        %get3A_836 = arith.index_cast %get3A_834 : i32 to index
        %get3A_837 = arith.constant 0 : index
        %get3A_838 = tpu.vector_load %arg4[%get3A_835, %get3A_836, %get3A_837] {strides = array<i32>} : memref<256x3x16xf32, #tpu.memory_space<vmem>>, vector<1x1x16xf32>,
        %get3A_839 = vector.shape_cast %get3A_838 : vector<1x1x16xf32> to vector<16xf32>
        %get3A_840 = arith.constant 2 : i32
        %get3A_841 = arith.index_cast %add3A_827 : i32 to index
        %get3A_842 = arith.index_cast %get3A_840 : i32 to index
        %get3A_843 = arith.constant 0 : index
        %get3A_844 = tpu.vector_load %arg4[%get3A_841, %get3A_842, %get3A_843] {strides = array<i32>} : memref<256x3x16xf32, #tpu.memory_space<vmem>>, vector<1x1x16xf32>,
        %get3A_845 = vector.shape_cast %get3A_844 : vector<1x1x16xf32> to vector<16xf32>
        %add3A_846 = vector.broadcast %scan3A : f32 to vector<16xf32>
        %add3A_847 = arith.addf %get3A_833, %add3A_846 : vector<16xf32>
        %add3A_848 = vector.broadcast %scan3A_101 : f32 to vector<16xf32>
        %add3A_849 = arith.addf %get3A_839, %add3A_848 : vector<16xf32>
        %add3A_850 = vector.broadcast %scan3A_102 : f32 to vector<16xf32>
        %add3A_851 = arith.addf %get3A_845, %add3A_850 : vector<16xf32>
        %max3A_852 = arith.maximumf %add3A_847, %add3A_849 : vector<16xf32>
        %gt3A_853 = arith.cmpf ogt, %add3A_851, %max3A_852 : vector<16xf32>
        %gt3A_854 = arith.cmpf ogt, %add3A_849, %add3A_847 : vector<16xf32>
        %jit3A_855 = arith.constant 1 : i32
        %jit3A_856 = arith.constant 0 : i32
        %broadcast_in_dim3A_857 = vector.broadcast %jit3A_855 : i32 to vector<16xi32>
        %broadcast_in_dim3A_858 = vector.broadcast %jit3A_856 : i32 to vector<16xi32>
        %select_n3A_859 = arith.select %gt3A_854, %broadcast_in_dim3A_857, %broadcast_in_dim3A_858 : vector<16xi1>, vector<16xi32>
        %jit3A_860 = arith.constant 2 : i32
        %broadcast_in_dim3A_861 = vector.broadcast %jit3A_860 : i32 to vector<16xi32>
        %select_n3A_862 = arith.select %gt3A_853, %broadcast_in_dim3A_861, %select_n3A_859 : vector<16xi1>, vector<16xi32>
        %add3A_863 = vector.broadcast %scan3A_103 : f32 to vector<16xf32>
        %add3A_864 = arith.addf %get3A_845, %add3A_863 : vector<16xf32>
        %add3A_865 = vector.broadcast %scan3A_104 : f32 to vector<16xf32>
        %add3A_866 = arith.addf %get3A_839, %add3A_865 : vector<16xf32>
        %gt3A_867 = arith.cmpf ogt, %add3A_864, %add3A_866 : vector<16xf32>
        %jit3A_868 = arith.constant 2 : i32
        %jit3A_869 = arith.constant 1 : i32
        %broadcast_in_dim3A_870 = vector.broadcast %jit3A_868 : i32 to vector<16xi32>
        %broadcast_in_dim3A_871 = vector.broadcast %jit3A_869 : i32 to vector<16xi32>
        %select_n3A_872 = arith.select %gt3A_867, %broadcast_in_dim3A_870, %broadcast_in_dim3A_871 : vector<16xi1>, vector<16xi32>
        %eq3A_873 = arith.constant 2 : i32
        %eq3A_874 = vector.broadcast %eq3A_873 : i32 to vector<16xi32>
        %eq3A_875 = arith.cmpi eq, %scan3A_823, %eq3A_874 : vector<16xi32>
        %eq3A_876 = arith.constant 1 : i32
        %eq3A_877 = vector.broadcast %eq3A_876 : i32 to vector<16xi32>
        %eq3A_878 = arith.cmpi eq, %scan3A_824, %eq3A_877 : vector<16xi32>
        %and3A_879 = arith.andi %eq3A_875, %eq3A_878 : vector<16xi1>
        %select_n3A_880 = arith.select %and3A_879, %select_n3A_872, %select_n3A_862 : vector<16xi1>, vector<16xi32>
        %swap3A_881 = arith.index_cast %add3A_827 : i32 to index
        %swap3A_882 = arith.constant 0 : index
        %swap3A_883 = tpu.vector_load %arg6[%swap3A_881, %swap3A_882] {strides = array<i32>} : memref<256x16xi32, #tpu.memory_space<vmem>>, vector<1x16xi32>,
        %swap3A_884 = vector.shape_cast %swap3A_883 : vector<1x16xi32> to vector<16xi32>
        %swap3A_885 = vector.shape_cast %select_n3A_880 : vector<16xi32> to vector<1x16xi32>
        tpu.vector_store %arg6[%swap3A_881, %swap3A_882], %swap3A_885 {strides = array<i32>} : memref<256x16xi32, #tpu.memory_space<vmem>>, vector<1x16xi32>,
        %add3A_886 = arith.constant 1 : i32
        %add3A_887 = arith.addi %add3A_827, %add3A_886 : i32
        %get3A_888 = arith.constant 0 : i32
        %get3A_889 = arith.index_cast %add3A_887 : i32 to index
        %get3A_890 = arith.index_cast %get3A_888 : i32 to index
        %get3A_891 = arith.constant 0 : index
        %get3A_892 = tpu.vector_load %arg4[%get3A_889, %get3A_890, %get3A_891] {strides = array<i32>} : memref<256x3x16xf32, #tpu.memory_space<vmem>>, vector<1x1x16xf32>,
        %get3A_893 = vector.shape_cast %get3A_892 : vector<1x1x16xf32> to vector<16xf32>
        %get3A_894 = arith.constant 1 : i32
        %get3A_895 = arith.index_cast %add3A_887 : i32 to index
        %get3A_896 = arith.index_cast %get3A_894 : i32 to index
        %get3A_897 = arith.constant 0 : index
        %get3A_898 = tpu.vector_load %arg4[%get3A_895, %get3A_896, %get3A_897] {strides = array<i32>} : memref<256x3x16xf32, #tpu.memory_space<vmem>>, vector<1x1x16xf32>,
        %get3A_899 = vector.shape_cast %get3A_898 : vector<1x1x16xf32> to vector<16xf32>
        %get3A_900 = arith.constant 2 : i32
        %get3A_901 = arith.index_cast %add3A_887 : i32 to index
        %get3A_902 = arith.index_cast %get3A_900 : i32 to index
        %get3A_903 = arith.constant 0 : index
        %get3A_904 = tpu.vector_load %arg4[%get3A_901, %get3A_902, %get3A_903] {strides = array<i32>} : memref<256x3x16xf32, #tpu.memory_space<vmem>>, vector<1x1x16xf32>,
        %get3A_905 = vector.shape_cast %get3A_904 : vector<1x1x16xf32> to vector<16xf32>
        %add3A_906 = vector.broadcast %scan3A : f32 to vector<16xf32>
        %add3A_907 = arith.addf %get3A_893, %add3A_906 : vector<16xf32>
        %add3A_908 = vector.broadcast %scan3A_101 : f32 to vector<16xf32>
        %add3A_909 = arith.addf %get3A_899, %add3A_908 : vector<16xf32>
        %add3A_910 = vector.broadcast %scan3A_102 : f32 to vector<16xf32>
        %add3A_911 = arith.addf %get3A_905, %add3A_910 : vector<16xf32>
        %max3A_912 = arith.maximumf %add3A_907, %add3A_909 : vector<16xf32>
        %gt3A_913 = arith.cmpf ogt, %add3A_911, %max3A_912 : vector<16xf32>
        %gt3A_914 = arith.cmpf ogt, %add3A_909, %add3A_907 : vector<16xf32>
        %jit3A_915 = arith.constant 1 : i32
        %jit3A_916 = arith.constant 0 : i32
        %broadcast_in_dim3A_917 = vector.broadcast %jit3A_915 : i32 to vector<16xi32>
        %broadcast_in_dim3A_918 = vector.broadcast %jit3A_916 : i32 to vector<16xi32>
        %select_n3A_919 = arith.select %gt3A_914, %broadcast_in_dim3A_917, %broadcast_in_dim3A_918 : vector<16xi1>, vector<16xi32>
        %jit3A_920 = arith.constant 2 : i32
        %broadcast_in_dim3A_921 = vector.broadcast %jit3A_920 : i32 to vector<16xi32>
        %select_n3A_922 = arith.select %gt3A_913, %broadcast_in_dim3A_921, %select_n3A_919 : vector<16xi1>, vector<16xi32>
        %add3A_923 = vector.broadcast %scan3A_103 : f32 to vector<16xf32>
        %add3A_924 = arith.addf %get3A_905, %add3A_923 : vector<16xf32>
        %add3A_925 = vector.broadcast %scan3A_104 : f32 to vector<16xf32>
        %add3A_926 = arith.addf %get3A_899, %add3A_925 : vector<16xf32>
        %gt3A_927 = arith.cmpf ogt, %add3A_924, %add3A_926 : vector<16xf32>
        %jit3A_928 = arith.constant 2 : i32
        %jit3A_929 = arith.constant 1 : i32
        %broadcast_in_dim3A_930 = vector.broadcast %jit3A_928 : i32 to vector<16xi32>
        %broadcast_in_dim3A_931 = vector.broadcast %jit3A_929 : i32 to vector<16xi32>
        %select_n3A_932 = arith.select %gt3A_927, %broadcast_in_dim3A_930, %broadcast_in_dim3A_931 : vector<16xi1>, vector<16xi32>
        %eq3A_933 = arith.constant 2 : i32
        %eq3A_934 = vector.broadcast %eq3A_933 : i32 to vector<16xi32>
        %eq3A_935 = arith.cmpi eq, %select_n3A_880, %eq3A_934 : vector<16xi32>
        %eq3A_936 = arith.constant 1 : i32
        %eq3A_937 = vector.broadcast %eq3A_936 : i32 to vector<16xi32>
        %eq3A_938 = arith.cmpi eq, %scan3A_823, %eq3A_937 : vector<16xi32>
        %and3A_939 = arith.andi %eq3A_935, %eq3A_938 : vector<16xi1>
        %select_n3A_940 = arith.select %and3A_939, %select_n3A_932, %select_n3A_922 : vector<16xi1>, vector<16xi32>
        %swap3A_941 = arith.index_cast %add3A_887 : i32 to index
        %swap3A_942 = arith.constant 0 : index
        %swap3A_943 = tpu.vector_load %arg6[%swap3A_941, %swap3A_942] {strides = array<i32>} : memref<256x16xi32, #tpu.memory_space<vmem>>, vector<1x16xi32>,
        %swap3A_944 = vector.shape_cast %swap3A_943 : vector<1x16xi32> to vector<16xi32>
        %swap3A_945 = vector.shape_cast %select_n3A_940 : vector<16xi32> to vector<1x16xi32>
        tpu.vector_store %arg6[%swap3A_941, %swap3A_942], %swap3A_945 {strides = array<i32>} : memref<256x16xi32, #tpu.memory_space<vmem>>, vector<1x16xi32>,
        scf.yield %select_n3A_940, %select_n3A_880 : vector<16xi32>, vector<16xi32>
      }
      %scan3A_110 = arith.constant 127 : i32
      %dma_start3A_111 = arith.constant 0 : i32
      %dma_start3A_112 = arith.constant 0 : i32
      %dma_start3A_113 = tpu.memref_slice %arg3[%arg0, %dma_start3A_111, %dma_start3A_112] : memref<2x4096x16xi32, #tpu.memory_space<hbm>> -> memref<1x256x16xi32, #tpu.memory_space<hbm>>
      %dma_start3A_114 = tpu.memref_squeeze %dma_start3A_113 : memref<1x256x16xi32, #tpu.memory_space<hbm>> -> memref<256x16xi32, #tpu.memory_space<hbm>>
      %dma_start3A_115 = arith.constant 0 : i32
      %dma_start3A_116 = arith.constant 0 : i32
      %dma_start3A_117 = tpu.memref_slice %arg3[%arg0, %dma_start3A_115, %dma_start3A_116] : memref<2x4096x16xi32, #tpu.memory_space<hbm>> -> memref<1x256x16xi32, #tpu.memory_space<hbm>>
      %dma_start3A_118 = tpu.memref_squeeze %dma_start3A_117 : memref<1x256x16xi32, #tpu.memory_space<hbm>> -> memref<256x16xi32, #tpu.memory_space<hbm>>
      tpu.enqueue_dma source(%arg6 : memref<256x16xi32, #tpu.memory_space<vmem>>) target(%dma_start3A_118 : memref<256x16xi32, #tpu.memory_space<hbm>>) target_semaphore(%arg10 : memref<!tpu.dma_semaphore, #tpu.memory_space<semaphore_mem>>)
      %dma_start3A_119 = arith.constant 512 : i32
      %dma_start3A_120 = arith.constant 0 : i32
      %dma_start3A_121 = arith.constant 0 : i32
      %dma_start3A_122 = tpu.memref_slice %arg2[%arg0, %dma_start3A_119, %dma_start3A_120, %dma_start3A_121] : memref<2x4096x3x16xf32, #tpu.memory_space<hbm>> -> memref<1x256x3x16xf32, #tpu.memory_space<hbm>>
      %dma_start3A_123 = tpu.memref_squeeze %dma_start3A_122 : memref<1x256x3x16xf32, #tpu.memory_space<hbm>> -> memref<256x3x16xf32, #tpu.memory_space<hbm>>
      %dma_start3A_124 = arith.constant 512 : i32
      %dma_start3A_125 = arith.constant 0 : i32
      %dma_start3A_126 = arith.constant 0 : i32
      %dma_start3A_127 = tpu.memref_slice %arg2[%arg0, %dma_start3A_124, %dma_start3A_125, %dma_start3A_126] : memref<2x4096x3x16xf32, #tpu.memory_space<hbm>> -> memref<1x256x3x16xf32, #tpu.memory_space<hbm>>
      %dma_start3A_128 = tpu.memref_squeeze %dma_start3A_127 : memref<1x256x3x16xf32, #tpu.memory_space<hbm>> -> memref<256x3x16xf32, #tpu.memory_space<hbm>>
      tpu.enqueue_dma source(%dma_start3A_128 : memref<256x3x16xf32, #tpu.memory_space<hbm>>) target(%arg4 : memref<256x3x16xf32, #tpu.memory_space<vmem>>) target_semaphore(%arg8 : memref<!tpu.dma_semaphore, #tpu.memory_space<semaphore_mem>>)
      %dma_wait3A_129 = arith.constant 256 : i32
      %dma_wait3A_130 = arith.constant 0 : i32
      %dma_wait3A_131 = arith.constant 0 : i32
      %dma_wait3A_132 = tpu.memref_slice %arg2[%arg0, %dma_wait3A_129, %dma_wait3A_130, %dma_wait3A_131] : memref<2x4096x3x16xf32, #tpu.memory_space<hbm>> -> memref<1x256x3x16xf32, #tpu.memory_space<hbm>>
      %dma_wait3A_133 = tpu.memref_squeeze %dma_wait3A_132 : memref<1x256x3x16xf32, #tpu.memory_space<hbm>> -> memref<256x3x16xf32, #tpu.memory_space<hbm>>
      %dma_wait3A_134 = arith.constant 256 : i32
      %dma_wait3A_135 = arith.constant 0 : i32
      %dma_wait3A_136 = arith.constant 0 : i32
      %dma_wait3A_137 = tpu.memref_slice %arg2[%arg0, %dma_wait3A_134, %dma_wait3A_135, %dma_wait3A_136] : memref<2x4096x3x16xf32, #tpu.memory_space<hbm>> -> memref<1x256x3x16xf32, #tpu.memory_space<hbm>>
      %dma_wait3A_138 = tpu.memref_squeeze %dma_wait3A_137 : memref<1x256x3x16xf32, #tpu.memory_space<hbm>> -> memref<256x3x16xf32, #tpu.memory_space<hbm>>
      tpu.wait_dma2 semaphore(%arg9 : memref<!tpu.dma_semaphore, #tpu.memory_space<semaphore_mem>>) src(%dma_wait3A_138 : memref<256x3x16xf32, #tpu.memory_space<hbm>>) dst(%arg5 : memref<256x3x16xf32, #tpu.memory_space<vmem>>)
      %scan3A_139 = arith.constant -2.30258512 : f32
      %scan3A_140 = arith.constant -0.223143533 : f32
      %scan3A_141 = arith.constant -2.30258512 : f32
      %scan3A_142 = arith.constant -2.19722462 : f32
      %scan3A_143 = arith.constant -0.117783032 : f32
      %scan3A_144 = arith.constant 0 : i32
      %scan3A_145 = arith.constant 128 : i32
      %scan3A_146 = arith.addi %scan3A_144, %scan3A_145 : i32
      %scan3A_147 = arith.constant 1 : i32
      %scan3A_148:2 = scf.for %scan3A_822 = %scan3A_144 to %scan3A_146 step %scan3A_147 iter_args(%scan3A_823 = %scan3A_109#0, %scan3A_824 = %scan3A_109#1) -> (vector<16xi32>, vector<16xi32>)  : i32 {
        %mul3A = arith.constant 2 : i32
        %mul3A_825 = arith.muli %mul3A, %scan3A_822 : i32
        %add3A_826 = arith.constant 0 : i32
        %add3A_827 = arith.addi %add3A_826, %mul3A_825 : i32
        %get3A_828 = arith.constant 0 : i32
        %get3A_829 = arith.index_cast %add3A_827 : i32 to index
        %get3A_830 = arith.index_cast %get3A_828 : i32 to index
        %get3A_831 = arith.constant 0 : index
        %get3A_832 = tpu.vector_load %arg5[%get3A_829, %get3A_830, %get3A_831] {strides = array<i32>} : memref<256x3x16xf32, #tpu.memory_space<vmem>>, vector<1x1x16xf32>,
        %get3A_833 = vector.shape_cast %get3A_832 : vector<1x1x16xf32> to vector<16xf32>
        %get3A_834 = arith.constant 1 : i32
        %get3A_835 = arith.index_cast %add3A_827 : i32 to index
        %get3A_836 = arith.index_cast %get3A_834 : i32 to index
        %get3A_837 = arith.constant 0 : index
        %get3A_838 = tpu.vector_load %arg5[%get3A_835, %get3A_836, %get3A_837] {strides = array<i32>} : memref<256x3x16xf32, #tpu.memory_space<vmem>>, vector<1x1x16xf32>,
        %get3A_839 = vector.shape_cast %get3A_838 : vector<1x1x16xf32> to vector<16xf32>
        %get3A_840 = arith.constant 2 : i32
        %get3A_841 = arith.index_cast %add3A_827 : i32 to index
        %get3A_842 = arith.index_cast %get3A_840 : i32 to index
        %get3A_843 = arith.constant 0 : index
        %get3A_844 = tpu.vector_load %arg5[%get3A_841, %get3A_842, %get3A_843] {strides = array<i32>} : memref<256x3x16xf32, #tpu.memory_space<vmem>>, vector<1x1x16xf32>,
        %get3A_845 = vector.shape_cast %get3A_844 : vector<1x1x16xf32> to vector<16xf32>
        %add3A_846 = vector.broadcast %scan3A_139 : f32 to vector<16xf32>
        %add3A_847 = arith.addf %get3A_833, %add3A_846 : vector<16xf32>
        %add3A_848 = vector.broadcast %scan3A_140 : f32 to vector<16xf32>
        %add3A_849 = arith.addf %get3A_839, %add3A_848 : vector<16xf32>
        %add3A_850 = vector.broadcast %scan3A_141 : f32 to vector<16xf32>
        %add3A_851 = arith.addf %get3A_845, %add3A_850 : vector<16xf32>
        %max3A_852 = arith.maximumf %add3A_847, %add3A_849 : vector<16xf32>
        %gt3A_853 = arith.cmpf ogt, %add3A_851, %max3A_852 : vector<16xf32>
        %gt3A_854 = arith.cmpf ogt, %add3A_849, %add3A_847 : vector<16xf32>
        %jit3A_855 = arith.constant 1 : i32
        %jit3A_856 = arith.constant 0 : i32
        %broadcast_in_dim3A_857 = vector.broadcast %jit3A_855 : i32 to vector<16xi32>
        %broadcast_in_dim3A_858 = vector.broadcast %jit3A_856 : i32 to vector<16xi32>
        %select_n3A_859 = arith.select %gt3A_854, %broadcast_in_dim3A_857, %broadcast_in_dim3A_858 : vector<16xi1>, vector<16xi32>
        %jit3A_860 = arith.constant 2 : i32
        %broadcast_in_dim3A_861 = vector.broadcast %jit3A_860 : i32 to vector<16xi32>
        %select_n3A_862 = arith.select %gt3A_853, %broadcast_in_dim3A_861, %select_n3A_859 : vector<16xi1>, vector<16xi32>
        %add3A_863 = vector.broadcast %scan3A_142 : f32 to vector<16xf32>
        %add3A_864 = arith.addf %get3A_845, %add3A_863 : vector<16xf32>
        %add3A_865 = vector.broadcast %scan3A_143 : f32 to vector<16xf32>
        %add3A_866 = arith.addf %get3A_839, %add3A_865 : vector<16xf32>
        %gt3A_867 = arith.cmpf ogt, %add3A_864, %add3A_866 : vector<16xf32>
        %jit3A_868 = arith.constant 2 : i32
        %jit3A_869 = arith.constant 1 : i32
        %broadcast_in_dim3A_870 = vector.broadcast %jit3A_868 : i32 to vector<16xi32>
        %broadcast_in_dim3A_871 = vector.broadcast %jit3A_869 : i32 to vector<16xi32>
        %select_n3A_872 = arith.select %gt3A_867, %broadcast_in_dim3A_870, %broadcast_in_dim3A_871 : vector<16xi1>, vector<16xi32>
        %eq3A_873 = arith.constant 2 : i32
        %eq3A_874 = vector.broadcast %eq3A_873 : i32 to vector<16xi32>
        %eq3A_875 = arith.cmpi eq, %scan3A_823, %eq3A_874 : vector<16xi32>
        %eq3A_876 = arith.constant 1 : i32
        %eq3A_877 = vector.broadcast %eq3A_876 : i32 to vector<16xi32>
        %eq3A_878 = arith.cmpi eq, %scan3A_824, %eq3A_877 : vector<16xi32>
        %and3A_879 = arith.andi %eq3A_875, %eq3A_878 : vector<16xi1>
        %select_n3A_880 = arith.select %and3A_879, %select_n3A_872, %select_n3A_862 : vector<16xi1>, vector<16xi32>
        %swap3A_881 = arith.index_cast %add3A_827 : i32 to index
        %swap3A_882 = arith.constant 0 : index
        %swap3A_883 = tpu.vector_load %arg7[%swap3A_881, %swap3A_882] {strides = array<i32>} : memref<256x16xi32, #tpu.memory_space<vmem>>, vector<1x16xi32>,
        %swap3A_884 = vector.shape_cast %swap3A_883 : vector<1x16xi32> to vector<16xi32>
        %swap3A_885 = vector.shape_cast %select_n3A_880 : vector<16xi32> to vector<1x16xi32>
        tpu.vector_store %arg7[%swap3A_881, %swap3A_882], %swap3A_885 {strides = array<i32>} : memref<256x16xi32, #tpu.memory_space<vmem>>, vector<1x16xi32>,
        %add3A_886 = arith.constant 1 : i32
        %add3A_887 = arith.addi %add3A_827, %add3A_886 : i32
        %get3A_888 = arith.constant 0 : i32
        %get3A_889 = arith.index_cast %add3A_887 : i32 to index
        %get3A_890 = arith.index_cast %get3A_888 : i32 to index
        %get3A_891 = arith.constant 0 : index
        %get3A_892 = tpu.vector_load %arg5[%get3A_889, %get3A_890, %get3A_891] {strides = array<i32>} : memref<256x3x16xf32, #tpu.memory_space<vmem>>, vector<1x1x16xf32>,
        %get3A_893 = vector.shape_cast %get3A_892 : vector<1x1x16xf32> to vector<16xf32>
        %get3A_894 = arith.constant 1 : i32
        %get3A_895 = arith.index_cast %add3A_887 : i32 to index
        %get3A_896 = arith.index_cast %get3A_894 : i32 to index
        %get3A_897 = arith.constant 0 : index
        %get3A_898 = tpu.vector_load %arg5[%get3A_895, %get3A_896, %get3A_897] {strides = array<i32>} : memref<256x3x16xf32, #tpu.memory_space<vmem>>, vector<1x1x16xf32>,
        %get3A_899 = vector.shape_cast %get3A_898 : vector<1x1x16xf32> to vector<16xf32>
        %get3A_900 = arith.constant 2 : i32
        %get3A_901 = arith.index_cast %add3A_887 : i32 to index
        %get3A_902 = arith.index_cast %get3A_900 : i32 to index
        %get3A_903 = arith.constant 0 : index
        %get3A_904 = tpu.vector_load %arg5[%get3A_901, %get3A_902, %get3A_903] {strides = array<i32>} : memref<256x3x16xf32, #tpu.memory_space<vmem>>, vector<1x1x16xf32>,
        %get3A_905 = vector.shape_cast %get3A_904 : vector<1x1x16xf32> to vector<16xf32>
        %add3A_906 = vector.broadcast %scan3A_139 : f32 to vector<16xf32>
        %add3A_907 = arith.addf %get3A_893, %add3A_906 : vector<16xf32>
        %add3A_908 = vector.broadcast %scan3A_140 : f32 to vector<16xf32>
        %add3A_909 = arith.addf %get3A_899, %add3A_908 : vector<16xf32>
        %add3A_910 = vector.broadcast %scan3A_141 : f32 to vector<16xf32>
        %add3A_911 = arith.addf %get3A_905, %add3A_910 : vector<16xf32>
        %max3A_912 = arith.maximumf %add3A_907, %add3A_909 : vector<16xf32>
        %gt3A_913 = arith.cmpf ogt, %add3A_911, %max3A_912 : vector<16xf32>
        %gt3A_914 = arith.cmpf ogt, %add3A_909, %add3A_907 : vector<16xf32>
        %jit3A_915 = arith.constant 1 : i32
        %jit3A_916 = arith.constant 0 : i32
        %broadcast_in_dim3A_917 = vector.broadcast %jit3A_915 : i32 to vector<16xi32>
        %broadcast_in_dim3A_918 = vector.broadcast %jit3A_916 : i32 to vector<16xi32>
        %select_n3A_919 = arith.select %gt3A_914, %broadcast_in_dim3A_917, %broadcast_in_dim3A_918 : vector<16xi1>, vector<16xi32>
        %jit3A_920 = arith.constant 2 : i32
        %broadcast_in_dim3A_921 = vector.broadcast %jit3A_920 : i32 to vector<16xi32>
        %select_n3A_922 = arith.select %gt3A_913, %broadcast_in_dim3A_921, %select_n3A_919 : vector<16xi1>, vector<16xi32>
        %add3A_923 = vector.broadcast %scan3A_142 : f32 to vector<16xf32>
        %add3A_924 = arith.addf %get3A_905, %add3A_923 : vector<16xf32>
        %add3A_925 = vector.broadcast %scan3A_143 : f32 to vector<16xf32>
        %add3A_926 = arith.addf %get3A_899, %add3A_925 : vector<16xf32>
        %gt3A_927 = arith.cmpf ogt, %add3A_924, %add3A_926 : vector<16xf32>
        %jit3A_928 = arith.constant 2 : i32
        %jit3A_929 = arith.constant 1 : i32
        %broadcast_in_dim3A_930 = vector.broadcast %jit3A_928 : i32 to vector<16xi32>
        %broadcast_in_dim3A_931 = vector.broadcast %jit3A_929 : i32 to vector<16xi32>
        %select_n3A_932 = arith.select %gt3A_927, %broadcast_in_dim3A_930, %broadcast_in_dim3A_931 : vector<16xi1>, vector<16xi32>
        %eq3A_933 = arith.constant 2 : i32
        %eq3A_934 = vector.broadcast %eq3A_933 : i32 to vector<16xi32>
        %eq3A_935 = arith.cmpi eq, %select_n3A_880, %eq3A_934 : vector<16xi32>
        %eq3A_936 = arith.constant 1 : i32
        %eq3A_937 = vector.broadcast %eq3A_936 : i32 to vector<16xi32>
        %eq3A_938 = arith.cmpi eq, %scan3A_823, %eq3A_937 : vector<16xi32>
        %and3A_939 = arith.andi %eq3A_935, %eq3A_938 : vector<16xi1>
        %select_n3A_940 = arith.select %and3A_939, %select_n3A_932, %select_n3A_922 : vector<16xi1>, vector<16xi32>
        %swap3A_941 = arith.index_cast %add3A_887 : i32 to index
        %swap3A_942 = arith.constant 0 : index
        %swap3A_943 = tpu.vector_load %arg7[%swap3A_941, %swap3A_942] {strides = array<i32>} : memref<256x16xi32, #tpu.memory_space<vmem>>, vector<1x16xi32>,
        %swap3A_944 = vector.shape_cast %swap3A_943 : vector<1x16xi32> to vector<16xi32>
        %swap3A_945 = vector.shape_cast %select_n3A_940 : vector<16xi32> to vector<1x16xi32>
        tpu.vector_store %arg7[%swap3A_941, %swap3A_942], %swap3A_945 {strides = array<i32>} : memref<256x16xi32, #tpu.memory_space<vmem>>, vector<1x16xi32>,
        scf.yield %select_n3A_940, %select_n3A_880 : vector<16xi32>, vector<16xi32>
      }
      %scan3A_149 = arith.constant 128 : i32
      %dma_start3A_150 = arith.constant 256 : i32
      %dma_start3A_151 = arith.constant 0 : i32
      %dma_start3A_152 = tpu.memref_slice %arg3[%arg0, %dma_start3A_150, %dma_start3A_151] : memref<2x4096x16xi32, #tpu.memory_space<hbm>> -> memref<1x256x16xi32, #tpu.memory_space<hbm>>
      %dma_start3A_153 = tpu.memref_squeeze %dma_start3A_152 : memref<1x256x16xi32, #tpu.memory_space<hbm>> -> memref<256x16xi32, #tpu.memory_space<hbm>>
      %dma_start3A_154 = arith.constant 256 : i32
      %dma_start3A_155 = arith.constant 0 : i32
      %dma_start3A_156 = tpu.memref_slice %arg3[%arg0, %dma_start3A_154, %dma_start3A_155] : memref<2x4096x16xi32, #tpu.memory_space<hbm>> -> memref<1x256x16xi32, #tpu.memory_space<hbm>>
      %dma_start3A_157 = tpu.memref_squeeze %dma_start3A_156 : memref<1x256x16xi32, #tpu.memory_space<hbm>> -> memref<256x16xi32, #tpu.memory_space<hbm>>
      tpu.enqueue_dma source(%arg7 : memref<256x16xi32, #tpu.memory_space<vmem>>) target(%dma_start3A_157 : memref<256x16xi32, #tpu.memory_space<hbm>>) target_semaphore(%arg11 : memref<!tpu.dma_semaphore, #tpu.memory_space<semaphore_mem>>)
      %dma_start3A_158 = arith.constant 768 : i32
      %dma_start3A_159 = arith.constant 0 : i32
      %dma_start3A_160 = arith.constant 0 : i32
      %dma_start3A_161 = tpu.memref_slice %arg2[%arg0, %dma_start3A_158, %dma_start3A_159, %dma_start3A_160] : memref<2x4096x3x16xf32, #tpu.memory_space<hbm>> -> memref<1x256x3x16xf32, #tpu.memory_space<hbm>>
      %dma_start3A_162 = tpu.memref_squeeze %dma_start3A_161 : memref<1x256x3x16xf32, #tpu.memory_space<hbm>> -> memref<256x3x16xf32, #tpu.memory_space<hbm>>
      %dma_start3A_163 = arith.constant 768 : i32
      %dma_start3A_164 = arith.constant 0 : i32
      %dma_start3A_165 = arith.constant 0 : i32
      %dma_start3A_166 = tpu.memref_slice %arg2[%arg0, %dma_start3A_163, %dma_start3A_164, %dma_start3A_165] : memref<2x4096x3x16xf32, #tpu.memory_space<hbm>> -> memref<1x256x3x16xf32, #tpu.memory_space<hbm>>
      %dma_start3A_167 = tpu.memref_squeeze %dma_start3A_166 : memref<1x256x3x16xf32, #tpu.memory_space<hbm>> -> memref<256x3x16xf32, #tpu.memory_space<hbm>>
      tpu.enqueue_dma source(%dma_start3A_167 : memref<256x3x16xf32, #tpu.memory_space<hbm>>) target(%arg5 : memref<256x3x16xf32, #tpu.memory_space<vmem>>) target_semaphore(%arg9 : memref<!tpu.dma_semaphore, #tpu.memory_space<semaphore_mem>>)
      %dma_wait3A_168 = arith.constant 512 : i32
      %dma_wait3A_169 = arith.constant 0 : i32
      %dma_wait3A_170 = arith.constant 0 : i32
      %dma_wait3A_171 = tpu.memref_slice %arg2[%arg0, %dma_wait3A_168, %dma_wait3A_169, %dma_wait3A_170] : memref<2x4096x3x16xf32, #tpu.memory_space<hbm>> -> memref<1x256x3x16xf32, #tpu.memory_space<hbm>>
      %dma_wait3A_172 = tpu.memref_squeeze %dma_wait3A_171 : memref<1x256x3x16xf32, #tpu.memory_space<hbm>> -> memref<256x3x16xf32, #tpu.memory_space<hbm>>
      %dma_wait3A_173 = arith.constant 512 : i32
      %dma_wait3A_174 = arith.constant 0 : i32
      %dma_wait3A_175 = arith.constant 0 : i32
      %dma_wait3A_176 = tpu.memref_slice %arg2[%arg0, %dma_wait3A_173, %dma_wait3A_174, %dma_wait3A_175] : memref<2x4096x3x16xf32, #tpu.memory_space<hbm>> -> memref<1x256x3x16xf32, #tpu.memory_space<hbm>>
      %dma_wait3A_177 = tpu.memref_squeeze %dma_wait3A_176 : memref<1x256x3x16xf32, #tpu.memory_space<hbm>> -> memref<256x3x16xf32, #tpu.memory_space<hbm>>
      tpu.wait_dma2 semaphore(%arg8 : memref<!tpu.dma_semaphore, #tpu.memory_space<semaphore_mem>>) src(%dma_wait3A_177 : memref<256x3x16xf32, #tpu.memory_space<hbm>>) dst(%arg4 : memref<256x3x16xf32, #tpu.memory_space<vmem>>)
      %dma_wait3A_178 = arith.constant 0 : i32
      %dma_wait3A_179 = arith.constant 0 : i32
      %dma_wait3A_180 = tpu.memref_slice %arg3[%arg0, %dma_wait3A_178, %dma_wait3A_179] : memref<2x4096x16xi32, #tpu.memory_space<hbm>> -> memref<1x256x16xi32, #tpu.memory_space<hbm>>
      %dma_wait3A_181 = tpu.memref_squeeze %dma_wait3A_180 : memref<1x256x16xi32, #tpu.memory_space<hbm>> -> memref<256x16xi32, #tpu.memory_space<hbm>>
      %dma_wait3A_182 = arith.constant 0 : i32
      %dma_wait3A_183 = arith.constant 0 : i32
      %dma_wait3A_184 = tpu.memref_slice %arg3[%arg0, %dma_wait3A_182, %dma_wait3A_183] : memref<2x4096x16xi32, #tpu.memory_space<hbm>> -> memref<1x256x16xi32, #tpu.memory_space<hbm>>
      %dma_wait3A_185 = tpu.memref_squeeze %dma_wait3A_184 : memref<1x256x16xi32, #tpu.memory_space<hbm>> -> memref<256x16xi32, #tpu.memory_space<hbm>>
      tpu.wait_dma2 semaphore(%arg10 : memref<!tpu.dma_semaphore, #tpu.memory_space<semaphore_mem>>) src(%arg6 : memref<256x16xi32, #tpu.memory_space<vmem>>) dst(%dma_wait3A_185 : memref<256x16xi32, #tpu.memory_space<hbm>>)
      %scan3A_186 = arith.constant -2.30258512 : f32
      %scan3A_187 = arith.constant -0.223143533 : f32
      %scan3A_188 = arith.constant -2.30258512 : f32
      %scan3A_189 = arith.constant -2.19722462 : f32
      %scan3A_190 = arith.constant -0.117783032 : f32
      %scan3A_191 = arith.constant 0 : i32
      %scan3A_192 = arith.constant 128 : i32
      %scan3A_193 = arith.addi %scan3A_191, %scan3A_192 : i32
      %scan3A_194 = arith.constant 1 : i32
      %scan3A_195:2 = scf.for %scan3A_822 = %scan3A_191 to %scan3A_193 step %scan3A_194 iter_args(%scan3A_823 = %scan3A_148#0, %scan3A_824 = %scan3A_148#1) -> (vector<16xi32>, vector<16xi32>)  : i32 {
        %mul3A = arith.constant 2 : i32
        %mul3A_825 = arith.muli %mul3A, %scan3A_822 : i32
        %add3A_826 = arith.constant 0 : i32
        %add3A_827 = arith.addi %add3A_826, %mul3A_825 : i32
        %get3A_828 = arith.constant 0 : i32
        %get3A_829 = arith.index_cast %add3A_827 : i32 to index
        %get3A_830 = arith.index_cast %get3A_828 : i32 to index
        %get3A_831 = arith.constant 0 : index
        %get3A_832 = tpu.vector_load %arg4[%get3A_829, %get3A_830, %get3A_831] {strides = array<i32>} : memref<256x3x16xf32, #tpu.memory_space<vmem>>, vector<1x1x16xf32>,
        %get3A_833 = vector.shape_cast %get3A_832 : vector<1x1x16xf32> to vector<16xf32>
        %get3A_834 = arith.constant 1 : i32
        %get3A_835 = arith.index_cast %add3A_827 : i32 to index
        %get3A_836 = arith.index_cast %get3A_834 : i32 to index
        %get3A_837 = arith.constant 0 : index
        %get3A_838 = tpu.vector_load %arg4[%get3A_835, %get3A_836, %get3A_837] {strides = array<i32>} : memref<256x3x16xf32, #tpu.memory_space<vmem>>, vector<1x1x16xf32>,
        %get3A_839 = vector.shape_cast %get3A_838 : vector<1x1x16xf32> to vector<16xf32>
        %get3A_840 = arith.constant 2 : i32
        %get3A_841 = arith.index_cast %add3A_827 : i32 to index
        %get3A_842 = arith.index_cast %get3A_840 : i32 to index
        %get3A_843 = arith.constant 0 : index
        %get3A_844 = tpu.vector_load %arg4[%get3A_841, %get3A_842, %get3A_843] {strides = array<i32>} : memref<256x3x16xf32, #tpu.memory_space<vmem>>, vector<1x1x16xf32>,
        %get3A_845 = vector.shape_cast %get3A_844 : vector<1x1x16xf32> to vector<16xf32>
        %add3A_846 = vector.broadcast %scan3A_186 : f32 to vector<16xf32>
        %add3A_847 = arith.addf %get3A_833, %add3A_846 : vector<16xf32>
        %add3A_848 = vector.broadcast %scan3A_187 : f32 to vector<16xf32>
        %add3A_849 = arith.addf %get3A_839, %add3A_848 : vector<16xf32>
        %add3A_850 = vector.broadcast %scan3A_188 : f32 to vector<16xf32>
        %add3A_851 = arith.addf %get3A_845, %add3A_850 : vector<16xf32>
        %max3A_852 = arith.maximumf %add3A_847, %add3A_849 : vector<16xf32>
        %gt3A_853 = arith.cmpf ogt, %add3A_851, %max3A_852 : vector<16xf32>
        %gt3A_854 = arith.cmpf ogt, %add3A_849, %add3A_847 : vector<16xf32>
        %jit3A_855 = arith.constant 1 : i32
        %jit3A_856 = arith.constant 0 : i32
        %broadcast_in_dim3A_857 = vector.broadcast %jit3A_855 : i32 to vector<16xi32>
        %broadcast_in_dim3A_858 = vector.broadcast %jit3A_856 : i32 to vector<16xi32>
        %select_n3A_859 = arith.select %gt3A_854, %broadcast_in_dim3A_857, %broadcast_in_dim3A_858 : vector<16xi1>, vector<16xi32>
        %jit3A_860 = arith.constant 2 : i32
        %broadcast_in_dim3A_861 = vector.broadcast %jit3A_860 : i32 to vector<16xi32>
        %select_n3A_862 = arith.select %gt3A_853, %broadcast_in_dim3A_861, %select_n3A_859 : vector<16xi1>, vector<16xi32>
        %add3A_863 = vector.broadcast %scan3A_189 : f32 to vector<16xf32>
        %add3A_864 = arith.addf %get3A_845, %add3A_863 : vector<16xf32>
        %add3A_865 = vector.broadcast %scan3A_190 : f32 to vector<16xf32>
        %add3A_866 = arith.addf %get3A_839, %add3A_865 : vector<16xf32>
        %gt3A_867 = arith.cmpf ogt, %add3A_864, %add3A_866 : vector<16xf32>
        %jit3A_868 = arith.constant 2 : i32
        %jit3A_869 = arith.constant 1 : i32
        %broadcast_in_dim3A_870 = vector.broadcast %jit3A_868 : i32 to vector<16xi32>
        %broadcast_in_dim3A_871 = vector.broadcast %jit3A_869 : i32 to vector<16xi32>
        %select_n3A_872 = arith.select %gt3A_867, %broadcast_in_dim3A_870, %broadcast_in_dim3A_871 : vector<16xi1>, vector<16xi32>
        %eq3A_873 = arith.constant 2 : i32
        %eq3A_874 = vector.broadcast %eq3A_873 : i32 to vector<16xi32>
        %eq3A_875 = arith.cmpi eq, %scan3A_823, %eq3A_874 : vector<16xi32>
        %eq3A_876 = arith.constant 1 : i32
        %eq3A_877 = vector.broadcast %eq3A_876 : i32 to vector<16xi32>
        %eq3A_878 = arith.cmpi eq, %scan3A_824, %eq3A_877 : vector<16xi32>
        %and3A_879 = arith.andi %eq3A_875, %eq3A_878 : vector<16xi1>
        %select_n3A_880 = arith.select %and3A_879, %select_n3A_872, %select_n3A_862 : vector<16xi1>, vector<16xi32>
        %swap3A_881 = arith.index_cast %add3A_827 : i32 to index
        %swap3A_882 = arith.constant 0 : index
        %swap3A_883 = tpu.vector_load %arg6[%swap3A_881, %swap3A_882] {strides = array<i32>} : memref<256x16xi32, #tpu.memory_space<vmem>>, vector<1x16xi32>,
        %swap3A_884 = vector.shape_cast %swap3A_883 : vector<1x16xi32> to vector<16xi32>
        %swap3A_885 = vector.shape_cast %select_n3A_880 : vector<16xi32> to vector<1x16xi32>
        tpu.vector_store %arg6[%swap3A_881, %swap3A_882], %swap3A_885 {strides = array<i32>} : memref<256x16xi32, #tpu.memory_space<vmem>>, vector<1x16xi32>,
        %add3A_886 = arith.constant 1 : i32
        %add3A_887 = arith.addi %add3A_827, %add3A_886 : i32
        %get3A_888 = arith.constant 0 : i32
        %get3A_889 = arith.index_cast %add3A_887 : i32 to index
        %get3A_890 = arith.index_cast %get3A_888 : i32 to index
        %get3A_891 = arith.constant 0 : index
        %get3A_892 = tpu.vector_load %arg4[%get3A_889, %get3A_890, %get3A_891] {strides = array<i32>} : memref<256x3x16xf32, #tpu.memory_space<vmem>>, vector<1x1x16xf32>,
        %get3A_893 = vector.shape_cast %get3A_892 : vector<1x1x16xf32> to vector<16xf32>
        %get3A_894 = arith.constant 1 : i32
        %get3A_895 = arith.index_cast %add3A_887 : i32 to index
        %get3A_896 = arith.index_cast %get3A_894 : i32 to index
        %get3A_897 = arith.constant 0 : index
        %get3A_898 = tpu.vector_load %arg4[%get3A_895, %get3A_896, %get3A_897] {strides = array<i32>} : memref<256x3x16xf32, #tpu.memory_space<vmem>>, vector<1x1x16xf32>,
        %get3A_899 = vector.shape_cast %get3A_898 : vector<1x1x16xf32> to vector<16xf32>
        %get3A_900 = arith.constant 2 : i32
        %get3A_901 = arith.index_cast %add3A_887 : i32 to index
        %get3A_902 = arith.index_cast %get3A_900 : i32 to index
        %get3A_903 = arith.constant 0 : index
        %get3A_904 = tpu.vector_load %arg4[%get3A_901, %get3A_902, %get3A_903] {strides = array<i32>} : memref<256x3x16xf32, #tpu.memory_space<vmem>>, vector<1x1x16xf32>,
        %get3A_905 = vector.shape_cast %get3A_904 : vector<1x1x16xf32> to vector<16xf32>
        %add3A_906 = vector.broadcast %scan3A_186 : f32 to vector<16xf32>
        %add3A_907 = arith.addf %get3A_893, %add3A_906 : vector<16xf32>
        %add3A_908 = vector.broadcast %scan3A_187 : f32 to vector<16xf32>
        %add3A_909 = arith.addf %get3A_899, %add3A_908 : vector<16xf32>
        %add3A_910 = vector.broadcast %scan3A_188 : f32 to vector<16xf32>
        %add3A_911 = arith.addf %get3A_905, %add3A_910 : vector<16xf32>
        %max3A_912 = arith.maximumf %add3A_907, %add3A_909 : vector<16xf32>
        %gt3A_913 = arith.cmpf ogt, %add3A_911, %max3A_912 : vector<16xf32>
        %gt3A_914 = arith.cmpf ogt, %add3A_909, %add3A_907 : vector<16xf32>
        %jit3A_915 = arith.constant 1 : i32
        %jit3A_916 = arith.constant 0 : i32
        %broadcast_in_dim3A_917 = vector.broadcast %jit3A_915 : i32 to vector<16xi32>
        %broadcast_in_dim3A_918 = vector.broadcast %jit3A_916 : i32 to vector<16xi32>
        %select_n3A_919 = arith.select %gt3A_914, %broadcast_in_dim3A_917, %broadcast_in_dim3A_918 : vector<16xi1>, vector<16xi32>
        %jit3A_920 = arith.constant 2 : i32
        %broadcast_in_dim3A_921 = vector.broadcast %jit3A_920 : i32 to vector<16xi32>
        %select_n3A_922 = arith.select %gt3A_913, %broadcast_in_dim3A_921, %select_n3A_919 : vector<16xi1>, vector<16xi32>
        %add3A_923 = vector.broadcast %scan3A_189 : f32 to vector<16xf32>
        %add3A_924 = arith.addf %get3A_905, %add3A_923 : vector<16xf32>
        %add3A_925 = vector.broadcast %scan3A_190 : f32 to vector<16xf32>
        %add3A_926 = arith.addf %get3A_899, %add3A_925 : vector<16xf32>
        %gt3A_927 = arith.cmpf ogt, %add3A_924, %add3A_926 : vector<16xf32>
        %jit3A_928 = arith.constant 2 : i32
        %jit3A_929 = arith.constant 1 : i32
        %broadcast_in_dim3A_930 = vector.broadcast %jit3A_928 : i32 to vector<16xi32>
        %broadcast_in_dim3A_931 = vector.broadcast %jit3A_929 : i32 to vector<16xi32>
        %select_n3A_932 = arith.select %gt3A_927, %broadcast_in_dim3A_930, %broadcast_in_dim3A_931 : vector<16xi1>, vector<16xi32>
        %eq3A_933 = arith.constant 2 : i32
        %eq3A_934 = vector.broadcast %eq3A_933 : i32 to vector<16xi32>
        %eq3A_935 = arith.cmpi eq, %select_n3A_880, %eq3A_934 : vector<16xi32>
        %eq3A_936 = arith.constant 1 : i32
        %eq3A_937 = vector.broadcast %eq3A_936 : i32 to vector<16xi32>
        %eq3A_938 = arith.cmpi eq, %scan3A_823, %eq3A_937 : vector<16xi32>
        %and3A_939 = arith.andi %eq3A_935, %eq3A_938 : vector<16xi1>
        %select_n3A_940 = arith.select %and3A_939, %select_n3A_932, %select_n3A_922 : vector<16xi1>, vector<16xi32>
        %swap3A_941 = arith.index_cast %add3A_887 : i32 to index
        %swap3A_942 = arith.constant 0 : index
        %swap3A_943 = tpu.vector_load %arg6[%swap3A_941, %swap3A_942] {strides = array<i32>} : memref<256x16xi32, #tpu.memory_space<vmem>>, vector<1x16xi32>,
        %swap3A_944 = vector.shape_cast %swap3A_943 : vector<1x16xi32> to vector<16xi32>
        %swap3A_945 = vector.shape_cast %select_n3A_940 : vector<16xi32> to vector<1x16xi32>
        tpu.vector_store %arg6[%swap3A_941, %swap3A_942], %swap3A_945 {strides = array<i32>} : memref<256x16xi32, #tpu.memory_space<vmem>>, vector<1x16xi32>,
        scf.yield %select_n3A_940, %select_n3A_880 : vector<16xi32>, vector<16xi32>
      }
      %scan3A_196 = arith.constant 128 : i32
      %dma_start3A_197 = arith.constant 512 : i32
      %dma_start3A_198 = arith.constant 0 : i32
      %dma_start3A_199 = tpu.memref_slice %arg3[%arg0, %dma_start3A_197, %dma_start3A_198] : memref<2x4096x16xi32, #tpu.memory_space<hbm>> -> memref<1x256x16xi32, #tpu.memory_space<hbm>>
      %dma_start3A_200 = tpu.memref_squeeze %dma_start3A_199 : memref<1x256x16xi32, #tpu.memory_space<hbm>> -> memref<256x16xi32, #tpu.memory_space<hbm>>
      %dma_start3A_201 = arith.constant 512 : i32
      %dma_start3A_202 = arith.constant 0 : i32
      %dma_start3A_203 = tpu.memref_slice %arg3[%arg0, %dma_start3A_201, %dma_start3A_202] : memref<2x4096x16xi32, #tpu.memory_space<hbm>> -> memref<1x256x16xi32, #tpu.memory_space<hbm>>
      %dma_start3A_204 = tpu.memref_squeeze %dma_start3A_203 : memref<1x256x16xi32, #tpu.memory_space<hbm>> -> memref<256x16xi32, #tpu.memory_space<hbm>>
      tpu.enqueue_dma source(%arg6 : memref<256x16xi32, #tpu.memory_space<vmem>>) target(%dma_start3A_204 : memref<256x16xi32, #tpu.memory_space<hbm>>) target_semaphore(%arg10 : memref<!tpu.dma_semaphore, #tpu.memory_space<semaphore_mem>>)
      %dma_start3A_205 = arith.constant 1024 : i32
      %dma_start3A_206 = arith.constant 0 : i32
      %dma_start3A_207 = arith.constant 0 : i32
      %dma_start3A_208 = tpu.memref_slice %arg2[%arg0, %dma_start3A_205, %dma_start3A_206, %dma_start3A_207] : memref<2x4096x3x16xf32, #tpu.memory_space<hbm>> -> memref<1x256x3x16xf32, #tpu.memory_space<hbm>>
      %dma_start3A_209 = tpu.memref_squeeze %dma_start3A_208 : memref<1x256x3x16xf32, #tpu.memory_space<hbm>> -> memref<256x3x16xf32, #tpu.memory_space<hbm>>
      %dma_start3A_210 = arith.constant 1024 : i32
      %dma_start3A_211 = arith.constant 0 : i32
      %dma_start3A_212 = arith.constant 0 : i32
      %dma_start3A_213 = tpu.memref_slice %arg2[%arg0, %dma_start3A_210, %dma_start3A_211, %dma_start3A_212] : memref<2x4096x3x16xf32, #tpu.memory_space<hbm>> -> memref<1x256x3x16xf32, #tpu.memory_space<hbm>>
      %dma_start3A_214 = tpu.memref_squeeze %dma_start3A_213 : memref<1x256x3x16xf32, #tpu.memory_space<hbm>> -> memref<256x3x16xf32, #tpu.memory_space<hbm>>
      tpu.enqueue_dma source(%dma_start3A_214 : memref<256x3x16xf32, #tpu.memory_space<hbm>>) target(%arg4 : memref<256x3x16xf32, #tpu.memory_space<vmem>>) target_semaphore(%arg8 : memref<!tpu.dma_semaphore, #tpu.memory_space<semaphore_mem>>)
      %dma_wait3A_215 = arith.constant 768 : i32
      %dma_wait3A_216 = arith.constant 0 : i32
      %dma_wait3A_217 = arith.constant 0 : i32
      %dma_wait3A_218 = tpu.memref_slice %arg2[%arg0, %dma_wait3A_215, %dma_wait3A_216, %dma_wait3A_217] : memref<2x4096x3x16xf32, #tpu.memory_space<hbm>> -> memref<1x256x3x16xf32, #tpu.memory_space<hbm>>
      %dma_wait3A_219 = tpu.memref_squeeze %dma_wait3A_218 : memref<1x256x3x16xf32, #tpu.memory_space<hbm>> -> memref<256x3x16xf32, #tpu.memory_space<hbm>>
      %dma_wait3A_220 = arith.constant 768 : i32
      %dma_wait3A_221 = arith.constant 0 : i32
      %dma_wait3A_222 = arith.constant 0 : i32
      %dma_wait3A_223 = tpu.memref_slice %arg2[%arg0, %dma_wait3A_220, %dma_wait3A_221, %dma_wait3A_222] : memref<2x4096x3x16xf32, #tpu.memory_space<hbm>> -> memref<1x256x3x16xf32, #tpu.memory_space<hbm>>
      %dma_wait3A_224 = tpu.memref_squeeze %dma_wait3A_223 : memref<1x256x3x16xf32, #tpu.memory_space<hbm>> -> memref<256x3x16xf32, #tpu.memory_space<hbm>>
      tpu.wait_dma2 semaphore(%arg9 : memref<!tpu.dma_semaphore, #tpu.memory_space<semaphore_mem>>) src(%dma_wait3A_224 : memref<256x3x16xf32, #tpu.memory_space<hbm>>) dst(%arg5 : memref<256x3x16xf32, #tpu.memory_space<vmem>>)
      %dma_wait3A_225 = arith.constant 256 : i32
      %dma_wait3A_226 = arith.constant 0 : i32
      %dma_wait3A_227 = tpu.memref_slice %arg3[%arg0, %dma_wait3A_225, %dma_wait3A_226] : memref<2x4096x16xi32, #tpu.memory_space<hbm>> -> memref<1x256x16xi32, #tpu.memory_space<hbm>>
      %dma_wait3A_228 = tpu.memref_squeeze %dma_wait3A_227 : memref<1x256x16xi32, #tpu.memory_space<hbm>> -> memref<256x16xi32, #tpu.memory_space<hbm>>
      %dma_wait3A_229 = arith.constant 256 : i32
      %dma_wait3A_230 = arith.constant 0 : i32
      %dma_wait3A_231 = tpu.memref_slice %arg3[%arg0, %dma_wait3A_229, %dma_wait3A_230] : memref<2x4096x16xi32, #tpu.memory_space<hbm>> -> memref<1x256x16xi32, #tpu.memory_space<hbm>>
      %dma_wait3A_232 = tpu.memref_squeeze %dma_wait3A_231 : memref<1x256x16xi32, #tpu.memory_space<hbm>> -> memref<256x16xi32, #tpu.memory_space<hbm>>
      tpu.wait_dma2 semaphore(%arg11 : memref<!tpu.dma_semaphore, #tpu.memory_space<semaphore_mem>>) src(%arg7 : memref<256x16xi32, #tpu.memory_space<vmem>>) dst(%dma_wait3A_232 : memref<256x16xi32, #tpu.memory_space<hbm>>)
      %scan3A_233 = arith.constant -2.30258512 : f32
      %scan3A_234 = arith.constant -0.223143533 : f32
      %scan3A_235 = arith.constant -2.30258512 : f32
      %scan3A_236 = arith.constant -2.19722462 : f32
      %scan3A_237 = arith.constant -0.117783032 : f32
      %scan3A_238 = arith.constant 0 : i32
      %scan3A_239 = arith.constant 128 : i32
      %scan3A_240 = arith.addi %scan3A_238, %scan3A_239 : i32
      %scan3A_241 = arith.constant 1 : i32
      %scan3A_242:2 = scf.for %scan3A_822 = %scan3A_238 to %scan3A_240 step %scan3A_241 iter_args(%scan3A_823 = %scan3A_195#0, %scan3A_824 = %scan3A_195#1) -> (vector<16xi32>, vector<16xi32>)  : i32 {
        %mul3A = arith.constant 2 : i32
        %mul3A_825 = arith.muli %mul3A, %scan3A_822 : i32
        %add3A_826 = arith.constant 0 : i32
        %add3A_827 = arith.addi %add3A_826, %mul3A_825 : i32
        %get3A_828 = arith.constant 0 : i32
        %get3A_829 = arith.index_cast %add3A_827 : i32 to index
        %get3A_830 = arith.index_cast %get3A_828 : i32 to index
        %get3A_831 = arith.constant 0 : index
        %get3A_832 = tpu.vector_load %arg5[%get3A_829, %get3A_830, %get3A_831] {strides = array<i32>} : memref<256x3x16xf32, #tpu.memory_space<vmem>>, vector<1x1x16xf32>,
        %get3A_833 = vector.shape_cast %get3A_832 : vector<1x1x16xf32> to vector<16xf32>
        %get3A_834 = arith.constant 1 : i32
        %get3A_835 = arith.index_cast %add3A_827 : i32 to index
        %get3A_836 = arith.index_cast %get3A_834 : i32 to index
        %get3A_837 = arith.constant 0 : index
        %get3A_838 = tpu.vector_load %arg5[%get3A_835, %get3A_836, %get3A_837] {strides = array<i32>} : memref<256x3x16xf32, #tpu.memory_space<vmem>>, vector<1x1x16xf32>,
        %get3A_839 = vector.shape_cast %get3A_838 : vector<1x1x16xf32> to vector<16xf32>
        %get3A_840 = arith.constant 2 : i32
        %get3A_841 = arith.index_cast %add3A_827 : i32 to index
        %get3A_842 = arith.index_cast %get3A_840 : i32 to index
        %get3A_843 = arith.constant 0 : index
        %get3A_844 = tpu.vector_load %arg5[%get3A_841, %get3A_842, %get3A_843] {strides = array<i32>} : memref<256x3x16xf32, #tpu.memory_space<vmem>>, vector<1x1x16xf32>,
        %get3A_845 = vector.shape_cast %get3A_844 : vector<1x1x16xf32> to vector<16xf32>
        %add3A_846 = vector.broadcast %scan3A_233 : f32 to vector<16xf32>
        %add3A_847 = arith.addf %get3A_833, %add3A_846 : vector<16xf32>
        %add3A_848 = vector.broadcast %scan3A_234 : f32 to vector<16xf32>
        %add3A_849 = arith.addf %get3A_839, %add3A_848 : vector<16xf32>
        %add3A_850 = vector.broadcast %scan3A_235 : f32 to vector<16xf32>
        %add3A_851 = arith.addf %get3A_845, %add3A_850 : vector<16xf32>
        %max3A_852 = arith.maximumf %add3A_847, %add3A_849 : vector<16xf32>
        %gt3A_853 = arith.cmpf ogt, %add3A_851, %max3A_852 : vector<16xf32>
        %gt3A_854 = arith.cmpf ogt, %add3A_849, %add3A_847 : vector<16xf32>
        %jit3A_855 = arith.constant 1 : i32
        %jit3A_856 = arith.constant 0 : i32
        %broadcast_in_dim3A_857 = vector.broadcast %jit3A_855 : i32 to vector<16xi32>
        %broadcast_in_dim3A_858 = vector.broadcast %jit3A_856 : i32 to vector<16xi32>
        %select_n3A_859 = arith.select %gt3A_854, %broadcast_in_dim3A_857, %broadcast_in_dim3A_858 : vector<16xi1>, vector<16xi32>
        %jit3A_860 = arith.constant 2 : i32
        %broadcast_in_dim3A_861 = vector.broadcast %jit3A_860 : i32 to vector<16xi32>
        %select_n3A_862 = arith.select %gt3A_853, %broadcast_in_dim3A_861, %select_n3A_859 : vector<16xi1>, vector<16xi32>
        %add3A_863 = vector.broadcast %scan3A_236 : f32 to vector<16xf32>
        %add3A_864 = arith.addf %get3A_845, %add3A_863 : vector<16xf32>
        %add3A_865 = vector.broadcast %scan3A_237 : f32 to vector<16xf32>
        %add3A_866 = arith.addf %get3A_839, %add3A_865 : vector<16xf32>
        %gt3A_867 = arith.cmpf ogt, %add3A_864, %add3A_866 : vector<16xf32>
        %jit3A_868 = arith.constant 2 : i32
        %jit3A_869 = arith.constant 1 : i32
        %broadcast_in_dim3A_870 = vector.broadcast %jit3A_868 : i32 to vector<16xi32>
        %broadcast_in_dim3A_871 = vector.broadcast %jit3A_869 : i32 to vector<16xi32>
        %select_n3A_872 = arith.select %gt3A_867, %broadcast_in_dim3A_870, %broadcast_in_dim3A_871 : vector<16xi1>, vector<16xi32>
        %eq3A_873 = arith.constant 2 : i32
        %eq3A_874 = vector.broadcast %eq3A_873 : i32 to vector<16xi32>
        %eq3A_875 = arith.cmpi eq, %scan3A_823, %eq3A_874 : vector<16xi32>
        %eq3A_876 = arith.constant 1 : i32
        %eq3A_877 = vector.broadcast %eq3A_876 : i32 to vector<16xi32>
        %eq3A_878 = arith.cmpi eq, %scan3A_824, %eq3A_877 : vector<16xi32>
        %and3A_879 = arith.andi %eq3A_875, %eq3A_878 : vector<16xi1>
        %select_n3A_880 = arith.select %and3A_879, %select_n3A_872, %select_n3A_862 : vector<16xi1>, vector<16xi32>
        %swap3A_881 = arith.index_cast %add3A_827 : i32 to index
        %swap3A_882 = arith.constant 0 : index
        %swap3A_883 = tpu.vector_load %arg7[%swap3A_881, %swap3A_882] {strides = array<i32>} : memref<256x16xi32, #tpu.memory_space<vmem>>, vector<1x16xi32>,
        %swap3A_884 = vector.shape_cast %swap3A_883 : vector<1x16xi32> to vector<16xi32>
        %swap3A_885 = vector.shape_cast %select_n3A_880 : vector<16xi32> to vector<1x16xi32>
        tpu.vector_store %arg7[%swap3A_881, %swap3A_882], %swap3A_885 {strides = array<i32>} : memref<256x16xi32, #tpu.memory_space<vmem>>, vector<1x16xi32>,
        %add3A_886 = arith.constant 1 : i32
        %add3A_887 = arith.addi %add3A_827, %add3A_886 : i32
        %get3A_888 = arith.constant 0 : i32
        %get3A_889 = arith.index_cast %add3A_887 : i32 to index
        %get3A_890 = arith.index_cast %get3A_888 : i32 to index
        %get3A_891 = arith.constant 0 : index
        %get3A_892 = tpu.vector_load %arg5[%get3A_889, %get3A_890, %get3A_891] {strides = array<i32>} : memref<256x3x16xf32, #tpu.memory_space<vmem>>, vector<1x1x16xf32>,
        %get3A_893 = vector.shape_cast %get3A_892 : vector<1x1x16xf32> to vector<16xf32>
        %get3A_894 = arith.constant 1 : i32
        %get3A_895 = arith.index_cast %add3A_887 : i32 to index
        %get3A_896 = arith.index_cast %get3A_894 : i32 to index
        %get3A_897 = arith.constant 0 : index
        %get3A_898 = tpu.vector_load %arg5[%get3A_895, %get3A_896, %get3A_897] {strides = array<i32>} : memref<256x3x16xf32, #tpu.memory_space<vmem>>, vector<1x1x16xf32>,
        %get3A_899 = vector.shape_cast %get3A_898 : vector<1x1x16xf32> to vector<16xf32>
        %get3A_900 = arith.constant 2 : i32
        %get3A_901 = arith.index_cast %add3A_887 : i32 to index
        %get3A_902 = arith.index_cast %get3A_900 : i32 to index
        %get3A_903 = arith.constant 0 : index
        %get3A_904 = tpu.vector_load %arg5[%get3A_901, %get3A_902, %get3A_903] {strides = array<i32>} : memref<256x3x16xf32, #tpu.memory_space<vmem>>, vector<1x1x16xf32>,
        %get3A_905 = vector.shape_cast %get3A_904 : vector<1x1x16xf32> to vector<16xf32>
        %add3A_906 = vector.broadcast %scan3A_233 : f32 to vector<16xf32>
        %add3A_907 = arith.addf %get3A_893, %add3A_906 : vector<16xf32>
        %add3A_908 = vector.broadcast %scan3A_234 : f32 to vector<16xf32>
        %add3A_909 = arith.addf %get3A_899, %add3A_908 : vector<16xf32>
        %add3A_910 = vector.broadcast %scan3A_235 : f32 to vector<16xf32>
        %add3A_911 = arith.addf %get3A_905, %add3A_910 : vector<16xf32>
        %max3A_912 = arith.maximumf %add3A_907, %add3A_909 : vector<16xf32>
        %gt3A_913 = arith.cmpf ogt, %add3A_911, %max3A_912 : vector<16xf32>
        %gt3A_914 = arith.cmpf ogt, %add3A_909, %add3A_907 : vector<16xf32>
        %jit3A_915 = arith.constant 1 : i32
        %jit3A_916 = arith.constant 0 : i32
        %broadcast_in_dim3A_917 = vector.broadcast %jit3A_915 : i32 to vector<16xi32>
        %broadcast_in_dim3A_918 = vector.broadcast %jit3A_916 : i32 to vector<16xi32>
        %select_n3A_919 = arith.select %gt3A_914, %broadcast_in_dim3A_917, %broadcast_in_dim3A_918 : vector<16xi1>, vector<16xi32>
        %jit3A_920 = arith.constant 2 : i32
        %broadcast_in_dim3A_921 = vector.broadcast %jit3A_920 : i32 to vector<16xi32>
        %select_n3A_922 = arith.select %gt3A_913, %broadcast_in_dim3A_921, %select_n3A_919 : vector<16xi1>, vector<16xi32>
        %add3A_923 = vector.broadcast %scan3A_236 : f32 to vector<16xf32>
        %add3A_924 = arith.addf %get3A_905, %add3A_923 : vector<16xf32>
        %add3A_925 = vector.broadcast %scan3A_237 : f32 to vector<16xf32>
        %add3A_926 = arith.addf %get3A_899, %add3A_925 : vector<16xf32>
        %gt3A_927 = arith.cmpf ogt, %add3A_924, %add3A_926 : vector<16xf32>
        %jit3A_928 = arith.constant 2 : i32
        %jit3A_929 = arith.constant 1 : i32
        %broadcast_in_dim3A_930 = vector.broadcast %jit3A_928 : i32 to vector<16xi32>
        %broadcast_in_dim3A_931 = vector.broadcast %jit3A_929 : i32 to vector<16xi32>
        %select_n3A_932 = arith.select %gt3A_927, %broadcast_in_dim3A_930, %broadcast_in_dim3A_931 : vector<16xi1>, vector<16xi32>
        %eq3A_933 = arith.constant 2 : i32
        %eq3A_934 = vector.broadcast %eq3A_933 : i32 to vector<16xi32>
        %eq3A_935 = arith.cmpi eq, %select_n3A_880, %eq3A_934 : vector<16xi32>
        %eq3A_936 = arith.constant 1 : i32
        %eq3A_937 = vector.broadcast %eq3A_936 : i32 to vector<16xi32>
        %eq3A_938 = arith.cmpi eq, %scan3A_823, %eq3A_937 : vector<16xi32>
        %and3A_939 = arith.andi %eq3A_935, %eq3A_938 : vector<16xi1>
        %select_n3A_940 = arith.select %and3A_939, %select_n3A_932, %select_n3A_922 : vector<16xi1>, vector<16xi32>
        %swap3A_941 = arith.index_cast %add3A_887 : i32 to index
        %swap3A_942 = arith.constant 0 : index
        %swap3A_943 = tpu.vector_load %arg7[%swap3A_941, %swap3A_942] {strides = array<i32>} : memref<256x16xi32, #tpu.memory_space<vmem>>, vector<1x16xi32>,
        %swap3A_944 = vector.shape_cast %swap3A_943 : vector<1x16xi32> to vector<16xi32>
        %swap3A_945 = vector.shape_cast %select_n3A_940 : vector<16xi32> to vector<1x16xi32>
        tpu.vector_store %arg7[%swap3A_941, %swap3A_942], %swap3A_945 {strides = array<i32>} : memref<256x16xi32, #tpu.memory_space<vmem>>, vector<1x16xi32>,
        scf.yield %select_n3A_940, %select_n3A_880 : vector<16xi32>, vector<16xi32>
      }
      %scan3A_243 = arith.constant 128 : i32
      %dma_start3A_244 = arith.constant 768 : i32
      %dma_start3A_245 = arith.constant 0 : i32
      %dma_start3A_246 = tpu.memref_slice %arg3[%arg0, %dma_start3A_244, %dma_start3A_245] : memref<2x4096x16xi32, #tpu.memory_space<hbm>> -> memref<1x256x16xi32, #tpu.memory_space<hbm>>
      %dma_start3A_247 = tpu.memref_squeeze %dma_start3A_246 : memref<1x256x16xi32, #tpu.memory_space<hbm>> -> memref<256x16xi32, #tpu.memory_space<hbm>>
      %dma_start3A_248 = arith.constant 768 : i32
      %dma_start3A_249 = arith.constant 0 : i32
      %dma_start3A_250 = tpu.memref_slice %arg3[%arg0, %dma_start3A_248, %dma_start3A_249] : memref<2x4096x16xi32, #tpu.memory_space<hbm>> -> memref<1x256x16xi32, #tpu.memory_space<hbm>>
      %dma_start3A_251 = tpu.memref_squeeze %dma_start3A_250 : memref<1x256x16xi32, #tpu.memory_space<hbm>> -> memref<256x16xi32, #tpu.memory_space<hbm>>
      tpu.enqueue_dma source(%arg7 : memref<256x16xi32, #tpu.memory_space<vmem>>) target(%dma_start3A_251 : memref<256x16xi32, #tpu.memory_space<hbm>>) target_semaphore(%arg11 : memref<!tpu.dma_semaphore, #tpu.memory_space<semaphore_mem>>)
      %dma_start3A_252 = arith.constant 1280 : i32
      %dma_start3A_253 = arith.constant 0 : i32
      %dma_start3A_254 = arith.constant 0 : i32
      %dma_start3A_255 = tpu.memref_slice %arg2[%arg0, %dma_start3A_252, %dma_start3A_253, %dma_start3A_254] : memref<2x4096x3x16xf32, #tpu.memory_space<hbm>> -> memref<1x256x3x16xf32, #tpu.memory_space<hbm>>
      %dma_start3A_256 = tpu.memref_squeeze %dma_start3A_255 : memref<1x256x3x16xf32, #tpu.memory_space<hbm>> -> memref<256x3x16xf32, #tpu.memory_space<hbm>>
      %dma_start3A_257 = arith.constant 1280 : i32
      %dma_start3A_258 = arith.constant 0 : i32
      %dma_start3A_259 = arith.constant 0 : i32
      %dma_start3A_260 = tpu.memref_slice %arg2[%arg0, %dma_start3A_257, %dma_start3A_258, %dma_start3A_259] : memref<2x4096x3x16xf32, #tpu.memory_space<hbm>> -> memref<1x256x3x16xf32, #tpu.memory_space<hbm>>
      %dma_start3A_261 = tpu.memref_squeeze %dma_start3A_260 : memref<1x256x3x16xf32, #tpu.memory_space<hbm>> -> memref<256x3x16xf32, #tpu.memory_space<hbm>>
      tpu.enqueue_dma source(%dma_start3A_261 : memref<256x3x16xf32, #tpu.memory_space<hbm>>) target(%arg5 : memref<256x3x16xf32, #tpu.memory_space<vmem>>) target_semaphore(%arg9 : memref<!tpu.dma_semaphore, #tpu.memory_space<semaphore_mem>>)
      %dma_wait3A_262 = arith.constant 1024 : i32
      %dma_wait3A_263 = arith.constant 0 : i32
      %dma_wait3A_264 = arith.constant 0 : i32
      %dma_wait3A_265 = tpu.memref_slice %arg2[%arg0, %dma_wait3A_262, %dma_wait3A_263, %dma_wait3A_264] : memref<2x4096x3x16xf32, #tpu.memory_space<hbm>> -> memref<1x256x3x16xf32, #tpu.memory_space<hbm>>
      %dma_wait3A_266 = tpu.memref_squeeze %dma_wait3A_265 : memref<1x256x3x16xf32, #tpu.memory_space<hbm>> -> memref<256x3x16xf32, #tpu.memory_space<hbm>>
      %dma_wait3A_267 = arith.constant 1024 : i32
      %dma_wait3A_268 = arith.constant 0 : i32
      %dma_wait3A_269 = arith.constant 0 : i32
      %dma_wait3A_270 = tpu.memref_slice %arg2[%arg0, %dma_wait3A_267, %dma_wait3A_268, %dma_wait3A_269] : memref<2x4096x3x16xf32, #tpu.memory_space<hbm>> -> memref<1x256x3x16xf32, #tpu.memory_space<hbm>>
      %dma_wait3A_271 = tpu.memref_squeeze %dma_wait3A_270 : memref<1x256x3x16xf32, #tpu.memory_space<hbm>> -> memref<256x3x16xf32, #tpu.memory_space<hbm>>
      tpu.wait_dma2 semaphore(%arg8 : memref<!tpu.dma_semaphore, #tpu.memory_space<semaphore_mem>>) src(%dma_wait3A_271 : memref<256x3x16xf32, #tpu.memory_space<hbm>>) dst(%arg4 : memref<256x3x16xf32, #tpu.memory_space<vmem>>)
      %dma_wait3A_272 = arith.constant 512 : i32
      %dma_wait3A_273 = arith.constant 0 : i32
      %dma_wait3A_274 = tpu.memref_slice %arg3[%arg0, %dma_wait3A_272, %dma_wait3A_273] : memref<2x4096x16xi32, #tpu.memory_space<hbm>> -> memref<1x256x16xi32, #tpu.memory_space<hbm>>
      %dma_wait3A_275 = tpu.memref_squeeze %dma_wait3A_274 : memref<1x256x16xi32, #tpu.memory_space<hbm>> -> memref<256x16xi32, #tpu.memory_space<hbm>>
      %dma_wait3A_276 = arith.constant 512 : i32
      %dma_wait3A_277 = arith.constant 0 : i32
      %dma_wait3A_278 = tpu.memref_slice %arg3[%arg0, %dma_wait3A_276, %dma_wait3A_277] : memref<2x4096x16xi32, #tpu.memory_space<hbm>> -> memref<1x256x16xi32, #tpu.memory_space<hbm>>
      %dma_wait3A_279 = tpu.memref_squeeze %dma_wait3A_278 : memref<1x256x16xi32, #tpu.memory_space<hbm>> -> memref<256x16xi32, #tpu.memory_space<hbm>>
      tpu.wait_dma2 semaphore(%arg10 : memref<!tpu.dma_semaphore, #tpu.memory_space<semaphore_mem>>) src(%arg6 : memref<256x16xi32, #tpu.memory_space<vmem>>) dst(%dma_wait3A_279 : memref<256x16xi32, #tpu.memory_space<hbm>>)
      %scan3A_280 = arith.constant -2.30258512 : f32
      %scan3A_281 = arith.constant -0.223143533 : f32
      %scan3A_282 = arith.constant -2.30258512 : f32
      %scan3A_283 = arith.constant -2.19722462 : f32
      %scan3A_284 = arith.constant -0.117783032 : f32
      %scan3A_285 = arith.constant 0 : i32
      %scan3A_286 = arith.constant 128 : i32
      %scan3A_287 = arith.addi %scan3A_285, %scan3A_286 : i32
      %scan3A_288 = arith.constant 1 : i32
      %scan3A_289:2 = scf.for %scan3A_822 = %scan3A_285 to %scan3A_287 step %scan3A_288 iter_args(%scan3A_823 = %scan3A_242#0, %scan3A_824 = %scan3A_242#1) -> (vector<16xi32>, vector<16xi32>)  : i32 {
        %mul3A = arith.constant 2 : i32
        %mul3A_825 = arith.muli %mul3A, %scan3A_822 : i32
        %add3A_826 = arith.constant 0 : i32
        %add3A_827 = arith.addi %add3A_826, %mul3A_825 : i32
        %get3A_828 = arith.constant 0 : i32
        %get3A_829 = arith.index_cast %add3A_827 : i32 to index
        %get3A_830 = arith.index_cast %get3A_828 : i32 to index
        %get3A_831 = arith.constant 0 : index
        %get3A_832 = tpu.vector_load %arg4[%get3A_829, %get3A_830, %get3A_831] {strides = array<i32>} : memref<256x3x16xf32, #tpu.memory_space<vmem>>, vector<1x1x16xf32>,
        %get3A_833 = vector.shape_cast %get3A_832 : vector<1x1x16xf32> to vector<16xf32>
        %get3A_834 = arith.constant 1 : i32
        %get3A_835 = arith.index_cast %add3A_827 : i32 to index
        %get3A_836 = arith.index_cast %get3A_834 : i32 to index
        %get3A_837 = arith.constant 0 : index
        %get3A_838 = tpu.vector_load %arg4[%get3A_835, %get3A_836, %get3A_837] {strides = array<i32>} : memref<256x3x16xf32, #tpu.memory_space<vmem>>, vector<1x1x16xf32>,
        %get3A_839 = vector.shape_cast %get3A_838 : vector<1x1x16xf32> to vector<16xf32>
        %get3A_840 = arith.constant 2 : i32
        %get3A_841 = arith.index_cast %add3A_827 : i32 to index
        %get3A_842 = arith.index_cast %get3A_840 : i32 to index
        %get3A_843 = arith.constant 0 : index
        %get3A_844 = tpu.vector_load %arg4[%get3A_841, %get3A_842, %get3A_843] {strides = array<i32>} : memref<256x3x16xf32, #tpu.memory_space<vmem>>, vector<1x1x16xf32>,
        %get3A_845 = vector.shape_cast %get3A_844 : vector<1x1x16xf32> to vector<16xf32>
        %add3A_846 = vector.broadcast %scan3A_280 : f32 to vector<16xf32>
        %add3A_847 = arith.addf %get3A_833, %add3A_846 : vector<16xf32>
        %add3A_848 = vector.broadcast %scan3A_281 : f32 to vector<16xf32>
        %add3A_849 = arith.addf %get3A_839, %add3A_848 : vector<16xf32>
        %add3A_850 = vector.broadcast %scan3A_282 : f32 to vector<16xf32>
        %add3A_851 = arith.addf %get3A_845, %add3A_850 : vector<16xf32>
        %max3A_852 = arith.maximumf %add3A_847, %add3A_849 : vector<16xf32>
        %gt3A_853 = arith.cmpf ogt, %add3A_851, %max3A_852 : vector<16xf32>
        %gt3A_854 = arith.cmpf ogt, %add3A_849, %add3A_847 : vector<16xf32>
        %jit3A_855 = arith.constant 1 : i32
        %jit3A_856 = arith.constant 0 : i32
        %broadcast_in_dim3A_857 = vector.broadcast %jit3A_855 : i32 to vector<16xi32>
        %broadcast_in_dim3A_858 = vector.broadcast %jit3A_856 : i32 to vector<16xi32>
        %select_n3A_859 = arith.select %gt3A_854, %broadcast_in_dim3A_857, %broadcast_in_dim3A_858 : vector<16xi1>, vector<16xi32>
        %jit3A_860 = arith.constant 2 : i32
        %broadcast_in_dim3A_861 = vector.broadcast %jit3A_860 : i32 to vector<16xi32>
        %select_n3A_862 = arith.select %gt3A_853, %broadcast_in_dim3A_861, %select_n3A_859 : vector<16xi1>, vector<16xi32>
        %add3A_863 = vector.broadcast %scan3A_283 : f32 to vector<16xf32>
        %add3A_864 = arith.addf %get3A_845, %add3A_863 : vector<16xf32>
        %add3A_865 = vector.broadcast %scan3A_284 : f32 to vector<16xf32>
        %add3A_866 = arith.addf %get3A_839, %add3A_865 : vector<16xf32>
        %gt3A_867 = arith.cmpf ogt, %add3A_864, %add3A_866 : vector<16xf32>
        %jit3A_868 = arith.constant 2 : i32
        %jit3A_869 = arith.constant 1 : i32
        %broadcast_in_dim3A_870 = vector.broadcast %jit3A_868 : i32 to vector<16xi32>
        %broadcast_in_dim3A_871 = vector.broadcast %jit3A_869 : i32 to vector<16xi32>
        %select_n3A_872 = arith.select %gt3A_867, %broadcast_in_dim3A_870, %broadcast_in_dim3A_871 : vector<16xi1>, vector<16xi32>
        %eq3A_873 = arith.constant 2 : i32
        %eq3A_874 = vector.broadcast %eq3A_873 : i32 to vector<16xi32>
        %eq3A_875 = arith.cmpi eq, %scan3A_823, %eq3A_874 : vector<16xi32>
        %eq3A_876 = arith.constant 1 : i32
        %eq3A_877 = vector.broadcast %eq3A_876 : i32 to vector<16xi32>
        %eq3A_878 = arith.cmpi eq, %scan3A_824, %eq3A_877 : vector<16xi32>
        %and3A_879 = arith.andi %eq3A_875, %eq3A_878 : vector<16xi1>
        %select_n3A_880 = arith.select %and3A_879, %select_n3A_872, %select_n3A_862 : vector<16xi1>, vector<16xi32>
        %swap3A_881 = arith.index_cast %add3A_827 : i32 to index
        %swap3A_882 = arith.constant 0 : index
        %swap3A_883 = tpu.vector_load %arg6[%swap3A_881, %swap3A_882] {strides = array<i32>} : memref<256x16xi32, #tpu.memory_space<vmem>>, vector<1x16xi32>,
        %swap3A_884 = vector.shape_cast %swap3A_883 : vector<1x16xi32> to vector<16xi32>
        %swap3A_885 = vector.shape_cast %select_n3A_880 : vector<16xi32> to vector<1x16xi32>
        tpu.vector_store %arg6[%swap3A_881, %swap3A_882], %swap3A_885 {strides = array<i32>} : memref<256x16xi32, #tpu.memory_space<vmem>>, vector<1x16xi32>,
        %add3A_886 = arith.constant 1 : i32
        %add3A_887 = arith.addi %add3A_827, %add3A_886 : i32
        %get3A_888 = arith.constant 0 : i32
        %get3A_889 = arith.index_cast %add3A_887 : i32 to index
        %get3A_890 = arith.index_cast %get3A_888 : i32 to index
        %get3A_891 = arith.constant 0 : index
        %get3A_892 = tpu.vector_load %arg4[%get3A_889, %get3A_890, %get3A_891] {strides = array<i32>} : memref<256x3x16xf32, #tpu.memory_space<vmem>>, vector<1x1x16xf32>,
        %get3A_893 = vector.shape_cast %get3A_892 : vector<1x1x16xf32> to vector<16xf32>
        %get3A_894 = arith.constant 1 : i32
        %get3A_895 = arith.index_cast %add3A_887 : i32 to index
        %get3A_896 = arith.index_cast %get3A_894 : i32 to index
        %get3A_897 = arith.constant 0 : index
        %get3A_898 = tpu.vector_load %arg4[%get3A_895, %get3A_896, %get3A_897] {strides = array<i32>} : memref<256x3x16xf32, #tpu.memory_space<vmem>>, vector<1x1x16xf32>,
        %get3A_899 = vector.shape_cast %get3A_898 : vector<1x1x16xf32> to vector<16xf32>
        %get3A_900 = arith.constant 2 : i32
        %get3A_901 = arith.index_cast %add3A_887 : i32 to index
        %get3A_902 = arith.index_cast %get3A_900 : i32 to index
        %get3A_903 = arith.constant 0 : index
        %get3A_904 = tpu.vector_load %arg4[%get3A_901, %get3A_902, %get3A_903] {strides = array<i32>} : memref<256x3x16xf32, #tpu.memory_space<vmem>>, vector<1x1x16xf32>,
        %get3A_905 = vector.shape_cast %get3A_904 : vector<1x1x16xf32> to vector<16xf32>
        %add3A_906 = vector.broadcast %scan3A_280 : f32 to vector<16xf32>
        %add3A_907 = arith.addf %get3A_893, %add3A_906 : vector<16xf32>
        %add3A_908 = vector.broadcast %scan3A_281 : f32 to vector<16xf32>
        %add3A_909 = arith.addf %get3A_899, %add3A_908 : vector<16xf32>
        %add3A_910 = vector.broadcast %scan3A_282 : f32 to vector<16xf32>
        %add3A_911 = arith.addf %get3A_905, %add3A_910 : vector<16xf32>
        %max3A_912 = arith.maximumf %add3A_907, %add3A_909 : vector<16xf32>
        %gt3A_913 = arith.cmpf ogt, %add3A_911, %max3A_912 : vector<16xf32>
        %gt3A_914 = arith.cmpf ogt, %add3A_909, %add3A_907 : vector<16xf32>
        %jit3A_915 = arith.constant 1 : i32
        %jit3A_916 = arith.constant 0 : i32
        %broadcast_in_dim3A_917 = vector.broadcast %jit3A_915 : i32 to vector<16xi32>
        %broadcast_in_dim3A_918 = vector.broadcast %jit3A_916 : i32 to vector<16xi32>
        %select_n3A_919 = arith.select %gt3A_914, %broadcast_in_dim3A_917, %broadcast_in_dim3A_918 : vector<16xi1>, vector<16xi32>
        %jit3A_920 = arith.constant 2 : i32
        %broadcast_in_dim3A_921 = vector.broadcast %jit3A_920 : i32 to vector<16xi32>
        %select_n3A_922 = arith.select %gt3A_913, %broadcast_in_dim3A_921, %select_n3A_919 : vector<16xi1>, vector<16xi32>
        %add3A_923 = vector.broadcast %scan3A_283 : f32 to vector<16xf32>
        %add3A_924 = arith.addf %get3A_905, %add3A_923 : vector<16xf32>
        %add3A_925 = vector.broadcast %scan3A_284 : f32 to vector<16xf32>
        %add3A_926 = arith.addf %get3A_899, %add3A_925 : vector<16xf32>
        %gt3A_927 = arith.cmpf ogt, %add3A_924, %add3A_926 : vector<16xf32>
        %jit3A_928 = arith.constant 2 : i32
        %jit3A_929 = arith.constant 1 : i32
        %broadcast_in_dim3A_930 = vector.broadcast %jit3A_928 : i32 to vector<16xi32>
        %broadcast_in_dim3A_931 = vector.broadcast %jit3A_929 : i32 to vector<16xi32>
        %select_n3A_932 = arith.select %gt3A_927, %broadcast_in_dim3A_930, %broadcast_in_dim3A_931 : vector<16xi1>, vector<16xi32>
        %eq3A_933 = arith.constant 2 : i32
        %eq3A_934 = vector.broadcast %eq3A_933 : i32 to vector<16xi32>
        %eq3A_935 = arith.cmpi eq, %select_n3A_880, %eq3A_934 : vector<16xi32>
        %eq3A_936 = arith.constant 1 : i32
        %eq3A_937 = vector.broadcast %eq3A_936 : i32 to vector<16xi32>
        %eq3A_938 = arith.cmpi eq, %scan3A_823, %eq3A_937 : vector<16xi32>
        %and3A_939 = arith.andi %eq3A_935, %eq3A_938 : vector<16xi1>
        %select_n3A_940 = arith.select %and3A_939, %select_n3A_932, %select_n3A_922 : vector<16xi1>, vector<16xi32>
        %swap3A_941 = arith.index_cast %add3A_887 : i32 to index
        %swap3A_942 = arith.constant 0 : index
        %swap3A_943 = tpu.vector_load %arg6[%swap3A_941, %swap3A_942] {strides = array<i32>} : memref<256x16xi32, #tpu.memory_space<vmem>>, vector<1x16xi32>,
        %swap3A_944 = vector.shape_cast %swap3A_943 : vector<1x16xi32> to vector<16xi32>
        %swap3A_945 = vector.shape_cast %select_n3A_940 : vector<16xi32> to vector<1x16xi32>
        tpu.vector_store %arg6[%swap3A_941, %swap3A_942], %swap3A_945 {strides = array<i32>} : memref<256x16xi32, #tpu.memory_space<vmem>>, vector<1x16xi32>,
        scf.yield %select_n3A_940, %select_n3A_880 : vector<16xi32>, vector<16xi32>
      }
      %scan3A_290 = arith.constant 128 : i32
      %dma_start3A_291 = arith.constant 1024 : i32
      %dma_start3A_292 = arith.constant 0 : i32
      %dma_start3A_293 = tpu.memref_slice %arg3[%arg0, %dma_start3A_291, %dma_start3A_292] : memref<2x4096x16xi32, #tpu.memory_space<hbm>> -> memref<1x256x16xi32, #tpu.memory_space<hbm>>
      %dma_start3A_294 = tpu.memref_squeeze %dma_start3A_293 : memref<1x256x16xi32, #tpu.memory_space<hbm>> -> memref<256x16xi32, #tpu.memory_space<hbm>>
      %dma_start3A_295 = arith.constant 1024 : i32
      %dma_start3A_296 = arith.constant 0 : i32
      %dma_start3A_297 = tpu.memref_slice %arg3[%arg0, %dma_start3A_295, %dma_start3A_296] : memref<2x4096x16xi32, #tpu.memory_space<hbm>> -> memref<1x256x16xi32, #tpu.memory_space<hbm>>
      %dma_start3A_298 = tpu.memref_squeeze %dma_start3A_297 : memref<1x256x16xi32, #tpu.memory_space<hbm>> -> memref<256x16xi32, #tpu.memory_space<hbm>>
      tpu.enqueue_dma source(%arg6 : memref<256x16xi32, #tpu.memory_space<vmem>>) target(%dma_start3A_298 : memref<256x16xi32, #tpu.memory_space<hbm>>) target_semaphore(%arg10 : memref<!tpu.dma_semaphore, #tpu.memory_space<semaphore_mem>>)
      %dma_start3A_299 = arith.constant 1536 : i32
      %dma_start3A_300 = arith.constant 0 : i32
      %dma_start3A_301 = arith.constant 0 : i32
      %dma_start3A_302 = tpu.memref_slice %arg2[%arg0, %dma_start3A_299, %dma_start3A_300, %dma_start3A_301] : memref<2x4096x3x16xf32, #tpu.memory_space<hbm>> -> memref<1x256x3x16xf32, #tpu.memory_space<hbm>>
      %dma_start3A_303 = tpu.memref_squeeze %dma_start3A_302 : memref<1x256x3x16xf32, #tpu.memory_space<hbm>> -> memref<256x3x16xf32, #tpu.memory_space<hbm>>
      %dma_start3A_304 = arith.constant 1536 : i32
      %dma_start3A_305 = arith.constant 0 : i32
      %dma_start3A_306 = arith.constant 0 : i32
      %dma_start3A_307 = tpu.memref_slice %arg2[%arg0, %dma_start3A_304, %dma_start3A_305, %dma_start3A_306] : memref<2x4096x3x16xf32, #tpu.memory_space<hbm>> -> memref<1x256x3x16xf32, #tpu.memory_space<hbm>>
      %dma_start3A_308 = tpu.memref_squeeze %dma_start3A_307 : memref<1x256x3x16xf32, #tpu.memory_space<hbm>> -> memref<256x3x16xf32, #tpu.memory_space<hbm>>
      tpu.enqueue_dma source(%dma_start3A_308 : memref<256x3x16xf32, #tpu.memory_space<hbm>>) target(%arg4 : memref<256x3x16xf32, #tpu.memory_space<vmem>>) target_semaphore(%arg8 : memref<!tpu.dma_semaphore, #tpu.memory_space<semaphore_mem>>)
      %dma_wait3A_309 = arith.constant 1280 : i32
      %dma_wait3A_310 = arith.constant 0 : i32
      %dma_wait3A_311 = arith.constant 0 : i32
      %dma_wait3A_312 = tpu.memref_slice %arg2[%arg0, %dma_wait3A_309, %dma_wait3A_310, %dma_wait3A_311] : memref<2x4096x3x16xf32, #tpu.memory_space<hbm>> -> memref<1x256x3x16xf32, #tpu.memory_space<hbm>>
      %dma_wait3A_313 = tpu.memref_squeeze %dma_wait3A_312 : memref<1x256x3x16xf32, #tpu.memory_space<hbm>> -> memref<256x3x16xf32, #tpu.memory_space<hbm>>
      %dma_wait3A_314 = arith.constant 1280 : i32
      %dma_wait3A_315 = arith.constant 0 : i32
      %dma_wait3A_316 = arith.constant 0 : i32
      %dma_wait3A_317 = tpu.memref_slice %arg2[%arg0, %dma_wait3A_314, %dma_wait3A_315, %dma_wait3A_316] : memref<2x4096x3x16xf32, #tpu.memory_space<hbm>> -> memref<1x256x3x16xf32, #tpu.memory_space<hbm>>
      %dma_wait3A_318 = tpu.memref_squeeze %dma_wait3A_317 : memref<1x256x3x16xf32, #tpu.memory_space<hbm>> -> memref<256x3x16xf32, #tpu.memory_space<hbm>>
      tpu.wait_dma2 semaphore(%arg9 : memref<!tpu.dma_semaphore, #tpu.memory_space<semaphore_mem>>) src(%dma_wait3A_318 : memref<256x3x16xf32, #tpu.memory_space<hbm>>) dst(%arg5 : memref<256x3x16xf32, #tpu.memory_space<vmem>>)
      %dma_wait3A_319 = arith.constant 768 : i32
      %dma_wait3A_320 = arith.constant 0 : i32
      %dma_wait3A_321 = tpu.memref_slice %arg3[%arg0, %dma_wait3A_319, %dma_wait3A_320] : memref<2x4096x16xi32, #tpu.memory_space<hbm>> -> memref<1x256x16xi32, #tpu.memory_space<hbm>>
      %dma_wait3A_322 = tpu.memref_squeeze %dma_wait3A_321 : memref<1x256x16xi32, #tpu.memory_space<hbm>> -> memref<256x16xi32, #tpu.memory_space<hbm>>
      %dma_wait3A_323 = arith.constant 768 : i32
      %dma_wait3A_324 = arith.constant 0 : i32
      %dma_wait3A_325 = tpu.memref_slice %arg3[%arg0, %dma_wait3A_323, %dma_wait3A_324] : memref<2x4096x16xi32, #tpu.memory_space<hbm>> -> memref<1x256x16xi32, #tpu.memory_space<hbm>>
      %dma_wait3A_326 = tpu.memref_squeeze %dma_wait3A_325 : memref<1x256x16xi32, #tpu.memory_space<hbm>> -> memref<256x16xi32, #tpu.memory_space<hbm>>
      tpu.wait_dma2 semaphore(%arg11 : memref<!tpu.dma_semaphore, #tpu.memory_space<semaphore_mem>>) src(%arg7 : memref<256x16xi32, #tpu.memory_space<vmem>>) dst(%dma_wait3A_326 : memref<256x16xi32, #tpu.memory_space<hbm>>)
      %scan3A_327 = arith.constant -2.30258512 : f32
      %scan3A_328 = arith.constant -0.223143533 : f32
      %scan3A_329 = arith.constant -2.30258512 : f32
      %scan3A_330 = arith.constant -2.19722462 : f32
      %scan3A_331 = arith.constant -0.117783032 : f32
      %scan3A_332 = arith.constant 0 : i32
      %scan3A_333 = arith.constant 128 : i32
      %scan3A_334 = arith.addi %scan3A_332, %scan3A_333 : i32
      %scan3A_335 = arith.constant 1 : i32
      %scan3A_336:2 = scf.for %scan3A_822 = %scan3A_332 to %scan3A_334 step %scan3A_335 iter_args(%scan3A_823 = %scan3A_289#0, %scan3A_824 = %scan3A_289#1) -> (vector<16xi32>, vector<16xi32>)  : i32 {
        %mul3A = arith.constant 2 : i32
        %mul3A_825 = arith.muli %mul3A, %scan3A_822 : i32
        %add3A_826 = arith.constant 0 : i32
        %add3A_827 = arith.addi %add3A_826, %mul3A_825 : i32
        %get3A_828 = arith.constant 0 : i32
        %get3A_829 = arith.index_cast %add3A_827 : i32 to index
        %get3A_830 = arith.index_cast %get3A_828 : i32 to index
        %get3A_831 = arith.constant 0 : index
        %get3A_832 = tpu.vector_load %arg5[%get3A_829, %get3A_830, %get3A_831] {strides = array<i32>} : memref<256x3x16xf32, #tpu.memory_space<vmem>>, vector<1x1x16xf32>,
        %get3A_833 = vector.shape_cast %get3A_832 : vector<1x1x16xf32> to vector<16xf32>
        %get3A_834 = arith.constant 1 : i32
        %get3A_835 = arith.index_cast %add3A_827 : i32 to index
        %get3A_836 = arith.index_cast %get3A_834 : i32 to index
        %get3A_837 = arith.constant 0 : index
        %get3A_838 = tpu.vector_load %arg5[%get3A_835, %get3A_836, %get3A_837] {strides = array<i32>} : memref<256x3x16xf32, #tpu.memory_space<vmem>>, vector<1x1x16xf32>,
        %get3A_839 = vector.shape_cast %get3A_838 : vector<1x1x16xf32> to vector<16xf32>
        %get3A_840 = arith.constant 2 : i32
        %get3A_841 = arith.index_cast %add3A_827 : i32 to index
        %get3A_842 = arith.index_cast %get3A_840 : i32 to index
        %get3A_843 = arith.constant 0 : index
        %get3A_844 = tpu.vector_load %arg5[%get3A_841, %get3A_842, %get3A_843] {strides = array<i32>} : memref<256x3x16xf32, #tpu.memory_space<vmem>>, vector<1x1x16xf32>,
        %get3A_845 = vector.shape_cast %get3A_844 : vector<1x1x16xf32> to vector<16xf32>
        %add3A_846 = vector.broadcast %scan3A_327 : f32 to vector<16xf32>
        %add3A_847 = arith.addf %get3A_833, %add3A_846 : vector<16xf32>
        %add3A_848 = vector.broadcast %scan3A_328 : f32 to vector<16xf32>
        %add3A_849 = arith.addf %get3A_839, %add3A_848 : vector<16xf32>
        %add3A_850 = vector.broadcast %scan3A_329 : f32 to vector<16xf32>
        %add3A_851 = arith.addf %get3A_845, %add3A_850 : vector<16xf32>
        %max3A_852 = arith.maximumf %add3A_847, %add3A_849 : vector<16xf32>
        %gt3A_853 = arith.cmpf ogt, %add3A_851, %max3A_852 : vector<16xf32>
        %gt3A_854 = arith.cmpf ogt, %add3A_849, %add3A_847 : vector<16xf32>
        %jit3A_855 = arith.constant 1 : i32
        %jit3A_856 = arith.constant 0 : i32
        %broadcast_in_dim3A_857 = vector.broadcast %jit3A_855 : i32 to vector<16xi32>
        %broadcast_in_dim3A_858 = vector.broadcast %jit3A_856 : i32 to vector<16xi32>
        %select_n3A_859 = arith.select %gt3A_854, %broadcast_in_dim3A_857, %broadcast_in_dim3A_858 : vector<16xi1>, vector<16xi32>
        %jit3A_860 = arith.constant 2 : i32
        %broadcast_in_dim3A_861 = vector.broadcast %jit3A_860 : i32 to vector<16xi32>
        %select_n3A_862 = arith.select %gt3A_853, %broadcast_in_dim3A_861, %select_n3A_859 : vector<16xi1>, vector<16xi32>
        %add3A_863 = vector.broadcast %scan3A_330 : f32 to vector<16xf32>
        %add3A_864 = arith.addf %get3A_845, %add3A_863 : vector<16xf32>
        %add3A_865 = vector.broadcast %scan3A_331 : f32 to vector<16xf32>
        %add3A_866 = arith.addf %get3A_839, %add3A_865 : vector<16xf32>
        %gt3A_867 = arith.cmpf ogt, %add3A_864, %add3A_866 : vector<16xf32>
        %jit3A_868 = arith.constant 2 : i32
        %jit3A_869 = arith.constant 1 : i32
        %broadcast_in_dim3A_870 = vector.broadcast %jit3A_868 : i32 to vector<16xi32>
        %broadcast_in_dim3A_871 = vector.broadcast %jit3A_869 : i32 to vector<16xi32>
        %select_n3A_872 = arith.select %gt3A_867, %broadcast_in_dim3A_870, %broadcast_in_dim3A_871 : vector<16xi1>, vector<16xi32>
        %eq3A_873 = arith.constant 2 : i32
        %eq3A_874 = vector.broadcast %eq3A_873 : i32 to vector<16xi32>
        %eq3A_875 = arith.cmpi eq, %scan3A_823, %eq3A_874 : vector<16xi32>
        %eq3A_876 = arith.constant 1 : i32
        %eq3A_877 = vector.broadcast %eq3A_876 : i32 to vector<16xi32>
        %eq3A_878 = arith.cmpi eq, %scan3A_824, %eq3A_877 : vector<16xi32>
        %and3A_879 = arith.andi %eq3A_875, %eq3A_878 : vector<16xi1>
        %select_n3A_880 = arith.select %and3A_879, %select_n3A_872, %select_n3A_862 : vector<16xi1>, vector<16xi32>
        %swap3A_881 = arith.index_cast %add3A_827 : i32 to index
        %swap3A_882 = arith.constant 0 : index
        %swap3A_883 = tpu.vector_load %arg7[%swap3A_881, %swap3A_882] {strides = array<i32>} : memref<256x16xi32, #tpu.memory_space<vmem>>, vector<1x16xi32>,
        %swap3A_884 = vector.shape_cast %swap3A_883 : vector<1x16xi32> to vector<16xi32>
        %swap3A_885 = vector.shape_cast %select_n3A_880 : vector<16xi32> to vector<1x16xi32>
        tpu.vector_store %arg7[%swap3A_881, %swap3A_882], %swap3A_885 {strides = array<i32>} : memref<256x16xi32, #tpu.memory_space<vmem>>, vector<1x16xi32>,
        %add3A_886 = arith.constant 1 : i32
        %add3A_887 = arith.addi %add3A_827, %add3A_886 : i32
        %get3A_888 = arith.constant 0 : i32
        %get3A_889 = arith.index_cast %add3A_887 : i32 to index
        %get3A_890 = arith.index_cast %get3A_888 : i32 to index
        %get3A_891 = arith.constant 0 : index
        %get3A_892 = tpu.vector_load %arg5[%get3A_889, %get3A_890, %get3A_891] {strides = array<i32>} : memref<256x3x16xf32, #tpu.memory_space<vmem>>, vector<1x1x16xf32>,
        %get3A_893 = vector.shape_cast %get3A_892 : vector<1x1x16xf32> to vector<16xf32>
        %get3A_894 = arith.constant 1 : i32
        %get3A_895 = arith.index_cast %add3A_887 : i32 to index
        %get3A_896 = arith.index_cast %get3A_894 : i32 to index
        %get3A_897 = arith.constant 0 : index
        %get3A_898 = tpu.vector_load %arg5[%get3A_895, %get3A_896, %get3A_897] {strides = array<i32>} : memref<256x3x16xf32, #tpu.memory_space<vmem>>, vector<1x1x16xf32>,
        %get3A_899 = vector.shape_cast %get3A_898 : vector<1x1x16xf32> to vector<16xf32>
        %get3A_900 = arith.constant 2 : i32
        %get3A_901 = arith.index_cast %add3A_887 : i32 to index
        %get3A_902 = arith.index_cast %get3A_900 : i32 to index
        %get3A_903 = arith.constant 0 : index
        %get3A_904 = tpu.vector_load %arg5[%get3A_901, %get3A_902, %get3A_903] {strides = array<i32>} : memref<256x3x16xf32, #tpu.memory_space<vmem>>, vector<1x1x16xf32>,
        %get3A_905 = vector.shape_cast %get3A_904 : vector<1x1x16xf32> to vector<16xf32>
        %add3A_906 = vector.broadcast %scan3A_327 : f32 to vector<16xf32>
        %add3A_907 = arith.addf %get3A_893, %add3A_906 : vector<16xf32>
        %add3A_908 = vector.broadcast %scan3A_328 : f32 to vector<16xf32>
        %add3A_909 = arith.addf %get3A_899, %add3A_908 : vector<16xf32>
        %add3A_910 = vector.broadcast %scan3A_329 : f32 to vector<16xf32>
        %add3A_911 = arith.addf %get3A_905, %add3A_910 : vector<16xf32>
        %max3A_912 = arith.maximumf %add3A_907, %add3A_909 : vector<16xf32>
        %gt3A_913 = arith.cmpf ogt, %add3A_911, %max3A_912 : vector<16xf32>
        %gt3A_914 = arith.cmpf ogt, %add3A_909, %add3A_907 : vector<16xf32>
        %jit3A_915 = arith.constant 1 : i32
        %jit3A_916 = arith.constant 0 : i32
        %broadcast_in_dim3A_917 = vector.broadcast %jit3A_915 : i32 to vector<16xi32>
        %broadcast_in_dim3A_918 = vector.broadcast %jit3A_916 : i32 to vector<16xi32>
        %select_n3A_919 = arith.select %gt3A_914, %broadcast_in_dim3A_917, %broadcast_in_dim3A_918 : vector<16xi1>, vector<16xi32>
        %jit3A_920 = arith.constant 2 : i32
        %broadcast_in_dim3A_921 = vector.broadcast %jit3A_920 : i32 to vector<16xi32>
        %select_n3A_922 = arith.select %gt3A_913, %broadcast_in_dim3A_921, %select_n3A_919 : vector<16xi1>, vector<16xi32>
        %add3A_923 = vector.broadcast %scan3A_330 : f32 to vector<16xf32>
        %add3A_924 = arith.addf %get3A_905, %add3A_923 : vector<16xf32>
        %add3A_925 = vector.broadcast %scan3A_331 : f32 to vector<16xf32>
        %add3A_926 = arith.addf %get3A_899, %add3A_925 : vector<16xf32>
        %gt3A_927 = arith.cmpf ogt, %add3A_924, %add3A_926 : vector<16xf32>
        %jit3A_928 = arith.constant 2 : i32
        %jit3A_929 = arith.constant 1 : i32
        %broadcast_in_dim3A_930 = vector.broadcast %jit3A_928 : i32 to vector<16xi32>
        %broadcast_in_dim3A_931 = vector.broadcast %jit3A_929 : i32 to vector<16xi32>
        %select_n3A_932 = arith.select %gt3A_927, %broadcast_in_dim3A_930, %broadcast_in_dim3A_931 : vector<16xi1>, vector<16xi32>
        %eq3A_933 = arith.constant 2 : i32
        %eq3A_934 = vector.broadcast %eq3A_933 : i32 to vector<16xi32>
        %eq3A_935 = arith.cmpi eq, %select_n3A_880, %eq3A_934 : vector<16xi32>
        %eq3A_936 = arith.constant 1 : i32
        %eq3A_937 = vector.broadcast %eq3A_936 : i32 to vector<16xi32>
        %eq3A_938 = arith.cmpi eq, %scan3A_823, %eq3A_937 : vector<16xi32>
        %and3A_939 = arith.andi %eq3A_935, %eq3A_938 : vector<16xi1>
        %select_n3A_940 = arith.select %and3A_939, %select_n3A_932, %select_n3A_922 : vector<16xi1>, vector<16xi32>
        %swap3A_941 = arith.index_cast %add3A_887 : i32 to index
        %swap3A_942 = arith.constant 0 : index
        %swap3A_943 = tpu.vector_load %arg7[%swap3A_941, %swap3A_942] {strides = array<i32>} : memref<256x16xi32, #tpu.memory_space<vmem>>, vector<1x16xi32>,
        %swap3A_944 = vector.shape_cast %swap3A_943 : vector<1x16xi32> to vector<16xi32>
        %swap3A_945 = vector.shape_cast %select_n3A_940 : vector<16xi32> to vector<1x16xi32>
        tpu.vector_store %arg7[%swap3A_941, %swap3A_942], %swap3A_945 {strides = array<i32>} : memref<256x16xi32, #tpu.memory_space<vmem>>, vector<1x16xi32>,
        scf.yield %select_n3A_940, %select_n3A_880 : vector<16xi32>, vector<16xi32>
      }
      %scan3A_337 = arith.constant 128 : i32
      %dma_start3A_338 = arith.constant 1280 : i32
      %dma_start3A_339 = arith.constant 0 : i32
      %dma_start3A_340 = tpu.memref_slice %arg3[%arg0, %dma_start3A_338, %dma_start3A_339] : memref<2x4096x16xi32, #tpu.memory_space<hbm>> -> memref<1x256x16xi32, #tpu.memory_space<hbm>>
      %dma_start3A_341 = tpu.memref_squeeze %dma_start3A_340 : memref<1x256x16xi32, #tpu.memory_space<hbm>> -> memref<256x16xi32, #tpu.memory_space<hbm>>
      %dma_start3A_342 = arith.constant 1280 : i32
      %dma_start3A_343 = arith.constant 0 : i32
      %dma_start3A_344 = tpu.memref_slice %arg3[%arg0, %dma_start3A_342, %dma_start3A_343] : memref<2x4096x16xi32, #tpu.memory_space<hbm>> -> memref<1x256x16xi32, #tpu.memory_space<hbm>>
      %dma_start3A_345 = tpu.memref_squeeze %dma_start3A_344 : memref<1x256x16xi32, #tpu.memory_space<hbm>> -> memref<256x16xi32, #tpu.memory_space<hbm>>
      tpu.enqueue_dma source(%arg7 : memref<256x16xi32, #tpu.memory_space<vmem>>) target(%dma_start3A_345 : memref<256x16xi32, #tpu.memory_space<hbm>>) target_semaphore(%arg11 : memref<!tpu.dma_semaphore, #tpu.memory_space<semaphore_mem>>)
      %dma_start3A_346 = arith.constant 1792 : i32
      %dma_start3A_347 = arith.constant 0 : i32
      %dma_start3A_348 = arith.constant 0 : i32
      %dma_start3A_349 = tpu.memref_slice %arg2[%arg0, %dma_start3A_346, %dma_start3A_347, %dma_start3A_348] : memref<2x4096x3x16xf32, #tpu.memory_space<hbm>> -> memref<1x256x3x16xf32, #tpu.memory_space<hbm>>
      %dma_start3A_350 = tpu.memref_squeeze %dma_start3A_349 : memref<1x256x3x16xf32, #tpu.memory_space<hbm>> -> memref<256x3x16xf32, #tpu.memory_space<hbm>>
      %dma_start3A_351 = arith.constant 1792 : i32
      %dma_start3A_352 = arith.constant 0 : i32
      %dma_start3A_353 = arith.constant 0 : i32
      %dma_start3A_354 = tpu.memref_slice %arg2[%arg0, %dma_start3A_351, %dma_start3A_352, %dma_start3A_353] : memref<2x4096x3x16xf32, #tpu.memory_space<hbm>> -> memref<1x256x3x16xf32, #tpu.memory_space<hbm>>
      %dma_start3A_355 = tpu.memref_squeeze %dma_start3A_354 : memref<1x256x3x16xf32, #tpu.memory_space<hbm>> -> memref<256x3x16xf32, #tpu.memory_space<hbm>>
      tpu.enqueue_dma source(%dma_start3A_355 : memref<256x3x16xf32, #tpu.memory_space<hbm>>) target(%arg5 : memref<256x3x16xf32, #tpu.memory_space<vmem>>) target_semaphore(%arg9 : memref<!tpu.dma_semaphore, #tpu.memory_space<semaphore_mem>>)
      %dma_wait3A_356 = arith.constant 1536 : i32
      %dma_wait3A_357 = arith.constant 0 : i32
      %dma_wait3A_358 = arith.constant 0 : i32
      %dma_wait3A_359 = tpu.memref_slice %arg2[%arg0, %dma_wait3A_356, %dma_wait3A_357, %dma_wait3A_358] : memref<2x4096x3x16xf32, #tpu.memory_space<hbm>> -> memref<1x256x3x16xf32, #tpu.memory_space<hbm>>
      %dma_wait3A_360 = tpu.memref_squeeze %dma_wait3A_359 : memref<1x256x3x16xf32, #tpu.memory_space<hbm>> -> memref<256x3x16xf32, #tpu.memory_space<hbm>>
      %dma_wait3A_361 = arith.constant 1536 : i32
      %dma_wait3A_362 = arith.constant 0 : i32
      %dma_wait3A_363 = arith.constant 0 : i32
      %dma_wait3A_364 = tpu.memref_slice %arg2[%arg0, %dma_wait3A_361, %dma_wait3A_362, %dma_wait3A_363] : memref<2x4096x3x16xf32, #tpu.memory_space<hbm>> -> memref<1x256x3x16xf32, #tpu.memory_space<hbm>>
      %dma_wait3A_365 = tpu.memref_squeeze %dma_wait3A_364 : memref<1x256x3x16xf32, #tpu.memory_space<hbm>> -> memref<256x3x16xf32, #tpu.memory_space<hbm>>
      tpu.wait_dma2 semaphore(%arg8 : memref<!tpu.dma_semaphore, #tpu.memory_space<semaphore_mem>>) src(%dma_wait3A_365 : memref<256x3x16xf32, #tpu.memory_space<hbm>>) dst(%arg4 : memref<256x3x16xf32, #tpu.memory_space<vmem>>)
      %dma_wait3A_366 = arith.constant 1024 : i32
      %dma_wait3A_367 = arith.constant 0 : i32
      %dma_wait3A_368 = tpu.memref_slice %arg3[%arg0, %dma_wait3A_366, %dma_wait3A_367] : memref<2x4096x16xi32, #tpu.memory_space<hbm>> -> memref<1x256x16xi32, #tpu.memory_space<hbm>>
      %dma_wait3A_369 = tpu.memref_squeeze %dma_wait3A_368 : memref<1x256x16xi32, #tpu.memory_space<hbm>> -> memref<256x16xi32, #tpu.memory_space<hbm>>
      %dma_wait3A_370 = arith.constant 1024 : i32
      %dma_wait3A_371 = arith.constant 0 : i32
      %dma_wait3A_372 = tpu.memref_slice %arg3[%arg0, %dma_wait3A_370, %dma_wait3A_371] : memref<2x4096x16xi32, #tpu.memory_space<hbm>> -> memref<1x256x16xi32, #tpu.memory_space<hbm>>
      %dma_wait3A_373 = tpu.memref_squeeze %dma_wait3A_372 : memref<1x256x16xi32, #tpu.memory_space<hbm>> -> memref<256x16xi32, #tpu.memory_space<hbm>>
      tpu.wait_dma2 semaphore(%arg10 : memref<!tpu.dma_semaphore, #tpu.memory_space<semaphore_mem>>) src(%arg6 : memref<256x16xi32, #tpu.memory_space<vmem>>) dst(%dma_wait3A_373 : memref<256x16xi32, #tpu.memory_space<hbm>>)
      %scan3A_374 = arith.constant -2.30258512 : f32
      %scan3A_375 = arith.constant -0.223143533 : f32
      %scan3A_376 = arith.constant -2.30258512 : f32
      %scan3A_377 = arith.constant -2.19722462 : f32
      %scan3A_378 = arith.constant -0.117783032 : f32
      %scan3A_379 = arith.constant 0 : i32
      %scan3A_380 = arith.constant 128 : i32
      %scan3A_381 = arith.addi %scan3A_379, %scan3A_380 : i32
      %scan3A_382 = arith.constant 1 : i32
      %scan3A_383:2 = scf.for %scan3A_822 = %scan3A_379 to %scan3A_381 step %scan3A_382 iter_args(%scan3A_823 = %scan3A_336#0, %scan3A_824 = %scan3A_336#1) -> (vector<16xi32>, vector<16xi32>)  : i32 {
        %mul3A = arith.constant 2 : i32
        %mul3A_825 = arith.muli %mul3A, %scan3A_822 : i32
        %add3A_826 = arith.constant 0 : i32
        %add3A_827 = arith.addi %add3A_826, %mul3A_825 : i32
        %get3A_828 = arith.constant 0 : i32
        %get3A_829 = arith.index_cast %add3A_827 : i32 to index
        %get3A_830 = arith.index_cast %get3A_828 : i32 to index
        %get3A_831 = arith.constant 0 : index
        %get3A_832 = tpu.vector_load %arg4[%get3A_829, %get3A_830, %get3A_831] {strides = array<i32>} : memref<256x3x16xf32, #tpu.memory_space<vmem>>, vector<1x1x16xf32>,
        %get3A_833 = vector.shape_cast %get3A_832 : vector<1x1x16xf32> to vector<16xf32>
        %get3A_834 = arith.constant 1 : i32
        %get3A_835 = arith.index_cast %add3A_827 : i32 to index
        %get3A_836 = arith.index_cast %get3A_834 : i32 to index
        %get3A_837 = arith.constant 0 : index
        %get3A_838 = tpu.vector_load %arg4[%get3A_835, %get3A_836, %get3A_837] {strides = array<i32>} : memref<256x3x16xf32, #tpu.memory_space<vmem>>, vector<1x1x16xf32>,
        %get3A_839 = vector.shape_cast %get3A_838 : vector<1x1x16xf32> to vector<16xf32>
        %get3A_840 = arith.constant 2 : i32
        %get3A_841 = arith.index_cast %add3A_827 : i32 to index
        %get3A_842 = arith.index_cast %get3A_840 : i32 to index
        %get3A_843 = arith.constant 0 : index
        %get3A_844 = tpu.vector_load %arg4[%get3A_841, %get3A_842, %get3A_843] {strides = array<i32>} : memref<256x3x16xf32, #tpu.memory_space<vmem>>, vector<1x1x16xf32>,
        %get3A_845 = vector.shape_cast %get3A_844 : vector<1x1x16xf32> to vector<16xf32>
        %add3A_846 = vector.broadcast %scan3A_374 : f32 to vector<16xf32>
        %add3A_847 = arith.addf %get3A_833, %add3A_846 : vector<16xf32>
        %add3A_848 = vector.broadcast %scan3A_375 : f32 to vector<16xf32>
        %add3A_849 = arith.addf %get3A_839, %add3A_848 : vector<16xf32>
        %add3A_850 = vector.broadcast %scan3A_376 : f32 to vector<16xf32>
        %add3A_851 = arith.addf %get3A_845, %add3A_850 : vector<16xf32>
        %max3A_852 = arith.maximumf %add3A_847, %add3A_849 : vector<16xf32>
        %gt3A_853 = arith.cmpf ogt, %add3A_851, %max3A_852 : vector<16xf32>
        %gt3A_854 = arith.cmpf ogt, %add3A_849, %add3A_847 : vector<16xf32>
        %jit3A_855 = arith.constant 1 : i32
        %jit3A_856 = arith.constant 0 : i32
        %broadcast_in_dim3A_857 = vector.broadcast %jit3A_855 : i32 to vector<16xi32>
        %broadcast_in_dim3A_858 = vector.broadcast %jit3A_856 : i32 to vector<16xi32>
        %select_n3A_859 = arith.select %gt3A_854, %broadcast_in_dim3A_857, %broadcast_in_dim3A_858 : vector<16xi1>, vector<16xi32>
        %jit3A_860 = arith.constant 2 : i32
        %broadcast_in_dim3A_861 = vector.broadcast %jit3A_860 : i32 to vector<16xi32>
        %select_n3A_862 = arith.select %gt3A_853, %broadcast_in_dim3A_861, %select_n3A_859 : vector<16xi1>, vector<16xi32>
        %add3A_863 = vector.broadcast %scan3A_377 : f32 to vector<16xf32>
        %add3A_864 = arith.addf %get3A_845, %add3A_863 : vector<16xf32>
        %add3A_865 = vector.broadcast %scan3A_378 : f32 to vector<16xf32>
        %add3A_866 = arith.addf %get3A_839, %add3A_865 : vector<16xf32>
        %gt3A_867 = arith.cmpf ogt, %add3A_864, %add3A_866 : vector<16xf32>
        %jit3A_868 = arith.constant 2 : i32
        %jit3A_869 = arith.constant 1 : i32
        %broadcast_in_dim3A_870 = vector.broadcast %jit3A_868 : i32 to vector<16xi32>
        %broadcast_in_dim3A_871 = vector.broadcast %jit3A_869 : i32 to vector<16xi32>
        %select_n3A_872 = arith.select %gt3A_867, %broadcast_in_dim3A_870, %broadcast_in_dim3A_871 : vector<16xi1>, vector<16xi32>
        %eq3A_873 = arith.constant 2 : i32
        %eq3A_874 = vector.broadcast %eq3A_873 : i32 to vector<16xi32>
        %eq3A_875 = arith.cmpi eq, %scan3A_823, %eq3A_874 : vector<16xi32>
        %eq3A_876 = arith.constant 1 : i32
        %eq3A_877 = vector.broadcast %eq3A_876 : i32 to vector<16xi32>
        %eq3A_878 = arith.cmpi eq, %scan3A_824, %eq3A_877 : vector<16xi32>
        %and3A_879 = arith.andi %eq3A_875, %eq3A_878 : vector<16xi1>
        %select_n3A_880 = arith.select %and3A_879, %select_n3A_872, %select_n3A_862 : vector<16xi1>, vector<16xi32>
        %swap3A_881 = arith.index_cast %add3A_827 : i32 to index
        %swap3A_882 = arith.constant 0 : index
        %swap3A_883 = tpu.vector_load %arg6[%swap3A_881, %swap3A_882] {strides = array<i32>} : memref<256x16xi32, #tpu.memory_space<vmem>>, vector<1x16xi32>,
        %swap3A_884 = vector.shape_cast %swap3A_883 : vector<1x16xi32> to vector<16xi32>
        %swap3A_885 = vector.shape_cast %select_n3A_880 : vector<16xi32> to vector<1x16xi32>
        tpu.vector_store %arg6[%swap3A_881, %swap3A_882], %swap3A_885 {strides = array<i32>} : memref<256x16xi32, #tpu.memory_space<vmem>>, vector<1x16xi32>,
        %add3A_886 = arith.constant 1 : i32
        %add3A_887 = arith.addi %add3A_827, %add3A_886 : i32
        %get3A_888 = arith.constant 0 : i32
        %get3A_889 = arith.index_cast %add3A_887 : i32 to index
        %get3A_890 = arith.index_cast %get3A_888 : i32 to index
        %get3A_891 = arith.constant 0 : index
        %get3A_892 = tpu.vector_load %arg4[%get3A_889, %get3A_890, %get3A_891] {strides = array<i32>} : memref<256x3x16xf32, #tpu.memory_space<vmem>>, vector<1x1x16xf32>,
        %get3A_893 = vector.shape_cast %get3A_892 : vector<1x1x16xf32> to vector<16xf32>
        %get3A_894 = arith.constant 1 : i32
        %get3A_895 = arith.index_cast %add3A_887 : i32 to index
        %get3A_896 = arith.index_cast %get3A_894 : i32 to index
        %get3A_897 = arith.constant 0 : index
        %get3A_898 = tpu.vector_load %arg4[%get3A_895, %get3A_896, %get3A_897] {strides = array<i32>} : memref<256x3x16xf32, #tpu.memory_space<vmem>>, vector<1x1x16xf32>,
        %get3A_899 = vector.shape_cast %get3A_898 : vector<1x1x16xf32> to vector<16xf32>
        %get3A_900 = arith.constant 2 : i32
        %get3A_901 = arith.index_cast %add3A_887 : i32 to index
        %get3A_902 = arith.index_cast %get3A_900 : i32 to index
        %get3A_903 = arith.constant 0 : index
        %get3A_904 = tpu.vector_load %arg4[%get3A_901, %get3A_902, %get3A_903] {strides = array<i32>} : memref<256x3x16xf32, #tpu.memory_space<vmem>>, vector<1x1x16xf32>,
        %get3A_905 = vector.shape_cast %get3A_904 : vector<1x1x16xf32> to vector<16xf32>
        %add3A_906 = vector.broadcast %scan3A_374 : f32 to vector<16xf32>
        %add3A_907 = arith.addf %get3A_893, %add3A_906 : vector<16xf32>
        %add3A_908 = vector.broadcast %scan3A_375 : f32 to vector<16xf32>
        %add3A_909 = arith.addf %get3A_899, %add3A_908 : vector<16xf32>
        %add3A_910 = vector.broadcast %scan3A_376 : f32 to vector<16xf32>
        %add3A_911 = arith.addf %get3A_905, %add3A_910 : vector<16xf32>
        %max3A_912 = arith.maximumf %add3A_907, %add3A_909 : vector<16xf32>
        %gt3A_913 = arith.cmpf ogt, %add3A_911, %max3A_912 : vector<16xf32>
        %gt3A_914 = arith.cmpf ogt, %add3A_909, %add3A_907 : vector<16xf32>
        %jit3A_915 = arith.constant 1 : i32
        %jit3A_916 = arith.constant 0 : i32
        %broadcast_in_dim3A_917 = vector.broadcast %jit3A_915 : i32 to vector<16xi32>
        %broadcast_in_dim3A_918 = vector.broadcast %jit3A_916 : i32 to vector<16xi32>
        %select_n3A_919 = arith.select %gt3A_914, %broadcast_in_dim3A_917, %broadcast_in_dim3A_918 : vector<16xi1>, vector<16xi32>
        %jit3A_920 = arith.constant 2 : i32
        %broadcast_in_dim3A_921 = vector.broadcast %jit3A_920 : i32 to vector<16xi32>
        %select_n3A_922 = arith.select %gt3A_913, %broadcast_in_dim3A_921, %select_n3A_919 : vector<16xi1>, vector<16xi32>
        %add3A_923 = vector.broadcast %scan3A_377 : f32 to vector<16xf32>
        %add3A_924 = arith.addf %get3A_905, %add3A_923 : vector<16xf32>
        %add3A_925 = vector.broadcast %scan3A_378 : f32 to vector<16xf32>
        %add3A_926 = arith.addf %get3A_899, %add3A_925 : vector<16xf32>
        %gt3A_927 = arith.cmpf ogt, %add3A_924, %add3A_926 : vector<16xf32>
        %jit3A_928 = arith.constant 2 : i32
        %jit3A_929 = arith.constant 1 : i32
        %broadcast_in_dim3A_930 = vector.broadcast %jit3A_928 : i32 to vector<16xi32>
        %broadcast_in_dim3A_931 = vector.broadcast %jit3A_929 : i32 to vector<16xi32>
        %select_n3A_932 = arith.select %gt3A_927, %broadcast_in_dim3A_930, %broadcast_in_dim3A_931 : vector<16xi1>, vector<16xi32>
        %eq3A_933 = arith.constant 2 : i32
        %eq3A_934 = vector.broadcast %eq3A_933 : i32 to vector<16xi32>
        %eq3A_935 = arith.cmpi eq, %select_n3A_880, %eq3A_934 : vector<16xi32>
        %eq3A_936 = arith.constant 1 : i32
        %eq3A_937 = vector.broadcast %eq3A_936 : i32 to vector<16xi32>
        %eq3A_938 = arith.cmpi eq, %scan3A_823, %eq3A_937 : vector<16xi32>
        %and3A_939 = arith.andi %eq3A_935, %eq3A_938 : vector<16xi1>
        %select_n3A_940 = arith.select %and3A_939, %select_n3A_932, %select_n3A_922 : vector<16xi1>, vector<16xi32>
        %swap3A_941 = arith.index_cast %add3A_887 : i32 to index
        %swap3A_942 = arith.constant 0 : index
        %swap3A_943 = tpu.vector_load %arg6[%swap3A_941, %swap3A_942] {strides = array<i32>} : memref<256x16xi32, #tpu.memory_space<vmem>>, vector<1x16xi32>,
        %swap3A_944 = vector.shape_cast %swap3A_943 : vector<1x16xi32> to vector<16xi32>
        %swap3A_945 = vector.shape_cast %select_n3A_940 : vector<16xi32> to vector<1x16xi32>
        tpu.vector_store %arg6[%swap3A_941, %swap3A_942], %swap3A_945 {strides = array<i32>} : memref<256x16xi32, #tpu.memory_space<vmem>>, vector<1x16xi32>,
        scf.yield %select_n3A_940, %select_n3A_880 : vector<16xi32>, vector<16xi32>
      }
      %scan3A_384 = arith.constant 128 : i32
      %dma_start3A_385 = arith.constant 1536 : i32
      %dma_start3A_386 = arith.constant 0 : i32
      %dma_start3A_387 = tpu.memref_slice %arg3[%arg0, %dma_start3A_385, %dma_start3A_386] : memref<2x4096x16xi32, #tpu.memory_space<hbm>> -> memref<1x256x16xi32, #tpu.memory_space<hbm>>
      %dma_start3A_388 = tpu.memref_squeeze %dma_start3A_387 : memref<1x256x16xi32, #tpu.memory_space<hbm>> -> memref<256x16xi32, #tpu.memory_space<hbm>>
      %dma_start3A_389 = arith.constant 1536 : i32
      %dma_start3A_390 = arith.constant 0 : i32
      %dma_start3A_391 = tpu.memref_slice %arg3[%arg0, %dma_start3A_389, %dma_start3A_390] : memref<2x4096x16xi32, #tpu.memory_space<hbm>> -> memref<1x256x16xi32, #tpu.memory_space<hbm>>
      %dma_start3A_392 = tpu.memref_squeeze %dma_start3A_391 : memref<1x256x16xi32, #tpu.memory_space<hbm>> -> memref<256x16xi32, #tpu.memory_space<hbm>>
      tpu.enqueue_dma source(%arg6 : memref<256x16xi32, #tpu.memory_space<vmem>>) target(%dma_start3A_392 : memref<256x16xi32, #tpu.memory_space<hbm>>) target_semaphore(%arg10 : memref<!tpu.dma_semaphore, #tpu.memory_space<semaphore_mem>>)
      %dma_start3A_393 = arith.constant 2048 : i32
      %dma_start3A_394 = arith.constant 0 : i32
      %dma_start3A_395 = arith.constant 0 : i32
      %dma_start3A_396 = tpu.memref_slice %arg2[%arg0, %dma_start3A_393, %dma_start3A_394, %dma_start3A_395] : memref<2x4096x3x16xf32, #tpu.memory_space<hbm>> -> memref<1x256x3x16xf32, #tpu.memory_space<hbm>>
      %dma_start3A_397 = tpu.memref_squeeze %dma_start3A_396 : memref<1x256x3x16xf32, #tpu.memory_space<hbm>> -> memref<256x3x16xf32, #tpu.memory_space<hbm>>
      %dma_start3A_398 = arith.constant 2048 : i32
      %dma_start3A_399 = arith.constant 0 : i32
      %dma_start3A_400 = arith.constant 0 : i32
      %dma_start3A_401 = tpu.memref_slice %arg2[%arg0, %dma_start3A_398, %dma_start3A_399, %dma_start3A_400] : memref<2x4096x3x16xf32, #tpu.memory_space<hbm>> -> memref<1x256x3x16xf32, #tpu.memory_space<hbm>>
      %dma_start3A_402 = tpu.memref_squeeze %dma_start3A_401 : memref<1x256x3x16xf32, #tpu.memory_space<hbm>> -> memref<256x3x16xf32, #tpu.memory_space<hbm>>
      tpu.enqueue_dma source(%dma_start3A_402 : memref<256x3x16xf32, #tpu.memory_space<hbm>>) target(%arg4 : memref<256x3x16xf32, #tpu.memory_space<vmem>>) target_semaphore(%arg8 : memref<!tpu.dma_semaphore, #tpu.memory_space<semaphore_mem>>)
      %dma_wait3A_403 = arith.constant 1792 : i32
      %dma_wait3A_404 = arith.constant 0 : i32
      %dma_wait3A_405 = arith.constant 0 : i32
      %dma_wait3A_406 = tpu.memref_slice %arg2[%arg0, %dma_wait3A_403, %dma_wait3A_404, %dma_wait3A_405] : memref<2x4096x3x16xf32, #tpu.memory_space<hbm>> -> memref<1x256x3x16xf32, #tpu.memory_space<hbm>>
      %dma_wait3A_407 = tpu.memref_squeeze %dma_wait3A_406 : memref<1x256x3x16xf32, #tpu.memory_space<hbm>> -> memref<256x3x16xf32, #tpu.memory_space<hbm>>
      %dma_wait3A_408 = arith.constant 1792 : i32
      %dma_wait3A_409 = arith.constant 0 : i32
      %dma_wait3A_410 = arith.constant 0 : i32
      %dma_wait3A_411 = tpu.memref_slice %arg2[%arg0, %dma_wait3A_408, %dma_wait3A_409, %dma_wait3A_410] : memref<2x4096x3x16xf32, #tpu.memory_space<hbm>> -> memref<1x256x3x16xf32, #tpu.memory_space<hbm>>
      %dma_wait3A_412 = tpu.memref_squeeze %dma_wait3A_411 : memref<1x256x3x16xf32, #tpu.memory_space<hbm>> -> memref<256x3x16xf32, #tpu.memory_space<hbm>>
      tpu.wait_dma2 semaphore(%arg9 : memref<!tpu.dma_semaphore, #tpu.memory_space<semaphore_mem>>) src(%dma_wait3A_412 : memref<256x3x16xf32, #tpu.memory_space<hbm>>) dst(%arg5 : memref<256x3x16xf32, #tpu.memory_space<vmem>>)
      %dma_wait3A_413 = arith.constant 1280 : i32
      %dma_wait3A_414 = arith.constant 0 : i32
      %dma_wait3A_415 = tpu.memref_slice %arg3[%arg0, %dma_wait3A_413, %dma_wait3A_414] : memref<2x4096x16xi32, #tpu.memory_space<hbm>> -> memref<1x256x16xi32, #tpu.memory_space<hbm>>
      %dma_wait3A_416 = tpu.memref_squeeze %dma_wait3A_415 : memref<1x256x16xi32, #tpu.memory_space<hbm>> -> memref<256x16xi32, #tpu.memory_space<hbm>>
      %dma_wait3A_417 = arith.constant 1280 : i32
      %dma_wait3A_418 = arith.constant 0 : i32
      %dma_wait3A_419 = tpu.memref_slice %arg3[%arg0, %dma_wait3A_417, %dma_wait3A_418] : memref<2x4096x16xi32, #tpu.memory_space<hbm>> -> memref<1x256x16xi32, #tpu.memory_space<hbm>>
      %dma_wait3A_420 = tpu.memref_squeeze %dma_wait3A_419 : memref<1x256x16xi32, #tpu.memory_space<hbm>> -> memref<256x16xi32, #tpu.memory_space<hbm>>
      tpu.wait_dma2 semaphore(%arg11 : memref<!tpu.dma_semaphore, #tpu.memory_space<semaphore_mem>>) src(%arg7 : memref<256x16xi32, #tpu.memory_space<vmem>>) dst(%dma_wait3A_420 : memref<256x16xi32, #tpu.memory_space<hbm>>)
      %scan3A_421 = arith.constant -2.30258512 : f32
      %scan3A_422 = arith.constant -0.223143533 : f32
      %scan3A_423 = arith.constant -2.30258512 : f32
      %scan3A_424 = arith.constant -2.19722462 : f32
      %scan3A_425 = arith.constant -0.117783032 : f32
      %scan3A_426 = arith.constant 0 : i32
      %scan3A_427 = arith.constant 128 : i32
      %scan3A_428 = arith.addi %scan3A_426, %scan3A_427 : i32
      %scan3A_429 = arith.constant 1 : i32
      %scan3A_430:2 = scf.for %scan3A_822 = %scan3A_426 to %scan3A_428 step %scan3A_429 iter_args(%scan3A_823 = %scan3A_383#0, %scan3A_824 = %scan3A_383#1) -> (vector<16xi32>, vector<16xi32>)  : i32 {
        %mul3A = arith.constant 2 : i32
        %mul3A_825 = arith.muli %mul3A, %scan3A_822 : i32
        %add3A_826 = arith.constant 0 : i32
        %add3A_827 = arith.addi %add3A_826, %mul3A_825 : i32
        %get3A_828 = arith.constant 0 : i32
        %get3A_829 = arith.index_cast %add3A_827 : i32 to index
        %get3A_830 = arith.index_cast %get3A_828 : i32 to index
        %get3A_831 = arith.constant 0 : index
        %get3A_832 = tpu.vector_load %arg5[%get3A_829, %get3A_830, %get3A_831] {strides = array<i32>} : memref<256x3x16xf32, #tpu.memory_space<vmem>>, vector<1x1x16xf32>,
        %get3A_833 = vector.shape_cast %get3A_832 : vector<1x1x16xf32> to vector<16xf32>
        %get3A_834 = arith.constant 1 : i32
        %get3A_835 = arith.index_cast %add3A_827 : i32 to index
        %get3A_836 = arith.index_cast %get3A_834 : i32 to index
        %get3A_837 = arith.constant 0 : index
        %get3A_838 = tpu.vector_load %arg5[%get3A_835, %get3A_836, %get3A_837] {strides = array<i32>} : memref<256x3x16xf32, #tpu.memory_space<vmem>>, vector<1x1x16xf32>,
        %get3A_839 = vector.shape_cast %get3A_838 : vector<1x1x16xf32> to vector<16xf32>
        %get3A_840 = arith.constant 2 : i32
        %get3A_841 = arith.index_cast %add3A_827 : i32 to index
        %get3A_842 = arith.index_cast %get3A_840 : i32 to index
        %get3A_843 = arith.constant 0 : index
        %get3A_844 = tpu.vector_load %arg5[%get3A_841, %get3A_842, %get3A_843] {strides = array<i32>} : memref<256x3x16xf32, #tpu.memory_space<vmem>>, vector<1x1x16xf32>,
        %get3A_845 = vector.shape_cast %get3A_844 : vector<1x1x16xf32> to vector<16xf32>
        %add3A_846 = vector.broadcast %scan3A_421 : f32 to vector<16xf32>
        %add3A_847 = arith.addf %get3A_833, %add3A_846 : vector<16xf32>
        %add3A_848 = vector.broadcast %scan3A_422 : f32 to vector<16xf32>
        %add3A_849 = arith.addf %get3A_839, %add3A_848 : vector<16xf32>
        %add3A_850 = vector.broadcast %scan3A_423 : f32 to vector<16xf32>
        %add3A_851 = arith.addf %get3A_845, %add3A_850 : vector<16xf32>
        %max3A_852 = arith.maximumf %add3A_847, %add3A_849 : vector<16xf32>
        %gt3A_853 = arith.cmpf ogt, %add3A_851, %max3A_852 : vector<16xf32>
        %gt3A_854 = arith.cmpf ogt, %add3A_849, %add3A_847 : vector<16xf32>
        %jit3A_855 = arith.constant 1 : i32
        %jit3A_856 = arith.constant 0 : i32
        %broadcast_in_dim3A_857 = vector.broadcast %jit3A_855 : i32 to vector<16xi32>
        %broadcast_in_dim3A_858 = vector.broadcast %jit3A_856 : i32 to vector<16xi32>
        %select_n3A_859 = arith.select %gt3A_854, %broadcast_in_dim3A_857, %broadcast_in_dim3A_858 : vector<16xi1>, vector<16xi32>
        %jit3A_860 = arith.constant 2 : i32
        %broadcast_in_dim3A_861 = vector.broadcast %jit3A_860 : i32 to vector<16xi32>
        %select_n3A_862 = arith.select %gt3A_853, %broadcast_in_dim3A_861, %select_n3A_859 : vector<16xi1>, vector<16xi32>
        %add3A_863 = vector.broadcast %scan3A_424 : f32 to vector<16xf32>
        %add3A_864 = arith.addf %get3A_845, %add3A_863 : vector<16xf32>
        %add3A_865 = vector.broadcast %scan3A_425 : f32 to vector<16xf32>
        %add3A_866 = arith.addf %get3A_839, %add3A_865 : vector<16xf32>
        %gt3A_867 = arith.cmpf ogt, %add3A_864, %add3A_866 : vector<16xf32>
        %jit3A_868 = arith.constant 2 : i32
        %jit3A_869 = arith.constant 1 : i32
        %broadcast_in_dim3A_870 = vector.broadcast %jit3A_868 : i32 to vector<16xi32>
        %broadcast_in_dim3A_871 = vector.broadcast %jit3A_869 : i32 to vector<16xi32>
        %select_n3A_872 = arith.select %gt3A_867, %broadcast_in_dim3A_870, %broadcast_in_dim3A_871 : vector<16xi1>, vector<16xi32>
        %eq3A_873 = arith.constant 2 : i32
        %eq3A_874 = vector.broadcast %eq3A_873 : i32 to vector<16xi32>
        %eq3A_875 = arith.cmpi eq, %scan3A_823, %eq3A_874 : vector<16xi32>
        %eq3A_876 = arith.constant 1 : i32
        %eq3A_877 = vector.broadcast %eq3A_876 : i32 to vector<16xi32>
        %eq3A_878 = arith.cmpi eq, %scan3A_824, %eq3A_877 : vector<16xi32>
        %and3A_879 = arith.andi %eq3A_875, %eq3A_878 : vector<16xi1>
        %select_n3A_880 = arith.select %and3A_879, %select_n3A_872, %select_n3A_862 : vector<16xi1>, vector<16xi32>
        %swap3A_881 = arith.index_cast %add3A_827 : i32 to index
        %swap3A_882 = arith.constant 0 : index
        %swap3A_883 = tpu.vector_load %arg7[%swap3A_881, %swap3A_882] {strides = array<i32>} : memref<256x16xi32, #tpu.memory_space<vmem>>, vector<1x16xi32>,
        %swap3A_884 = vector.shape_cast %swap3A_883 : vector<1x16xi32> to vector<16xi32>
        %swap3A_885 = vector.shape_cast %select_n3A_880 : vector<16xi32> to vector<1x16xi32>
        tpu.vector_store %arg7[%swap3A_881, %swap3A_882], %swap3A_885 {strides = array<i32>} : memref<256x16xi32, #tpu.memory_space<vmem>>, vector<1x16xi32>,
        %add3A_886 = arith.constant 1 : i32
        %add3A_887 = arith.addi %add3A_827, %add3A_886 : i32
        %get3A_888 = arith.constant 0 : i32
        %get3A_889 = arith.index_cast %add3A_887 : i32 to index
        %get3A_890 = arith.index_cast %get3A_888 : i32 to index
        %get3A_891 = arith.constant 0 : index
        %get3A_892 = tpu.vector_load %arg5[%get3A_889, %get3A_890, %get3A_891] {strides = array<i32>} : memref<256x3x16xf32, #tpu.memory_space<vmem>>, vector<1x1x16xf32>,
        %get3A_893 = vector.shape_cast %get3A_892 : vector<1x1x16xf32> to vector<16xf32>
        %get3A_894 = arith.constant 1 : i32
        %get3A_895 = arith.index_cast %add3A_887 : i32 to index
        %get3A_896 = arith.index_cast %get3A_894 : i32 to index
        %get3A_897 = arith.constant 0 : index
        %get3A_898 = tpu.vector_load %arg5[%get3A_895, %get3A_896, %get3A_897] {strides = array<i32>} : memref<256x3x16xf32, #tpu.memory_space<vmem>>, vector<1x1x16xf32>,
        %get3A_899 = vector.shape_cast %get3A_898 : vector<1x1x16xf32> to vector<16xf32>
        %get3A_900 = arith.constant 2 : i32
        %get3A_901 = arith.index_cast %add3A_887 : i32 to index
        %get3A_902 = arith.index_cast %get3A_900 : i32 to index
        %get3A_903 = arith.constant 0 : index
        %get3A_904 = tpu.vector_load %arg5[%get3A_901, %get3A_902, %get3A_903] {strides = array<i32>} : memref<256x3x16xf32, #tpu.memory_space<vmem>>, vector<1x1x16xf32>,
        %get3A_905 = vector.shape_cast %get3A_904 : vector<1x1x16xf32> to vector<16xf32>
        %add3A_906 = vector.broadcast %scan3A_421 : f32 to vector<16xf32>
        %add3A_907 = arith.addf %get3A_893, %add3A_906 : vector<16xf32>
        %add3A_908 = vector.broadcast %scan3A_422 : f32 to vector<16xf32>
        %add3A_909 = arith.addf %get3A_899, %add3A_908 : vector<16xf32>
        %add3A_910 = vector.broadcast %scan3A_423 : f32 to vector<16xf32>
        %add3A_911 = arith.addf %get3A_905, %add3A_910 : vector<16xf32>
        %max3A_912 = arith.maximumf %add3A_907, %add3A_909 : vector<16xf32>
        %gt3A_913 = arith.cmpf ogt, %add3A_911, %max3A_912 : vector<16xf32>
        %gt3A_914 = arith.cmpf ogt, %add3A_909, %add3A_907 : vector<16xf32>
        %jit3A_915 = arith.constant 1 : i32
        %jit3A_916 = arith.constant 0 : i32
        %broadcast_in_dim3A_917 = vector.broadcast %jit3A_915 : i32 to vector<16xi32>
        %broadcast_in_dim3A_918 = vector.broadcast %jit3A_916 : i32 to vector<16xi32>
        %select_n3A_919 = arith.select %gt3A_914, %broadcast_in_dim3A_917, %broadcast_in_dim3A_918 : vector<16xi1>, vector<16xi32>
        %jit3A_920 = arith.constant 2 : i32
        %broadcast_in_dim3A_921 = vector.broadcast %jit3A_920 : i32 to vector<16xi32>
        %select_n3A_922 = arith.select %gt3A_913, %broadcast_in_dim3A_921, %select_n3A_919 : vector<16xi1>, vector<16xi32>
        %add3A_923 = vector.broadcast %scan3A_424 : f32 to vector<16xf32>
        %add3A_924 = arith.addf %get3A_905, %add3A_923 : vector<16xf32>
        %add3A_925 = vector.broadcast %scan3A_425 : f32 to vector<16xf32>
        %add3A_926 = arith.addf %get3A_899, %add3A_925 : vector<16xf32>
        %gt3A_927 = arith.cmpf ogt, %add3A_924, %add3A_926 : vector<16xf32>
        %jit3A_928 = arith.constant 2 : i32
        %jit3A_929 = arith.constant 1 : i32
        %broadcast_in_dim3A_930 = vector.broadcast %jit3A_928 : i32 to vector<16xi32>
        %broadcast_in_dim3A_931 = vector.broadcast %jit3A_929 : i32 to vector<16xi32>
        %select_n3A_932 = arith.select %gt3A_927, %broadcast_in_dim3A_930, %broadcast_in_dim3A_931 : vector<16xi1>, vector<16xi32>
        %eq3A_933 = arith.constant 2 : i32
        %eq3A_934 = vector.broadcast %eq3A_933 : i32 to vector<16xi32>
        %eq3A_935 = arith.cmpi eq, %select_n3A_880, %eq3A_934 : vector<16xi32>
        %eq3A_936 = arith.constant 1 : i32
        %eq3A_937 = vector.broadcast %eq3A_936 : i32 to vector<16xi32>
        %eq3A_938 = arith.cmpi eq, %scan3A_823, %eq3A_937 : vector<16xi32>
        %and3A_939 = arith.andi %eq3A_935, %eq3A_938 : vector<16xi1>
        %select_n3A_940 = arith.select %and3A_939, %select_n3A_932, %select_n3A_922 : vector<16xi1>, vector<16xi32>
        %swap3A_941 = arith.index_cast %add3A_887 : i32 to index
        %swap3A_942 = arith.constant 0 : index
        %swap3A_943 = tpu.vector_load %arg7[%swap3A_941, %swap3A_942] {strides = array<i32>} : memref<256x16xi32, #tpu.memory_space<vmem>>, vector<1x16xi32>,
        %swap3A_944 = vector.shape_cast %swap3A_943 : vector<1x16xi32> to vector<16xi32>
        %swap3A_945 = vector.shape_cast %select_n3A_940 : vector<16xi32> to vector<1x16xi32>
        tpu.vector_store %arg7[%swap3A_941, %swap3A_942], %swap3A_945 {strides = array<i32>} : memref<256x16xi32, #tpu.memory_space<vmem>>, vector<1x16xi32>,
        scf.yield %select_n3A_940, %select_n3A_880 : vector<16xi32>, vector<16xi32>
      }
      %scan3A_431 = arith.constant 128 : i32
      %dma_start3A_432 = arith.constant 1792 : i32
      %dma_start3A_433 = arith.constant 0 : i32
      %dma_start3A_434 = tpu.memref_slice %arg3[%arg0, %dma_start3A_432, %dma_start3A_433] : memref<2x4096x16xi32, #tpu.memory_space<hbm>> -> memref<1x256x16xi32, #tpu.memory_space<hbm>>
      %dma_start3A_435 = tpu.memref_squeeze %dma_start3A_434 : memref<1x256x16xi32, #tpu.memory_space<hbm>> -> memref<256x16xi32, #tpu.memory_space<hbm>>
      %dma_start3A_436 = arith.constant 1792 : i32
      %dma_start3A_437 = arith.constant 0 : i32
      %dma_start3A_438 = tpu.memref_slice %arg3[%arg0, %dma_start3A_436, %dma_start3A_437] : memref<2x4096x16xi32, #tpu.memory_space<hbm>> -> memref<1x256x16xi32, #tpu.memory_space<hbm>>
      %dma_start3A_439 = tpu.memref_squeeze %dma_start3A_438 : memref<1x256x16xi32, #tpu.memory_space<hbm>> -> memref<256x16xi32, #tpu.memory_space<hbm>>
      tpu.enqueue_dma source(%arg7 : memref<256x16xi32, #tpu.memory_space<vmem>>) target(%dma_start3A_439 : memref<256x16xi32, #tpu.memory_space<hbm>>) target_semaphore(%arg11 : memref<!tpu.dma_semaphore, #tpu.memory_space<semaphore_mem>>)
      %dma_start3A_440 = arith.constant 2304 : i32
      %dma_start3A_441 = arith.constant 0 : i32
      %dma_start3A_442 = arith.constant 0 : i32
      %dma_start3A_443 = tpu.memref_slice %arg2[%arg0, %dma_start3A_440, %dma_start3A_441, %dma_start3A_442] : memref<2x4096x3x16xf32, #tpu.memory_space<hbm>> -> memref<1x256x3x16xf32, #tpu.memory_space<hbm>>
      %dma_start3A_444 = tpu.memref_squeeze %dma_start3A_443 : memref<1x256x3x16xf32, #tpu.memory_space<hbm>> -> memref<256x3x16xf32, #tpu.memory_space<hbm>>
      %dma_start3A_445 = arith.constant 2304 : i32
      %dma_start3A_446 = arith.constant 0 : i32
      %dma_start3A_447 = arith.constant 0 : i32
      %dma_start3A_448 = tpu.memref_slice %arg2[%arg0, %dma_start3A_445, %dma_start3A_446, %dma_start3A_447] : memref<2x4096x3x16xf32, #tpu.memory_space<hbm>> -> memref<1x256x3x16xf32, #tpu.memory_space<hbm>>
      %dma_start3A_449 = tpu.memref_squeeze %dma_start3A_448 : memref<1x256x3x16xf32, #tpu.memory_space<hbm>> -> memref<256x3x16xf32, #tpu.memory_space<hbm>>
      tpu.enqueue_dma source(%dma_start3A_449 : memref<256x3x16xf32, #tpu.memory_space<hbm>>) target(%arg5 : memref<256x3x16xf32, #tpu.memory_space<vmem>>) target_semaphore(%arg9 : memref<!tpu.dma_semaphore, #tpu.memory_space<semaphore_mem>>)
      %dma_wait3A_450 = arith.constant 2048 : i32
      %dma_wait3A_451 = arith.constant 0 : i32
      %dma_wait3A_452 = arith.constant 0 : i32
      %dma_wait3A_453 = tpu.memref_slice %arg2[%arg0, %dma_wait3A_450, %dma_wait3A_451, %dma_wait3A_452] : memref<2x4096x3x16xf32, #tpu.memory_space<hbm>> -> memref<1x256x3x16xf32, #tpu.memory_space<hbm>>
      %dma_wait3A_454 = tpu.memref_squeeze %dma_wait3A_453 : memref<1x256x3x16xf32, #tpu.memory_space<hbm>> -> memref<256x3x16xf32, #tpu.memory_space<hbm>>
      %dma_wait3A_455 = arith.constant 2048 : i32
      %dma_wait3A_456 = arith.constant 0 : i32
      %dma_wait3A_457 = arith.constant 0 : i32
      %dma_wait3A_458 = tpu.memref_slice %arg2[%arg0, %dma_wait3A_455, %dma_wait3A_456, %dma_wait3A_457] : memref<2x4096x3x16xf32, #tpu.memory_space<hbm>> -> memref<1x256x3x16xf32, #tpu.memory_space<hbm>>
      %dma_wait3A_459 = tpu.memref_squeeze %dma_wait3A_458 : memref<1x256x3x16xf32, #tpu.memory_space<hbm>> -> memref<256x3x16xf32, #tpu.memory_space<hbm>>
      tpu.wait_dma2 semaphore(%arg8 : memref<!tpu.dma_semaphore, #tpu.memory_space<semaphore_mem>>) src(%dma_wait3A_459 : memref<256x3x16xf32, #tpu.memory_space<hbm>>) dst(%arg4 : memref<256x3x16xf32, #tpu.memory_space<vmem>>)
      %dma_wait3A_460 = arith.constant 1536 : i32
      %dma_wait3A_461 = arith.constant 0 : i32
      %dma_wait3A_462 = tpu.memref_slice %arg3[%arg0, %dma_wait3A_460, %dma_wait3A_461] : memref<2x4096x16xi32, #tpu.memory_space<hbm>> -> memref<1x256x16xi32, #tpu.memory_space<hbm>>
      %dma_wait3A_463 = tpu.memref_squeeze %dma_wait3A_462 : memref<1x256x16xi32, #tpu.memory_space<hbm>> -> memref<256x16xi32, #tpu.memory_space<hbm>>
      %dma_wait3A_464 = arith.constant 1536 : i32
      %dma_wait3A_465 = arith.constant 0 : i32
      %dma_wait3A_466 = tpu.memref_slice %arg3[%arg0, %dma_wait3A_464, %dma_wait3A_465] : memref<2x4096x16xi32, #tpu.memory_space<hbm>> -> memref<1x256x16xi32, #tpu.memory_space<hbm>>
      %dma_wait3A_467 = tpu.memref_squeeze %dma_wait3A_466 : memref<1x256x16xi32, #tpu.memory_space<hbm>> -> memref<256x16xi32, #tpu.memory_space<hbm>>
      tpu.wait_dma2 semaphore(%arg10 : memref<!tpu.dma_semaphore, #tpu.memory_space<semaphore_mem>>) src(%arg6 : memref<256x16xi32, #tpu.memory_space<vmem>>) dst(%dma_wait3A_467 : memref<256x16xi32, #tpu.memory_space<hbm>>)
      %scan3A_468 = arith.constant -2.30258512 : f32
      %scan3A_469 = arith.constant -0.223143533 : f32
      %scan3A_470 = arith.constant -2.30258512 : f32
      %scan3A_471 = arith.constant -2.19722462 : f32
      %scan3A_472 = arith.constant -0.117783032 : f32
      %scan3A_473 = arith.constant 0 : i32
      %scan3A_474 = arith.constant 128 : i32
      %scan3A_475 = arith.addi %scan3A_473, %scan3A_474 : i32
      %scan3A_476 = arith.constant 1 : i32
      %scan3A_477:2 = scf.for %scan3A_822 = %scan3A_473 to %scan3A_475 step %scan3A_476 iter_args(%scan3A_823 = %scan3A_430#0, %scan3A_824 = %scan3A_430#1) -> (vector<16xi32>, vector<16xi32>)  : i32 {
        %mul3A = arith.constant 2 : i32
        %mul3A_825 = arith.muli %mul3A, %scan3A_822 : i32
        %add3A_826 = arith.constant 0 : i32
        %add3A_827 = arith.addi %add3A_826, %mul3A_825 : i32
        %get3A_828 = arith.constant 0 : i32
        %get3A_829 = arith.index_cast %add3A_827 : i32 to index
        %get3A_830 = arith.index_cast %get3A_828 : i32 to index
        %get3A_831 = arith.constant 0 : index
        %get3A_832 = tpu.vector_load %arg4[%get3A_829, %get3A_830, %get3A_831] {strides = array<i32>} : memref<256x3x16xf32, #tpu.memory_space<vmem>>, vector<1x1x16xf32>,
        %get3A_833 = vector.shape_cast %get3A_832 : vector<1x1x16xf32> to vector<16xf32>
        %get3A_834 = arith.constant 1 : i32
        %get3A_835 = arith.index_cast %add3A_827 : i32 to index
        %get3A_836 = arith.index_cast %get3A_834 : i32 to index
        %get3A_837 = arith.constant 0 : index
        %get3A_838 = tpu.vector_load %arg4[%get3A_835, %get3A_836, %get3A_837] {strides = array<i32>} : memref<256x3x16xf32, #tpu.memory_space<vmem>>, vector<1x1x16xf32>,
        %get3A_839 = vector.shape_cast %get3A_838 : vector<1x1x16xf32> to vector<16xf32>
        %get3A_840 = arith.constant 2 : i32
        %get3A_841 = arith.index_cast %add3A_827 : i32 to index
        %get3A_842 = arith.index_cast %get3A_840 : i32 to index
        %get3A_843 = arith.constant 0 : index
        %get3A_844 = tpu.vector_load %arg4[%get3A_841, %get3A_842, %get3A_843] {strides = array<i32>} : memref<256x3x16xf32, #tpu.memory_space<vmem>>, vector<1x1x16xf32>,
        %get3A_845 = vector.shape_cast %get3A_844 : vector<1x1x16xf32> to vector<16xf32>
        %add3A_846 = vector.broadcast %scan3A_468 : f32 to vector<16xf32>
        %add3A_847 = arith.addf %get3A_833, %add3A_846 : vector<16xf32>
        %add3A_848 = vector.broadcast %scan3A_469 : f32 to vector<16xf32>
        %add3A_849 = arith.addf %get3A_839, %add3A_848 : vector<16xf32>
        %add3A_850 = vector.broadcast %scan3A_470 : f32 to vector<16xf32>
        %add3A_851 = arith.addf %get3A_845, %add3A_850 : vector<16xf32>
        %max3A_852 = arith.maximumf %add3A_847, %add3A_849 : vector<16xf32>
        %gt3A_853 = arith.cmpf ogt, %add3A_851, %max3A_852 : vector<16xf32>
        %gt3A_854 = arith.cmpf ogt, %add3A_849, %add3A_847 : vector<16xf32>
        %jit3A_855 = arith.constant 1 : i32
        %jit3A_856 = arith.constant 0 : i32
        %broadcast_in_dim3A_857 = vector.broadcast %jit3A_855 : i32 to vector<16xi32>
        %broadcast_in_dim3A_858 = vector.broadcast %jit3A_856 : i32 to vector<16xi32>
        %select_n3A_859 = arith.select %gt3A_854, %broadcast_in_dim3A_857, %broadcast_in_dim3A_858 : vector<16xi1>, vector<16xi32>
        %jit3A_860 = arith.constant 2 : i32
        %broadcast_in_dim3A_861 = vector.broadcast %jit3A_860 : i32 to vector<16xi32>
        %select_n3A_862 = arith.select %gt3A_853, %broadcast_in_dim3A_861, %select_n3A_859 : vector<16xi1>, vector<16xi32>
        %add3A_863 = vector.broadcast %scan3A_471 : f32 to vector<16xf32>
        %add3A_864 = arith.addf %get3A_845, %add3A_863 : vector<16xf32>
        %add3A_865 = vector.broadcast %scan3A_472 : f32 to vector<16xf32>
        %add3A_866 = arith.addf %get3A_839, %add3A_865 : vector<16xf32>
        %gt3A_867 = arith.cmpf ogt, %add3A_864, %add3A_866 : vector<16xf32>
        %jit3A_868 = arith.constant 2 : i32
        %jit3A_869 = arith.constant 1 : i32
        %broadcast_in_dim3A_870 = vector.broadcast %jit3A_868 : i32 to vector<16xi32>
        %broadcast_in_dim3A_871 = vector.broadcast %jit3A_869 : i32 to vector<16xi32>
        %select_n3A_872 = arith.select %gt3A_867, %broadcast_in_dim3A_870, %broadcast_in_dim3A_871 : vector<16xi1>, vector<16xi32>
        %eq3A_873 = arith.constant 2 : i32
        %eq3A_874 = vector.broadcast %eq3A_873 : i32 to vector<16xi32>
        %eq3A_875 = arith.cmpi eq, %scan3A_823, %eq3A_874 : vector<16xi32>
        %eq3A_876 = arith.constant 1 : i32
        %eq3A_877 = vector.broadcast %eq3A_876 : i32 to vector<16xi32>
        %eq3A_878 = arith.cmpi eq, %scan3A_824, %eq3A_877 : vector<16xi32>
        %and3A_879 = arith.andi %eq3A_875, %eq3A_878 : vector<16xi1>
        %select_n3A_880 = arith.select %and3A_879, %select_n3A_872, %select_n3A_862 : vector<16xi1>, vector<16xi32>
        %swap3A_881 = arith.index_cast %add3A_827 : i32 to index
        %swap3A_882 = arith.constant 0 : index
        %swap3A_883 = tpu.vector_load %arg6[%swap3A_881, %swap3A_882] {strides = array<i32>} : memref<256x16xi32, #tpu.memory_space<vmem>>, vector<1x16xi32>,
        %swap3A_884 = vector.shape_cast %swap3A_883 : vector<1x16xi32> to vector<16xi32>
        %swap3A_885 = vector.shape_cast %select_n3A_880 : vector<16xi32> to vector<1x16xi32>
        tpu.vector_store %arg6[%swap3A_881, %swap3A_882], %swap3A_885 {strides = array<i32>} : memref<256x16xi32, #tpu.memory_space<vmem>>, vector<1x16xi32>,
        %add3A_886 = arith.constant 1 : i32
        %add3A_887 = arith.addi %add3A_827, %add3A_886 : i32
        %get3A_888 = arith.constant 0 : i32
        %get3A_889 = arith.index_cast %add3A_887 : i32 to index
        %get3A_890 = arith.index_cast %get3A_888 : i32 to index
        %get3A_891 = arith.constant 0 : index
        %get3A_892 = tpu.vector_load %arg4[%get3A_889, %get3A_890, %get3A_891] {strides = array<i32>} : memref<256x3x16xf32, #tpu.memory_space<vmem>>, vector<1x1x16xf32>,
        %get3A_893 = vector.shape_cast %get3A_892 : vector<1x1x16xf32> to vector<16xf32>
        %get3A_894 = arith.constant 1 : i32
        %get3A_895 = arith.index_cast %add3A_887 : i32 to index
        %get3A_896 = arith.index_cast %get3A_894 : i32 to index
        %get3A_897 = arith.constant 0 : index
        %get3A_898 = tpu.vector_load %arg4[%get3A_895, %get3A_896, %get3A_897] {strides = array<i32>} : memref<256x3x16xf32, #tpu.memory_space<vmem>>, vector<1x1x16xf32>,
        %get3A_899 = vector.shape_cast %get3A_898 : vector<1x1x16xf32> to vector<16xf32>
        %get3A_900 = arith.constant 2 : i32
        %get3A_901 = arith.index_cast %add3A_887 : i32 to index
        %get3A_902 = arith.index_cast %get3A_900 : i32 to index
        %get3A_903 = arith.constant 0 : index
        %get3A_904 = tpu.vector_load %arg4[%get3A_901, %get3A_902, %get3A_903] {strides = array<i32>} : memref<256x3x16xf32, #tpu.memory_space<vmem>>, vector<1x1x16xf32>,
        %get3A_905 = vector.shape_cast %get3A_904 : vector<1x1x16xf32> to vector<16xf32>
        %add3A_906 = vector.broadcast %scan3A_468 : f32 to vector<16xf32>
        %add3A_907 = arith.addf %get3A_893, %add3A_906 : vector<16xf32>
        %add3A_908 = vector.broadcast %scan3A_469 : f32 to vector<16xf32>
        %add3A_909 = arith.addf %get3A_899, %add3A_908 : vector<16xf32>
        %add3A_910 = vector.broadcast %scan3A_470 : f32 to vector<16xf32>
        %add3A_911 = arith.addf %get3A_905, %add3A_910 : vector<16xf32>
        %max3A_912 = arith.maximumf %add3A_907, %add3A_909 : vector<16xf32>
        %gt3A_913 = arith.cmpf ogt, %add3A_911, %max3A_912 : vector<16xf32>
        %gt3A_914 = arith.cmpf ogt, %add3A_909, %add3A_907 : vector<16xf32>
        %jit3A_915 = arith.constant 1 : i32
        %jit3A_916 = arith.constant 0 : i32
        %broadcast_in_dim3A_917 = vector.broadcast %jit3A_915 : i32 to vector<16xi32>
        %broadcast_in_dim3A_918 = vector.broadcast %jit3A_916 : i32 to vector<16xi32>
        %select_n3A_919 = arith.select %gt3A_914, %broadcast_in_dim3A_917, %broadcast_in_dim3A_918 : vector<16xi1>, vector<16xi32>
        %jit3A_920 = arith.constant 2 : i32
        %broadcast_in_dim3A_921 = vector.broadcast %jit3A_920 : i32 to vector<16xi32>
        %select_n3A_922 = arith.select %gt3A_913, %broadcast_in_dim3A_921, %select_n3A_919 : vector<16xi1>, vector<16xi32>
        %add3A_923 = vector.broadcast %scan3A_471 : f32 to vector<16xf32>
        %add3A_924 = arith.addf %get3A_905, %add3A_923 : vector<16xf32>
        %add3A_925 = vector.broadcast %scan3A_472 : f32 to vector<16xf32>
        %add3A_926 = arith.addf %get3A_899, %add3A_925 : vector<16xf32>
        %gt3A_927 = arith.cmpf ogt, %add3A_924, %add3A_926 : vector<16xf32>
        %jit3A_928 = arith.constant 2 : i32
        %jit3A_929 = arith.constant 1 : i32
        %broadcast_in_dim3A_930 = vector.broadcast %jit3A_928 : i32 to vector<16xi32>
        %broadcast_in_dim3A_931 = vector.broadcast %jit3A_929 : i32 to vector<16xi32>
        %select_n3A_932 = arith.select %gt3A_927, %broadcast_in_dim3A_930, %broadcast_in_dim3A_931 : vector<16xi1>, vector<16xi32>
        %eq3A_933 = arith.constant 2 : i32
        %eq3A_934 = vector.broadcast %eq3A_933 : i32 to vector<16xi32>
        %eq3A_935 = arith.cmpi eq, %select_n3A_880, %eq3A_934 : vector<16xi32>
        %eq3A_936 = arith.constant 1 : i32
        %eq3A_937 = vector.broadcast %eq3A_936 : i32 to vector<16xi32>
        %eq3A_938 = arith.cmpi eq, %scan3A_823, %eq3A_937 : vector<16xi32>
        %and3A_939 = arith.andi %eq3A_935, %eq3A_938 : vector<16xi1>
        %select_n3A_940 = arith.select %and3A_939, %select_n3A_932, %select_n3A_922 : vector<16xi1>, vector<16xi32>
        %swap3A_941 = arith.index_cast %add3A_887 : i32 to index
        %swap3A_942 = arith.constant 0 : index
        %swap3A_943 = tpu.vector_load %arg6[%swap3A_941, %swap3A_942] {strides = array<i32>} : memref<256x16xi32, #tpu.memory_space<vmem>>, vector<1x16xi32>,
        %swap3A_944 = vector.shape_cast %swap3A_943 : vector<1x16xi32> to vector<16xi32>
        %swap3A_945 = vector.shape_cast %select_n3A_940 : vector<16xi32> to vector<1x16xi32>
        tpu.vector_store %arg6[%swap3A_941, %swap3A_942], %swap3A_945 {strides = array<i32>} : memref<256x16xi32, #tpu.memory_space<vmem>>, vector<1x16xi32>,
        scf.yield %select_n3A_940, %select_n3A_880 : vector<16xi32>, vector<16xi32>
      }
      %scan3A_478 = arith.constant 128 : i32
      %dma_start3A_479 = arith.constant 2048 : i32
      %dma_start3A_480 = arith.constant 0 : i32
      %dma_start3A_481 = tpu.memref_slice %arg3[%arg0, %dma_start3A_479, %dma_start3A_480] : memref<2x4096x16xi32, #tpu.memory_space<hbm>> -> memref<1x256x16xi32, #tpu.memory_space<hbm>>
      %dma_start3A_482 = tpu.memref_squeeze %dma_start3A_481 : memref<1x256x16xi32, #tpu.memory_space<hbm>> -> memref<256x16xi32, #tpu.memory_space<hbm>>
      %dma_start3A_483 = arith.constant 2048 : i32
      %dma_start3A_484 = arith.constant 0 : i32
      %dma_start3A_485 = tpu.memref_slice %arg3[%arg0, %dma_start3A_483, %dma_start3A_484] : memref<2x4096x16xi32, #tpu.memory_space<hbm>> -> memref<1x256x16xi32, #tpu.memory_space<hbm>>
      %dma_start3A_486 = tpu.memref_squeeze %dma_start3A_485 : memref<1x256x16xi32, #tpu.memory_space<hbm>> -> memref<256x16xi32, #tpu.memory_space<hbm>>
      tpu.enqueue_dma source(%arg6 : memref<256x16xi32, #tpu.memory_space<vmem>>) target(%dma_start3A_486 : memref<256x16xi32, #tpu.memory_space<hbm>>) target_semaphore(%arg10 : memref<!tpu.dma_semaphore, #tpu.memory_space<semaphore_mem>>)
      %dma_start3A_487 = arith.constant 2560 : i32
      %dma_start3A_488 = arith.constant 0 : i32
      %dma_start3A_489 = arith.constant 0 : i32
      %dma_start3A_490 = tpu.memref_slice %arg2[%arg0, %dma_start3A_487, %dma_start3A_488, %dma_start3A_489] : memref<2x4096x3x16xf32, #tpu.memory_space<hbm>> -> memref<1x256x3x16xf32, #tpu.memory_space<hbm>>
      %dma_start3A_491 = tpu.memref_squeeze %dma_start3A_490 : memref<1x256x3x16xf32, #tpu.memory_space<hbm>> -> memref<256x3x16xf32, #tpu.memory_space<hbm>>
      %dma_start3A_492 = arith.constant 2560 : i32
      %dma_start3A_493 = arith.constant 0 : i32
      %dma_start3A_494 = arith.constant 0 : i32
      %dma_start3A_495 = tpu.memref_slice %arg2[%arg0, %dma_start3A_492, %dma_start3A_493, %dma_start3A_494] : memref<2x4096x3x16xf32, #tpu.memory_space<hbm>> -> memref<1x256x3x16xf32, #tpu.memory_space<hbm>>
      %dma_start3A_496 = tpu.memref_squeeze %dma_start3A_495 : memref<1x256x3x16xf32, #tpu.memory_space<hbm>> -> memref<256x3x16xf32, #tpu.memory_space<hbm>>
      tpu.enqueue_dma source(%dma_start3A_496 : memref<256x3x16xf32, #tpu.memory_space<hbm>>) target(%arg4 : memref<256x3x16xf32, #tpu.memory_space<vmem>>) target_semaphore(%arg8 : memref<!tpu.dma_semaphore, #tpu.memory_space<semaphore_mem>>)
      %dma_wait3A_497 = arith.constant 2304 : i32
      %dma_wait3A_498 = arith.constant 0 : i32
      %dma_wait3A_499 = arith.constant 0 : i32
      %dma_wait3A_500 = tpu.memref_slice %arg2[%arg0, %dma_wait3A_497, %dma_wait3A_498, %dma_wait3A_499] : memref<2x4096x3x16xf32, #tpu.memory_space<hbm>> -> memref<1x256x3x16xf32, #tpu.memory_space<hbm>>
      %dma_wait3A_501 = tpu.memref_squeeze %dma_wait3A_500 : memref<1x256x3x16xf32, #tpu.memory_space<hbm>> -> memref<256x3x16xf32, #tpu.memory_space<hbm>>
      %dma_wait3A_502 = arith.constant 2304 : i32
      %dma_wait3A_503 = arith.constant 0 : i32
      %dma_wait3A_504 = arith.constant 0 : i32
      %dma_wait3A_505 = tpu.memref_slice %arg2[%arg0, %dma_wait3A_502, %dma_wait3A_503, %dma_wait3A_504] : memref<2x4096x3x16xf32, #tpu.memory_space<hbm>> -> memref<1x256x3x16xf32, #tpu.memory_space<hbm>>
      %dma_wait3A_506 = tpu.memref_squeeze %dma_wait3A_505 : memref<1x256x3x16xf32, #tpu.memory_space<hbm>> -> memref<256x3x16xf32, #tpu.memory_space<hbm>>
      tpu.wait_dma2 semaphore(%arg9 : memref<!tpu.dma_semaphore, #tpu.memory_space<semaphore_mem>>) src(%dma_wait3A_506 : memref<256x3x16xf32, #tpu.memory_space<hbm>>) dst(%arg5 : memref<256x3x16xf32, #tpu.memory_space<vmem>>)
      %dma_wait3A_507 = arith.constant 1792 : i32
      %dma_wait3A_508 = arith.constant 0 : i32
      %dma_wait3A_509 = tpu.memref_slice %arg3[%arg0, %dma_wait3A_507, %dma_wait3A_508] : memref<2x4096x16xi32, #tpu.memory_space<hbm>> -> memref<1x256x16xi32, #tpu.memory_space<hbm>>
      %dma_wait3A_510 = tpu.memref_squeeze %dma_wait3A_509 : memref<1x256x16xi32, #tpu.memory_space<hbm>> -> memref<256x16xi32, #tpu.memory_space<hbm>>
      %dma_wait3A_511 = arith.constant 1792 : i32
      %dma_wait3A_512 = arith.constant 0 : i32
      %dma_wait3A_513 = tpu.memref_slice %arg3[%arg0, %dma_wait3A_511, %dma_wait3A_512] : memref<2x4096x16xi32, #tpu.memory_space<hbm>> -> memref<1x256x16xi32, #tpu.memory_space<hbm>>
      %dma_wait3A_514 = tpu.memref_squeeze %dma_wait3A_513 : memref<1x256x16xi32, #tpu.memory_space<hbm>> -> memref<256x16xi32, #tpu.memory_space<hbm>>
      tpu.wait_dma2 semaphore(%arg11 : memref<!tpu.dma_semaphore, #tpu.memory_space<semaphore_mem>>) src(%arg7 : memref<256x16xi32, #tpu.memory_space<vmem>>) dst(%dma_wait3A_514 : memref<256x16xi32, #tpu.memory_space<hbm>>)
      %scan3A_515 = arith.constant -2.30258512 : f32
      %scan3A_516 = arith.constant -0.223143533 : f32
      %scan3A_517 = arith.constant -2.30258512 : f32
      %scan3A_518 = arith.constant -2.19722462 : f32
      %scan3A_519 = arith.constant -0.117783032 : f32
      %scan3A_520 = arith.constant 0 : i32
      %scan3A_521 = arith.constant 128 : i32
      %scan3A_522 = arith.addi %scan3A_520, %scan3A_521 : i32
      %scan3A_523 = arith.constant 1 : i32
      %scan3A_524:2 = scf.for %scan3A_822 = %scan3A_520 to %scan3A_522 step %scan3A_523 iter_args(%scan3A_823 = %scan3A_477#0, %scan3A_824 = %scan3A_477#1) -> (vector<16xi32>, vector<16xi32>)  : i32 {
        %mul3A = arith.constant 2 : i32
        %mul3A_825 = arith.muli %mul3A, %scan3A_822 : i32
        %add3A_826 = arith.constant 0 : i32
        %add3A_827 = arith.addi %add3A_826, %mul3A_825 : i32
        %get3A_828 = arith.constant 0 : i32
        %get3A_829 = arith.index_cast %add3A_827 : i32 to index
        %get3A_830 = arith.index_cast %get3A_828 : i32 to index
        %get3A_831 = arith.constant 0 : index
        %get3A_832 = tpu.vector_load %arg5[%get3A_829, %get3A_830, %get3A_831] {strides = array<i32>} : memref<256x3x16xf32, #tpu.memory_space<vmem>>, vector<1x1x16xf32>,
        %get3A_833 = vector.shape_cast %get3A_832 : vector<1x1x16xf32> to vector<16xf32>
        %get3A_834 = arith.constant 1 : i32
        %get3A_835 = arith.index_cast %add3A_827 : i32 to index
        %get3A_836 = arith.index_cast %get3A_834 : i32 to index
        %get3A_837 = arith.constant 0 : index
        %get3A_838 = tpu.vector_load %arg5[%get3A_835, %get3A_836, %get3A_837] {strides = array<i32>} : memref<256x3x16xf32, #tpu.memory_space<vmem>>, vector<1x1x16xf32>,
        %get3A_839 = vector.shape_cast %get3A_838 : vector<1x1x16xf32> to vector<16xf32>
        %get3A_840 = arith.constant 2 : i32
        %get3A_841 = arith.index_cast %add3A_827 : i32 to index
        %get3A_842 = arith.index_cast %get3A_840 : i32 to index
        %get3A_843 = arith.constant 0 : index
        %get3A_844 = tpu.vector_load %arg5[%get3A_841, %get3A_842, %get3A_843] {strides = array<i32>} : memref<256x3x16xf32, #tpu.memory_space<vmem>>, vector<1x1x16xf32>,
        %get3A_845 = vector.shape_cast %get3A_844 : vector<1x1x16xf32> to vector<16xf32>
        %add3A_846 = vector.broadcast %scan3A_515 : f32 to vector<16xf32>
        %add3A_847 = arith.addf %get3A_833, %add3A_846 : vector<16xf32>
        %add3A_848 = vector.broadcast %scan3A_516 : f32 to vector<16xf32>
        %add3A_849 = arith.addf %get3A_839, %add3A_848 : vector<16xf32>
        %add3A_850 = vector.broadcast %scan3A_517 : f32 to vector<16xf32>
        %add3A_851 = arith.addf %get3A_845, %add3A_850 : vector<16xf32>
        %max3A_852 = arith.maximumf %add3A_847, %add3A_849 : vector<16xf32>
        %gt3A_853 = arith.cmpf ogt, %add3A_851, %max3A_852 : vector<16xf32>
        %gt3A_854 = arith.cmpf ogt, %add3A_849, %add3A_847 : vector<16xf32>
        %jit3A_855 = arith.constant 1 : i32
        %jit3A_856 = arith.constant 0 : i32
        %broadcast_in_dim3A_857 = vector.broadcast %jit3A_855 : i32 to vector<16xi32>
        %broadcast_in_dim3A_858 = vector.broadcast %jit3A_856 : i32 to vector<16xi32>
        %select_n3A_859 = arith.select %gt3A_854, %broadcast_in_dim3A_857, %broadcast_in_dim3A_858 : vector<16xi1>, vector<16xi32>
        %jit3A_860 = arith.constant 2 : i32
        %broadcast_in_dim3A_861 = vector.broadcast %jit3A_860 : i32 to vector<16xi32>
        %select_n3A_862 = arith.select %gt3A_853, %broadcast_in_dim3A_861, %select_n3A_859 : vector<16xi1>, vector<16xi32>
        %add3A_863 = vector.broadcast %scan3A_518 : f32 to vector<16xf32>
        %add3A_864 = arith.addf %get3A_845, %add3A_863 : vector<16xf32>
        %add3A_865 = vector.broadcast %scan3A_519 : f32 to vector<16xf32>
        %add3A_866 = arith.addf %get3A_839, %add3A_865 : vector<16xf32>
        %gt3A_867 = arith.cmpf ogt, %add3A_864, %add3A_866 : vector<16xf32>
        %jit3A_868 = arith.constant 2 : i32
        %jit3A_869 = arith.constant 1 : i32
        %broadcast_in_dim3A_870 = vector.broadcast %jit3A_868 : i32 to vector<16xi32>
        %broadcast_in_dim3A_871 = vector.broadcast %jit3A_869 : i32 to vector<16xi32>
        %select_n3A_872 = arith.select %gt3A_867, %broadcast_in_dim3A_870, %broadcast_in_dim3A_871 : vector<16xi1>, vector<16xi32>
        %eq3A_873 = arith.constant 2 : i32
        %eq3A_874 = vector.broadcast %eq3A_873 : i32 to vector<16xi32>
        %eq3A_875 = arith.cmpi eq, %scan3A_823, %eq3A_874 : vector<16xi32>
        %eq3A_876 = arith.constant 1 : i32
        %eq3A_877 = vector.broadcast %eq3A_876 : i32 to vector<16xi32>
        %eq3A_878 = arith.cmpi eq, %scan3A_824, %eq3A_877 : vector<16xi32>
        %and3A_879 = arith.andi %eq3A_875, %eq3A_878 : vector<16xi1>
        %select_n3A_880 = arith.select %and3A_879, %select_n3A_872, %select_n3A_862 : vector<16xi1>, vector<16xi32>
        %swap3A_881 = arith.index_cast %add3A_827 : i32 to index
        %swap3A_882 = arith.constant 0 : index
        %swap3A_883 = tpu.vector_load %arg7[%swap3A_881, %swap3A_882] {strides = array<i32>} : memref<256x16xi32, #tpu.memory_space<vmem>>, vector<1x16xi32>,
        %swap3A_884 = vector.shape_cast %swap3A_883 : vector<1x16xi32> to vector<16xi32>
        %swap3A_885 = vector.shape_cast %select_n3A_880 : vector<16xi32> to vector<1x16xi32>
        tpu.vector_store %arg7[%swap3A_881, %swap3A_882], %swap3A_885 {strides = array<i32>} : memref<256x16xi32, #tpu.memory_space<vmem>>, vector<1x16xi32>,
        %add3A_886 = arith.constant 1 : i32
        %add3A_887 = arith.addi %add3A_827, %add3A_886 : i32
        %get3A_888 = arith.constant 0 : i32
        %get3A_889 = arith.index_cast %add3A_887 : i32 to index
        %get3A_890 = arith.index_cast %get3A_888 : i32 to index
        %get3A_891 = arith.constant 0 : index
        %get3A_892 = tpu.vector_load %arg5[%get3A_889, %get3A_890, %get3A_891] {strides = array<i32>} : memref<256x3x16xf32, #tpu.memory_space<vmem>>, vector<1x1x16xf32>,
        %get3A_893 = vector.shape_cast %get3A_892 : vector<1x1x16xf32> to vector<16xf32>
        %get3A_894 = arith.constant 1 : i32
        %get3A_895 = arith.index_cast %add3A_887 : i32 to index
        %get3A_896 = arith.index_cast %get3A_894 : i32 to index
        %get3A_897 = arith.constant 0 : index
        %get3A_898 = tpu.vector_load %arg5[%get3A_895, %get3A_896, %get3A_897] {strides = array<i32>} : memref<256x3x16xf32, #tpu.memory_space<vmem>>, vector<1x1x16xf32>,
        %get3A_899 = vector.shape_cast %get3A_898 : vector<1x1x16xf32> to vector<16xf32>
        %get3A_900 = arith.constant 2 : i32
        %get3A_901 = arith.index_cast %add3A_887 : i32 to index
        %get3A_902 = arith.index_cast %get3A_900 : i32 to index
        %get3A_903 = arith.constant 0 : index
        %get3A_904 = tpu.vector_load %arg5[%get3A_901, %get3A_902, %get3A_903] {strides = array<i32>} : memref<256x3x16xf32, #tpu.memory_space<vmem>>, vector<1x1x16xf32>,
        %get3A_905 = vector.shape_cast %get3A_904 : vector<1x1x16xf32> to vector<16xf32>
        %add3A_906 = vector.broadcast %scan3A_515 : f32 to vector<16xf32>
        %add3A_907 = arith.addf %get3A_893, %add3A_906 : vector<16xf32>
        %add3A_908 = vector.broadcast %scan3A_516 : f32 to vector<16xf32>
        %add3A_909 = arith.addf %get3A_899, %add3A_908 : vector<16xf32>
        %add3A_910 = vector.broadcast %scan3A_517 : f32 to vector<16xf32>
        %add3A_911 = arith.addf %get3A_905, %add3A_910 : vector<16xf32>
        %max3A_912 = arith.maximumf %add3A_907, %add3A_909 : vector<16xf32>
        %gt3A_913 = arith.cmpf ogt, %add3A_911, %max3A_912 : vector<16xf32>
        %gt3A_914 = arith.cmpf ogt, %add3A_909, %add3A_907 : vector<16xf32>
        %jit3A_915 = arith.constant 1 : i32
        %jit3A_916 = arith.constant 0 : i32
        %broadcast_in_dim3A_917 = vector.broadcast %jit3A_915 : i32 to vector<16xi32>
        %broadcast_in_dim3A_918 = vector.broadcast %jit3A_916 : i32 to vector<16xi32>
        %select_n3A_919 = arith.select %gt3A_914, %broadcast_in_dim3A_917, %broadcast_in_dim3A_918 : vector<16xi1>, vector<16xi32>
        %jit3A_920 = arith.constant 2 : i32
        %broadcast_in_dim3A_921 = vector.broadcast %jit3A_920 : i32 to vector<16xi32>
        %select_n3A_922 = arith.select %gt3A_913, %broadcast_in_dim3A_921, %select_n3A_919 : vector<16xi1>, vector<16xi32>
        %add3A_923 = vector.broadcast %scan3A_518 : f32 to vector<16xf32>
        %add3A_924 = arith.addf %get3A_905, %add3A_923 : vector<16xf32>
        %add3A_925 = vector.broadcast %scan3A_519 : f32 to vector<16xf32>
        %add3A_926 = arith.addf %get3A_899, %add3A_925 : vector<16xf32>
        %gt3A_927 = arith.cmpf ogt, %add3A_924, %add3A_926 : vector<16xf32>
        %jit3A_928 = arith.constant 2 : i32
        %jit3A_929 = arith.constant 1 : i32
        %broadcast_in_dim3A_930 = vector.broadcast %jit3A_928 : i32 to vector<16xi32>
        %broadcast_in_dim3A_931 = vector.broadcast %jit3A_929 : i32 to vector<16xi32>
        %select_n3A_932 = arith.select %gt3A_927, %broadcast_in_dim3A_930, %broadcast_in_dim3A_931 : vector<16xi1>, vector<16xi32>
        %eq3A_933 = arith.constant 2 : i32
        %eq3A_934 = vector.broadcast %eq3A_933 : i32 to vector<16xi32>
        %eq3A_935 = arith.cmpi eq, %select_n3A_880, %eq3A_934 : vector<16xi32>
        %eq3A_936 = arith.constant 1 : i32
        %eq3A_937 = vector.broadcast %eq3A_936 : i32 to vector<16xi32>
        %eq3A_938 = arith.cmpi eq, %scan3A_823, %eq3A_937 : vector<16xi32>
        %and3A_939 = arith.andi %eq3A_935, %eq3A_938 : vector<16xi1>
        %select_n3A_940 = arith.select %and3A_939, %select_n3A_932, %select_n3A_922 : vector<16xi1>, vector<16xi32>
        %swap3A_941 = arith.index_cast %add3A_887 : i32 to index
        %swap3A_942 = arith.constant 0 : index
        %swap3A_943 = tpu.vector_load %arg7[%swap3A_941, %swap3A_942] {strides = array<i32>} : memref<256x16xi32, #tpu.memory_space<vmem>>, vector<1x16xi32>,
        %swap3A_944 = vector.shape_cast %swap3A_943 : vector<1x16xi32> to vector<16xi32>
        %swap3A_945 = vector.shape_cast %select_n3A_940 : vector<16xi32> to vector<1x16xi32>
        tpu.vector_store %arg7[%swap3A_941, %swap3A_942], %swap3A_945 {strides = array<i32>} : memref<256x16xi32, #tpu.memory_space<vmem>>, vector<1x16xi32>,
        scf.yield %select_n3A_940, %select_n3A_880 : vector<16xi32>, vector<16xi32>
      }
      %scan3A_525 = arith.constant 128 : i32
      %dma_start3A_526 = arith.constant 2304 : i32
      %dma_start3A_527 = arith.constant 0 : i32
      %dma_start3A_528 = tpu.memref_slice %arg3[%arg0, %dma_start3A_526, %dma_start3A_527] : memref<2x4096x16xi32, #tpu.memory_space<hbm>> -> memref<1x256x16xi32, #tpu.memory_space<hbm>>
      %dma_start3A_529 = tpu.memref_squeeze %dma_start3A_528 : memref<1x256x16xi32, #tpu.memory_space<hbm>> -> memref<256x16xi32, #tpu.memory_space<hbm>>
      %dma_start3A_530 = arith.constant 2304 : i32
      %dma_start3A_531 = arith.constant 0 : i32
      %dma_start3A_532 = tpu.memref_slice %arg3[%arg0, %dma_start3A_530, %dma_start3A_531] : memref<2x4096x16xi32, #tpu.memory_space<hbm>> -> memref<1x256x16xi32, #tpu.memory_space<hbm>>
      %dma_start3A_533 = tpu.memref_squeeze %dma_start3A_532 : memref<1x256x16xi32, #tpu.memory_space<hbm>> -> memref<256x16xi32, #tpu.memory_space<hbm>>
      tpu.enqueue_dma source(%arg7 : memref<256x16xi32, #tpu.memory_space<vmem>>) target(%dma_start3A_533 : memref<256x16xi32, #tpu.memory_space<hbm>>) target_semaphore(%arg11 : memref<!tpu.dma_semaphore, #tpu.memory_space<semaphore_mem>>)
      %dma_start3A_534 = arith.constant 2816 : i32
      %dma_start3A_535 = arith.constant 0 : i32
      %dma_start3A_536 = arith.constant 0 : i32
      %dma_start3A_537 = tpu.memref_slice %arg2[%arg0, %dma_start3A_534, %dma_start3A_535, %dma_start3A_536] : memref<2x4096x3x16xf32, #tpu.memory_space<hbm>> -> memref<1x256x3x16xf32, #tpu.memory_space<hbm>>
      %dma_start3A_538 = tpu.memref_squeeze %dma_start3A_537 : memref<1x256x3x16xf32, #tpu.memory_space<hbm>> -> memref<256x3x16xf32, #tpu.memory_space<hbm>>
      %dma_start3A_539 = arith.constant 2816 : i32
      %dma_start3A_540 = arith.constant 0 : i32
      %dma_start3A_541 = arith.constant 0 : i32
      %dma_start3A_542 = tpu.memref_slice %arg2[%arg0, %dma_start3A_539, %dma_start3A_540, %dma_start3A_541] : memref<2x4096x3x16xf32, #tpu.memory_space<hbm>> -> memref<1x256x3x16xf32, #tpu.memory_space<hbm>>
      %dma_start3A_543 = tpu.memref_squeeze %dma_start3A_542 : memref<1x256x3x16xf32, #tpu.memory_space<hbm>> -> memref<256x3x16xf32, #tpu.memory_space<hbm>>
      tpu.enqueue_dma source(%dma_start3A_543 : memref<256x3x16xf32, #tpu.memory_space<hbm>>) target(%arg5 : memref<256x3x16xf32, #tpu.memory_space<vmem>>) target_semaphore(%arg9 : memref<!tpu.dma_semaphore, #tpu.memory_space<semaphore_mem>>)
      %dma_wait3A_544 = arith.constant 2560 : i32
      %dma_wait3A_545 = arith.constant 0 : i32
      %dma_wait3A_546 = arith.constant 0 : i32
      %dma_wait3A_547 = tpu.memref_slice %arg2[%arg0, %dma_wait3A_544, %dma_wait3A_545, %dma_wait3A_546] : memref<2x4096x3x16xf32, #tpu.memory_space<hbm>> -> memref<1x256x3x16xf32, #tpu.memory_space<hbm>>
      %dma_wait3A_548 = tpu.memref_squeeze %dma_wait3A_547 : memref<1x256x3x16xf32, #tpu.memory_space<hbm>> -> memref<256x3x16xf32, #tpu.memory_space<hbm>>
      %dma_wait3A_549 = arith.constant 2560 : i32
      %dma_wait3A_550 = arith.constant 0 : i32
      %dma_wait3A_551 = arith.constant 0 : i32
      %dma_wait3A_552 = tpu.memref_slice %arg2[%arg0, %dma_wait3A_549, %dma_wait3A_550, %dma_wait3A_551] : memref<2x4096x3x16xf32, #tpu.memory_space<hbm>> -> memref<1x256x3x16xf32, #tpu.memory_space<hbm>>
      %dma_wait3A_553 = tpu.memref_squeeze %dma_wait3A_552 : memref<1x256x3x16xf32, #tpu.memory_space<hbm>> -> memref<256x3x16xf32, #tpu.memory_space<hbm>>
      tpu.wait_dma2 semaphore(%arg8 : memref<!tpu.dma_semaphore, #tpu.memory_space<semaphore_mem>>) src(%dma_wait3A_553 : memref<256x3x16xf32, #tpu.memory_space<hbm>>) dst(%arg4 : memref<256x3x16xf32, #tpu.memory_space<vmem>>)
      %dma_wait3A_554 = arith.constant 2048 : i32
      %dma_wait3A_555 = arith.constant 0 : i32
      %dma_wait3A_556 = tpu.memref_slice %arg3[%arg0, %dma_wait3A_554, %dma_wait3A_555] : memref<2x4096x16xi32, #tpu.memory_space<hbm>> -> memref<1x256x16xi32, #tpu.memory_space<hbm>>
      %dma_wait3A_557 = tpu.memref_squeeze %dma_wait3A_556 : memref<1x256x16xi32, #tpu.memory_space<hbm>> -> memref<256x16xi32, #tpu.memory_space<hbm>>
      %dma_wait3A_558 = arith.constant 2048 : i32
      %dma_wait3A_559 = arith.constant 0 : i32
      %dma_wait3A_560 = tpu.memref_slice %arg3[%arg0, %dma_wait3A_558, %dma_wait3A_559] : memref<2x4096x16xi32, #tpu.memory_space<hbm>> -> memref<1x256x16xi32, #tpu.memory_space<hbm>>
      %dma_wait3A_561 = tpu.memref_squeeze %dma_wait3A_560 : memref<1x256x16xi32, #tpu.memory_space<hbm>> -> memref<256x16xi32, #tpu.memory_space<hbm>>
      tpu.wait_dma2 semaphore(%arg10 : memref<!tpu.dma_semaphore, #tpu.memory_space<semaphore_mem>>) src(%arg6 : memref<256x16xi32, #tpu.memory_space<vmem>>) dst(%dma_wait3A_561 : memref<256x16xi32, #tpu.memory_space<hbm>>)
      %scan3A_562 = arith.constant -2.30258512 : f32
      %scan3A_563 = arith.constant -0.223143533 : f32
      %scan3A_564 = arith.constant -2.30258512 : f32
      %scan3A_565 = arith.constant -2.19722462 : f32
      %scan3A_566 = arith.constant -0.117783032 : f32
      %scan3A_567 = arith.constant 0 : i32
      %scan3A_568 = arith.constant 128 : i32
      %scan3A_569 = arith.addi %scan3A_567, %scan3A_568 : i32
      %scan3A_570 = arith.constant 1 : i32
      %scan3A_571:2 = scf.for %scan3A_822 = %scan3A_567 to %scan3A_569 step %scan3A_570 iter_args(%scan3A_823 = %scan3A_524#0, %scan3A_824 = %scan3A_524#1) -> (vector<16xi32>, vector<16xi32>)  : i32 {
        %mul3A = arith.constant 2 : i32
        %mul3A_825 = arith.muli %mul3A, %scan3A_822 : i32
        %add3A_826 = arith.constant 0 : i32
        %add3A_827 = arith.addi %add3A_826, %mul3A_825 : i32
        %get3A_828 = arith.constant 0 : i32
        %get3A_829 = arith.index_cast %add3A_827 : i32 to index
        %get3A_830 = arith.index_cast %get3A_828 : i32 to index
        %get3A_831 = arith.constant 0 : index
        %get3A_832 = tpu.vector_load %arg4[%get3A_829, %get3A_830, %get3A_831] {strides = array<i32>} : memref<256x3x16xf32, #tpu.memory_space<vmem>>, vector<1x1x16xf32>,
        %get3A_833 = vector.shape_cast %get3A_832 : vector<1x1x16xf32> to vector<16xf32>
        %get3A_834 = arith.constant 1 : i32
        %get3A_835 = arith.index_cast %add3A_827 : i32 to index
        %get3A_836 = arith.index_cast %get3A_834 : i32 to index
        %get3A_837 = arith.constant 0 : index
        %get3A_838 = tpu.vector_load %arg4[%get3A_835, %get3A_836, %get3A_837] {strides = array<i32>} : memref<256x3x16xf32, #tpu.memory_space<vmem>>, vector<1x1x16xf32>,
        %get3A_839 = vector.shape_cast %get3A_838 : vector<1x1x16xf32> to vector<16xf32>
        %get3A_840 = arith.constant 2 : i32
        %get3A_841 = arith.index_cast %add3A_827 : i32 to index
        %get3A_842 = arith.index_cast %get3A_840 : i32 to index
        %get3A_843 = arith.constant 0 : index
        %get3A_844 = tpu.vector_load %arg4[%get3A_841, %get3A_842, %get3A_843] {strides = array<i32>} : memref<256x3x16xf32, #tpu.memory_space<vmem>>, vector<1x1x16xf32>,
        %get3A_845 = vector.shape_cast %get3A_844 : vector<1x1x16xf32> to vector<16xf32>
        %add3A_846 = vector.broadcast %scan3A_562 : f32 to vector<16xf32>
        %add3A_847 = arith.addf %get3A_833, %add3A_846 : vector<16xf32>
        %add3A_848 = vector.broadcast %scan3A_563 : f32 to vector<16xf32>
        %add3A_849 = arith.addf %get3A_839, %add3A_848 : vector<16xf32>
        %add3A_850 = vector.broadcast %scan3A_564 : f32 to vector<16xf32>
        %add3A_851 = arith.addf %get3A_845, %add3A_850 : vector<16xf32>
        %max3A_852 = arith.maximumf %add3A_847, %add3A_849 : vector<16xf32>
        %gt3A_853 = arith.cmpf ogt, %add3A_851, %max3A_852 : vector<16xf32>
        %gt3A_854 = arith.cmpf ogt, %add3A_849, %add3A_847 : vector<16xf32>
        %jit3A_855 = arith.constant 1 : i32
        %jit3A_856 = arith.constant 0 : i32
        %broadcast_in_dim3A_857 = vector.broadcast %jit3A_855 : i32 to vector<16xi32>
        %broadcast_in_dim3A_858 = vector.broadcast %jit3A_856 : i32 to vector<16xi32>
        %select_n3A_859 = arith.select %gt3A_854, %broadcast_in_dim3A_857, %broadcast_in_dim3A_858 : vector<16xi1>, vector<16xi32>
        %jit3A_860 = arith.constant 2 : i32
        %broadcast_in_dim3A_861 = vector.broadcast %jit3A_860 : i32 to vector<16xi32>
        %select_n3A_862 = arith.select %gt3A_853, %broadcast_in_dim3A_861, %select_n3A_859 : vector<16xi1>, vector<16xi32>
        %add3A_863 = vector.broadcast %scan3A_565 : f32 to vector<16xf32>
        %add3A_864 = arith.addf %get3A_845, %add3A_863 : vector<16xf32>
        %add3A_865 = vector.broadcast %scan3A_566 : f32 to vector<16xf32>
        %add3A_866 = arith.addf %get3A_839, %add3A_865 : vector<16xf32>
        %gt3A_867 = arith.cmpf ogt, %add3A_864, %add3A_866 : vector<16xf32>
        %jit3A_868 = arith.constant 2 : i32
        %jit3A_869 = arith.constant 1 : i32
        %broadcast_in_dim3A_870 = vector.broadcast %jit3A_868 : i32 to vector<16xi32>
        %broadcast_in_dim3A_871 = vector.broadcast %jit3A_869 : i32 to vector<16xi32>
        %select_n3A_872 = arith.select %gt3A_867, %broadcast_in_dim3A_870, %broadcast_in_dim3A_871 : vector<16xi1>, vector<16xi32>
        %eq3A_873 = arith.constant 2 : i32
        %eq3A_874 = vector.broadcast %eq3A_873 : i32 to vector<16xi32>
        %eq3A_875 = arith.cmpi eq, %scan3A_823, %eq3A_874 : vector<16xi32>
        %eq3A_876 = arith.constant 1 : i32
        %eq3A_877 = vector.broadcast %eq3A_876 : i32 to vector<16xi32>
        %eq3A_878 = arith.cmpi eq, %scan3A_824, %eq3A_877 : vector<16xi32>
        %and3A_879 = arith.andi %eq3A_875, %eq3A_878 : vector<16xi1>
        %select_n3A_880 = arith.select %and3A_879, %select_n3A_872, %select_n3A_862 : vector<16xi1>, vector<16xi32>
        %swap3A_881 = arith.index_cast %add3A_827 : i32 to index
        %swap3A_882 = arith.constant 0 : index
        %swap3A_883 = tpu.vector_load %arg6[%swap3A_881, %swap3A_882] {strides = array<i32>} : memref<256x16xi32, #tpu.memory_space<vmem>>, vector<1x16xi32>,
        %swap3A_884 = vector.shape_cast %swap3A_883 : vector<1x16xi32> to vector<16xi32>
        %swap3A_885 = vector.shape_cast %select_n3A_880 : vector<16xi32> to vector<1x16xi32>
        tpu.vector_store %arg6[%swap3A_881, %swap3A_882], %swap3A_885 {strides = array<i32>} : memref<256x16xi32, #tpu.memory_space<vmem>>, vector<1x16xi32>,
        %add3A_886 = arith.constant 1 : i32
        %add3A_887 = arith.addi %add3A_827, %add3A_886 : i32
        %get3A_888 = arith.constant 0 : i32
        %get3A_889 = arith.index_cast %add3A_887 : i32 to index
        %get3A_890 = arith.index_cast %get3A_888 : i32 to index
        %get3A_891 = arith.constant 0 : index
        %get3A_892 = tpu.vector_load %arg4[%get3A_889, %get3A_890, %get3A_891] {strides = array<i32>} : memref<256x3x16xf32, #tpu.memory_space<vmem>>, vector<1x1x16xf32>,
        %get3A_893 = vector.shape_cast %get3A_892 : vector<1x1x16xf32> to vector<16xf32>
        %get3A_894 = arith.constant 1 : i32
        %get3A_895 = arith.index_cast %add3A_887 : i32 to index
        %get3A_896 = arith.index_cast %get3A_894 : i32 to index
        %get3A_897 = arith.constant 0 : index
        %get3A_898 = tpu.vector_load %arg4[%get3A_895, %get3A_896, %get3A_897] {strides = array<i32>} : memref<256x3x16xf32, #tpu.memory_space<vmem>>, vector<1x1x16xf32>,
        %get3A_899 = vector.shape_cast %get3A_898 : vector<1x1x16xf32> to vector<16xf32>
        %get3A_900 = arith.constant 2 : i32
        %get3A_901 = arith.index_cast %add3A_887 : i32 to index
        %get3A_902 = arith.index_cast %get3A_900 : i32 to index
        %get3A_903 = arith.constant 0 : index
        %get3A_904 = tpu.vector_load %arg4[%get3A_901, %get3A_902, %get3A_903] {strides = array<i32>} : memref<256x3x16xf32, #tpu.memory_space<vmem>>, vector<1x1x16xf32>,
        %get3A_905 = vector.shape_cast %get3A_904 : vector<1x1x16xf32> to vector<16xf32>
        %add3A_906 = vector.broadcast %scan3A_562 : f32 to vector<16xf32>
        %add3A_907 = arith.addf %get3A_893, %add3A_906 : vector<16xf32>
        %add3A_908 = vector.broadcast %scan3A_563 : f32 to vector<16xf32>
        %add3A_909 = arith.addf %get3A_899, %add3A_908 : vector<16xf32>
        %add3A_910 = vector.broadcast %scan3A_564 : f32 to vector<16xf32>
        %add3A_911 = arith.addf %get3A_905, %add3A_910 : vector<16xf32>
        %max3A_912 = arith.maximumf %add3A_907, %add3A_909 : vector<16xf32>
        %gt3A_913 = arith.cmpf ogt, %add3A_911, %max3A_912 : vector<16xf32>
        %gt3A_914 = arith.cmpf ogt, %add3A_909, %add3A_907 : vector<16xf32>
        %jit3A_915 = arith.constant 1 : i32
        %jit3A_916 = arith.constant 0 : i32
        %broadcast_in_dim3A_917 = vector.broadcast %jit3A_915 : i32 to vector<16xi32>
        %broadcast_in_dim3A_918 = vector.broadcast %jit3A_916 : i32 to vector<16xi32>
        %select_n3A_919 = arith.select %gt3A_914, %broadcast_in_dim3A_917, %broadcast_in_dim3A_918 : vector<16xi1>, vector<16xi32>
        %jit3A_920 = arith.constant 2 : i32
        %broadcast_in_dim3A_921 = vector.broadcast %jit3A_920 : i32 to vector<16xi32>
        %select_n3A_922 = arith.select %gt3A_913, %broadcast_in_dim3A_921, %select_n3A_919 : vector<16xi1>, vector<16xi32>
        %add3A_923 = vector.broadcast %scan3A_565 : f32 to vector<16xf32>
        %add3A_924 = arith.addf %get3A_905, %add3A_923 : vector<16xf32>
        %add3A_925 = vector.broadcast %scan3A_566 : f32 to vector<16xf32>
        %add3A_926 = arith.addf %get3A_899, %add3A_925 : vector<16xf32>
        %gt3A_927 = arith.cmpf ogt, %add3A_924, %add3A_926 : vector<16xf32>
        %jit3A_928 = arith.constant 2 : i32
        %jit3A_929 = arith.constant 1 : i32
        %broadcast_in_dim3A_930 = vector.broadcast %jit3A_928 : i32 to vector<16xi32>
        %broadcast_in_dim3A_931 = vector.broadcast %jit3A_929 : i32 to vector<16xi32>
        %select_n3A_932 = arith.select %gt3A_927, %broadcast_in_dim3A_930, %broadcast_in_dim3A_931 : vector<16xi1>, vector<16xi32>
        %eq3A_933 = arith.constant 2 : i32
        %eq3A_934 = vector.broadcast %eq3A_933 : i32 to vector<16xi32>
        %eq3A_935 = arith.cmpi eq, %select_n3A_880, %eq3A_934 : vector<16xi32>
        %eq3A_936 = arith.constant 1 : i32
        %eq3A_937 = vector.broadcast %eq3A_936 : i32 to vector<16xi32>
        %eq3A_938 = arith.cmpi eq, %scan3A_823, %eq3A_937 : vector<16xi32>
        %and3A_939 = arith.andi %eq3A_935, %eq3A_938 : vector<16xi1>
        %select_n3A_940 = arith.select %and3A_939, %select_n3A_932, %select_n3A_922 : vector<16xi1>, vector<16xi32>
        %swap3A_941 = arith.index_cast %add3A_887 : i32 to index
        %swap3A_942 = arith.constant 0 : index
        %swap3A_943 = tpu.vector_load %arg6[%swap3A_941, %swap3A_942] {strides = array<i32>} : memref<256x16xi32, #tpu.memory_space<vmem>>, vector<1x16xi32>,
        %swap3A_944 = vector.shape_cast %swap3A_943 : vector<1x16xi32> to vector<16xi32>
        %swap3A_945 = vector.shape_cast %select_n3A_940 : vector<16xi32> to vector<1x16xi32>
        tpu.vector_store %arg6[%swap3A_941, %swap3A_942], %swap3A_945 {strides = array<i32>} : memref<256x16xi32, #tpu.memory_space<vmem>>, vector<1x16xi32>,
        scf.yield %select_n3A_940, %select_n3A_880 : vector<16xi32>, vector<16xi32>
      }
      %scan3A_572 = arith.constant 128 : i32
      %dma_start3A_573 = arith.constant 2560 : i32
      %dma_start3A_574 = arith.constant 0 : i32
      %dma_start3A_575 = tpu.memref_slice %arg3[%arg0, %dma_start3A_573, %dma_start3A_574] : memref<2x4096x16xi32, #tpu.memory_space<hbm>> -> memref<1x256x16xi32, #tpu.memory_space<hbm>>
      %dma_start3A_576 = tpu.memref_squeeze %dma_start3A_575 : memref<1x256x16xi32, #tpu.memory_space<hbm>> -> memref<256x16xi32, #tpu.memory_space<hbm>>
      %dma_start3A_577 = arith.constant 2560 : i32
      %dma_start3A_578 = arith.constant 0 : i32
      %dma_start3A_579 = tpu.memref_slice %arg3[%arg0, %dma_start3A_577, %dma_start3A_578] : memref<2x4096x16xi32, #tpu.memory_space<hbm>> -> memref<1x256x16xi32, #tpu.memory_space<hbm>>
      %dma_start3A_580 = tpu.memref_squeeze %dma_start3A_579 : memref<1x256x16xi32, #tpu.memory_space<hbm>> -> memref<256x16xi32, #tpu.memory_space<hbm>>
      tpu.enqueue_dma source(%arg6 : memref<256x16xi32, #tpu.memory_space<vmem>>) target(%dma_start3A_580 : memref<256x16xi32, #tpu.memory_space<hbm>>) target_semaphore(%arg10 : memref<!tpu.dma_semaphore, #tpu.memory_space<semaphore_mem>>)
      %dma_start3A_581 = arith.constant 3072 : i32
      %dma_start3A_582 = arith.constant 0 : i32
      %dma_start3A_583 = arith.constant 0 : i32
      %dma_start3A_584 = tpu.memref_slice %arg2[%arg0, %dma_start3A_581, %dma_start3A_582, %dma_start3A_583] : memref<2x4096x3x16xf32, #tpu.memory_space<hbm>> -> memref<1x256x3x16xf32, #tpu.memory_space<hbm>>
      %dma_start3A_585 = tpu.memref_squeeze %dma_start3A_584 : memref<1x256x3x16xf32, #tpu.memory_space<hbm>> -> memref<256x3x16xf32, #tpu.memory_space<hbm>>
      %dma_start3A_586 = arith.constant 3072 : i32
      %dma_start3A_587 = arith.constant 0 : i32
      %dma_start3A_588 = arith.constant 0 : i32
      %dma_start3A_589 = tpu.memref_slice %arg2[%arg0, %dma_start3A_586, %dma_start3A_587, %dma_start3A_588] : memref<2x4096x3x16xf32, #tpu.memory_space<hbm>> -> memref<1x256x3x16xf32, #tpu.memory_space<hbm>>
      %dma_start3A_590 = tpu.memref_squeeze %dma_start3A_589 : memref<1x256x3x16xf32, #tpu.memory_space<hbm>> -> memref<256x3x16xf32, #tpu.memory_space<hbm>>
      tpu.enqueue_dma source(%dma_start3A_590 : memref<256x3x16xf32, #tpu.memory_space<hbm>>) target(%arg4 : memref<256x3x16xf32, #tpu.memory_space<vmem>>) target_semaphore(%arg8 : memref<!tpu.dma_semaphore, #tpu.memory_space<semaphore_mem>>)
      %dma_wait3A_591 = arith.constant 2816 : i32
      %dma_wait3A_592 = arith.constant 0 : i32
      %dma_wait3A_593 = arith.constant 0 : i32
      %dma_wait3A_594 = tpu.memref_slice %arg2[%arg0, %dma_wait3A_591, %dma_wait3A_592, %dma_wait3A_593] : memref<2x4096x3x16xf32, #tpu.memory_space<hbm>> -> memref<1x256x3x16xf32, #tpu.memory_space<hbm>>
      %dma_wait3A_595 = tpu.memref_squeeze %dma_wait3A_594 : memref<1x256x3x16xf32, #tpu.memory_space<hbm>> -> memref<256x3x16xf32, #tpu.memory_space<hbm>>
      %dma_wait3A_596 = arith.constant 2816 : i32
      %dma_wait3A_597 = arith.constant 0 : i32
      %dma_wait3A_598 = arith.constant 0 : i32
      %dma_wait3A_599 = tpu.memref_slice %arg2[%arg0, %dma_wait3A_596, %dma_wait3A_597, %dma_wait3A_598] : memref<2x4096x3x16xf32, #tpu.memory_space<hbm>> -> memref<1x256x3x16xf32, #tpu.memory_space<hbm>>
      %dma_wait3A_600 = tpu.memref_squeeze %dma_wait3A_599 : memref<1x256x3x16xf32, #tpu.memory_space<hbm>> -> memref<256x3x16xf32, #tpu.memory_space<hbm>>
      tpu.wait_dma2 semaphore(%arg9 : memref<!tpu.dma_semaphore, #tpu.memory_space<semaphore_mem>>) src(%dma_wait3A_600 : memref<256x3x16xf32, #tpu.memory_space<hbm>>) dst(%arg5 : memref<256x3x16xf32, #tpu.memory_space<vmem>>)
      %dma_wait3A_601 = arith.constant 2304 : i32
      %dma_wait3A_602 = arith.constant 0 : i32
      %dma_wait3A_603 = tpu.memref_slice %arg3[%arg0, %dma_wait3A_601, %dma_wait3A_602] : memref<2x4096x16xi32, #tpu.memory_space<hbm>> -> memref<1x256x16xi32, #tpu.memory_space<hbm>>
      %dma_wait3A_604 = tpu.memref_squeeze %dma_wait3A_603 : memref<1x256x16xi32, #tpu.memory_space<hbm>> -> memref<256x16xi32, #tpu.memory_space<hbm>>
      %dma_wait3A_605 = arith.constant 2304 : i32
      %dma_wait3A_606 = arith.constant 0 : i32
      %dma_wait3A_607 = tpu.memref_slice %arg3[%arg0, %dma_wait3A_605, %dma_wait3A_606] : memref<2x4096x16xi32, #tpu.memory_space<hbm>> -> memref<1x256x16xi32, #tpu.memory_space<hbm>>
      %dma_wait3A_608 = tpu.memref_squeeze %dma_wait3A_607 : memref<1x256x16xi32, #tpu.memory_space<hbm>> -> memref<256x16xi32, #tpu.memory_space<hbm>>
      tpu.wait_dma2 semaphore(%arg11 : memref<!tpu.dma_semaphore, #tpu.memory_space<semaphore_mem>>) src(%arg7 : memref<256x16xi32, #tpu.memory_space<vmem>>) dst(%dma_wait3A_608 : memref<256x16xi32, #tpu.memory_space<hbm>>)
      %scan3A_609 = arith.constant -2.30258512 : f32
      %scan3A_610 = arith.constant -0.223143533 : f32
      %scan3A_611 = arith.constant -2.30258512 : f32
      %scan3A_612 = arith.constant -2.19722462 : f32
      %scan3A_613 = arith.constant -0.117783032 : f32
      %scan3A_614 = arith.constant 0 : i32
      %scan3A_615 = arith.constant 128 : i32
      %scan3A_616 = arith.addi %scan3A_614, %scan3A_615 : i32
      %scan3A_617 = arith.constant 1 : i32
      %scan3A_618:2 = scf.for %scan3A_822 = %scan3A_614 to %scan3A_616 step %scan3A_617 iter_args(%scan3A_823 = %scan3A_571#0, %scan3A_824 = %scan3A_571#1) -> (vector<16xi32>, vector<16xi32>)  : i32 {
        %mul3A = arith.constant 2 : i32
        %mul3A_825 = arith.muli %mul3A, %scan3A_822 : i32
        %add3A_826 = arith.constant 0 : i32
        %add3A_827 = arith.addi %add3A_826, %mul3A_825 : i32
        %get3A_828 = arith.constant 0 : i32
        %get3A_829 = arith.index_cast %add3A_827 : i32 to index
        %get3A_830 = arith.index_cast %get3A_828 : i32 to index
        %get3A_831 = arith.constant 0 : index
        %get3A_832 = tpu.vector_load %arg5[%get3A_829, %get3A_830, %get3A_831] {strides = array<i32>} : memref<256x3x16xf32, #tpu.memory_space<vmem>>, vector<1x1x16xf32>,
        %get3A_833 = vector.shape_cast %get3A_832 : vector<1x1x16xf32> to vector<16xf32>
        %get3A_834 = arith.constant 1 : i32
        %get3A_835 = arith.index_cast %add3A_827 : i32 to index
        %get3A_836 = arith.index_cast %get3A_834 : i32 to index
        %get3A_837 = arith.constant 0 : index
        %get3A_838 = tpu.vector_load %arg5[%get3A_835, %get3A_836, %get3A_837] {strides = array<i32>} : memref<256x3x16xf32, #tpu.memory_space<vmem>>, vector<1x1x16xf32>,
        %get3A_839 = vector.shape_cast %get3A_838 : vector<1x1x16xf32> to vector<16xf32>
        %get3A_840 = arith.constant 2 : i32
        %get3A_841 = arith.index_cast %add3A_827 : i32 to index
        %get3A_842 = arith.index_cast %get3A_840 : i32 to index
        %get3A_843 = arith.constant 0 : index
        %get3A_844 = tpu.vector_load %arg5[%get3A_841, %get3A_842, %get3A_843] {strides = array<i32>} : memref<256x3x16xf32, #tpu.memory_space<vmem>>, vector<1x1x16xf32>,
        %get3A_845 = vector.shape_cast %get3A_844 : vector<1x1x16xf32> to vector<16xf32>
        %add3A_846 = vector.broadcast %scan3A_609 : f32 to vector<16xf32>
        %add3A_847 = arith.addf %get3A_833, %add3A_846 : vector<16xf32>
        %add3A_848 = vector.broadcast %scan3A_610 : f32 to vector<16xf32>
        %add3A_849 = arith.addf %get3A_839, %add3A_848 : vector<16xf32>
        %add3A_850 = vector.broadcast %scan3A_611 : f32 to vector<16xf32>
        %add3A_851 = arith.addf %get3A_845, %add3A_850 : vector<16xf32>
        %max3A_852 = arith.maximumf %add3A_847, %add3A_849 : vector<16xf32>
        %gt3A_853 = arith.cmpf ogt, %add3A_851, %max3A_852 : vector<16xf32>
        %gt3A_854 = arith.cmpf ogt, %add3A_849, %add3A_847 : vector<16xf32>
        %jit3A_855 = arith.constant 1 : i32
        %jit3A_856 = arith.constant 0 : i32
        %broadcast_in_dim3A_857 = vector.broadcast %jit3A_855 : i32 to vector<16xi32>
        %broadcast_in_dim3A_858 = vector.broadcast %jit3A_856 : i32 to vector<16xi32>
        %select_n3A_859 = arith.select %gt3A_854, %broadcast_in_dim3A_857, %broadcast_in_dim3A_858 : vector<16xi1>, vector<16xi32>
        %jit3A_860 = arith.constant 2 : i32
        %broadcast_in_dim3A_861 = vector.broadcast %jit3A_860 : i32 to vector<16xi32>
        %select_n3A_862 = arith.select %gt3A_853, %broadcast_in_dim3A_861, %select_n3A_859 : vector<16xi1>, vector<16xi32>
        %add3A_863 = vector.broadcast %scan3A_612 : f32 to vector<16xf32>
        %add3A_864 = arith.addf %get3A_845, %add3A_863 : vector<16xf32>
        %add3A_865 = vector.broadcast %scan3A_613 : f32 to vector<16xf32>
        %add3A_866 = arith.addf %get3A_839, %add3A_865 : vector<16xf32>
        %gt3A_867 = arith.cmpf ogt, %add3A_864, %add3A_866 : vector<16xf32>
        %jit3A_868 = arith.constant 2 : i32
        %jit3A_869 = arith.constant 1 : i32
        %broadcast_in_dim3A_870 = vector.broadcast %jit3A_868 : i32 to vector<16xi32>
        %broadcast_in_dim3A_871 = vector.broadcast %jit3A_869 : i32 to vector<16xi32>
        %select_n3A_872 = arith.select %gt3A_867, %broadcast_in_dim3A_870, %broadcast_in_dim3A_871 : vector<16xi1>, vector<16xi32>
        %eq3A_873 = arith.constant 2 : i32
        %eq3A_874 = vector.broadcast %eq3A_873 : i32 to vector<16xi32>
        %eq3A_875 = arith.cmpi eq, %scan3A_823, %eq3A_874 : vector<16xi32>
        %eq3A_876 = arith.constant 1 : i32
        %eq3A_877 = vector.broadcast %eq3A_876 : i32 to vector<16xi32>
        %eq3A_878 = arith.cmpi eq, %scan3A_824, %eq3A_877 : vector<16xi32>
        %and3A_879 = arith.andi %eq3A_875, %eq3A_878 : vector<16xi1>
        %select_n3A_880 = arith.select %and3A_879, %select_n3A_872, %select_n3A_862 : vector<16xi1>, vector<16xi32>
        %swap3A_881 = arith.index_cast %add3A_827 : i32 to index
        %swap3A_882 = arith.constant 0 : index
        %swap3A_883 = tpu.vector_load %arg7[%swap3A_881, %swap3A_882] {strides = array<i32>} : memref<256x16xi32, #tpu.memory_space<vmem>>, vector<1x16xi32>,
        %swap3A_884 = vector.shape_cast %swap3A_883 : vector<1x16xi32> to vector<16xi32>
        %swap3A_885 = vector.shape_cast %select_n3A_880 : vector<16xi32> to vector<1x16xi32>
        tpu.vector_store %arg7[%swap3A_881, %swap3A_882], %swap3A_885 {strides = array<i32>} : memref<256x16xi32, #tpu.memory_space<vmem>>, vector<1x16xi32>,
        %add3A_886 = arith.constant 1 : i32
        %add3A_887 = arith.addi %add3A_827, %add3A_886 : i32
        %get3A_888 = arith.constant 0 : i32
        %get3A_889 = arith.index_cast %add3A_887 : i32 to index
        %get3A_890 = arith.index_cast %get3A_888 : i32 to index
        %get3A_891 = arith.constant 0 : index
        %get3A_892 = tpu.vector_load %arg5[%get3A_889, %get3A_890, %get3A_891] {strides = array<i32>} : memref<256x3x16xf32, #tpu.memory_space<vmem>>, vector<1x1x16xf32>,
        %get3A_893 = vector.shape_cast %get3A_892 : vector<1x1x16xf32> to vector<16xf32>
        %get3A_894 = arith.constant 1 : i32
        %get3A_895 = arith.index_cast %add3A_887 : i32 to index
        %get3A_896 = arith.index_cast %get3A_894 : i32 to index
        %get3A_897 = arith.constant 0 : index
        %get3A_898 = tpu.vector_load %arg5[%get3A_895, %get3A_896, %get3A_897] {strides = array<i32>} : memref<256x3x16xf32, #tpu.memory_space<vmem>>, vector<1x1x16xf32>,
        %get3A_899 = vector.shape_cast %get3A_898 : vector<1x1x16xf32> to vector<16xf32>
        %get3A_900 = arith.constant 2 : i32
        %get3A_901 = arith.index_cast %add3A_887 : i32 to index
        %get3A_902 = arith.index_cast %get3A_900 : i32 to index
        %get3A_903 = arith.constant 0 : index
        %get3A_904 = tpu.vector_load %arg5[%get3A_901, %get3A_902, %get3A_903] {strides = array<i32>} : memref<256x3x16xf32, #tpu.memory_space<vmem>>, vector<1x1x16xf32>,
        %get3A_905 = vector.shape_cast %get3A_904 : vector<1x1x16xf32> to vector<16xf32>
        %add3A_906 = vector.broadcast %scan3A_609 : f32 to vector<16xf32>
        %add3A_907 = arith.addf %get3A_893, %add3A_906 : vector<16xf32>
        %add3A_908 = vector.broadcast %scan3A_610 : f32 to vector<16xf32>
        %add3A_909 = arith.addf %get3A_899, %add3A_908 : vector<16xf32>
        %add3A_910 = vector.broadcast %scan3A_611 : f32 to vector<16xf32>
        %add3A_911 = arith.addf %get3A_905, %add3A_910 : vector<16xf32>
        %max3A_912 = arith.maximumf %add3A_907, %add3A_909 : vector<16xf32>
        %gt3A_913 = arith.cmpf ogt, %add3A_911, %max3A_912 : vector<16xf32>
        %gt3A_914 = arith.cmpf ogt, %add3A_909, %add3A_907 : vector<16xf32>
        %jit3A_915 = arith.constant 1 : i32
        %jit3A_916 = arith.constant 0 : i32
        %broadcast_in_dim3A_917 = vector.broadcast %jit3A_915 : i32 to vector<16xi32>
        %broadcast_in_dim3A_918 = vector.broadcast %jit3A_916 : i32 to vector<16xi32>
        %select_n3A_919 = arith.select %gt3A_914, %broadcast_in_dim3A_917, %broadcast_in_dim3A_918 : vector<16xi1>, vector<16xi32>
        %jit3A_920 = arith.constant 2 : i32
        %broadcast_in_dim3A_921 = vector.broadcast %jit3A_920 : i32 to vector<16xi32>
        %select_n3A_922 = arith.select %gt3A_913, %broadcast_in_dim3A_921, %select_n3A_919 : vector<16xi1>, vector<16xi32>
        %add3A_923 = vector.broadcast %scan3A_612 : f32 to vector<16xf32>
        %add3A_924 = arith.addf %get3A_905, %add3A_923 : vector<16xf32>
        %add3A_925 = vector.broadcast %scan3A_613 : f32 to vector<16xf32>
        %add3A_926 = arith.addf %get3A_899, %add3A_925 : vector<16xf32>
        %gt3A_927 = arith.cmpf ogt, %add3A_924, %add3A_926 : vector<16xf32>
        %jit3A_928 = arith.constant 2 : i32
        %jit3A_929 = arith.constant 1 : i32
        %broadcast_in_dim3A_930 = vector.broadcast %jit3A_928 : i32 to vector<16xi32>
        %broadcast_in_dim3A_931 = vector.broadcast %jit3A_929 : i32 to vector<16xi32>
        %select_n3A_932 = arith.select %gt3A_927, %broadcast_in_dim3A_930, %broadcast_in_dim3A_931 : vector<16xi1>, vector<16xi32>
        %eq3A_933 = arith.constant 2 : i32
        %eq3A_934 = vector.broadcast %eq3A_933 : i32 to vector<16xi32>
        %eq3A_935 = arith.cmpi eq, %select_n3A_880, %eq3A_934 : vector<16xi32>
        %eq3A_936 = arith.constant 1 : i32
        %eq3A_937 = vector.broadcast %eq3A_936 : i32 to vector<16xi32>
        %eq3A_938 = arith.cmpi eq, %scan3A_823, %eq3A_937 : vector<16xi32>
        %and3A_939 = arith.andi %eq3A_935, %eq3A_938 : vector<16xi1>
        %select_n3A_940 = arith.select %and3A_939, %select_n3A_932, %select_n3A_922 : vector<16xi1>, vector<16xi32>
        %swap3A_941 = arith.index_cast %add3A_887 : i32 to index
        %swap3A_942 = arith.constant 0 : index
        %swap3A_943 = tpu.vector_load %arg7[%swap3A_941, %swap3A_942] {strides = array<i32>} : memref<256x16xi32, #tpu.memory_space<vmem>>, vector<1x16xi32>,
        %swap3A_944 = vector.shape_cast %swap3A_943 : vector<1x16xi32> to vector<16xi32>
        %swap3A_945 = vector.shape_cast %select_n3A_940 : vector<16xi32> to vector<1x16xi32>
        tpu.vector_store %arg7[%swap3A_941, %swap3A_942], %swap3A_945 {strides = array<i32>} : memref<256x16xi32, #tpu.memory_space<vmem>>, vector<1x16xi32>,
        scf.yield %select_n3A_940, %select_n3A_880 : vector<16xi32>, vector<16xi32>
      }
      %scan3A_619 = arith.constant 128 : i32
      %dma_start3A_620 = arith.constant 2816 : i32
      %dma_start3A_621 = arith.constant 0 : i32
      %dma_start3A_622 = tpu.memref_slice %arg3[%arg0, %dma_start3A_620, %dma_start3A_621] : memref<2x4096x16xi32, #tpu.memory_space<hbm>> -> memref<1x256x16xi32, #tpu.memory_space<hbm>>
      %dma_start3A_623 = tpu.memref_squeeze %dma_start3A_622 : memref<1x256x16xi32, #tpu.memory_space<hbm>> -> memref<256x16xi32, #tpu.memory_space<hbm>>
      %dma_start3A_624 = arith.constant 2816 : i32
      %dma_start3A_625 = arith.constant 0 : i32
      %dma_start3A_626 = tpu.memref_slice %arg3[%arg0, %dma_start3A_624, %dma_start3A_625] : memref<2x4096x16xi32, #tpu.memory_space<hbm>> -> memref<1x256x16xi32, #tpu.memory_space<hbm>>
      %dma_start3A_627 = tpu.memref_squeeze %dma_start3A_626 : memref<1x256x16xi32, #tpu.memory_space<hbm>> -> memref<256x16xi32, #tpu.memory_space<hbm>>
      tpu.enqueue_dma source(%arg7 : memref<256x16xi32, #tpu.memory_space<vmem>>) target(%dma_start3A_627 : memref<256x16xi32, #tpu.memory_space<hbm>>) target_semaphore(%arg11 : memref<!tpu.dma_semaphore, #tpu.memory_space<semaphore_mem>>)
      %dma_start3A_628 = arith.constant 3328 : i32
      %dma_start3A_629 = arith.constant 0 : i32
      %dma_start3A_630 = arith.constant 0 : i32
      %dma_start3A_631 = tpu.memref_slice %arg2[%arg0, %dma_start3A_628, %dma_start3A_629, %dma_start3A_630] : memref<2x4096x3x16xf32, #tpu.memory_space<hbm>> -> memref<1x256x3x16xf32, #tpu.memory_space<hbm>>
      %dma_start3A_632 = tpu.memref_squeeze %dma_start3A_631 : memref<1x256x3x16xf32, #tpu.memory_space<hbm>> -> memref<256x3x16xf32, #tpu.memory_space<hbm>>
      %dma_start3A_633 = arith.constant 3328 : i32
      %dma_start3A_634 = arith.constant 0 : i32
      %dma_start3A_635 = arith.constant 0 : i32
      %dma_start3A_636 = tpu.memref_slice %arg2[%arg0, %dma_start3A_633, %dma_start3A_634, %dma_start3A_635] : memref<2x4096x3x16xf32, #tpu.memory_space<hbm>> -> memref<1x256x3x16xf32, #tpu.memory_space<hbm>>
      %dma_start3A_637 = tpu.memref_squeeze %dma_start3A_636 : memref<1x256x3x16xf32, #tpu.memory_space<hbm>> -> memref<256x3x16xf32, #tpu.memory_space<hbm>>
      tpu.enqueue_dma source(%dma_start3A_637 : memref<256x3x16xf32, #tpu.memory_space<hbm>>) target(%arg5 : memref<256x3x16xf32, #tpu.memory_space<vmem>>) target_semaphore(%arg9 : memref<!tpu.dma_semaphore, #tpu.memory_space<semaphore_mem>>)
      %dma_wait3A_638 = arith.constant 3072 : i32
      %dma_wait3A_639 = arith.constant 0 : i32
      %dma_wait3A_640 = arith.constant 0 : i32
      %dma_wait3A_641 = tpu.memref_slice %arg2[%arg0, %dma_wait3A_638, %dma_wait3A_639, %dma_wait3A_640] : memref<2x4096x3x16xf32, #tpu.memory_space<hbm>> -> memref<1x256x3x16xf32, #tpu.memory_space<hbm>>
      %dma_wait3A_642 = tpu.memref_squeeze %dma_wait3A_641 : memref<1x256x3x16xf32, #tpu.memory_space<hbm>> -> memref<256x3x16xf32, #tpu.memory_space<hbm>>
      %dma_wait3A_643 = arith.constant 3072 : i32
      %dma_wait3A_644 = arith.constant 0 : i32
      %dma_wait3A_645 = arith.constant 0 : i32
      %dma_wait3A_646 = tpu.memref_slice %arg2[%arg0, %dma_wait3A_643, %dma_wait3A_644, %dma_wait3A_645] : memref<2x4096x3x16xf32, #tpu.memory_space<hbm>> -> memref<1x256x3x16xf32, #tpu.memory_space<hbm>>
      %dma_wait3A_647 = tpu.memref_squeeze %dma_wait3A_646 : memref<1x256x3x16xf32, #tpu.memory_space<hbm>> -> memref<256x3x16xf32, #tpu.memory_space<hbm>>
      tpu.wait_dma2 semaphore(%arg8 : memref<!tpu.dma_semaphore, #tpu.memory_space<semaphore_mem>>) src(%dma_wait3A_647 : memref<256x3x16xf32, #tpu.memory_space<hbm>>) dst(%arg4 : memref<256x3x16xf32, #tpu.memory_space<vmem>>)
      %dma_wait3A_648 = arith.constant 2560 : i32
      %dma_wait3A_649 = arith.constant 0 : i32
      %dma_wait3A_650 = tpu.memref_slice %arg3[%arg0, %dma_wait3A_648, %dma_wait3A_649] : memref<2x4096x16xi32, #tpu.memory_space<hbm>> -> memref<1x256x16xi32, #tpu.memory_space<hbm>>
      %dma_wait3A_651 = tpu.memref_squeeze %dma_wait3A_650 : memref<1x256x16xi32, #tpu.memory_space<hbm>> -> memref<256x16xi32, #tpu.memory_space<hbm>>
      %dma_wait3A_652 = arith.constant 2560 : i32
      %dma_wait3A_653 = arith.constant 0 : i32
      %dma_wait3A_654 = tpu.memref_slice %arg3[%arg0, %dma_wait3A_652, %dma_wait3A_653] : memref<2x4096x16xi32, #tpu.memory_space<hbm>> -> memref<1x256x16xi32, #tpu.memory_space<hbm>>
      %dma_wait3A_655 = tpu.memref_squeeze %dma_wait3A_654 : memref<1x256x16xi32, #tpu.memory_space<hbm>> -> memref<256x16xi32, #tpu.memory_space<hbm>>
      tpu.wait_dma2 semaphore(%arg10 : memref<!tpu.dma_semaphore, #tpu.memory_space<semaphore_mem>>) src(%arg6 : memref<256x16xi32, #tpu.memory_space<vmem>>) dst(%dma_wait3A_655 : memref<256x16xi32, #tpu.memory_space<hbm>>)
      %scan3A_656 = arith.constant -2.30258512 : f32
      %scan3A_657 = arith.constant -0.223143533 : f32
      %scan3A_658 = arith.constant -2.30258512 : f32
      %scan3A_659 = arith.constant -2.19722462 : f32
      %scan3A_660 = arith.constant -0.117783032 : f32
      %scan3A_661 = arith.constant 0 : i32
      %scan3A_662 = arith.constant 128 : i32
      %scan3A_663 = arith.addi %scan3A_661, %scan3A_662 : i32
      %scan3A_664 = arith.constant 1 : i32
      %scan3A_665:2 = scf.for %scan3A_822 = %scan3A_661 to %scan3A_663 step %scan3A_664 iter_args(%scan3A_823 = %scan3A_618#0, %scan3A_824 = %scan3A_618#1) -> (vector<16xi32>, vector<16xi32>)  : i32 {
        %mul3A = arith.constant 2 : i32
        %mul3A_825 = arith.muli %mul3A, %scan3A_822 : i32
        %add3A_826 = arith.constant 0 : i32
        %add3A_827 = arith.addi %add3A_826, %mul3A_825 : i32
        %get3A_828 = arith.constant 0 : i32
        %get3A_829 = arith.index_cast %add3A_827 : i32 to index
        %get3A_830 = arith.index_cast %get3A_828 : i32 to index
        %get3A_831 = arith.constant 0 : index
        %get3A_832 = tpu.vector_load %arg4[%get3A_829, %get3A_830, %get3A_831] {strides = array<i32>} : memref<256x3x16xf32, #tpu.memory_space<vmem>>, vector<1x1x16xf32>,
        %get3A_833 = vector.shape_cast %get3A_832 : vector<1x1x16xf32> to vector<16xf32>
        %get3A_834 = arith.constant 1 : i32
        %get3A_835 = arith.index_cast %add3A_827 : i32 to index
        %get3A_836 = arith.index_cast %get3A_834 : i32 to index
        %get3A_837 = arith.constant 0 : index
        %get3A_838 = tpu.vector_load %arg4[%get3A_835, %get3A_836, %get3A_837] {strides = array<i32>} : memref<256x3x16xf32, #tpu.memory_space<vmem>>, vector<1x1x16xf32>,
        %get3A_839 = vector.shape_cast %get3A_838 : vector<1x1x16xf32> to vector<16xf32>
        %get3A_840 = arith.constant 2 : i32
        %get3A_841 = arith.index_cast %add3A_827 : i32 to index
        %get3A_842 = arith.index_cast %get3A_840 : i32 to index
        %get3A_843 = arith.constant 0 : index
        %get3A_844 = tpu.vector_load %arg4[%get3A_841, %get3A_842, %get3A_843] {strides = array<i32>} : memref<256x3x16xf32, #tpu.memory_space<vmem>>, vector<1x1x16xf32>,
        %get3A_845 = vector.shape_cast %get3A_844 : vector<1x1x16xf32> to vector<16xf32>
        %add3A_846 = vector.broadcast %scan3A_656 : f32 to vector<16xf32>
        %add3A_847 = arith.addf %get3A_833, %add3A_846 : vector<16xf32>
        %add3A_848 = vector.broadcast %scan3A_657 : f32 to vector<16xf32>
        %add3A_849 = arith.addf %get3A_839, %add3A_848 : vector<16xf32>
        %add3A_850 = vector.broadcast %scan3A_658 : f32 to vector<16xf32>
        %add3A_851 = arith.addf %get3A_845, %add3A_850 : vector<16xf32>
        %max3A_852 = arith.maximumf %add3A_847, %add3A_849 : vector<16xf32>
        %gt3A_853 = arith.cmpf ogt, %add3A_851, %max3A_852 : vector<16xf32>
        %gt3A_854 = arith.cmpf ogt, %add3A_849, %add3A_847 : vector<16xf32>
        %jit3A_855 = arith.constant 1 : i32
        %jit3A_856 = arith.constant 0 : i32
        %broadcast_in_dim3A_857 = vector.broadcast %jit3A_855 : i32 to vector<16xi32>
        %broadcast_in_dim3A_858 = vector.broadcast %jit3A_856 : i32 to vector<16xi32>
        %select_n3A_859 = arith.select %gt3A_854, %broadcast_in_dim3A_857, %broadcast_in_dim3A_858 : vector<16xi1>, vector<16xi32>
        %jit3A_860 = arith.constant 2 : i32
        %broadcast_in_dim3A_861 = vector.broadcast %jit3A_860 : i32 to vector<16xi32>
        %select_n3A_862 = arith.select %gt3A_853, %broadcast_in_dim3A_861, %select_n3A_859 : vector<16xi1>, vector<16xi32>
        %add3A_863 = vector.broadcast %scan3A_659 : f32 to vector<16xf32>
        %add3A_864 = arith.addf %get3A_845, %add3A_863 : vector<16xf32>
        %add3A_865 = vector.broadcast %scan3A_660 : f32 to vector<16xf32>
        %add3A_866 = arith.addf %get3A_839, %add3A_865 : vector<16xf32>
        %gt3A_867 = arith.cmpf ogt, %add3A_864, %add3A_866 : vector<16xf32>
        %jit3A_868 = arith.constant 2 : i32
        %jit3A_869 = arith.constant 1 : i32
        %broadcast_in_dim3A_870 = vector.broadcast %jit3A_868 : i32 to vector<16xi32>
        %broadcast_in_dim3A_871 = vector.broadcast %jit3A_869 : i32 to vector<16xi32>
        %select_n3A_872 = arith.select %gt3A_867, %broadcast_in_dim3A_870, %broadcast_in_dim3A_871 : vector<16xi1>, vector<16xi32>
        %eq3A_873 = arith.constant 2 : i32
        %eq3A_874 = vector.broadcast %eq3A_873 : i32 to vector<16xi32>
        %eq3A_875 = arith.cmpi eq, %scan3A_823, %eq3A_874 : vector<16xi32>
        %eq3A_876 = arith.constant 1 : i32
        %eq3A_877 = vector.broadcast %eq3A_876 : i32 to vector<16xi32>
        %eq3A_878 = arith.cmpi eq, %scan3A_824, %eq3A_877 : vector<16xi32>
        %and3A_879 = arith.andi %eq3A_875, %eq3A_878 : vector<16xi1>
        %select_n3A_880 = arith.select %and3A_879, %select_n3A_872, %select_n3A_862 : vector<16xi1>, vector<16xi32>
        %swap3A_881 = arith.index_cast %add3A_827 : i32 to index
        %swap3A_882 = arith.constant 0 : index
        %swap3A_883 = tpu.vector_load %arg6[%swap3A_881, %swap3A_882] {strides = array<i32>} : memref<256x16xi32, #tpu.memory_space<vmem>>, vector<1x16xi32>,
        %swap3A_884 = vector.shape_cast %swap3A_883 : vector<1x16xi32> to vector<16xi32>
        %swap3A_885 = vector.shape_cast %select_n3A_880 : vector<16xi32> to vector<1x16xi32>
        tpu.vector_store %arg6[%swap3A_881, %swap3A_882], %swap3A_885 {strides = array<i32>} : memref<256x16xi32, #tpu.memory_space<vmem>>, vector<1x16xi32>,
        %add3A_886 = arith.constant 1 : i32
        %add3A_887 = arith.addi %add3A_827, %add3A_886 : i32
        %get3A_888 = arith.constant 0 : i32
        %get3A_889 = arith.index_cast %add3A_887 : i32 to index
        %get3A_890 = arith.index_cast %get3A_888 : i32 to index
        %get3A_891 = arith.constant 0 : index
        %get3A_892 = tpu.vector_load %arg4[%get3A_889, %get3A_890, %get3A_891] {strides = array<i32>} : memref<256x3x16xf32, #tpu.memory_space<vmem>>, vector<1x1x16xf32>,
        %get3A_893 = vector.shape_cast %get3A_892 : vector<1x1x16xf32> to vector<16xf32>
        %get3A_894 = arith.constant 1 : i32
        %get3A_895 = arith.index_cast %add3A_887 : i32 to index
        %get3A_896 = arith.index_cast %get3A_894 : i32 to index
        %get3A_897 = arith.constant 0 : index
        %get3A_898 = tpu.vector_load %arg4[%get3A_895, %get3A_896, %get3A_897] {strides = array<i32>} : memref<256x3x16xf32, #tpu.memory_space<vmem>>, vector<1x1x16xf32>,
        %get3A_899 = vector.shape_cast %get3A_898 : vector<1x1x16xf32> to vector<16xf32>
        %get3A_900 = arith.constant 2 : i32
        %get3A_901 = arith.index_cast %add3A_887 : i32 to index
        %get3A_902 = arith.index_cast %get3A_900 : i32 to index
        %get3A_903 = arith.constant 0 : index
        %get3A_904 = tpu.vector_load %arg4[%get3A_901, %get3A_902, %get3A_903] {strides = array<i32>} : memref<256x3x16xf32, #tpu.memory_space<vmem>>, vector<1x1x16xf32>,
        %get3A_905 = vector.shape_cast %get3A_904 : vector<1x1x16xf32> to vector<16xf32>
        %add3A_906 = vector.broadcast %scan3A_656 : f32 to vector<16xf32>
        %add3A_907 = arith.addf %get3A_893, %add3A_906 : vector<16xf32>
        %add3A_908 = vector.broadcast %scan3A_657 : f32 to vector<16xf32>
        %add3A_909 = arith.addf %get3A_899, %add3A_908 : vector<16xf32>
        %add3A_910 = vector.broadcast %scan3A_658 : f32 to vector<16xf32>
        %add3A_911 = arith.addf %get3A_905, %add3A_910 : vector<16xf32>
        %max3A_912 = arith.maximumf %add3A_907, %add3A_909 : vector<16xf32>
        %gt3A_913 = arith.cmpf ogt, %add3A_911, %max3A_912 : vector<16xf32>
        %gt3A_914 = arith.cmpf ogt, %add3A_909, %add3A_907 : vector<16xf32>
        %jit3A_915 = arith.constant 1 : i32
        %jit3A_916 = arith.constant 0 : i32
        %broadcast_in_dim3A_917 = vector.broadcast %jit3A_915 : i32 to vector<16xi32>
        %broadcast_in_dim3A_918 = vector.broadcast %jit3A_916 : i32 to vector<16xi32>
        %select_n3A_919 = arith.select %gt3A_914, %broadcast_in_dim3A_917, %broadcast_in_dim3A_918 : vector<16xi1>, vector<16xi32>
        %jit3A_920 = arith.constant 2 : i32
        %broadcast_in_dim3A_921 = vector.broadcast %jit3A_920 : i32 to vector<16xi32>
        %select_n3A_922 = arith.select %gt3A_913, %broadcast_in_dim3A_921, %select_n3A_919 : vector<16xi1>, vector<16xi32>
        %add3A_923 = vector.broadcast %scan3A_659 : f32 to vector<16xf32>
        %add3A_924 = arith.addf %get3A_905, %add3A_923 : vector<16xf32>
        %add3A_925 = vector.broadcast %scan3A_660 : f32 to vector<16xf32>
        %add3A_926 = arith.addf %get3A_899, %add3A_925 : vector<16xf32>
        %gt3A_927 = arith.cmpf ogt, %add3A_924, %add3A_926 : vector<16xf32>
        %jit3A_928 = arith.constant 2 : i32
        %jit3A_929 = arith.constant 1 : i32
        %broadcast_in_dim3A_930 = vector.broadcast %jit3A_928 : i32 to vector<16xi32>
        %broadcast_in_dim3A_931 = vector.broadcast %jit3A_929 : i32 to vector<16xi32>
        %select_n3A_932 = arith.select %gt3A_927, %broadcast_in_dim3A_930, %broadcast_in_dim3A_931 : vector<16xi1>, vector<16xi32>
        %eq3A_933 = arith.constant 2 : i32
        %eq3A_934 = vector.broadcast %eq3A_933 : i32 to vector<16xi32>
        %eq3A_935 = arith.cmpi eq, %select_n3A_880, %eq3A_934 : vector<16xi32>
        %eq3A_936 = arith.constant 1 : i32
        %eq3A_937 = vector.broadcast %eq3A_936 : i32 to vector<16xi32>
        %eq3A_938 = arith.cmpi eq, %scan3A_823, %eq3A_937 : vector<16xi32>
        %and3A_939 = arith.andi %eq3A_935, %eq3A_938 : vector<16xi1>
        %select_n3A_940 = arith.select %and3A_939, %select_n3A_932, %select_n3A_922 : vector<16xi1>, vector<16xi32>
        %swap3A_941 = arith.index_cast %add3A_887 : i32 to index
        %swap3A_942 = arith.constant 0 : index
        %swap3A_943 = tpu.vector_load %arg6[%swap3A_941, %swap3A_942] {strides = array<i32>} : memref<256x16xi32, #tpu.memory_space<vmem>>, vector<1x16xi32>,
        %swap3A_944 = vector.shape_cast %swap3A_943 : vector<1x16xi32> to vector<16xi32>
        %swap3A_945 = vector.shape_cast %select_n3A_940 : vector<16xi32> to vector<1x16xi32>
        tpu.vector_store %arg6[%swap3A_941, %swap3A_942], %swap3A_945 {strides = array<i32>} : memref<256x16xi32, #tpu.memory_space<vmem>>, vector<1x16xi32>,
        scf.yield %select_n3A_940, %select_n3A_880 : vector<16xi32>, vector<16xi32>
      }
      %scan3A_666 = arith.constant 128 : i32
      %dma_start3A_667 = arith.constant 3072 : i32
      %dma_start3A_668 = arith.constant 0 : i32
      %dma_start3A_669 = tpu.memref_slice %arg3[%arg0, %dma_start3A_667, %dma_start3A_668] : memref<2x4096x16xi32, #tpu.memory_space<hbm>> -> memref<1x256x16xi32, #tpu.memory_space<hbm>>
      %dma_start3A_670 = tpu.memref_squeeze %dma_start3A_669 : memref<1x256x16xi32, #tpu.memory_space<hbm>> -> memref<256x16xi32, #tpu.memory_space<hbm>>
      %dma_start3A_671 = arith.constant 3072 : i32
      %dma_start3A_672 = arith.constant 0 : i32
      %dma_start3A_673 = tpu.memref_slice %arg3[%arg0, %dma_start3A_671, %dma_start3A_672] : memref<2x4096x16xi32, #tpu.memory_space<hbm>> -> memref<1x256x16xi32, #tpu.memory_space<hbm>>
      %dma_start3A_674 = tpu.memref_squeeze %dma_start3A_673 : memref<1x256x16xi32, #tpu.memory_space<hbm>> -> memref<256x16xi32, #tpu.memory_space<hbm>>
      tpu.enqueue_dma source(%arg6 : memref<256x16xi32, #tpu.memory_space<vmem>>) target(%dma_start3A_674 : memref<256x16xi32, #tpu.memory_space<hbm>>) target_semaphore(%arg10 : memref<!tpu.dma_semaphore, #tpu.memory_space<semaphore_mem>>)
      %dma_start3A_675 = arith.constant 3584 : i32
      %dma_start3A_676 = arith.constant 0 : i32
      %dma_start3A_677 = arith.constant 0 : i32
      %dma_start3A_678 = tpu.memref_slice %arg2[%arg0, %dma_start3A_675, %dma_start3A_676, %dma_start3A_677] : memref<2x4096x3x16xf32, #tpu.memory_space<hbm>> -> memref<1x256x3x16xf32, #tpu.memory_space<hbm>>
      %dma_start3A_679 = tpu.memref_squeeze %dma_start3A_678 : memref<1x256x3x16xf32, #tpu.memory_space<hbm>> -> memref<256x3x16xf32, #tpu.memory_space<hbm>>
      %dma_start3A_680 = arith.constant 3584 : i32
      %dma_start3A_681 = arith.constant 0 : i32
      %dma_start3A_682 = arith.constant 0 : i32
      %dma_start3A_683 = tpu.memref_slice %arg2[%arg0, %dma_start3A_680, %dma_start3A_681, %dma_start3A_682] : memref<2x4096x3x16xf32, #tpu.memory_space<hbm>> -> memref<1x256x3x16xf32, #tpu.memory_space<hbm>>
      %dma_start3A_684 = tpu.memref_squeeze %dma_start3A_683 : memref<1x256x3x16xf32, #tpu.memory_space<hbm>> -> memref<256x3x16xf32, #tpu.memory_space<hbm>>
      tpu.enqueue_dma source(%dma_start3A_684 : memref<256x3x16xf32, #tpu.memory_space<hbm>>) target(%arg4 : memref<256x3x16xf32, #tpu.memory_space<vmem>>) target_semaphore(%arg8 : memref<!tpu.dma_semaphore, #tpu.memory_space<semaphore_mem>>)
      %dma_wait3A_685 = arith.constant 3328 : i32
      %dma_wait3A_686 = arith.constant 0 : i32
      %dma_wait3A_687 = arith.constant 0 : i32
      %dma_wait3A_688 = tpu.memref_slice %arg2[%arg0, %dma_wait3A_685, %dma_wait3A_686, %dma_wait3A_687] : memref<2x4096x3x16xf32, #tpu.memory_space<hbm>> -> memref<1x256x3x16xf32, #tpu.memory_space<hbm>>
      %dma_wait3A_689 = tpu.memref_squeeze %dma_wait3A_688 : memref<1x256x3x16xf32, #tpu.memory_space<hbm>> -> memref<256x3x16xf32, #tpu.memory_space<hbm>>
      %dma_wait3A_690 = arith.constant 3328 : i32
      %dma_wait3A_691 = arith.constant 0 : i32
      %dma_wait3A_692 = arith.constant 0 : i32
      %dma_wait3A_693 = tpu.memref_slice %arg2[%arg0, %dma_wait3A_690, %dma_wait3A_691, %dma_wait3A_692] : memref<2x4096x3x16xf32, #tpu.memory_space<hbm>> -> memref<1x256x3x16xf32, #tpu.memory_space<hbm>>
      %dma_wait3A_694 = tpu.memref_squeeze %dma_wait3A_693 : memref<1x256x3x16xf32, #tpu.memory_space<hbm>> -> memref<256x3x16xf32, #tpu.memory_space<hbm>>
      tpu.wait_dma2 semaphore(%arg9 : memref<!tpu.dma_semaphore, #tpu.memory_space<semaphore_mem>>) src(%dma_wait3A_694 : memref<256x3x16xf32, #tpu.memory_space<hbm>>) dst(%arg5 : memref<256x3x16xf32, #tpu.memory_space<vmem>>)
      %dma_wait3A_695 = arith.constant 2816 : i32
      %dma_wait3A_696 = arith.constant 0 : i32
      %dma_wait3A_697 = tpu.memref_slice %arg3[%arg0, %dma_wait3A_695, %dma_wait3A_696] : memref<2x4096x16xi32, #tpu.memory_space<hbm>> -> memref<1x256x16xi32, #tpu.memory_space<hbm>>
      %dma_wait3A_698 = tpu.memref_squeeze %dma_wait3A_697 : memref<1x256x16xi32, #tpu.memory_space<hbm>> -> memref<256x16xi32, #tpu.memory_space<hbm>>
      %dma_wait3A_699 = arith.constant 2816 : i32
      %dma_wait3A_700 = arith.constant 0 : i32
      %dma_wait3A_701 = tpu.memref_slice %arg3[%arg0, %dma_wait3A_699, %dma_wait3A_700] : memref<2x4096x16xi32, #tpu.memory_space<hbm>> -> memref<1x256x16xi32, #tpu.memory_space<hbm>>
      %dma_wait3A_702 = tpu.memref_squeeze %dma_wait3A_701 : memref<1x256x16xi32, #tpu.memory_space<hbm>> -> memref<256x16xi32, #tpu.memory_space<hbm>>
      tpu.wait_dma2 semaphore(%arg11 : memref<!tpu.dma_semaphore, #tpu.memory_space<semaphore_mem>>) src(%arg7 : memref<256x16xi32, #tpu.memory_space<vmem>>) dst(%dma_wait3A_702 : memref<256x16xi32, #tpu.memory_space<hbm>>)
      %scan3A_703 = arith.constant -2.30258512 : f32
      %scan3A_704 = arith.constant -0.223143533 : f32
      %scan3A_705 = arith.constant -2.30258512 : f32
      %scan3A_706 = arith.constant -2.19722462 : f32
      %scan3A_707 = arith.constant -0.117783032 : f32
      %scan3A_708 = arith.constant 0 : i32
      %scan3A_709 = arith.constant 128 : i32
      %scan3A_710 = arith.addi %scan3A_708, %scan3A_709 : i32
      %scan3A_711 = arith.constant 1 : i32
      %scan3A_712:2 = scf.for %scan3A_822 = %scan3A_708 to %scan3A_710 step %scan3A_711 iter_args(%scan3A_823 = %scan3A_665#0, %scan3A_824 = %scan3A_665#1) -> (vector<16xi32>, vector<16xi32>)  : i32 {
        %mul3A = arith.constant 2 : i32
        %mul3A_825 = arith.muli %mul3A, %scan3A_822 : i32
        %add3A_826 = arith.constant 0 : i32
        %add3A_827 = arith.addi %add3A_826, %mul3A_825 : i32
        %get3A_828 = arith.constant 0 : i32
        %get3A_829 = arith.index_cast %add3A_827 : i32 to index
        %get3A_830 = arith.index_cast %get3A_828 : i32 to index
        %get3A_831 = arith.constant 0 : index
        %get3A_832 = tpu.vector_load %arg5[%get3A_829, %get3A_830, %get3A_831] {strides = array<i32>} : memref<256x3x16xf32, #tpu.memory_space<vmem>>, vector<1x1x16xf32>,
        %get3A_833 = vector.shape_cast %get3A_832 : vector<1x1x16xf32> to vector<16xf32>
        %get3A_834 = arith.constant 1 : i32
        %get3A_835 = arith.index_cast %add3A_827 : i32 to index
        %get3A_836 = arith.index_cast %get3A_834 : i32 to index
        %get3A_837 = arith.constant 0 : index
        %get3A_838 = tpu.vector_load %arg5[%get3A_835, %get3A_836, %get3A_837] {strides = array<i32>} : memref<256x3x16xf32, #tpu.memory_space<vmem>>, vector<1x1x16xf32>,
        %get3A_839 = vector.shape_cast %get3A_838 : vector<1x1x16xf32> to vector<16xf32>
        %get3A_840 = arith.constant 2 : i32
        %get3A_841 = arith.index_cast %add3A_827 : i32 to index
        %get3A_842 = arith.index_cast %get3A_840 : i32 to index
        %get3A_843 = arith.constant 0 : index
        %get3A_844 = tpu.vector_load %arg5[%get3A_841, %get3A_842, %get3A_843] {strides = array<i32>} : memref<256x3x16xf32, #tpu.memory_space<vmem>>, vector<1x1x16xf32>,
        %get3A_845 = vector.shape_cast %get3A_844 : vector<1x1x16xf32> to vector<16xf32>
        %add3A_846 = vector.broadcast %scan3A_703 : f32 to vector<16xf32>
        %add3A_847 = arith.addf %get3A_833, %add3A_846 : vector<16xf32>
        %add3A_848 = vector.broadcast %scan3A_704 : f32 to vector<16xf32>
        %add3A_849 = arith.addf %get3A_839, %add3A_848 : vector<16xf32>
        %add3A_850 = vector.broadcast %scan3A_705 : f32 to vector<16xf32>
        %add3A_851 = arith.addf %get3A_845, %add3A_850 : vector<16xf32>
        %max3A_852 = arith.maximumf %add3A_847, %add3A_849 : vector<16xf32>
        %gt3A_853 = arith.cmpf ogt, %add3A_851, %max3A_852 : vector<16xf32>
        %gt3A_854 = arith.cmpf ogt, %add3A_849, %add3A_847 : vector<16xf32>
        %jit3A_855 = arith.constant 1 : i32
        %jit3A_856 = arith.constant 0 : i32
        %broadcast_in_dim3A_857 = vector.broadcast %jit3A_855 : i32 to vector<16xi32>
        %broadcast_in_dim3A_858 = vector.broadcast %jit3A_856 : i32 to vector<16xi32>
        %select_n3A_859 = arith.select %gt3A_854, %broadcast_in_dim3A_857, %broadcast_in_dim3A_858 : vector<16xi1>, vector<16xi32>
        %jit3A_860 = arith.constant 2 : i32
        %broadcast_in_dim3A_861 = vector.broadcast %jit3A_860 : i32 to vector<16xi32>
        %select_n3A_862 = arith.select %gt3A_853, %broadcast_in_dim3A_861, %select_n3A_859 : vector<16xi1>, vector<16xi32>
        %add3A_863 = vector.broadcast %scan3A_706 : f32 to vector<16xf32>
        %add3A_864 = arith.addf %get3A_845, %add3A_863 : vector<16xf32>
        %add3A_865 = vector.broadcast %scan3A_707 : f32 to vector<16xf32>
        %add3A_866 = arith.addf %get3A_839, %add3A_865 : vector<16xf32>
        %gt3A_867 = arith.cmpf ogt, %add3A_864, %add3A_866 : vector<16xf32>
        %jit3A_868 = arith.constant 2 : i32
        %jit3A_869 = arith.constant 1 : i32
        %broadcast_in_dim3A_870 = vector.broadcast %jit3A_868 : i32 to vector<16xi32>
        %broadcast_in_dim3A_871 = vector.broadcast %jit3A_869 : i32 to vector<16xi32>
        %select_n3A_872 = arith.select %gt3A_867, %broadcast_in_dim3A_870, %broadcast_in_dim3A_871 : vector<16xi1>, vector<16xi32>
        %eq3A_873 = arith.constant 2 : i32
        %eq3A_874 = vector.broadcast %eq3A_873 : i32 to vector<16xi32>
        %eq3A_875 = arith.cmpi eq, %scan3A_823, %eq3A_874 : vector<16xi32>
        %eq3A_876 = arith.constant 1 : i32
        %eq3A_877 = vector.broadcast %eq3A_876 : i32 to vector<16xi32>
        %eq3A_878 = arith.cmpi eq, %scan3A_824, %eq3A_877 : vector<16xi32>
        %and3A_879 = arith.andi %eq3A_875, %eq3A_878 : vector<16xi1>
        %select_n3A_880 = arith.select %and3A_879, %select_n3A_872, %select_n3A_862 : vector<16xi1>, vector<16xi32>
        %swap3A_881 = arith.index_cast %add3A_827 : i32 to index
        %swap3A_882 = arith.constant 0 : index
        %swap3A_883 = tpu.vector_load %arg7[%swap3A_881, %swap3A_882] {strides = array<i32>} : memref<256x16xi32, #tpu.memory_space<vmem>>, vector<1x16xi32>,
        %swap3A_884 = vector.shape_cast %swap3A_883 : vector<1x16xi32> to vector<16xi32>
        %swap3A_885 = vector.shape_cast %select_n3A_880 : vector<16xi32> to vector<1x16xi32>
        tpu.vector_store %arg7[%swap3A_881, %swap3A_882], %swap3A_885 {strides = array<i32>} : memref<256x16xi32, #tpu.memory_space<vmem>>, vector<1x16xi32>,
        %add3A_886 = arith.constant 1 : i32
        %add3A_887 = arith.addi %add3A_827, %add3A_886 : i32
        %get3A_888 = arith.constant 0 : i32
        %get3A_889 = arith.index_cast %add3A_887 : i32 to index
        %get3A_890 = arith.index_cast %get3A_888 : i32 to index
        %get3A_891 = arith.constant 0 : index
        %get3A_892 = tpu.vector_load %arg5[%get3A_889, %get3A_890, %get3A_891] {strides = array<i32>} : memref<256x3x16xf32, #tpu.memory_space<vmem>>, vector<1x1x16xf32>,
        %get3A_893 = vector.shape_cast %get3A_892 : vector<1x1x16xf32> to vector<16xf32>
        %get3A_894 = arith.constant 1 : i32
        %get3A_895 = arith.index_cast %add3A_887 : i32 to index
        %get3A_896 = arith.index_cast %get3A_894 : i32 to index
        %get3A_897 = arith.constant 0 : index
        %get3A_898 = tpu.vector_load %arg5[%get3A_895, %get3A_896, %get3A_897] {strides = array<i32>} : memref<256x3x16xf32, #tpu.memory_space<vmem>>, vector<1x1x16xf32>,
        %get3A_899 = vector.shape_cast %get3A_898 : vector<1x1x16xf32> to vector<16xf32>
        %get3A_900 = arith.constant 2 : i32
        %get3A_901 = arith.index_cast %add3A_887 : i32 to index
        %get3A_902 = arith.index_cast %get3A_900 : i32 to index
        %get3A_903 = arith.constant 0 : index
        %get3A_904 = tpu.vector_load %arg5[%get3A_901, %get3A_902, %get3A_903] {strides = array<i32>} : memref<256x3x16xf32, #tpu.memory_space<vmem>>, vector<1x1x16xf32>,
        %get3A_905 = vector.shape_cast %get3A_904 : vector<1x1x16xf32> to vector<16xf32>
        %add3A_906 = vector.broadcast %scan3A_703 : f32 to vector<16xf32>
        %add3A_907 = arith.addf %get3A_893, %add3A_906 : vector<16xf32>
        %add3A_908 = vector.broadcast %scan3A_704 : f32 to vector<16xf32>
        %add3A_909 = arith.addf %get3A_899, %add3A_908 : vector<16xf32>
        %add3A_910 = vector.broadcast %scan3A_705 : f32 to vector<16xf32>
        %add3A_911 = arith.addf %get3A_905, %add3A_910 : vector<16xf32>
        %max3A_912 = arith.maximumf %add3A_907, %add3A_909 : vector<16xf32>
        %gt3A_913 = arith.cmpf ogt, %add3A_911, %max3A_912 : vector<16xf32>
        %gt3A_914 = arith.cmpf ogt, %add3A_909, %add3A_907 : vector<16xf32>
        %jit3A_915 = arith.constant 1 : i32
        %jit3A_916 = arith.constant 0 : i32
        %broadcast_in_dim3A_917 = vector.broadcast %jit3A_915 : i32 to vector<16xi32>
        %broadcast_in_dim3A_918 = vector.broadcast %jit3A_916 : i32 to vector<16xi32>
        %select_n3A_919 = arith.select %gt3A_914, %broadcast_in_dim3A_917, %broadcast_in_dim3A_918 : vector<16xi1>, vector<16xi32>
        %jit3A_920 = arith.constant 2 : i32
        %broadcast_in_dim3A_921 = vector.broadcast %jit3A_920 : i32 to vector<16xi32>
        %select_n3A_922 = arith.select %gt3A_913, %broadcast_in_dim3A_921, %select_n3A_919 : vector<16xi1>, vector<16xi32>
        %add3A_923 = vector.broadcast %scan3A_706 : f32 to vector<16xf32>
        %add3A_924 = arith.addf %get3A_905, %add3A_923 : vector<16xf32>
        %add3A_925 = vector.broadcast %scan3A_707 : f32 to vector<16xf32>
        %add3A_926 = arith.addf %get3A_899, %add3A_925 : vector<16xf32>
        %gt3A_927 = arith.cmpf ogt, %add3A_924, %add3A_926 : vector<16xf32>
        %jit3A_928 = arith.constant 2 : i32
        %jit3A_929 = arith.constant 1 : i32
        %broadcast_in_dim3A_930 = vector.broadcast %jit3A_928 : i32 to vector<16xi32>
        %broadcast_in_dim3A_931 = vector.broadcast %jit3A_929 : i32 to vector<16xi32>
        %select_n3A_932 = arith.select %gt3A_927, %broadcast_in_dim3A_930, %broadcast_in_dim3A_931 : vector<16xi1>, vector<16xi32>
        %eq3A_933 = arith.constant 2 : i32
        %eq3A_934 = vector.broadcast %eq3A_933 : i32 to vector<16xi32>
        %eq3A_935 = arith.cmpi eq, %select_n3A_880, %eq3A_934 : vector<16xi32>
        %eq3A_936 = arith.constant 1 : i32
        %eq3A_937 = vector.broadcast %eq3A_936 : i32 to vector<16xi32>
        %eq3A_938 = arith.cmpi eq, %scan3A_823, %eq3A_937 : vector<16xi32>
        %and3A_939 = arith.andi %eq3A_935, %eq3A_938 : vector<16xi1>
        %select_n3A_940 = arith.select %and3A_939, %select_n3A_932, %select_n3A_922 : vector<16xi1>, vector<16xi32>
        %swap3A_941 = arith.index_cast %add3A_887 : i32 to index
        %swap3A_942 = arith.constant 0 : index
        %swap3A_943 = tpu.vector_load %arg7[%swap3A_941, %swap3A_942] {strides = array<i32>} : memref<256x16xi32, #tpu.memory_space<vmem>>, vector<1x16xi32>,
        %swap3A_944 = vector.shape_cast %swap3A_943 : vector<1x16xi32> to vector<16xi32>
        %swap3A_945 = vector.shape_cast %select_n3A_940 : vector<16xi32> to vector<1x16xi32>
        tpu.vector_store %arg7[%swap3A_941, %swap3A_942], %swap3A_945 {strides = array<i32>} : memref<256x16xi32, #tpu.memory_space<vmem>>, vector<1x16xi32>,
        scf.yield %select_n3A_940, %select_n3A_880 : vector<16xi32>, vector<16xi32>
      }
      %scan3A_713 = arith.constant 128 : i32
      %dma_start3A_714 = arith.constant 3328 : i32
      %dma_start3A_715 = arith.constant 0 : i32
      %dma_start3A_716 = tpu.memref_slice %arg3[%arg0, %dma_start3A_714, %dma_start3A_715] : memref<2x4096x16xi32, #tpu.memory_space<hbm>> -> memref<1x256x16xi32, #tpu.memory_space<hbm>>
      %dma_start3A_717 = tpu.memref_squeeze %dma_start3A_716 : memref<1x256x16xi32, #tpu.memory_space<hbm>> -> memref<256x16xi32, #tpu.memory_space<hbm>>
      %dma_start3A_718 = arith.constant 3328 : i32
      %dma_start3A_719 = arith.constant 0 : i32
      %dma_start3A_720 = tpu.memref_slice %arg3[%arg0, %dma_start3A_718, %dma_start3A_719] : memref<2x4096x16xi32, #tpu.memory_space<hbm>> -> memref<1x256x16xi32, #tpu.memory_space<hbm>>
      %dma_start3A_721 = tpu.memref_squeeze %dma_start3A_720 : memref<1x256x16xi32, #tpu.memory_space<hbm>> -> memref<256x16xi32, #tpu.memory_space<hbm>>
      tpu.enqueue_dma source(%arg7 : memref<256x16xi32, #tpu.memory_space<vmem>>) target(%dma_start3A_721 : memref<256x16xi32, #tpu.memory_space<hbm>>) target_semaphore(%arg11 : memref<!tpu.dma_semaphore, #tpu.memory_space<semaphore_mem>>)
      %dma_start3A_722 = arith.constant 3840 : i32
      %dma_start3A_723 = arith.constant 0 : i32
      %dma_start3A_724 = arith.constant 0 : i32
      %dma_start3A_725 = tpu.memref_slice %arg2[%arg0, %dma_start3A_722, %dma_start3A_723, %dma_start3A_724] : memref<2x4096x3x16xf32, #tpu.memory_space<hbm>> -> memref<1x256x3x16xf32, #tpu.memory_space<hbm>>
      %dma_start3A_726 = tpu.memref_squeeze %dma_start3A_725 : memref<1x256x3x16xf32, #tpu.memory_space<hbm>> -> memref<256x3x16xf32, #tpu.memory_space<hbm>>
      %dma_start3A_727 = arith.constant 3840 : i32
      %dma_start3A_728 = arith.constant 0 : i32
      %dma_start3A_729 = arith.constant 0 : i32
      %dma_start3A_730 = tpu.memref_slice %arg2[%arg0, %dma_start3A_727, %dma_start3A_728, %dma_start3A_729] : memref<2x4096x3x16xf32, #tpu.memory_space<hbm>> -> memref<1x256x3x16xf32, #tpu.memory_space<hbm>>
      %dma_start3A_731 = tpu.memref_squeeze %dma_start3A_730 : memref<1x256x3x16xf32, #tpu.memory_space<hbm>> -> memref<256x3x16xf32, #tpu.memory_space<hbm>>
      tpu.enqueue_dma source(%dma_start3A_731 : memref<256x3x16xf32, #tpu.memory_space<hbm>>) target(%arg5 : memref<256x3x16xf32, #tpu.memory_space<vmem>>) target_semaphore(%arg9 : memref<!tpu.dma_semaphore, #tpu.memory_space<semaphore_mem>>)
      %dma_wait3A_732 = arith.constant 3584 : i32
      %dma_wait3A_733 = arith.constant 0 : i32
      %dma_wait3A_734 = arith.constant 0 : i32
      %dma_wait3A_735 = tpu.memref_slice %arg2[%arg0, %dma_wait3A_732, %dma_wait3A_733, %dma_wait3A_734] : memref<2x4096x3x16xf32, #tpu.memory_space<hbm>> -> memref<1x256x3x16xf32, #tpu.memory_space<hbm>>
      %dma_wait3A_736 = tpu.memref_squeeze %dma_wait3A_735 : memref<1x256x3x16xf32, #tpu.memory_space<hbm>> -> memref<256x3x16xf32, #tpu.memory_space<hbm>>
      %dma_wait3A_737 = arith.constant 3584 : i32
      %dma_wait3A_738 = arith.constant 0 : i32
      %dma_wait3A_739 = arith.constant 0 : i32
      %dma_wait3A_740 = tpu.memref_slice %arg2[%arg0, %dma_wait3A_737, %dma_wait3A_738, %dma_wait3A_739] : memref<2x4096x3x16xf32, #tpu.memory_space<hbm>> -> memref<1x256x3x16xf32, #tpu.memory_space<hbm>>
      %dma_wait3A_741 = tpu.memref_squeeze %dma_wait3A_740 : memref<1x256x3x16xf32, #tpu.memory_space<hbm>> -> memref<256x3x16xf32, #tpu.memory_space<hbm>>
      tpu.wait_dma2 semaphore(%arg8 : memref<!tpu.dma_semaphore, #tpu.memory_space<semaphore_mem>>) src(%dma_wait3A_741 : memref<256x3x16xf32, #tpu.memory_space<hbm>>) dst(%arg4 : memref<256x3x16xf32, #tpu.memory_space<vmem>>)
      %dma_wait3A_742 = arith.constant 3072 : i32
      %dma_wait3A_743 = arith.constant 0 : i32
      %dma_wait3A_744 = tpu.memref_slice %arg3[%arg0, %dma_wait3A_742, %dma_wait3A_743] : memref<2x4096x16xi32, #tpu.memory_space<hbm>> -> memref<1x256x16xi32, #tpu.memory_space<hbm>>
      %dma_wait3A_745 = tpu.memref_squeeze %dma_wait3A_744 : memref<1x256x16xi32, #tpu.memory_space<hbm>> -> memref<256x16xi32, #tpu.memory_space<hbm>>
      %dma_wait3A_746 = arith.constant 3072 : i32
      %dma_wait3A_747 = arith.constant 0 : i32
      %dma_wait3A_748 = tpu.memref_slice %arg3[%arg0, %dma_wait3A_746, %dma_wait3A_747] : memref<2x4096x16xi32, #tpu.memory_space<hbm>> -> memref<1x256x16xi32, #tpu.memory_space<hbm>>
      %dma_wait3A_749 = tpu.memref_squeeze %dma_wait3A_748 : memref<1x256x16xi32, #tpu.memory_space<hbm>> -> memref<256x16xi32, #tpu.memory_space<hbm>>
      tpu.wait_dma2 semaphore(%arg10 : memref<!tpu.dma_semaphore, #tpu.memory_space<semaphore_mem>>) src(%arg6 : memref<256x16xi32, #tpu.memory_space<vmem>>) dst(%dma_wait3A_749 : memref<256x16xi32, #tpu.memory_space<hbm>>)
      %scan3A_750 = arith.constant -2.30258512 : f32
      %scan3A_751 = arith.constant -0.223143533 : f32
      %scan3A_752 = arith.constant -2.30258512 : f32
      %scan3A_753 = arith.constant -2.19722462 : f32
      %scan3A_754 = arith.constant -0.117783032 : f32
      %scan3A_755 = arith.constant 0 : i32
      %scan3A_756 = arith.constant 128 : i32
      %scan3A_757 = arith.addi %scan3A_755, %scan3A_756 : i32
      %scan3A_758 = arith.constant 1 : i32
      %scan3A_759:2 = scf.for %scan3A_822 = %scan3A_755 to %scan3A_757 step %scan3A_758 iter_args(%scan3A_823 = %scan3A_712#0, %scan3A_824 = %scan3A_712#1) -> (vector<16xi32>, vector<16xi32>)  : i32 {
        %mul3A = arith.constant 2 : i32
        %mul3A_825 = arith.muli %mul3A, %scan3A_822 : i32
        %add3A_826 = arith.constant 0 : i32
        %add3A_827 = arith.addi %add3A_826, %mul3A_825 : i32
        %get3A_828 = arith.constant 0 : i32
        %get3A_829 = arith.index_cast %add3A_827 : i32 to index
        %get3A_830 = arith.index_cast %get3A_828 : i32 to index
        %get3A_831 = arith.constant 0 : index
        %get3A_832 = tpu.vector_load %arg4[%get3A_829, %get3A_830, %get3A_831] {strides = array<i32>} : memref<256x3x16xf32, #tpu.memory_space<vmem>>, vector<1x1x16xf32>,
        %get3A_833 = vector.shape_cast %get3A_832 : vector<1x1x16xf32> to vector<16xf32>
        %get3A_834 = arith.constant 1 : i32
        %get3A_835 = arith.index_cast %add3A_827 : i32 to index
        %get3A_836 = arith.index_cast %get3A_834 : i32 to index
        %get3A_837 = arith.constant 0 : index
        %get3A_838 = tpu.vector_load %arg4[%get3A_835, %get3A_836, %get3A_837] {strides = array<i32>} : memref<256x3x16xf32, #tpu.memory_space<vmem>>, vector<1x1x16xf32>,
        %get3A_839 = vector.shape_cast %get3A_838 : vector<1x1x16xf32> to vector<16xf32>
        %get3A_840 = arith.constant 2 : i32
        %get3A_841 = arith.index_cast %add3A_827 : i32 to index
        %get3A_842 = arith.index_cast %get3A_840 : i32 to index
        %get3A_843 = arith.constant 0 : index
        %get3A_844 = tpu.vector_load %arg4[%get3A_841, %get3A_842, %get3A_843] {strides = array<i32>} : memref<256x3x16xf32, #tpu.memory_space<vmem>>, vector<1x1x16xf32>,
        %get3A_845 = vector.shape_cast %get3A_844 : vector<1x1x16xf32> to vector<16xf32>
        %add3A_846 = vector.broadcast %scan3A_750 : f32 to vector<16xf32>
        %add3A_847 = arith.addf %get3A_833, %add3A_846 : vector<16xf32>
        %add3A_848 = vector.broadcast %scan3A_751 : f32 to vector<16xf32>
        %add3A_849 = arith.addf %get3A_839, %add3A_848 : vector<16xf32>
        %add3A_850 = vector.broadcast %scan3A_752 : f32 to vector<16xf32>
        %add3A_851 = arith.addf %get3A_845, %add3A_850 : vector<16xf32>
        %max3A_852 = arith.maximumf %add3A_847, %add3A_849 : vector<16xf32>
        %gt3A_853 = arith.cmpf ogt, %add3A_851, %max3A_852 : vector<16xf32>
        %gt3A_854 = arith.cmpf ogt, %add3A_849, %add3A_847 : vector<16xf32>
        %jit3A_855 = arith.constant 1 : i32
        %jit3A_856 = arith.constant 0 : i32
        %broadcast_in_dim3A_857 = vector.broadcast %jit3A_855 : i32 to vector<16xi32>
        %broadcast_in_dim3A_858 = vector.broadcast %jit3A_856 : i32 to vector<16xi32>
        %select_n3A_859 = arith.select %gt3A_854, %broadcast_in_dim3A_857, %broadcast_in_dim3A_858 : vector<16xi1>, vector<16xi32>
        %jit3A_860 = arith.constant 2 : i32
        %broadcast_in_dim3A_861 = vector.broadcast %jit3A_860 : i32 to vector<16xi32>
        %select_n3A_862 = arith.select %gt3A_853, %broadcast_in_dim3A_861, %select_n3A_859 : vector<16xi1>, vector<16xi32>
        %add3A_863 = vector.broadcast %scan3A_753 : f32 to vector<16xf32>
        %add3A_864 = arith.addf %get3A_845, %add3A_863 : vector<16xf32>
        %add3A_865 = vector.broadcast %scan3A_754 : f32 to vector<16xf32>
        %add3A_866 = arith.addf %get3A_839, %add3A_865 : vector<16xf32>
        %gt3A_867 = arith.cmpf ogt, %add3A_864, %add3A_866 : vector<16xf32>
        %jit3A_868 = arith.constant 2 : i32
        %jit3A_869 = arith.constant 1 : i32
        %broadcast_in_dim3A_870 = vector.broadcast %jit3A_868 : i32 to vector<16xi32>
        %broadcast_in_dim3A_871 = vector.broadcast %jit3A_869 : i32 to vector<16xi32>
        %select_n3A_872 = arith.select %gt3A_867, %broadcast_in_dim3A_870, %broadcast_in_dim3A_871 : vector<16xi1>, vector<16xi32>
        %eq3A_873 = arith.constant 2 : i32
        %eq3A_874 = vector.broadcast %eq3A_873 : i32 to vector<16xi32>
        %eq3A_875 = arith.cmpi eq, %scan3A_823, %eq3A_874 : vector<16xi32>
        %eq3A_876 = arith.constant 1 : i32
        %eq3A_877 = vector.broadcast %eq3A_876 : i32 to vector<16xi32>
        %eq3A_878 = arith.cmpi eq, %scan3A_824, %eq3A_877 : vector<16xi32>
        %and3A_879 = arith.andi %eq3A_875, %eq3A_878 : vector<16xi1>
        %select_n3A_880 = arith.select %and3A_879, %select_n3A_872, %select_n3A_862 : vector<16xi1>, vector<16xi32>
        %swap3A_881 = arith.index_cast %add3A_827 : i32 to index
        %swap3A_882 = arith.constant 0 : index
        %swap3A_883 = tpu.vector_load %arg6[%swap3A_881, %swap3A_882] {strides = array<i32>} : memref<256x16xi32, #tpu.memory_space<vmem>>, vector<1x16xi32>,
        %swap3A_884 = vector.shape_cast %swap3A_883 : vector<1x16xi32> to vector<16xi32>
        %swap3A_885 = vector.shape_cast %select_n3A_880 : vector<16xi32> to vector<1x16xi32>
        tpu.vector_store %arg6[%swap3A_881, %swap3A_882], %swap3A_885 {strides = array<i32>} : memref<256x16xi32, #tpu.memory_space<vmem>>, vector<1x16xi32>,
        %add3A_886 = arith.constant 1 : i32
        %add3A_887 = arith.addi %add3A_827, %add3A_886 : i32
        %get3A_888 = arith.constant 0 : i32
        %get3A_889 = arith.index_cast %add3A_887 : i32 to index
        %get3A_890 = arith.index_cast %get3A_888 : i32 to index
        %get3A_891 = arith.constant 0 : index
        %get3A_892 = tpu.vector_load %arg4[%get3A_889, %get3A_890, %get3A_891] {strides = array<i32>} : memref<256x3x16xf32, #tpu.memory_space<vmem>>, vector<1x1x16xf32>,
        %get3A_893 = vector.shape_cast %get3A_892 : vector<1x1x16xf32> to vector<16xf32>
        %get3A_894 = arith.constant 1 : i32
        %get3A_895 = arith.index_cast %add3A_887 : i32 to index
        %get3A_896 = arith.index_cast %get3A_894 : i32 to index
        %get3A_897 = arith.constant 0 : index
        %get3A_898 = tpu.vector_load %arg4[%get3A_895, %get3A_896, %get3A_897] {strides = array<i32>} : memref<256x3x16xf32, #tpu.memory_space<vmem>>, vector<1x1x16xf32>,
        %get3A_899 = vector.shape_cast %get3A_898 : vector<1x1x16xf32> to vector<16xf32>
        %get3A_900 = arith.constant 2 : i32
        %get3A_901 = arith.index_cast %add3A_887 : i32 to index
        %get3A_902 = arith.index_cast %get3A_900 : i32 to index
        %get3A_903 = arith.constant 0 : index
        %get3A_904 = tpu.vector_load %arg4[%get3A_901, %get3A_902, %get3A_903] {strides = array<i32>} : memref<256x3x16xf32, #tpu.memory_space<vmem>>, vector<1x1x16xf32>,
        %get3A_905 = vector.shape_cast %get3A_904 : vector<1x1x16xf32> to vector<16xf32>
        %add3A_906 = vector.broadcast %scan3A_750 : f32 to vector<16xf32>
        %add3A_907 = arith.addf %get3A_893, %add3A_906 : vector<16xf32>
        %add3A_908 = vector.broadcast %scan3A_751 : f32 to vector<16xf32>
        %add3A_909 = arith.addf %get3A_899, %add3A_908 : vector<16xf32>
        %add3A_910 = vector.broadcast %scan3A_752 : f32 to vector<16xf32>
        %add3A_911 = arith.addf %get3A_905, %add3A_910 : vector<16xf32>
        %max3A_912 = arith.maximumf %add3A_907, %add3A_909 : vector<16xf32>
        %gt3A_913 = arith.cmpf ogt, %add3A_911, %max3A_912 : vector<16xf32>
        %gt3A_914 = arith.cmpf ogt, %add3A_909, %add3A_907 : vector<16xf32>
        %jit3A_915 = arith.constant 1 : i32
        %jit3A_916 = arith.constant 0 : i32
        %broadcast_in_dim3A_917 = vector.broadcast %jit3A_915 : i32 to vector<16xi32>
        %broadcast_in_dim3A_918 = vector.broadcast %jit3A_916 : i32 to vector<16xi32>
        %select_n3A_919 = arith.select %gt3A_914, %broadcast_in_dim3A_917, %broadcast_in_dim3A_918 : vector<16xi1>, vector<16xi32>
        %jit3A_920 = arith.constant 2 : i32
        %broadcast_in_dim3A_921 = vector.broadcast %jit3A_920 : i32 to vector<16xi32>
        %select_n3A_922 = arith.select %gt3A_913, %broadcast_in_dim3A_921, %select_n3A_919 : vector<16xi1>, vector<16xi32>
        %add3A_923 = vector.broadcast %scan3A_753 : f32 to vector<16xf32>
        %add3A_924 = arith.addf %get3A_905, %add3A_923 : vector<16xf32>
        %add3A_925 = vector.broadcast %scan3A_754 : f32 to vector<16xf32>
        %add3A_926 = arith.addf %get3A_899, %add3A_925 : vector<16xf32>
        %gt3A_927 = arith.cmpf ogt, %add3A_924, %add3A_926 : vector<16xf32>
        %jit3A_928 = arith.constant 2 : i32
        %jit3A_929 = arith.constant 1 : i32
        %broadcast_in_dim3A_930 = vector.broadcast %jit3A_928 : i32 to vector<16xi32>
        %broadcast_in_dim3A_931 = vector.broadcast %jit3A_929 : i32 to vector<16xi32>
        %select_n3A_932 = arith.select %gt3A_927, %broadcast_in_dim3A_930, %broadcast_in_dim3A_931 : vector<16xi1>, vector<16xi32>
        %eq3A_933 = arith.constant 2 : i32
        %eq3A_934 = vector.broadcast %eq3A_933 : i32 to vector<16xi32>
        %eq3A_935 = arith.cmpi eq, %select_n3A_880, %eq3A_934 : vector<16xi32>
        %eq3A_936 = arith.constant 1 : i32
        %eq3A_937 = vector.broadcast %eq3A_936 : i32 to vector<16xi32>
        %eq3A_938 = arith.cmpi eq, %scan3A_823, %eq3A_937 : vector<16xi32>
        %and3A_939 = arith.andi %eq3A_935, %eq3A_938 : vector<16xi1>
        %select_n3A_940 = arith.select %and3A_939, %select_n3A_932, %select_n3A_922 : vector<16xi1>, vector<16xi32>
        %swap3A_941 = arith.index_cast %add3A_887 : i32 to index
        %swap3A_942 = arith.constant 0 : index
        %swap3A_943 = tpu.vector_load %arg6[%swap3A_941, %swap3A_942] {strides = array<i32>} : memref<256x16xi32, #tpu.memory_space<vmem>>, vector<1x16xi32>,
        %swap3A_944 = vector.shape_cast %swap3A_943 : vector<1x16xi32> to vector<16xi32>
        %swap3A_945 = vector.shape_cast %select_n3A_940 : vector<16xi32> to vector<1x16xi32>
        tpu.vector_store %arg6[%swap3A_941, %swap3A_942], %swap3A_945 {strides = array<i32>} : memref<256x16xi32, #tpu.memory_space<vmem>>, vector<1x16xi32>,
        scf.yield %select_n3A_940, %select_n3A_880 : vector<16xi32>, vector<16xi32>
      }
      %scan3A_760 = arith.constant 128 : i32
      %dma_start3A_761 = arith.constant 3584 : i32
      %dma_start3A_762 = arith.constant 0 : i32
      %dma_start3A_763 = tpu.memref_slice %arg3[%arg0, %dma_start3A_761, %dma_start3A_762] : memref<2x4096x16xi32, #tpu.memory_space<hbm>> -> memref<1x256x16xi32, #tpu.memory_space<hbm>>
      %dma_start3A_764 = tpu.memref_squeeze %dma_start3A_763 : memref<1x256x16xi32, #tpu.memory_space<hbm>> -> memref<256x16xi32, #tpu.memory_space<hbm>>
      %dma_start3A_765 = arith.constant 3584 : i32
      %dma_start3A_766 = arith.constant 0 : i32
      %dma_start3A_767 = tpu.memref_slice %arg3[%arg0, %dma_start3A_765, %dma_start3A_766] : memref<2x4096x16xi32, #tpu.memory_space<hbm>> -> memref<1x256x16xi32, #tpu.memory_space<hbm>>
      %dma_start3A_768 = tpu.memref_squeeze %dma_start3A_767 : memref<1x256x16xi32, #tpu.memory_space<hbm>> -> memref<256x16xi32, #tpu.memory_space<hbm>>
      tpu.enqueue_dma source(%arg6 : memref<256x16xi32, #tpu.memory_space<vmem>>) target(%dma_start3A_768 : memref<256x16xi32, #tpu.memory_space<hbm>>) target_semaphore(%arg10 : memref<!tpu.dma_semaphore, #tpu.memory_space<semaphore_mem>>)
      %dma_wait3A_769 = arith.constant 3840 : i32
      %dma_wait3A_770 = arith.constant 0 : i32
      %dma_wait3A_771 = arith.constant 0 : i32
      %dma_wait3A_772 = tpu.memref_slice %arg2[%arg0, %dma_wait3A_769, %dma_wait3A_770, %dma_wait3A_771] : memref<2x4096x3x16xf32, #tpu.memory_space<hbm>> -> memref<1x256x3x16xf32, #tpu.memory_space<hbm>>
      %dma_wait3A_773 = tpu.memref_squeeze %dma_wait3A_772 : memref<1x256x3x16xf32, #tpu.memory_space<hbm>> -> memref<256x3x16xf32, #tpu.memory_space<hbm>>
      %dma_wait3A_774 = arith.constant 3840 : i32
      %dma_wait3A_775 = arith.constant 0 : i32
      %dma_wait3A_776 = arith.constant 0 : i32
      %dma_wait3A_777 = tpu.memref_slice %arg2[%arg0, %dma_wait3A_774, %dma_wait3A_775, %dma_wait3A_776] : memref<2x4096x3x16xf32, #tpu.memory_space<hbm>> -> memref<1x256x3x16xf32, #tpu.memory_space<hbm>>
      %dma_wait3A_778 = tpu.memref_squeeze %dma_wait3A_777 : memref<1x256x3x16xf32, #tpu.memory_space<hbm>> -> memref<256x3x16xf32, #tpu.memory_space<hbm>>
      tpu.wait_dma2 semaphore(%arg9 : memref<!tpu.dma_semaphore, #tpu.memory_space<semaphore_mem>>) src(%dma_wait3A_778 : memref<256x3x16xf32, #tpu.memory_space<hbm>>) dst(%arg5 : memref<256x3x16xf32, #tpu.memory_space<vmem>>)
      %dma_wait3A_779 = arith.constant 3328 : i32
      %dma_wait3A_780 = arith.constant 0 : i32
      %dma_wait3A_781 = tpu.memref_slice %arg3[%arg0, %dma_wait3A_779, %dma_wait3A_780] : memref<2x4096x16xi32, #tpu.memory_space<hbm>> -> memref<1x256x16xi32, #tpu.memory_space<hbm>>
      %dma_wait3A_782 = tpu.memref_squeeze %dma_wait3A_781 : memref<1x256x16xi32, #tpu.memory_space<hbm>> -> memref<256x16xi32, #tpu.memory_space<hbm>>
      %dma_wait3A_783 = arith.constant 3328 : i32
      %dma_wait3A_784 = arith.constant 0 : i32
      %dma_wait3A_785 = tpu.memref_slice %arg3[%arg0, %dma_wait3A_783, %dma_wait3A_784] : memref<2x4096x16xi32, #tpu.memory_space<hbm>> -> memref<1x256x16xi32, #tpu.memory_space<hbm>>
      %dma_wait3A_786 = tpu.memref_squeeze %dma_wait3A_785 : memref<1x256x16xi32, #tpu.memory_space<hbm>> -> memref<256x16xi32, #tpu.memory_space<hbm>>
      tpu.wait_dma2 semaphore(%arg11 : memref<!tpu.dma_semaphore, #tpu.memory_space<semaphore_mem>>) src(%arg7 : memref<256x16xi32, #tpu.memory_space<vmem>>) dst(%dma_wait3A_786 : memref<256x16xi32, #tpu.memory_space<hbm>>)
      %scan3A_787 = arith.constant -2.30258512 : f32
      %scan3A_788 = arith.constant -0.223143533 : f32
      %scan3A_789 = arith.constant -2.30258512 : f32
      %scan3A_790 = arith.constant -2.19722462 : f32
      %scan3A_791 = arith.constant -0.117783032 : f32
      %scan3A_792 = arith.constant 0 : i32
      %scan3A_793 = arith.constant 128 : i32
      %scan3A_794 = arith.addi %scan3A_792, %scan3A_793 : i32
      %scan3A_795 = arith.constant 1 : i32
      %scan3A_796:2 = scf.for %scan3A_822 = %scan3A_792 to %scan3A_794 step %scan3A_795 iter_args(%scan3A_823 = %scan3A_759#0, %scan3A_824 = %scan3A_759#1) -> (vector<16xi32>, vector<16xi32>)  : i32 {
        %mul3A = arith.constant 2 : i32
        %mul3A_825 = arith.muli %mul3A, %scan3A_822 : i32
        %add3A_826 = arith.constant 0 : i32
        %add3A_827 = arith.addi %add3A_826, %mul3A_825 : i32
        %get3A_828 = arith.constant 0 : i32
        %get3A_829 = arith.index_cast %add3A_827 : i32 to index
        %get3A_830 = arith.index_cast %get3A_828 : i32 to index
        %get3A_831 = arith.constant 0 : index
        %get3A_832 = tpu.vector_load %arg5[%get3A_829, %get3A_830, %get3A_831] {strides = array<i32>} : memref<256x3x16xf32, #tpu.memory_space<vmem>>, vector<1x1x16xf32>,
        %get3A_833 = vector.shape_cast %get3A_832 : vector<1x1x16xf32> to vector<16xf32>
        %get3A_834 = arith.constant 1 : i32
        %get3A_835 = arith.index_cast %add3A_827 : i32 to index
        %get3A_836 = arith.index_cast %get3A_834 : i32 to index
        %get3A_837 = arith.constant 0 : index
        %get3A_838 = tpu.vector_load %arg5[%get3A_835, %get3A_836, %get3A_837] {strides = array<i32>} : memref<256x3x16xf32, #tpu.memory_space<vmem>>, vector<1x1x16xf32>,
        %get3A_839 = vector.shape_cast %get3A_838 : vector<1x1x16xf32> to vector<16xf32>
        %get3A_840 = arith.constant 2 : i32
        %get3A_841 = arith.index_cast %add3A_827 : i32 to index
        %get3A_842 = arith.index_cast %get3A_840 : i32 to index
        %get3A_843 = arith.constant 0 : index
        %get3A_844 = tpu.vector_load %arg5[%get3A_841, %get3A_842, %get3A_843] {strides = array<i32>} : memref<256x3x16xf32, #tpu.memory_space<vmem>>, vector<1x1x16xf32>,
        %get3A_845 = vector.shape_cast %get3A_844 : vector<1x1x16xf32> to vector<16xf32>
        %add3A_846 = vector.broadcast %scan3A_787 : f32 to vector<16xf32>
        %add3A_847 = arith.addf %get3A_833, %add3A_846 : vector<16xf32>
        %add3A_848 = vector.broadcast %scan3A_788 : f32 to vector<16xf32>
        %add3A_849 = arith.addf %get3A_839, %add3A_848 : vector<16xf32>
        %add3A_850 = vector.broadcast %scan3A_789 : f32 to vector<16xf32>
        %add3A_851 = arith.addf %get3A_845, %add3A_850 : vector<16xf32>
        %max3A_852 = arith.maximumf %add3A_847, %add3A_849 : vector<16xf32>
        %gt3A_853 = arith.cmpf ogt, %add3A_851, %max3A_852 : vector<16xf32>
        %gt3A_854 = arith.cmpf ogt, %add3A_849, %add3A_847 : vector<16xf32>
        %jit3A_855 = arith.constant 1 : i32
        %jit3A_856 = arith.constant 0 : i32
        %broadcast_in_dim3A_857 = vector.broadcast %jit3A_855 : i32 to vector<16xi32>
        %broadcast_in_dim3A_858 = vector.broadcast %jit3A_856 : i32 to vector<16xi32>
        %select_n3A_859 = arith.select %gt3A_854, %broadcast_in_dim3A_857, %broadcast_in_dim3A_858 : vector<16xi1>, vector<16xi32>
        %jit3A_860 = arith.constant 2 : i32
        %broadcast_in_dim3A_861 = vector.broadcast %jit3A_860 : i32 to vector<16xi32>
        %select_n3A_862 = arith.select %gt3A_853, %broadcast_in_dim3A_861, %select_n3A_859 : vector<16xi1>, vector<16xi32>
        %add3A_863 = vector.broadcast %scan3A_790 : f32 to vector<16xf32>
        %add3A_864 = arith.addf %get3A_845, %add3A_863 : vector<16xf32>
        %add3A_865 = vector.broadcast %scan3A_791 : f32 to vector<16xf32>
        %add3A_866 = arith.addf %get3A_839, %add3A_865 : vector<16xf32>
        %gt3A_867 = arith.cmpf ogt, %add3A_864, %add3A_866 : vector<16xf32>
        %jit3A_868 = arith.constant 2 : i32
        %jit3A_869 = arith.constant 1 : i32
        %broadcast_in_dim3A_870 = vector.broadcast %jit3A_868 : i32 to vector<16xi32>
        %broadcast_in_dim3A_871 = vector.broadcast %jit3A_869 : i32 to vector<16xi32>
        %select_n3A_872 = arith.select %gt3A_867, %broadcast_in_dim3A_870, %broadcast_in_dim3A_871 : vector<16xi1>, vector<16xi32>
        %eq3A_873 = arith.constant 2 : i32
        %eq3A_874 = vector.broadcast %eq3A_873 : i32 to vector<16xi32>
        %eq3A_875 = arith.cmpi eq, %scan3A_823, %eq3A_874 : vector<16xi32>
        %eq3A_876 = arith.constant 1 : i32
        %eq3A_877 = vector.broadcast %eq3A_876 : i32 to vector<16xi32>
        %eq3A_878 = arith.cmpi eq, %scan3A_824, %eq3A_877 : vector<16xi32>
        %and3A_879 = arith.andi %eq3A_875, %eq3A_878 : vector<16xi1>
        %select_n3A_880 = arith.select %and3A_879, %select_n3A_872, %select_n3A_862 : vector<16xi1>, vector<16xi32>
        %swap3A_881 = arith.index_cast %add3A_827 : i32 to index
        %swap3A_882 = arith.constant 0 : index
        %swap3A_883 = tpu.vector_load %arg7[%swap3A_881, %swap3A_882] {strides = array<i32>} : memref<256x16xi32, #tpu.memory_space<vmem>>, vector<1x16xi32>,
        %swap3A_884 = vector.shape_cast %swap3A_883 : vector<1x16xi32> to vector<16xi32>
        %swap3A_885 = vector.shape_cast %select_n3A_880 : vector<16xi32> to vector<1x16xi32>
        tpu.vector_store %arg7[%swap3A_881, %swap3A_882], %swap3A_885 {strides = array<i32>} : memref<256x16xi32, #tpu.memory_space<vmem>>, vector<1x16xi32>,
        %add3A_886 = arith.constant 1 : i32
        %add3A_887 = arith.addi %add3A_827, %add3A_886 : i32
        %get3A_888 = arith.constant 0 : i32
        %get3A_889 = arith.index_cast %add3A_887 : i32 to index
        %get3A_890 = arith.index_cast %get3A_888 : i32 to index
        %get3A_891 = arith.constant 0 : index
        %get3A_892 = tpu.vector_load %arg5[%get3A_889, %get3A_890, %get3A_891] {strides = array<i32>} : memref<256x3x16xf32, #tpu.memory_space<vmem>>, vector<1x1x16xf32>,
        %get3A_893 = vector.shape_cast %get3A_892 : vector<1x1x16xf32> to vector<16xf32>
        %get3A_894 = arith.constant 1 : i32
        %get3A_895 = arith.index_cast %add3A_887 : i32 to index
        %get3A_896 = arith.index_cast %get3A_894 : i32 to index
        %get3A_897 = arith.constant 0 : index
        %get3A_898 = tpu.vector_load %arg5[%get3A_895, %get3A_896, %get3A_897] {strides = array<i32>} : memref<256x3x16xf32, #tpu.memory_space<vmem>>, vector<1x1x16xf32>,
        %get3A_899 = vector.shape_cast %get3A_898 : vector<1x1x16xf32> to vector<16xf32>
        %get3A_900 = arith.constant 2 : i32
        %get3A_901 = arith.index_cast %add3A_887 : i32 to index
        %get3A_902 = arith.index_cast %get3A_900 : i32 to index
        %get3A_903 = arith.constant 0 : index
        %get3A_904 = tpu.vector_load %arg5[%get3A_901, %get3A_902, %get3A_903] {strides = array<i32>} : memref<256x3x16xf32, #tpu.memory_space<vmem>>, vector<1x1x16xf32>,
        %get3A_905 = vector.shape_cast %get3A_904 : vector<1x1x16xf32> to vector<16xf32>
        %add3A_906 = vector.broadcast %scan3A_787 : f32 to vector<16xf32>
        %add3A_907 = arith.addf %get3A_893, %add3A_906 : vector<16xf32>
        %add3A_908 = vector.broadcast %scan3A_788 : f32 to vector<16xf32>
        %add3A_909 = arith.addf %get3A_899, %add3A_908 : vector<16xf32>
        %add3A_910 = vector.broadcast %scan3A_789 : f32 to vector<16xf32>
        %add3A_911 = arith.addf %get3A_905, %add3A_910 : vector<16xf32>
        %max3A_912 = arith.maximumf %add3A_907, %add3A_909 : vector<16xf32>
        %gt3A_913 = arith.cmpf ogt, %add3A_911, %max3A_912 : vector<16xf32>
        %gt3A_914 = arith.cmpf ogt, %add3A_909, %add3A_907 : vector<16xf32>
        %jit3A_915 = arith.constant 1 : i32
        %jit3A_916 = arith.constant 0 : i32
        %broadcast_in_dim3A_917 = vector.broadcast %jit3A_915 : i32 to vector<16xi32>
        %broadcast_in_dim3A_918 = vector.broadcast %jit3A_916 : i32 to vector<16xi32>
        %select_n3A_919 = arith.select %gt3A_914, %broadcast_in_dim3A_917, %broadcast_in_dim3A_918 : vector<16xi1>, vector<16xi32>
        %jit3A_920 = arith.constant 2 : i32
        %broadcast_in_dim3A_921 = vector.broadcast %jit3A_920 : i32 to vector<16xi32>
        %select_n3A_922 = arith.select %gt3A_913, %broadcast_in_dim3A_921, %select_n3A_919 : vector<16xi1>, vector<16xi32>
        %add3A_923 = vector.broadcast %scan3A_790 : f32 to vector<16xf32>
        %add3A_924 = arith.addf %get3A_905, %add3A_923 : vector<16xf32>
        %add3A_925 = vector.broadcast %scan3A_791 : f32 to vector<16xf32>
        %add3A_926 = arith.addf %get3A_899, %add3A_925 : vector<16xf32>
        %gt3A_927 = arith.cmpf ogt, %add3A_924, %add3A_926 : vector<16xf32>
        %jit3A_928 = arith.constant 2 : i32
        %jit3A_929 = arith.constant 1 : i32
        %broadcast_in_dim3A_930 = vector.broadcast %jit3A_928 : i32 to vector<16xi32>
        %broadcast_in_dim3A_931 = vector.broadcast %jit3A_929 : i32 to vector<16xi32>
        %select_n3A_932 = arith.select %gt3A_927, %broadcast_in_dim3A_930, %broadcast_in_dim3A_931 : vector<16xi1>, vector<16xi32>
        %eq3A_933 = arith.constant 2 : i32
        %eq3A_934 = vector.broadcast %eq3A_933 : i32 to vector<16xi32>
        %eq3A_935 = arith.cmpi eq, %select_n3A_880, %eq3A_934 : vector<16xi32>
        %eq3A_936 = arith.constant 1 : i32
        %eq3A_937 = vector.broadcast %eq3A_936 : i32 to vector<16xi32>
        %eq3A_938 = arith.cmpi eq, %scan3A_823, %eq3A_937 : vector<16xi32>
        %and3A_939 = arith.andi %eq3A_935, %eq3A_938 : vector<16xi1>
        %select_n3A_940 = arith.select %and3A_939, %select_n3A_932, %select_n3A_922 : vector<16xi1>, vector<16xi32>
        %swap3A_941 = arith.index_cast %add3A_887 : i32 to index
        %swap3A_942 = arith.constant 0 : index
        %swap3A_943 = tpu.vector_load %arg7[%swap3A_941, %swap3A_942] {strides = array<i32>} : memref<256x16xi32, #tpu.memory_space<vmem>>, vector<1x16xi32>,
        %swap3A_944 = vector.shape_cast %swap3A_943 : vector<1x16xi32> to vector<16xi32>
        %swap3A_945 = vector.shape_cast %select_n3A_940 : vector<16xi32> to vector<1x16xi32>
        tpu.vector_store %arg7[%swap3A_941, %swap3A_942], %swap3A_945 {strides = array<i32>} : memref<256x16xi32, #tpu.memory_space<vmem>>, vector<1x16xi32>,
        scf.yield %select_n3A_940, %select_n3A_880 : vector<16xi32>, vector<16xi32>
      }
      %scan3A_797 = arith.constant 128 : i32
      %dma_start3A_798 = arith.constant 3840 : i32
      %dma_start3A_799 = arith.constant 0 : i32
      %dma_start3A_800 = tpu.memref_slice %arg3[%arg0, %dma_start3A_798, %dma_start3A_799] : memref<2x4096x16xi32, #tpu.memory_space<hbm>> -> memref<1x256x16xi32, #tpu.memory_space<hbm>>
      %dma_start3A_801 = tpu.memref_squeeze %dma_start3A_800 : memref<1x256x16xi32, #tpu.memory_space<hbm>> -> memref<256x16xi32, #tpu.memory_space<hbm>>
      %dma_start3A_802 = arith.constant 3840 : i32
      %dma_start3A_803 = arith.constant 0 : i32
      %dma_start3A_804 = tpu.memref_slice %arg3[%arg0, %dma_start3A_802, %dma_start3A_803] : memref<2x4096x16xi32, #tpu.memory_space<hbm>> -> memref<1x256x16xi32, #tpu.memory_space<hbm>>
      %dma_start3A_805 = tpu.memref_squeeze %dma_start3A_804 : memref<1x256x16xi32, #tpu.memory_space<hbm>> -> memref<256x16xi32, #tpu.memory_space<hbm>>
      tpu.enqueue_dma source(%arg7 : memref<256x16xi32, #tpu.memory_space<vmem>>) target(%dma_start3A_805 : memref<256x16xi32, #tpu.memory_space<hbm>>) target_semaphore(%arg11 : memref<!tpu.dma_semaphore, #tpu.memory_space<semaphore_mem>>)
      %dma_wait3A_806 = arith.constant 3584 : i32
      %dma_wait3A_807 = arith.constant 0 : i32
      %dma_wait3A_808 = tpu.memref_slice %arg3[%arg0, %dma_wait3A_806, %dma_wait3A_807] : memref<2x4096x16xi32, #tpu.memory_space<hbm>> -> memref<1x256x16xi32, #tpu.memory_space<hbm>>
      %dma_wait3A_809 = tpu.memref_squeeze %dma_wait3A_808 : memref<1x256x16xi32, #tpu.memory_space<hbm>> -> memref<256x16xi32, #tpu.memory_space<hbm>>
      %dma_wait3A_810 = arith.constant 3584 : i32
      %dma_wait3A_811 = arith.constant 0 : i32
      %dma_wait3A_812 = tpu.memref_slice %arg3[%arg0, %dma_wait3A_810, %dma_wait3A_811] : memref<2x4096x16xi32, #tpu.memory_space<hbm>> -> memref<1x256x16xi32, #tpu.memory_space<hbm>>
      %dma_wait3A_813 = tpu.memref_squeeze %dma_wait3A_812 : memref<1x256x16xi32, #tpu.memory_space<hbm>> -> memref<256x16xi32, #tpu.memory_space<hbm>>
      tpu.wait_dma2 semaphore(%arg10 : memref<!tpu.dma_semaphore, #tpu.memory_space<semaphore_mem>>) src(%arg6 : memref<256x16xi32, #tpu.memory_space<vmem>>) dst(%dma_wait3A_813 : memref<256x16xi32, #tpu.memory_space<hbm>>)
      %dma_wait3A_814 = arith.constant 3840 : i32
      %dma_wait3A_815 = arith.constant 0 : i32
      %dma_wait3A_816 = tpu.memref_slice %arg3[%arg0, %dma_wait3A_814, %dma_wait3A_815] : memref<2x4096x16xi32, #tpu.memory_space<hbm>> -> memref<1x256x16xi32, #tpu.memory_space<hbm>>
      %dma_wait3A_817 = tpu.memref_squeeze %dma_wait3A_816 : memref<1x256x16xi32, #tpu.memory_space<hbm>> -> memref<256x16xi32, #tpu.memory_space<hbm>>
      %dma_wait3A_818 = arith.constant 3840 : i32
      %dma_wait3A_819 = arith.constant 0 : i32
      %dma_wait3A_820 = tpu.memref_slice %arg3[%arg0, %dma_wait3A_818, %dma_wait3A_819] : memref<2x4096x16xi32, #tpu.memory_space<hbm>> -> memref<1x256x16xi32, #tpu.memory_space<hbm>>
      %dma_wait3A_821 = tpu.memref_squeeze %dma_wait3A_820 : memref<1x256x16xi32, #tpu.memory_space<hbm>> -> memref<256x16xi32, #tpu.memory_space<hbm>>
      tpu.wait_dma2 semaphore(%arg11 : memref<!tpu.dma_semaphore, #tpu.memory_space<semaphore_mem>>) src(%arg7 : memref<256x16xi32, #tpu.memory_space<vmem>>) dst(%dma_wait3A_821 : memref<256x16xi32, #tpu.memory_space<hbm>>)
    } else {
    }
    return
  }
}

module attributes {stable_mosaic.version = 14 : i64} {
  func.func @_select_kernel(%arg0: i32, %arg1: memref<1x1x4096xi32, #tpu.memory_space<vmem>>, %arg2: memref<1x128x4096xf32, #tpu.memory_space<vmem>>, %arg3: memref<1x128x4094xf32, #tpu.memory_space<vmem>>) attributes {dimension_semantics = [#tpu.dimension_semantics<arbitrary>], iteration_bounds = array<i64: 32>, scalar_prefetch = 0 : i64, scratch_operands = 0 : i64, tpu.core_type = #tpu.core_type<tc>, window_params = [{transform_indices = @transform_0, window_bounds = array<i64: 1, 1, 4096>}, {transform_indices = @transform_1, window_bounds = array<i64: 1, 128, 4096>}, {transform_indices = @transform_2, window_bounds = array<i64: 1, 128, 4094>}]} {
    %get3A = arith.constant 0 : index
    %get3A_0 = arith.constant 0 : index
    %get3A_1 = arith.constant 0 : index
    %get3A_2 = vector.load %arg1[%get3A, %get3A_0, %get3A_1] : memref<1x1x4096xi32, #tpu.memory_space<vmem>>, vector<1x1x4094xi32>
    %get3A_3 = vector.shape_cast %get3A_2 : vector<1x1x4094xi32> to vector<1x4094xi32>
    %get3A_4 = arith.constant 0 : index
    %get3A_5 = arith.constant 0 : index
    %get3A_6 = arith.constant 0 : index
    %get3A_7 = vector.load %arg2[%get3A_4, %get3A_5, %get3A_6] : memref<1x128x4096xf32, #tpu.memory_space<vmem>>, vector<1x128x4094xf32>
    %get3A_8 = vector.shape_cast %get3A_7 : vector<1x128x4094xf32> to vector<128x4094xf32>
    %get3A_9 = arith.constant 0 : index
    %get3A_10 = arith.constant 0 : index
    %get3A_11 = arith.constant 1 : index
    %get3A_12 = vector.load %arg2[%get3A_9, %get3A_10, %get3A_11] : memref<1x128x4096xf32, #tpu.memory_space<vmem>>, vector<1x128x4094xf32>
    %get3A_13 = vector.shape_cast %get3A_12 : vector<1x128x4094xf32> to vector<128x4094xf32>
    %get3A_14 = arith.constant 0 : index
    %get3A_15 = arith.constant 0 : index
    %get3A_16 = arith.constant 2 : index
    %get3A_17 = vector.load %arg2[%get3A_14, %get3A_15, %get3A_16] : memref<1x128x4096xf32, #tpu.memory_space<vmem>>, vector<1x128x4094xf32>
    %get3A_18 = vector.shape_cast %get3A_17 : vector<1x128x4094xf32> to vector<128x4094xf32>
    %eq3A = arith.constant 0 : i32
    %eq3A_19 = vector.broadcast %eq3A : i32 to vector<1x4094xi32>
    %eq3A_20 = arith.cmpi eq, %get3A_3, %eq3A_19 : vector<1x4094xi32>
    %eq3A_21 = arith.constant 1 : i32
    %eq3A_22 = vector.broadcast %eq3A_21 : i32 to vector<1x4094xi32>
    %eq3A_23 = arith.cmpi eq, %get3A_3, %eq3A_22 : vector<1x4094xi32>
    %broadcast_in_dim3A = vector.shape_cast %eq3A_23 : vector<1x4094xi1> to vector<1x4094xi1>
    %broadcast_in_dim3A_24 = vector.broadcast %broadcast_in_dim3A : vector<1x4094xi1> to vector<128x4094xi1>
    %select_n3A = arith.select %broadcast_in_dim3A_24, %get3A_13, %get3A_18 : vector<128x4094xi1>, vector<128x4094xf32>
    %broadcast_in_dim3A_25 = vector.shape_cast %eq3A_20 : vector<1x4094xi1> to vector<1x4094xi1>
    %broadcast_in_dim3A_26 = vector.broadcast %broadcast_in_dim3A_25 : vector<1x4094xi1> to vector<128x4094xi1>
    %select_n3A_27 = arith.select %broadcast_in_dim3A_26, %get3A_8, %select_n3A : vector<128x4094xi1>, vector<128x4094xf32>
    %swap3A = arith.constant 0 : index
    %swap3A_28 = arith.constant 0 : index
    %swap3A_29 = arith.constant 0 : index
    %swap3A_30 = vector.load %arg3[%swap3A, %swap3A_28, %swap3A_29] : memref<1x128x4094xf32, #tpu.memory_space<vmem>>, vector<1x128x4094xf32>
    %swap3A_31 = vector.shape_cast %swap3A_30 : vector<1x128x4094xf32> to vector<128x4094xf32>
    %swap3A_32 = vector.shape_cast %select_n3A_27 : vector<128x4094xf32> to vector<1x128x4094xf32>
    tpu.vector_store %arg3[%swap3A, %swap3A_28, %swap3A_29], %swap3A_32 {strides = array<i32>} : memref<1x128x4094xf32, #tpu.memory_space<vmem>>, vector<1x128x4094xf32>,
    return
  }
  func.func @transform_0(%arg0: i32) -> (i32, i32, i32) {
    %c0_i32 = arith.constant 0 : i32
    %c0_i32_0 = arith.constant 0 : i32
    %c0_i32_1 = arith.constant 0 : i32
    return %arg0, %c0_i32, %c0_i32_0 : i32, i32, i32
  }
  func.func @transform_1(%arg0: i32) -> (i32, i32, i32) {
    %c0_i32 = arith.constant 0 : i32
    %c0_i32_0 = arith.constant 0 : i32
    %c0_i32_1 = arith.constant 0 : i32
    return %arg0, %c0_i32, %c0_i32_0 : i32, i32, i32
  }
  func.func @transform_2(%arg0: i32) -> (i32, i32, i32) {
    %c0_i32 = arith.constant 0 : i32
    %c0_i32_0 = arith.constant 0 : i32
    %c0_i32_1 = arith.constant 0 : i32
    return %arg0, %c0_i32, %c0_i32_0 : i32, i32, i32
  }
}

</mosaic_0001>

<sc_bundles>
// kernel: kernel.6.cloned.1.call-start
scs
__scs_entry_jumppad:
0x0: {  	(pc) =	sbr.rel $0x88, $3  }
0x1: {  	(tag) =	ssettag $0x0;
	lr =	simm.s32 $0x1  }
0x2: {  	[smem:$0x3FA0] =	sst lr;
	_ =	strace $0xD0000000  }
0x3: {  	_ = 	snop  }
0x4: {  	_ = 	snop  }
0x5: {  	_ = 	snop  }
0x6: {  	_ = 	snop  }
0x7: {  	_ = 	snop  }
__scs_overlays_trampoline_lowered:
0x8: {  	[smem:$0x3FAF] =	sst s0  }
0x9: {  	[smem:$0x3FB0] =	sst s1  }
0xa: {  	[smem:$0x3FB1] =	sst s2  }
0xb: {  	[smem:$0x3FB2] =	sst s3  }
0xc: {  	[smem:$0x3FB3] =	sst s4  }
0xd: {  	[smem:$0x3FB4] =	sst s5  }
0xe: {  	[smem:$0x3FB5] =	sst s6  }
0xf: {  	[smem:$0x3FB6] =	sst s7  }
0x10: {  	[smem:$0x3FB7] =	sst s8  }
0x11: {  	[smem:$0x3FB8] =	sst s9;
	s0 =	simm.s32 @!p0 $0x0  }
0x12: {  	s1 =	sld [smem:$0x3F9E];
	s0 =	simm.s32 @p0 $0x1  }
0x13: {  	[smem:$0x3FB9] =	sst s0;
	s0 =	simm.s32 @!p1 $0x0  }
0x14: {  	s2 =	sld [smem:$0x3F9D];
	s0 =	simm.s32 @p1 $0x1  }
0x15: {  	[smem:$0x3FBA] =	sst s0;
	s0 =	simm.s32 @!p2 $0x0  }
0x16: {  	s3 =	sld [smem:$0x3FDB];
	s0 =	simm.s32 @p2 $0x1  }
0x17: {  	s4 =	simm.s32 $0x1BF5;
	[smem:$0x3FBC] =	sst s0  }
0x18: {  	s0 =	sld [smem:$0x3F9F];
	_ =	swait.ge [sflag:s4], $0x0  }
0x19: {  	s7 =	sld [smem:$0x3FA0]  }
0x1a: {  	s8 =	sadd.s32 $0xFFFFE003, lr  }
0x1b: {  	s9 =	sadd.s32 $0xFFFFFEF7, lr;
	s5 =	simm.s32 $0xFFFFFFFF;
	p2 =	slt.u32 s8, $0xFFFFF086  }
0x1c: {  	p1 =	slt.u32 s9, $0xF7A;
	s5 =	simm.s32 @!p2 $0x0  }
0x1d: {  	s5 =	simm.s32 @p1 $0x1;
	p0 =	seq.s32 s7, s2  }
0x1e: {  	s7 =	smul.u32 @!p0 $0xF7A, s2;
	p2 =	seq.s32 @!p0 s5, $0x0  }
0x1f: {  	s9 =	smul.u32 $0xF7A, s1;
	s8 =	simm.s32 @!p0 $0x1BF5;
	p2 =	por !p2, p0  }
0x20: {  	[sflag:s8] =	ssyncset.s32 @!p0 $0xFFFFF086;
	s6 =	sadd.s32 @!p0 s3, s7;
	s7 =	simm.s32 @!p0 $0x108  }
0x21: {  	s3 =	sadd.s32 s3, s9;
	s6 =	sadd.s32 @!p0 $0x88, s6;
	s7 =	simm.s32 @p2 $0x1082  }
0x22: {  	[simem:s7], [sflag:s8] =	dma.local @!p0 [hbm:s6], $0xF7A  }
0x23: {  	s9 =	sor.u32 $0xD0000000, s2;
	s6 =	simm.s32 $0x108;
	_ =	swait.ge @!p0 [sflag:s8], $0x0  }
0x24: {  	s3 =	sadd.s32 $0x88, s3;
	s6 =	simm.s32 @!p1 $0x1082;
	[sflag:s4] =	ssyncset.s32 $0xFFFFF086  }
0x25: {  	[simem:s6], [sflag:s4] =	dma.local [hbm:s3], $0xF7A  }
0x26: {  	[smem:$0x3FA0] =	sst s1;
	(tag) =	ssettag s2;
	_ =	strace s9  }
0x27: {  	s1 =	sld [smem:$0x3FB0]  }
0x28: {  	s2 =	sld [smem:$0x3FB1]  }
0x29: {  	s4 =	sld [smem:$0x3FB3]  }
0x2a: {  	p0 =	seq.s32 s5, $0x0;
	s5 =	sld [smem:$0x3FB4]  }
0x2b: {  	s6 =	sld [smem:$0x3FB5]  }
0x2c: {  	s7 =	sld [smem:$0x3FB6]  }
0x2d: {  	s3 =	simm.s32 $0x108;
	s8 =	sld [smem:$0x3FB7]  }
0x2e: {  	s3 =	simm.s32 @!p0 $0x1082;
	s9 =	sld [smem:$0x3FB8]  }
0x2f: {  	lr =	sadd.s32 s0, s3;
	s0 =	sld [smem:$0x3FAF]  }
0x30: {  	s3 =	sld [smem:$0x3FB2]  }
0x31: {  	[smem:$0x3FBB] =	sst s10  }
0x32: {  	s10 =	sld [smem:$0x3FB9];
	_ =	sdelay $0x3  }
0x33: {  	p0 =	seq.s32 s10, $0x1;
	s10 =	sld [smem:$0x3FBB];
	_ =	sdelay $0x3  }
0x34: {  	[smem:$0x3FBB] =	sst s10  }
0x35: {  	s10 =	sld [smem:$0x3FBA];
	_ =	sdelay $0x3  }
0x36: {  	p1 =	seq.s32 s10, $0x1;
	s10 =	sld [smem:$0x3FBB];
	_ =	sdelay $0x3  }
0x37: {  	[smem:$0x3FBB] =	sst s10  }
0x38: {  	s10 =	sld [smem:$0x3FBC]  }
0x39: {  	_ = 	snop;
	(pc) =	sbr.ind lr, $3  }
0x3a: {  	_ = 	snop  }
0x3b: {  	_ = 	snop  }
0x3c: {  	p2 =	seq.s32 s10, $0x1;
	s10 =	sld [smem:$0x3FBB]  }
0x3d: {  	_ =	shalt  }
0x3e: {  	_ =	shalt  }
0x3f: {  	_ =	shalt  }
0x40: {  	_ =	shalt  }
0x41: {  	_ =	shalt  }
0x42: {  	_ =	shalt  }
0x43: {  	_ =	shalt  }
0x44: {  	_ =	shalt  }
0x45: {  	_ =	shalt  }
0x46: {  	_ =	shalt  }
0x47: {  	_ =	shalt  }
0x48: {  	_ =	shalt  }
0x49: {  	_ =	shalt  }
0x4a: {  	_ =	shalt  }
0x4b: {  	_ =	shalt  }
0x4c: {  	_ =	shalt  }
0x4d: {  	_ =	shalt  }
0x4e: {  	_ =	shalt  }
0x4f: {  	_ =	shalt  }
0x50: {  	_ =	shalt  }
0x51: {  	_ =	shalt  }
0x52: {  	_ =	shalt  }
0x53: {  	_ =	shalt  }
0x54: {  	_ =	shalt  }
0x55: {  	_ =	shalt  }
0x56: {  	_ =	shalt  }
0x57: {  	_ =	shalt  }
0x58: {  	_ =	shalt  }
0x59: {  	_ =	shalt  }
0x5a: {  	_ =	shalt  }
0x5b: {  	_ =	shalt  }
0x5c: {  	_ =	shalt  }
0x5d: {  	_ =	shalt  }
0x5e: {  	_ =	shalt  }
0x5f: {  	_ =	shalt  }
0x60: {  	_ =	shalt  }
0x61: {  	_ =	shalt  }
0x62: {  	_ =	shalt  }
0x63: {  	_ =	shalt  }
0x64: {  	_ =	shalt  }
0x65: {  	_ =	shalt  }
0x66: {  	_ =	shalt  }
0x67: {  	_ =	shalt  }
0x68: {  	_ =	shalt  }
0x69: {  	_ =	shalt  }
0x6a: {  	_ =	shalt  }
0x6b: {  	_ =	shalt  }
0x6c: {  	_ =	shalt  }
0x6d: {  	_ =	shalt  }
0x6e: {  	_ =	shalt  }
0x6f: {  	_ =	shalt  }
0x70: {  	_ =	shalt  }
0x71: {  	_ =	shalt  }
0x72: {  	_ =	shalt  }
0x73: {  	_ =	shalt  }
0x74: {  	_ =	shalt  }
0x75: {  	_ =	shalt  }
0x76: {  	_ =	shalt  }
0x77: {  	_ =	shalt  }
0x78: {  	_ =	shalt  }
0x79: {  	_ =	shalt  }
0x7a: {  	_ =	shalt  }
0x7b: {  	_ =	shalt  }
0x7c: {  	_ =	shalt  }
0x7d: {  	_ =	shalt  }
0x7e: {  	_ =	shalt  }
0x7f: {  	_ =	shalt  }
0x80: {  	_ =	shalt  }
0x81: {  	_ =	shalt  }
0x82: {  	_ =	shalt  }
0x83: {  	_ =	shalt  }
0x84: {  	_ =	shalt  }
0x85: {  	_ =	shalt  }
0x86: {  	_ =	shalt  }
0x87: {  	_ =	shalt  }
.Lfunc_end0:
.L_simem_size_0:
called_computation_lowered:
.L_overlay_start_0:
0x88: {  	s2 =	sld [smem:$0x3FD9]  }
0x89: {  	s3 =	sld [smem:$0x3FFE];
	_ =	sdelay $0x1  }
0x8a: {  	s1 =	srdreg.scid  }
0x8b: {  	s0 =	sand.u32 $0x1, s1  }
0x8c: {  	s17 =	sshll.u32 s0, $0xA;
	s2 =	sadd.s32 s3, s2  }
0x8d: {  	s2 =	sadd.s32 s2, s17  }
0x8e: {  	[smem:$0x3FC7] =	sst s2  }
0x8f: {  	_ = 	snop  }
0x90: {  	s2 =	sld [smem:$0x3FD0];
	(tm) =	ssettm $0x1  }
0x91: {  	s18 =	sld [smem:$0x3FFB];
	_ =	sdelay $0x3  }
0x92: {  	_ =	strace s18  }
0x93: {  	s3 =	sld [smem:$0x3FFC];
	_ =	sdelay $0x3  }
0x94: {  	_ =	strace s3  }
0x95: {  	s3 =	sld [smem:$0x3FFD];
	_ =	sdelay $0x3  }
0x96: {  	_ =	strace s3  }
0x97: {  	_ =	strace $0x8FFFFFFF  }
0x98: {  	s19 =	sld [smem:$0x3FDB];
	_ =	sdelay $0x1  }
0x99: {  	s4 =	simm.s32 $_scs_section_size  }
0x9a: {  	s5 =	simm.s32 $_size__tile_overlayer_lowered;
	s6 =	simm.s32 $_tile_overlayer_lowered  }
0x9b: {  	s22 =	simm.s32 $0x1BFF;
	s21 =	sshll.u32 s6, $0x1;
	s3 =	sadd.s32 s4, s19  }
0x9c: {  	s7 =	simm.s32 $0x0;
	s20 =	sshll.u32 s5, $0x1;
	s5 =	sadd.s32 s21, s3  }
0x9d: {  	[timem:s7], [sflag:s22] =	dma.local [hbm:s5], s20  }
0x9e: {  	_ =	swait.ge [sflag:s22], s20  }
0x9f: {  	s4 =	ssub.s32 $0x0, s20;
	[sflag:s22] =	ssyncset.done $0x0  }
0xa0: {  	[sflag:s22] =	ssyncadd.s32 s4;
	_ =	sdelay $0x1  }
0xa1: {  	s23 =	simm.s32 $0x1B8B  }
0xa2: {  	_ =	swait.ge [sflag:s23], $0x1  }
0xa3: {  	[sflag:s23] =	ssyncset.done $0x0  }
0xa4: {  	s25 =	simm.s32 $0x1B8E;
	s24 =	sld [smem:$0x3FFE];
	[sflag:s23] =	ssyncadd.s32 $0xFFFFFFFF  }
0xa5: {  	s26 =	simm.s32 $execute0_lowered;
	[smem:$0x3FD2] =	sst s25  }
0xa6: {  	s5 =	sshll.u32 s26, $0x1;
	_ =	strace $0x80000046;
	[dreg:$0x1] =	wrdreg $0xFFFFFFFF  }
0xa7: {  	s28 =	simm.s32 $_size_execute0_lowered;
	s3 =	sadd.s32 s3, s5;
	[dreg:$0x0] =	wrdreg $0x0  }
0xa8: {  	s5 =	sshll.u32 s28, $0x1;
	[dreg:$0x2] =	wrdreg s3  }
0xa9: {  	[dreg:$0x3] =	wrdreg s5  }
0xaa: {  	[dreg:$0x4] =	wrdreg $0xC0  }
0xab: {  	_ =	task [dreg:s7], $0x5FFFF  }
0xac: {  	[dreg:$0x1] =	wrdreg $0xFFFFFFFF  }
0xad: {  	[dreg:$0x0] =	wrdreg $0x60  }
0xae: {  	[dreg:$0x2] =	wrdreg s2  }
0xaf: {  	[dreg:$0x3] =	wrdreg s24  }
0xb0: {  	[dreg:$0x4] =	wrdreg $0x9  }
0xb1: {  	_ =	task.clear_ibuf [dreg:s7], $0x5FFFF;
	_ =	strace $0x90000046  }
0xb2: {  	s29 =	simm.s32 $0x9;
	_ =	strace $0x80000048  }
0xb3: {  	_ =	swait.ge [sflag:s29], $0x1  }
0xb4: {  	[sflag:s29] =	ssyncadd.s32 $0xFFFFFFFF  }
0xb5: {  	_ =	strace $0x90000048  }
0xb6: {  	_ =	sfence  }
0xb7: {  	s30 =	sld [smem:$0x0];
	_ =	sdelay $0x2  }
0xb8: {  	s31 =	sshll.u32 s1, $0xD;
	s1 =	sshrl.u32 s1, $0x2  }
0xb9: {  	s3 =	sand.u32 $0x4000, s31;
	s1 =	sadd.s32 s1, s30  }
0xba: {  	s0 =	sor.u32 s3, s0;
	s1 =	sshll.u32 s1, $0x11  }
0xbb: {  	s0 =	sor.u32 s1, s0  }
0xbc: {  	s0 =	sadd.s32 $0x8F2B, s0  }
0xbd: {  	[sflag:s0] =	ssyncadd.remote.s32 $0x1  }
0xbe: {  	_ =	sfence.sel $0xFFFF  }
0xbf: {  	[dreg:$0x0] =	wrdreg $0xFFFFFFFF;
	(pc) =	sbr.abs _section_cstart, $3  }
0xc0: {  	[dreg:$0x1] =	wrdreg $0xFFFFFFFF  }
0xc1: {  	_ =	task.clear_ibuf [dreg:s7], $0x2FFFF;
	_ =	strace $0x9FFFFFFF  }
0xc2: {  	(tm) =	ssettm $0x7FFFFFFF  }
0xc3: {  	_ =	shalt  }
tec
execute0_lowered:
.L_overlay_start_1:
0x0: {  	(tag) =	ssettag $0x1  }
0x1: {  	s2 =	stileid.u32  }
0x2: {  	p0 =	sne.s32 s2, $0x0  }
.Ltmp0:
0x3: {  	_ = 	snop;
	(pc) =	sbr.rel @p0 .LBB2_35-.Ltmp0, $4  }
0x4: {  	_ = 	snop  }
0x5: {  	s0 =	rddreg [dreg:$0x0];
	s3 =	simm.s32 $0x0  }
0x6: {  	[smem:$0x7FF] =	sst s3  }
0x7: {  	s1 =	rddreg [dreg:$0x1];
	_ =	strace $0x80000047  }
0x8: {  	s2 =	srdreg.scid  }
0x9: {  	s2 =	sand.u32 $0x1, s2  }
0xa: {  	s5 =	simm.s32 $0x3000;
	s4 =	sshll.u32 s2, $0xD  }
0xb: {  	s6 =	simm.s32 $0x1;
	s7 =	simm.s32 $0x6000;
	s1 =	sadd.s32 s4, s1  }
0xc: {  	s8 =	simm.s32 $0x2;
	s9 =	simm.s32 $0x7000;
	s4 =	sadd.s32 $0xA00, s1  }
0xd: {  	s10 =	simm.s32 $0x3;
	s14 =	sadd.s32 $0xC00, s1;
	[dreg:$0x3] =	wrdreg s4  }
0xe: {  	s11 =	simm.s32 $0x4;
	s16 =	sadd.s32 $0xE00, s1;
	[dreg:$0x5] =	wrdreg s14  }
0xf: {  	s12 =	simm.s32 $0x0;
	s18 =	sadd.s32 $0x1000, s1;
	[dreg:$0x7] =	wrdreg s16  }
0x10: {  	s3 =	smul.u32 $0x30000, s2;
	s20 =	sadd.s32 $0x1200, s1;
	[dreg:$0x9] =	wrdreg s18  }
0x11: {  	s26 =	ssub.s32 $0x2, s2;
	s22 =	sadd.s32 $0x1400, s1;
	[dreg:$0xb] =	wrdreg s20  }
0x12: {  	s3 =	sshrl.u32 s3, $0x3;
	s24 =	sadd.s32 $0x1600, s1;
	[dreg:$0xd] =	wrdreg s22  }
0x13: {  	s2 =	sshrl.u32 s26, $0x1;
	s3 =	sadd.s32 s0, s3;
	[dreg:$0xf] =	wrdreg s24  }
0x14: {  	s20 =	sadd.s32 $0x1C00, s1;
	s22 =	sadd.s32 $0x2000, s1;
	s0 =	sadd.s32 $0xC00, s3  }
0x15: {  	s24 =	sadd.s32 $0x2400, s1;
	s15 =	sadd.s32 $0x1200, s3;
	[dreg:$0x4] =	wrdreg s0  }
0x16: {  	s17 =	sadd.s32 $0x1800, s3;
	s19 =	sadd.s32 $0x1E00, s3;
	[dreg:$0x6] =	wrdreg s15  }
0x17: {  	s21 =	sadd.s32 $0x2400, s3;
	s23 =	sadd.s32 $0x2A00, s3;
	[dreg:$0x8] =	wrdreg s17  }
0x18: {  	s25 =	sadd.s32 $0x3000, s3;
	s18 =	sadd.s32 $0x3600, s3;
	[dreg:$0xa] =	wrdreg s19  }
0x19: {  	s29 =	sadd.s32 $0x3C00, s3;
	s30 =	sadd.s32 $0x4200, s3;
	[dreg:$0xc] =	wrdreg s21  }
0x1a: {  	s31 =	sadd.s32 $0x4800, s3;
	s4 =	sadd.s32 $0x600, s3;
	[dreg:$0xe] =	wrdreg s23  }
0x1b: {  	[dreg:$0x10] =	wrdreg s25;
	s17 =	sadd.s32 $0x1800, s1;
	s19 =	sadd.s32 $0x1A00, s1  }
0x1c: {  	s21 =	sadd.s32 $0x1E00, s1;
	s23 =	sadd.s32 $0x2200, s1;
	s0 =	ssub.s32 s26, s2  }
0x1d: {  	s25 =	sadd.s32 $0x2600, s1;
	s26 =	sadd.s32 $0x2800, s1;
	s1 =	sadd.s32 $0x5400, s3  }
0x1e: {  	v0 =	vimm.s32 $0x0;
	v1 =	vimm.s32 $0x1;
	s2 =	sadd.s32 $0x5A00, s3;
	s28 =	smax.u32 s0, $0x1;
	s0 =	sadd.s32 $0x4E00, s3  }
.LBB2_2:
0x1f: {  	[tilespmem:$0x6000] =	vst v1;
	s13 =	simm.s32 $0x0  }
0x20: {  	[tilespmem:s13], [sflag:$0x1] =	stream.linear.gather [hbm4b:s3+s13], $0x3000, $0x38;
	[tilespmem:$0x8000] =	vst v63  }
0x21: {  	_ = 	snop  }
0x22: {  	[tilespmem:s5], [sflag:$0x2] =	stream.linear.gather [hbm4b:s4+s13], $0x3000, $0x38;
	[tilespmem:$0x8000] =	vst v63  }
0x23: {  	_ =	swait.ge [sflag:s6], $0x3000  }
0x24: {  	[sflag:s6] =	ssyncset.done $0x0  }
0x25: {  	[sflag:s6] =	ssyncadd.s32 $0xFFFFD000  }
0x26: {  	v2 =	vld [tilespmem:$0x30]  }
0x27: {  	v3 =	vld [tilespmem:$0x40]  }
0x28: {  	v4 =	vld [tilespmem:$0x50];
	_ =	sdelay $0x3  }
0x29: {  	v2 =	vadd.f32 $-2.302585120e+00, v2;
	v3 =	vadd.f32 $-2.231435330e-01, v3  }
0x2a: {  	v4 =	vadd.f32 $-2.302585120e+00, v4  }
0x2b: {  	v5 =	vmax.f32 v2, v3;
	vm0 =	vgt.f32 v3, v2  }
0x2c: {  	vm1 =	vgt.f32 v4, v5;
	v2 =	vsel vm0, $0x1, v0  }
0x2d: {  	v2 =	vsel vm1, $0x2, v2  }
0x2e: {  	s13 =	simm.s32 $0xB0;
	[tilespmem:$0x6010] =	vst v2  }
0x2f: {  	v3 =	vld [tilespmem:s13+$0xFFFFFFB0]  }
0x30: {  	v4 =	vld [tilespmem:s13+$0xFFFFFFC0]  }
0x31: {  	v5 =	vld [tilespmem:s13+$0xFFFFFFD0];
	_ =	sdelay $0x2  }
0x32: {  	v3 =	vadd.f32 $-2.302585120e+00, v3  }
0x33: {  	v6 =	vadd.f32 $-2.231435330e-01, v4;
	v4 =	vadd.f32 $-1.177830320e-01, v4  }
0x34: {  	vm3 =	veq.s32 v1, $0x1;
	v7 =	vadd.f32 $-2.302585120e+00, v5;
	v5 =	vadd.f32 $-2.197224620e+00, v5  }
0x35: {  	vm1 =	veq.s32 v2, $0x2;
	v8 =	vmax.f32 v3, v6;
	vm2 =	vgt.f32 v6, v3  }
0x36: {  	vm0 =	vgt.f32 v7, v8;
	v3 =	vsel vm2, $0x1, v0;
	vm2 =	vgt.f32 v5, v4  }
0x37: {  	vm1 =	vmand vm1, vm3;
	v3 =	vsel vm0, $0x2, v3;
	v4 =	vsel vm2, $0x2, v1  }
0x38: {  	s15 =	simm.s32 $0x0;
	v3 =	vsel vm1, v4, v3  }
0x39: {  	[tilespmem:s15+$0x6020] =	vst v3  }
0x3a: {  	v5 =	vld [tilespmem:s13+$0x0]  }
0x3b: {  	v4 =	vld [tilespmem:s13+$0xFFFFFFF0];
	_ =	sdelay $0x1  }
0x3c: {  	v6 =	vld [tilespmem:s13+$0xFFFFFFE0];
	_ =	sdelay $0x2  }
0x3d: {  	v7 =	vadd.f32 $-2.197224620e+00, v5;
	v8 =	vadd.f32 $-1.177830320e-01, v4  }
0x3e: {  	v4 =	vadd.f32 $-2.231435330e-01, v4  }
0x3f: {  	s14 =	simm.s32 $0x80;
	v6 =	vadd.f32 $-2.302585120e+00, v6;
	v5 =	vadd.f32 $-2.302585120e+00, v5;
	vm1 =	vgt.f32 v7, v8  }
.LBB2_3:
0x40: {  	p1 =	sne.s32 s14, $0x3F00  }
0x41: {  	v7 =	vmax.f32 v6, v4;
	vm2 =	vgt.f32 v4, v6;
	s13 =	sadd.s32 $0x60, s13;
	s16 =	smov.u32 s14;
	s14 =	sadd.s32 $0x80, s14  }
0x42: {  	vm3 =	vgt.f32 v5, v7;
	v4 =	vsel vm2, $0x1, v0;
	vm2 =	veq.s32 v2, $0x1  }
0x43: {  	v2 =	vsel vm3, $0x2, v4;
	v4 =	vsel vm1, $0x2, v1;
	vm0 =	vmand vm2, vm0  }
0x44: {  	v2 =	vsel vm0, v4, v2  }
0x45: {  	[tilespmem:s15+$0x6030] =	vst v2  }
0x46: {  	vm1 =	veq.s32 v2, $0x2;
	v4 =	vld [tilespmem:s13+$0xFFFFFFB0]  }
0x47: {  	v5 =	vld [tilespmem:s13+$0xFFFFFFC0]  }
0x48: {  	v6 =	vld [tilespmem:s13+$0xFFFFFFD0];
	_ =	sdelay $0x2  }
0x49: {  	v4 =	vadd.f32 $-2.302585120e+00, v4  }
0x4a: {  	v7 =	vadd.f32 $-2.231435330e-01, v5;
	v5 =	vadd.f32 $-1.177830320e-01, v5  }
0x4b: {  	v8 =	vadd.f32 $-2.302585120e+00, v6;
	v6 =	vadd.f32 $-2.197224620e+00, v6  }
0x4c: {  	vm3 =	veq.s32 v3, $0x1;
	v9 =	vmax.f32 v4, v7;
	vm2 =	vgt.f32 v7, v4  }
0x4d: {  	vm0 =	vgt.f32 v8, v9;
	v3 =	vsel vm2, $0x1, v0;
	vm2 =	vgt.f32 v6, v5  }
0x4e: {  	vm1 =	vmand vm1, vm3;
	v3 =	vsel vm0, $0x2, v3;
	v4 =	vsel vm2, $0x2, v1  }
0x4f: {  	s15 =	sshra.s32 s16, $0x2;
	v3 =	vsel vm1, v4, v3  }
0x50: {  	[tilespmem:s15+$0x6020] =	vst v3  }
0x51: {  	v5 =	vld [tilespmem:s13+$0x0]  }
0x52: {  	v6 =	vld [tilespmem:s13+$0xFFFFFFF0]  }
0x53: {  	v7 =	vld [tilespmem:s13+$0xFFFFFFE0];
	_ =	sdelay $0x1  }
.Ltmp1:
0x54: {  	(pc) =	sbr.rel @p1 .LBB2_3-.Ltmp1, $4  }
0x55: {  	v8 =	vadd.f32 $-2.197224620e+00, v5  }
0x56: {  	v4 =	vadd.f32 $-2.231435330e-01, v6;
	v9 =	vadd.f32 $-1.177830320e-01, v6  }
0x57: {  	v6 =	vadd.f32 $-2.302585120e+00, v7  }
0x58: {  	v5 =	vadd.f32 $-2.302585120e+00, v5;
	vm1 =	vgt.f32 v8, v9  }
0x59: {  	v7 =	vmax.f32 v6, v4;
	vm2 =	vgt.f32 v4, v6  }
0x5a: {  	vm3 =	vgt.f32 v5, v7;
	v4 =	vsel vm2, $0x1, v0;
	vm2 =	veq.s32 v2, $0x1  }
0x5b: {  	v2 =	vsel vm3, $0x2, v4;
	v4 =	vsel vm1, $0x2, v1;
	vm0 =	vmand vm2, vm0  }
0x5c: {  	v2 =	vsel vm0, v4, v2  }
0x5d: {  	s13 =	simm.s32 $0x0;
	s14 =	rddreg [dreg:$0x3];
	[tilespmem:s15+$0x6030] =	vst v2  }
0x5e: {  	[hbm4b:s14+s13] =	stream.linear.scatter [tilespmem:s7], [sflag:$0x3], $0x1000, $0x38;
	[tilespmem:$0x8000] =	vst v63  }
0x5f: {  	s16 =	rddreg [dreg:$0x4]  }
0x60: {  	[tilespmem:s13], [sflag:$0x1] =	stream.linear.gather [hbm4b:s16+s13], $0x3000, $0x38;
	[tilespmem:$0x8000] =	vst v63  }
0x61: {  	_ =	swait.ge [sflag:s8], $0x3000  }
0x62: {  	[sflag:s8] =	ssyncset.done $0x0  }
0x63: {  	s13 =	simm.s32 $0x3030;
	[sflag:s8] =	ssyncadd.s32 $0xFFFFD000  }
0x64: {  	v4 =	vld [tilespmem:s13+$0xFFFFFFD0]  }
0x65: {  	v5 =	vld [tilespmem:s13+$0xFFFFFFE0]  }
0x66: {  	v6 =	vld [tilespmem:s13+$0xFFFFFFF0];
	_ =	sdelay $0x2  }
0x67: {  	v4 =	vadd.f32 $-2.302585120e+00, v4  }
0x68: {  	v7 =	vadd.f32 $-2.231435330e-01, v5;
	v5 =	vadd.f32 $-1.177830320e-01, v5  }
0x69: {  	vm3 =	veq.s32 v3, $0x1;
	v8 =	vadd.f32 $-2.302585120e+00, v6;
	v6 =	vadd.f32 $-2.197224620e+00, v6  }
0x6a: {  	vm1 =	veq.s32 v2, $0x2;
	v9 =	vmax.f32 v4, v7;
	vm2 =	vgt.f32 v7, v4  }
0x6b: {  	vm0 =	vgt.f32 v8, v9;
	v3 =	vsel vm2, $0x1, v0;
	vm2 =	vgt.f32 v6, v5  }
0x6c: {  	vm1 =	vmand vm1, vm3;
	v3 =	vsel vm0, $0x2, v3;
	v4 =	vsel vm2, $0x2, v1  }
0x6d: {  	s15 =	simm.s32 $0x0;
	v3 =	vsel vm1, v4, v3  }
0x6e: {  	[tilespmem:s15+$0x7000] =	vst v3  }
0x6f: {  	v5 =	vld [tilespmem:s13+$0x20]  }
0x70: {  	v4 =	vld [tilespmem:s13+$0x10];
	_ =	sdelay $0x1  }
0x71: {  	v6 =	vld [tilespmem:s13+$0x0];
	_ =	sdelay $0x2  }
0x72: {  	v7 =	vadd.f32 $-2.197224620e+00, v5;
	v8 =	vadd.f32 $-1.177830320e-01, v4  }
0x73: {  	v4 =	vadd.f32 $-2.231435330e-01, v4  }
0x74: {  	s14 =	simm.s32 $0x80;
	v6 =	vadd.f32 $-2.302585120e+00, v6;
	v5 =	vadd.f32 $-2.302585120e+00, v5;
	vm1 =	vgt.f32 v7, v8  }
.LBB2_5:
0x75: {  	p1 =	sne.s32 s14, $0x3F80  }
0x76: {  	v7 =	vmax.f32 v6, v4;
	vm2 =	vgt.f32 v4, v6;
	s13 =	sadd.s32 $0x60, s13;
	s16 =	smov.u32 s14;
	s14 =	sadd.s32 $0x80, s14  }
0x77: {  	vm3 =	vgt.f32 v5, v7;
	v4 =	vsel vm2, $0x1, v0;
	vm2 =	veq.s32 v2, $0x1  }
0x78: {  	v2 =	vsel vm3, $0x2, v4;
	v4 =	vsel vm1, $0x2, v1;
	vm0 =	vmand vm2, vm0  }
0x79: {  	v2 =	vsel vm0, v4, v2  }
0x7a: {  	[tilespmem:s15+$0x7010] =	vst v2  }
0x7b: {  	vm1 =	veq.s32 v2, $0x2;
	v4 =	vld [tilespmem:s13+$0xFFFFFFD0]  }
0x7c: {  	v5 =	vld [tilespmem:s13+$0xFFFFFFE0]  }
0x7d: {  	v6 =	vld [tilespmem:s13+$0xFFFFFFF0];
	_ =	sdelay $0x2  }
0x7e: {  	v4 =	vadd.f32 $-2.302585120e+00, v4  }
0x7f: {  	v7 =	vadd.f32 $-2.231435330e-01, v5;
	v5 =	vadd.f32 $-1.177830320e-01, v5  }
0x80: {  	v8 =	vadd.f32 $-2.302585120e+00, v6;
	v6 =	vadd.f32 $-2.197224620e+00, v6  }
0x81: {  	vm3 =	veq.s32 v3, $0x1;
	v9 =	vmax.f32 v4, v7;
	vm2 =	vgt.f32 v7, v4  }
0x82: {  	vm0 =	vgt.f32 v8, v9;
	v3 =	vsel vm2, $0x1, v0;
	vm2 =	vgt.f32 v6, v5  }
0x83: {  	vm1 =	vmand vm1, vm3;
	v3 =	vsel vm0, $0x2, v3;
	v4 =	vsel vm2, $0x2, v1  }
0x84: {  	s15 =	sshra.s32 s16, $0x2;
	v3 =	vsel vm1, v4, v3  }
0x85: {  	[tilespmem:s15+$0x7000] =	vst v3  }
0x86: {  	v5 =	vld [tilespmem:s13+$0x20]  }
0x87: {  	v6 =	vld [tilespmem:s13+$0x10]  }
0x88: {  	v7 =	vld [tilespmem:s13+$0x0];
	_ =	sdelay $0x1  }
.Ltmp2:
0x89: {  	(pc) =	sbr.rel @p1 .LBB2_5-.Ltmp2, $4  }
0x8a: {  	v8 =	vadd.f32 $-2.197224620e+00, v5  }
0x8b: {  	v4 =	vadd.f32 $-2.231435330e-01, v6;
	v9 =	vadd.f32 $-1.177830320e-01, v6  }
0x8c: {  	v6 =	vadd.f32 $-2.302585120e+00, v7  }
0x8d: {  	v5 =	vadd.f32 $-2.302585120e+00, v5;
	vm1 =	vgt.f32 v8, v9  }
0x8e: {  	v7 =	vmax.f32 v6, v4;
	vm2 =	vgt.f32 v4, v6  }
0x8f: {  	vm3 =	vgt.f32 v5, v7;
	v4 =	vsel vm2, $0x1, v0;
	vm2 =	veq.s32 v2, $0x1  }
0x90: {  	v2 =	vsel vm3, $0x2, v4;
	v4 =	vsel vm1, $0x2, v1;
	vm0 =	vmand vm2, vm0  }
0x91: {  	v2 =	vsel vm0, v4, v2  }
0x92: {  	s13 =	simm.s32 $0x0;
	s14 =	rddreg [dreg:$0x5];
	[tilespmem:s15+$0x7010] =	vst v2  }
0x93: {  	[hbm4b:s14+s13] =	stream.linear.scatter [tilespmem:s9], [sflag:$0x4], $0x1000, $0x38;
	[tilespmem:$0x8000] =	vst v63  }
0x94: {  	s16 =	rddreg [dreg:$0x6]  }
0x95: {  	[tilespmem:s5], [sflag:$0x2] =	stream.linear.gather [hbm4b:s16+s13], $0x3000, $0x38;
	[tilespmem:$0x8000] =	vst v63  }
0x96: {  	_ =	swait.ge [sflag:s6], $0x3000  }
0x97: {  	[sflag:s6] =	ssyncset.done $0x0  }
0x98: {  	[sflag:s6] =	ssyncadd.s32 $0xFFFFD000  }
0x99: {  	_ =	swait.ge [sflag:s10], $0x1000  }
0x9a: {  	[sflag:s10] =	ssyncset.done $0x0  }
0x9b: {  	s13 =	simm.s32 $0x30;
	[sflag:s10] =	ssyncadd.s32 $0xFFFFF000  }
0x9c: {  	v4 =	vld [tilespmem:s13+$0xFFFFFFD0]  }
0x9d: {  	v5 =	vld [tilespmem:s13+$0xFFFFFFE0]  }
0x9e: {  	v6 =	vld [tilespmem:s13+$0xFFFFFFF0];
	_ =	sdelay $0x2  }
0x9f: {  	v4 =	vadd.f32 $-2.302585120e+00, v4  }
0xa0: {  	v7 =	vadd.f32 $-2.231435330e-01, v5;
	v5 =	vadd.f32 $-1.177830320e-01, v5  }
0xa1: {  	vm3 =	veq.s32 v3, $0x1;
	v8 =	vadd.f32 $-2.302585120e+00, v6;
	v6 =	vadd.f32 $-2.197224620e+00, v6  }
0xa2: {  	vm1 =	veq.s32 v2, $0x2;
	v9 =	vmax.f32 v4, v7;
	vm2 =	vgt.f32 v7, v4  }
0xa3: {  	vm0 =	vgt.f32 v8, v9;
	v3 =	vsel vm2, $0x1, v0;
	vm2 =	vgt.f32 v6, v5  }
0xa4: {  	vm1 =	vmand vm1, vm3;
	v3 =	vsel vm0, $0x2, v3;
	v4 =	vsel vm2, $0x2, v1  }
0xa5: {  	s15 =	simm.s32 $0x0;
	v3 =	vsel vm1, v4, v3  }
0xa6: {  	[tilespmem:s15+$0x6000] =	vst v3  }
0xa7: {  	v5 =	vld [tilespmem:s13+$0x20]  }
0xa8: {  	v4 =	vld [tilespmem:s13+$0x10];
	_ =	sdelay $0x1  }
0xa9: {  	v6 =	vld [tilespmem:s13+$0x0];
	_ =	sdelay $0x2  }
0xaa: {  	v7 =	vadd.f32 $-2.197224620e+00, v5;
	v8 =	vadd.f32 $-1.177830320e-01, v4  }
0xab: {  	v4 =	vadd.f32 $-2.231435330e-01, v4  }
0xac: {  	s14 =	simm.s32 $0x80;
	v6 =	vadd.f32 $-2.302585120e+00, v6;
	v5 =	vadd.f32 $-2.302585120e+00, v5;
	vm1 =	vgt.f32 v7, v8  }
.LBB2_7:
0xad: {  	p1 =	sne.s32 s14, $0x3F80  }
0xae: {  	v7 =	vmax.f32 v6, v4;
	vm2 =	vgt.f32 v4, v6;
	s13 =	sadd.s32 $0x60, s13;
	s16 =	smov.u32 s14;
	s14 =	sadd.s32 $0x80, s14  }
0xaf: {  	vm3 =	vgt.f32 v5, v7;
	v4 =	vsel vm2, $0x1, v0;
	vm2 =	veq.s32 v2, $0x1  }
0xb0: {  	v2 =	vsel vm3, $0x2, v4;
	v4 =	vsel vm1, $0x2, v1;
	vm0 =	vmand vm2, vm0  }
0xb1: {  	v2 =	vsel vm0, v4, v2  }
0xb2: {  	[tilespmem:s15+$0x6010] =	vst v2  }
0xb3: {  	vm1 =	veq.s32 v2, $0x2;
	v4 =	vld [tilespmem:s13+$0xFFFFFFD0]  }
0xb4: {  	v5 =	vld [tilespmem:s13+$0xFFFFFFE0]  }
0xb5: {  	v6 =	vld [tilespmem:s13+$0xFFFFFFF0];
	_ =	sdelay $0x2  }
0xb6: {  	v4 =	vadd.f32 $-2.302585120e+00, v4  }
0xb7: {  	v7 =	vadd.f32 $-2.231435330e-01, v5;
	v5 =	vadd.f32 $-1.177830320e-01, v5  }
0xb8: {  	v8 =	vadd.f32 $-2.302585120e+00, v6;
	v6 =	vadd.f32 $-2.197224620e+00, v6  }
0xb9: {  	vm3 =	veq.s32 v3, $0x1;
	v9 =	vmax.f32 v4, v7;
	vm2 =	vgt.f32 v7, v4  }
0xba: {  	vm0 =	vgt.f32 v8, v9;
	v3 =	vsel vm2, $0x1, v0;
	vm2 =	vgt.f32 v6, v5  }
0xbb: {  	vm1 =	vmand vm1, vm3;
	v3 =	vsel vm0, $0x2, v3;
	v4 =	vsel vm2, $0x2, v1  }
0xbc: {  	s15 =	sshra.s32 s16, $0x2;
	v3 =	vsel vm1, v4, v3  }
0xbd: {  	[tilespmem:s15+$0x6000] =	vst v3  }
0xbe: {  	v5 =	vld [tilespmem:s13+$0x20]  }
0xbf: {  	v6 =	vld [tilespmem:s13+$0x10]  }
0xc0: {  	v7 =	vld [tilespmem:s13+$0x0];
	_ =	sdelay $0x1  }
.Ltmp3:
0xc1: {  	(pc) =	sbr.rel @p1 .LBB2_7-.Ltmp3, $4  }
0xc2: {  	v8 =	vadd.f32 $-2.197224620e+00, v5  }
0xc3: {  	v4 =	vadd.f32 $-2.231435330e-01, v6;
	v9 =	vadd.f32 $-1.177830320e-01, v6  }
0xc4: {  	v6 =	vadd.f32 $-2.302585120e+00, v7  }
0xc5: {  	v5 =	vadd.f32 $-2.302585120e+00, v5;
	vm1 =	vgt.f32 v8, v9  }
0xc6: {  	v7 =	vmax.f32 v6, v4;
	vm2 =	vgt.f32 v4, v6  }
0xc7: {  	vm3 =	vgt.f32 v5, v7;
	v4 =	vsel vm2, $0x1, v0;
	vm2 =	veq.s32 v2, $0x1  }
0xc8: {  	v2 =	vsel vm3, $0x2, v4;
	v4 =	vsel vm1, $0x2, v1;
	vm0 =	vmand vm2, vm0  }
0xc9: {  	v2 =	vsel vm0, v4, v2  }
0xca: {  	s13 =	simm.s32 $0x0;
	s14 =	rddreg [dreg:$0x7];
	[tilespmem:s15+$0x6010] =	vst v2  }
0xcb: {  	[hbm4b:s14+s13] =	stream.linear.scatter [tilespmem:s7], [sflag:$0x3], $0x1000, $0x38;
	[tilespmem:$0x8000] =	vst v63  }
0xcc: {  	s16 =	rddreg [dreg:$0x8]  }
0xcd: {  	[tilespmem:s13], [sflag:$0x1] =	stream.linear.gather [hbm4b:s16+s13], $0x3000, $0x38;
	[tilespmem:$0x8000] =	vst v63  }
0xce: {  	_ =	swait.ge [sflag:s8], $0x3000  }
0xcf: {  	[sflag:s8] =	ssyncset.done $0x0  }
0xd0: {  	[sflag:s8] =	ssyncadd.s32 $0xFFFFD000  }
0xd1: {  	_ =	swait.ge [sflag:s11], $0x1000  }
0xd2: {  	[sflag:s11] =	ssyncset.done $0x0  }
0xd3: {  	s13 =	simm.s32 $0x3030;
	[sflag:s11] =	ssyncadd.s32 $0xFFFFF000  }
0xd4: {  	v4 =	vld [tilespmem:s13+$0xFFFFFFD0]  }
0xd5: {  	v5 =	vld [tilespmem:s13+$0xFFFFFFE0]  }
0xd6: {  	v6 =	vld [tilespmem:s13+$0xFFFFFFF0];
	_ =	sdelay $0x2  }
0xd7: {  	v4 =	vadd.f32 $-2.302585120e+00, v4  }
0xd8: {  	v7 =	vadd.f32 $-2.231435330e-01, v5;
	v5 =	vadd.f32 $-1.177830320e-01, v5  }
0xd9: {  	vm3 =	veq.s32 v3, $0x1;
	v8 =	vadd.f32 $-2.302585120e+00, v6;
	v6 =	vadd.f32 $-2.197224620e+00, v6  }
0xda: {  	vm1 =	veq.s32 v2, $0x2;
	v9 =	vmax.f32 v4, v7;
	vm2 =	vgt.f32 v7, v4  }
0xdb: {  	vm0 =	vgt.f32 v8, v9;
	v3 =	vsel vm2, $0x1, v0;
	vm2 =	vgt.f32 v6, v5  }
0xdc: {  	vm1 =	vmand vm1, vm3;
	v3 =	vsel vm0, $0x2, v3;
	v4 =	vsel vm2, $0x2, v1  }
0xdd: {  	s15 =	simm.s32 $0x0;
	v3 =	vsel vm1, v4, v3  }
0xde: {  	[tilespmem:s15+$0x7000] =	vst v3  }
0xdf: {  	v5 =	vld [tilespmem:s13+$0x20]  }
0xe0: {  	v4 =	vld [tilespmem:s13+$0x10];
	_ =	sdelay $0x1  }
0xe1: {  	v6 =	vld [tilespmem:s13+$0x0];
	_ =	sdelay $0x2  }
0xe2: {  	v7 =	vadd.f32 $-2.197224620e+00, v5;
	v8 =	vadd.f32 $-1.177830320e-01, v4  }
0xe3: {  	v4 =	vadd.f32 $-2.231435330e-01, v4  }
0xe4: {  	s14 =	simm.s32 $0x80;
	v6 =	vadd.f32 $-2.302585120e+00, v6;
	v5 =	vadd.f32 $-2.302585120e+00, v5;
	vm1 =	vgt.f32 v7, v8  }
.LBB2_9:
0xe5: {  	p1 =	sne.s32 s14, $0x3F80  }
0xe6: {  	v7 =	vmax.f32 v6, v4;
	vm2 =	vgt.f32 v4, v6;
	s13 =	sadd.s32 $0x60, s13;
	s16 =	smov.u32 s14;
	s14 =	sadd.s32 $0x80, s14  }
0xe7: {  	vm3 =	vgt.f32 v5, v7;
	v4 =	vsel vm2, $0x1, v0;
	vm2 =	veq.s32 v2, $0x1  }
0xe8: {  	v2 =	vsel vm3, $0x2, v4;
	v4 =	vsel vm1, $0x2, v1;
	vm0 =	vmand vm2, vm0  }
0xe9: {  	v2 =	vsel vm0, v4, v2  }
0xea: {  	[tilespmem:s15+$0x7010] =	vst v2  }
0xeb: {  	vm1 =	veq.s32 v2, $0x2;
	v4 =	vld [tilespmem:s13+$0xFFFFFFD0]  }
0xec: {  	v5 =	vld [tilespmem:s13+$0xFFFFFFE0]  }
0xed: {  	v6 =	vld [tilespmem:s13+$0xFFFFFFF0];
	_ =	sdelay $0x2  }
0xee: {  	v4 =	vadd.f32 $-2.302585120e+00, v4  }
0xef: {  	v7 =	vadd.f32 $-2.231435330e-01, v5;
	v5 =	vadd.f32 $-1.177830320e-01, v5  }
0xf0: {  	v8 =	vadd.f32 $-2.302585120e+00, v6;
	v6 =	vadd.f32 $-2.197224620e+00, v6  }
0xf1: {  	vm3 =	veq.s32 v3, $0x1;
	v9 =	vmax.f32 v4, v7;
	vm2 =	vgt.f32 v7, v4  }
0xf2: {  	vm0 =	vgt.f32 v8, v9;
	v3 =	vsel vm2, $0x1, v0;
	vm2 =	vgt.f32 v6, v5  }
0xf3: {  	vm1 =	vmand vm1, vm3;
	v3 =	vsel vm0, $0x2, v3;
	v4 =	vsel vm2, $0x2, v1  }
0xf4: {  	s15 =	sshra.s32 s16, $0x2;
	v3 =	vsel vm1, v4, v3  }
0xf5: {  	[tilespmem:s15+$0x7000] =	vst v3  }
0xf6: {  	v5 =	vld [tilespmem:s13+$0x20]  }
0xf7: {  	v6 =	vld [tilespmem:s13+$0x10]  }
0xf8: {  	v7 =	vld [tilespmem:s13+$0x0];
	_ =	sdelay $0x1  }
.Ltmp4:
0xf9: {  	(pc) =	sbr.rel @p1 .LBB2_9-.Ltmp4, $4  }
0xfa: {  	v8 =	vadd.f32 $-2.197224620e+00, v5  }
0xfb: {  	v4 =	vadd.f32 $-2.231435330e-01, v6;
	v9 =	vadd.f32 $-1.177830320e-01, v6  }
0xfc: {  	v6 =	vadd.f32 $-2.302585120e+00, v7  }
0xfd: {  	v5 =	vadd.f32 $-2.302585120e+00, v5;
	vm1 =	vgt.f32 v8, v9  }
0xfe: {  	v7 =	vmax.f32 v6, v4;
	vm2 =	vgt.f32 v4, v6  }
0xff: {  	vm3 =	vgt.f32 v5, v7;
	v4 =	vsel vm2, $0x1, v0;
	vm2 =	veq.s32 v2, $0x1  }
0x100: {  	v2 =	vsel vm3, $0x2, v4;
	v4 =	vsel vm1, $0x2, v1;
	vm0 =	vmand vm2, vm0  }
0x101: {  	v2 =	vsel vm0, v4, v2  }
0x102: {  	s13 =	simm.s32 $0x0;
	s14 =	rddreg [dreg:$0x9];
	[tilespmem:s15+$0x7010] =	vst v2  }
0x103: {  	[hbm4b:s14+s13] =	stream.linear.scatter [tilespmem:s9], [sflag:$0x4], $0x1000, $0x38;
	[tilespmem:$0x8000] =	vst v63  }
0x104: {  	s16 =	rddreg [dreg:$0xa]  }
0x105: {  	[tilespmem:s5], [sflag:$0x2] =	stream.linear.gather [hbm4b:s16+s13], $0x3000, $0x38;
	[tilespmem:$0x8000] =	vst v63  }
0x106: {  	_ =	swait.ge [sflag:s6], $0x3000  }
0x107: {  	[sflag:s6] =	ssyncset.done $0x0  }
0x108: {  	[sflag:s6] =	ssyncadd.s32 $0xFFFFD000  }
0x109: {  	_ =	swait.ge [sflag:s10], $0x1000  }
0x10a: {  	[sflag:s10] =	ssyncset.done $0x0  }
0x10b: {  	s13 =	simm.s32 $0x30;
	[sflag:s10] =	ssyncadd.s32 $0xFFFFF000  }
0x10c: {  	v4 =	vld [tilespmem:s13+$0xFFFFFFD0]  }
0x10d: {  	v5 =	vld [tilespmem:s13+$0xFFFFFFE0]  }
0x10e: {  	v6 =	vld [tilespmem:s13+$0xFFFFFFF0];
	_ =	sdelay $0x2  }
0x10f: {  	v4 =	vadd.f32 $-2.302585120e+00, v4  }
0x110: {  	v7 =	vadd.f32 $-2.231435330e-01, v5;
	v5 =	vadd.f32 $-1.177830320e-01, v5  }
0x111: {  	vm3 =	veq.s32 v3, $0x1;
	v8 =	vadd.f32 $-2.302585120e+00, v6;
	v6 =	vadd.f32 $-2.197224620e+00, v6  }
0x112: {  	vm1 =	veq.s32 v2, $0x2;
	v9 =	vmax.f32 v4, v7;
	vm2 =	vgt.f32 v7, v4  }
0x113: {  	vm0 =	vgt.f32 v8, v9;
	v3 =	vsel vm2, $0x1, v0;
	vm2 =	vgt.f32 v6, v5  }
0x114: {  	vm1 =	vmand vm1, vm3;
	v3 =	vsel vm0, $0x2, v3;
	v4 =	vsel vm2, $0x2, v1  }
0x115: {  	s15 =	simm.s32 $0x0;
	v3 =	vsel vm1, v4, v3  }
0x116: {  	[tilespmem:s15+$0x6000] =	vst v3  }
0x117: {  	v5 =	vld [tilespmem:s13+$0x20]  }
0x118: {  	v4 =	vld [tilespmem:s13+$0x10];
	_ =	sdelay $0x1  }
0x119: {  	v6 =	vld [tilespmem:s13+$0x0];
	_ =	sdelay $0x2  }
0x11a: {  	v7 =	vadd.f32 $-2.197224620e+00, v5;
	v8 =	vadd.f32 $-1.177830320e-01, v4  }
0x11b: {  	v4 =	vadd.f32 $-2.231435330e-01, v4  }
0x11c: {  	s14 =	simm.s32 $0x80;
	v6 =	vadd.f32 $-2.302585120e+00, v6;
	v5 =	vadd.f32 $-2.302585120e+00, v5;
	vm1 =	vgt.f32 v7, v8  }
.LBB2_11:
0x11d: {  	p1 =	sne.s32 s14, $0x3F80  }
0x11e: {  	v7 =	vmax.f32 v6, v4;
	vm2 =	vgt.f32 v4, v6;
	s13 =	sadd.s32 $0x60, s13;
	s16 =	smov.u32 s14;
	s14 =	sadd.s32 $0x80, s14  }
0x11f: {  	vm3 =	vgt.f32 v5, v7;
	v4 =	vsel vm2, $0x1, v0;
	vm2 =	veq.s32 v2, $0x1  }
0x120: {  	v2 =	vsel vm3, $0x2, v4;
	v4 =	vsel vm1, $0x2, v1;
	vm0 =	vmand vm2, vm0  }
0x121: {  	v2 =	vsel vm0, v4, v2  }
0x122: {  	[tilespmem:s15+$0x6010] =	vst v2  }
0x123: {  	vm1 =	veq.s32 v2, $0x2;
	v4 =	vld [tilespmem:s13+$0xFFFFFFD0]  }
0x124: {  	v5 =	vld [tilespmem:s13+$0xFFFFFFE0]  }
0x125: {  	v6 =	vld [tilespmem:s13+$0xFFFFFFF0];
	_ =	sdelay $0x2  }
0x126: {  	v4 =	vadd.f32 $-2.302585120e+00, v4  }
0x127: {  	v7 =	vadd.f32 $-2.231435330e-01, v5;
	v5 =	vadd.f32 $-1.177830320e-01, v5  }
0x128: {  	v8 =	vadd.f32 $-2.302585120e+00, v6;
	v6 =	vadd.f32 $-2.197224620e+00, v6  }
0x129: {  	vm3 =	veq.s32 v3, $0x1;
	v9 =	vmax.f32 v4, v7;
	vm2 =	vgt.f32 v7, v4  }
0x12a: {  	vm0 =	vgt.f32 v8, v9;
	v3 =	vsel vm2, $0x1, v0;
	vm2 =	vgt.f32 v6, v5  }
0x12b: {  	vm1 =	vmand vm1, vm3;
	v3 =	vsel vm0, $0x2, v3;
	v4 =	vsel vm2, $0x2, v1  }
0x12c: {  	s15 =	sshra.s32 s16, $0x2;
	v3 =	vsel vm1, v4, v3  }
0x12d: {  	[tilespmem:s15+$0x6000] =	vst v3  }
0x12e: {  	v5 =	vld [tilespmem:s13+$0x20]  }
0x12f: {  	v6 =	vld [tilespmem:s13+$0x10]  }
0x130: {  	v7 =	vld [tilespmem:s13+$0x0];
	_ =	sdelay $0x1  }
.Ltmp5:
0x131: {  	(pc) =	sbr.rel @p1 .LBB2_11-.Ltmp5, $4  }
0x132: {  	v8 =	vadd.f32 $-2.197224620e+00, v5  }
0x133: {  	v4 =	vadd.f32 $-2.231435330e-01, v6;
	v9 =	vadd.f32 $-1.177830320e-01, v6  }
0x134: {  	v6 =	vadd.f32 $-2.302585120e+00, v7  }
0x135: {  	v5 =	vadd.f32 $-2.302585120e+00, v5;
	vm1 =	vgt.f32 v8, v9  }
0x136: {  	v7 =	vmax.f32 v6, v4;
	vm2 =	vgt.f32 v4, v6  }
0x137: {  	vm3 =	vgt.f32 v5, v7;
	v4 =	vsel vm2, $0x1, v0;
	vm2 =	veq.s32 v2, $0x1  }
0x138: {  	v2 =	vsel vm3, $0x2, v4;
	v4 =	vsel vm1, $0x2, v1;
	vm0 =	vmand vm2, vm0  }
0x139: {  	v2 =	vsel vm0, v4, v2  }
0x13a: {  	s13 =	simm.s32 $0x0;
	s14 =	rddreg [dreg:$0xb];
	[tilespmem:s15+$0x6010] =	vst v2  }
0x13b: {  	[hbm4b:s14+s13] =	stream.linear.scatter [tilespmem:s7], [sflag:$0x3], $0x1000, $0x38;
	[tilespmem:$0x8000] =	vst v63  }
0x13c: {  	s16 =	rddreg [dreg:$0xc]  }
0x13d: {  	[tilespmem:s13], [sflag:$0x1] =	stream.linear.gather [hbm4b:s16+s13], $0x3000, $0x38;
	[tilespmem:$0x8000] =	vst v63  }
0x13e: {  	_ =	swait.ge [sflag:s8], $0x3000  }
0x13f: {  	[sflag:s8] =	ssyncset.done $0x0  }
0x140: {  	[sflag:s8] =	ssyncadd.s32 $0xFFFFD000  }
0x141: {  	_ =	swait.ge [sflag:s11], $0x1000  }
0x142: {  	[sflag:s11] =	ssyncset.done $0x0  }
0x143: {  	s13 =	simm.s32 $0x3030;
	[sflag:s11] =	ssyncadd.s32 $0xFFFFF000  }
0x144: {  	v4 =	vld [tilespmem:s13+$0xFFFFFFD0]  }
0x145: {  	v5 =	vld [tilespmem:s13+$0xFFFFFFE0]  }
0x146: {  	v6 =	vld [tilespmem:s13+$0xFFFFFFF0];
	_ =	sdelay $0x2  }
0x147: {  	v4 =	vadd.f32 $-2.302585120e+00, v4  }
0x148: {  	v7 =	vadd.f32 $-2.231435330e-01, v5;
	v5 =	vadd.f32 $-1.177830320e-01, v5  }
0x149: {  	vm3 =	veq.s32 v3, $0x1;
	v8 =	vadd.f32 $-2.302585120e+00, v6;
	v6 =	vadd.f32 $-2.197224620e+00, v6  }
0x14a: {  	vm1 =	veq.s32 v2, $0x2;
	v9 =	vmax.f32 v4, v7;
	vm2 =	vgt.f32 v7, v4  }
0x14b: {  	vm0 =	vgt.f32 v8, v9;
	v3 =	vsel vm2, $0x1, v0;
	vm2 =	vgt.f32 v6, v5  }
0x14c: {  	vm1 =	vmand vm1, vm3;
	v3 =	vsel vm0, $0x2, v3;
	v4 =	vsel vm2, $0x2, v1  }
0x14d: {  	s15 =	simm.s32 $0x0;
	v3 =	vsel vm1, v4, v3  }
0x14e: {  	[tilespmem:s15+$0x7000] =	vst v3  }
0x14f: {  	v5 =	vld [tilespmem:s13+$0x20]  }
0x150: {  	v4 =	vld [tilespmem:s13+$0x10];
	_ =	sdelay $0x1  }
0x151: {  	v6 =	vld [tilespmem:s13+$0x0];
	_ =	sdelay $0x2  }
0x152: {  	v7 =	vadd.f32 $-2.197224620e+00, v5;
	v8 =	vadd.f32 $-1.177830320e-01, v4  }
0x153: {  	v4 =	vadd.f32 $-2.231435330e-01, v4  }
0x154: {  	s14 =	simm.s32 $0x80;
	v6 =	vadd.f32 $-2.302585120e+00, v6;
	v5 =	vadd.f32 $-2.302585120e+00, v5;
	vm1 =	vgt.f32 v7, v8  }
.LBB2_13:
0x155: {  	p1 =	sne.s32 s14, $0x3F80  }
0x156: {  	v7 =	vmax.f32 v6, v4;
	vm2 =	vgt.f32 v4, v6;
	s13 =	sadd.s32 $0x60, s13;
	s16 =	smov.u32 s14;
	s14 =	sadd.s32 $0x80, s14  }
0x157: {  	vm3 =	vgt.f32 v5, v7;
	v4 =	vsel vm2, $0x1, v0;
	vm2 =	veq.s32 v2, $0x1  }
0x158: {  	v2 =	vsel vm3, $0x2, v4;
	v4 =	vsel vm1, $0x2, v1;
	vm0 =	vmand vm2, vm0  }
0x159: {  	v2 =	vsel vm0, v4, v2  }
0x15a: {  	[tilespmem:s15+$0x7010] =	vst v2  }
0x15b: {  	vm1 =	veq.s32 v2, $0x2;
	v4 =	vld [tilespmem:s13+$0xFFFFFFD0]  }
0x15c: {  	v5 =	vld [tilespmem:s13+$0xFFFFFFE0]  }
0x15d: {  	v6 =	vld [tilespmem:s13+$0xFFFFFFF0];
	_ =	sdelay $0x2  }
0x15e: {  	v4 =	vadd.f32 $-2.302585120e+00, v4  }
0x15f: {  	v7 =	vadd.f32 $-2.231435330e-01, v5;
	v5 =	vadd.f32 $-1.177830320e-01, v5  }
0x160: {  	v8 =	vadd.f32 $-2.302585120e+00, v6;
	v6 =	vadd.f32 $-2.197224620e+00, v6  }
0x161: {  	vm3 =	veq.s32 v3, $0x1;
	v9 =	vmax.f32 v4, v7;
	vm2 =	vgt.f32 v7, v4  }
0x162: {  	vm0 =	vgt.f32 v8, v9;
	v3 =	vsel vm2, $0x1, v0;
	vm2 =	vgt.f32 v6, v5  }
0x163: {  	vm1 =	vmand vm1, vm3;
	v3 =	vsel vm0, $0x2, v3;
	v4 =	vsel vm2, $0x2, v1  }
0x164: {  	s15 =	sshra.s32 s16, $0x2;
	v3 =	vsel vm1, v4, v3  }
0x165: {  	[tilespmem:s15+$0x7000] =	vst v3  }
0x166: {  	v5 =	vld [tilespmem:s13+$0x20]  }
0x167: {  	v6 =	vld [tilespmem:s13+$0x10]  }
0x168: {  	v7 =	vld [tilespmem:s13+$0x0];
	_ =	sdelay $0x1  }
.Ltmp6:
0x169: {  	(pc) =	sbr.rel @p1 .LBB2_13-.Ltmp6, $4  }
0x16a: {  	v8 =	vadd.f32 $-2.197224620e+00, v5  }
0x16b: {  	v4 =	vadd.f32 $-2.231435330e-01, v6;
	v9 =	vadd.f32 $-1.177830320e-01, v6  }
0x16c: {  	v6 =	vadd.f32 $-2.302585120e+00, v7  }
0x16d: {  	v5 =	vadd.f32 $-2.302585120e+00, v5;
	vm1 =	vgt.f32 v8, v9  }
0x16e: {  	v7 =	vmax.f32 v6, v4;
	vm2 =	vgt.f32 v4, v6  }
0x16f: {  	vm3 =	vgt.f32 v5, v7;
	v4 =	vsel vm2, $0x1, v0;
	vm2 =	veq.s32 v2, $0x1  }
0x170: {  	v2 =	vsel vm3, $0x2, v4;
	v4 =	vsel vm1, $0x2, v1;
	vm0 =	vmand vm2, vm0  }
0x171: {  	v2 =	vsel vm0, v4, v2  }
0x172: {  	s13 =	simm.s32 $0x0;
	s14 =	rddreg [dreg:$0xd];
	[tilespmem:s15+$0x7010] =	vst v2  }
0x173: {  	[hbm4b:s14+s13] =	stream.linear.scatter [tilespmem:s9], [sflag:$0x4], $0x1000, $0x38;
	[tilespmem:$0x8000] =	vst v63  }
0x174: {  	s16 =	rddreg [dreg:$0xe]  }
0x175: {  	[tilespmem:s5], [sflag:$0x2] =	stream.linear.gather [hbm4b:s16+s13], $0x3000, $0x38;
	[tilespmem:$0x8000] =	vst v63  }
0x176: {  	_ =	swait.ge [sflag:s6], $0x3000  }
0x177: {  	[sflag:s6] =	ssyncset.done $0x0  }
0x178: {  	[sflag:s6] =	ssyncadd.s32 $0xFFFFD000  }
0x179: {  	_ =	swait.ge [sflag:s10], $0x1000  }
0x17a: {  	[sflag:s10] =	ssyncset.done $0x0  }
0x17b: {  	s13 =	simm.s32 $0x30;
	[sflag:s10] =	ssyncadd.s32 $0xFFFFF000  }
0x17c: {  	v4 =	vld [tilespmem:s13+$0xFFFFFFD0]  }
0x17d: {  	v5 =	vld [tilespmem:s13+$0xFFFFFFE0]  }
0x17e: {  	v6 =	vld [tilespmem:s13+$0xFFFFFFF0];
	_ =	sdelay $0x2  }
0x17f: {  	v4 =	vadd.f32 $-2.302585120e+00, v4  }
0x180: {  	v7 =	vadd.f32 $-2.231435330e-01, v5;
	v5 =	vadd.f32 $-1.177830320e-01, v5  }
0x181: {  	vm3 =	veq.s32 v3, $0x1;
	v8 =	vadd.f32 $-2.302585120e+00, v6;
	v6 =	vadd.f32 $-2.197224620e+00, v6  }
0x182: {  	vm1 =	veq.s32 v2, $0x2;
	v9 =	vmax.f32 v4, v7;
	vm2 =	vgt.f32 v7, v4  }
0x183: {  	vm0 =	vgt.f32 v8, v9;
	v3 =	vsel vm2, $0x1, v0;
	vm2 =	vgt.f32 v6, v5  }
0x184: {  	vm1 =	vmand vm1, vm3;
	v3 =	vsel vm0, $0x2, v3;
	v4 =	vsel vm2, $0x2, v1  }
0x185: {  	s15 =	simm.s32 $0x0;
	v3 =	vsel vm1, v4, v3  }
0x186: {  	[tilespmem:s15+$0x6000] =	vst v3  }
0x187: {  	v5 =	vld [tilespmem:s13+$0x20]  }
0x188: {  	v4 =	vld [tilespmem:s13+$0x10];
	_ =	sdelay $0x1  }
0x189: {  	v6 =	vld [tilespmem:s13+$0x0];
	_ =	sdelay $0x2  }
0x18a: {  	v7 =	vadd.f32 $-2.197224620e+00, v5;
	v8 =	vadd.f32 $-1.177830320e-01, v4  }
0x18b: {  	v4 =	vadd.f32 $-2.231435330e-01, v4  }
0x18c: {  	s14 =	simm.s32 $0x80;
	v6 =	vadd.f32 $-2.302585120e+00, v6;
	v5 =	vadd.f32 $-2.302585120e+00, v5;
	vm1 =	vgt.f32 v7, v8  }
.LBB2_15:
0x18d: {  	p1 =	sne.s32 s14, $0x3F80  }
0x18e: {  	v7 =	vmax.f32 v6, v4;
	vm2 =	vgt.f32 v4, v6;
	s13 =	sadd.s32 $0x60, s13;
	s16 =	smov.u32 s14;
	s14 =	sadd.s32 $0x80, s14  }
0x18f: {  	vm3 =	vgt.f32 v5, v7;
	v4 =	vsel vm2, $0x1, v0;
	vm2 =	veq.s32 v2, $0x1  }
0x190: {  	v2 =	vsel vm3, $0x2, v4;
	v4 =	vsel vm1, $0x2, v1;
	vm0 =	vmand vm2, vm0  }
0x191: {  	v2 =	vsel vm0, v4, v2  }
0x192: {  	[tilespmem:s15+$0x6010] =	vst v2  }
0x193: {  	vm1 =	veq.s32 v2, $0x2;
	v4 =	vld [tilespmem:s13+$0xFFFFFFD0]  }
0x194: {  	v5 =	vld [tilespmem:s13+$0xFFFFFFE0]  }
0x195: {  	v6 =	vld [tilespmem:s13+$0xFFFFFFF0];
	_ =	sdelay $0x2  }
0x196: {  	v4 =	vadd.f32 $-2.302585120e+00, v4  }
0x197: {  	v7 =	vadd.f32 $-2.231435330e-01, v5;
	v5 =	vadd.f32 $-1.177830320e-01, v5  }
0x198: {  	v8 =	vadd.f32 $-2.302585120e+00, v6;
	v6 =	vadd.f32 $-2.197224620e+00, v6  }
0x199: {  	vm3 =	veq.s32 v3, $0x1;
	v9 =	vmax.f32 v4, v7;
	vm2 =	vgt.f32 v7, v4  }
0x19a: {  	vm0 =	vgt.f32 v8, v9;
	v3 =	vsel vm2, $0x1, v0;
	vm2 =	vgt.f32 v6, v5  }
0x19b: {  	vm1 =	vmand vm1, vm3;
	v3 =	vsel vm0, $0x2, v3;
	v4 =	vsel vm2, $0x2, v1  }
0x19c: {  	s15 =	sshra.s32 s16, $0x2;
	v3 =	vsel vm1, v4, v3  }
0x19d: {  	[tilespmem:s15+$0x6000] =	vst v3  }
0x19e: {  	v5 =	vld [tilespmem:s13+$0x20]  }
0x19f: {  	v6 =	vld [tilespmem:s13+$0x10]  }
0x1a0: {  	v7 =	vld [tilespmem:s13+$0x0];
	_ =	sdelay $0x1  }
.Ltmp7:
0x1a1: {  	(pc) =	sbr.rel @p1 .LBB2_15-.Ltmp7, $4  }
0x1a2: {  	v8 =	vadd.f32 $-2.197224620e+00, v5  }
0x1a3: {  	v4 =	vadd.f32 $-2.231435330e-01, v6;
	v9 =	vadd.f32 $-1.177830320e-01, v6  }
0x1a4: {  	v6 =	vadd.f32 $-2.302585120e+00, v7  }
0x1a5: {  	v5 =	vadd.f32 $-2.302585120e+00, v5;
	vm1 =	vgt.f32 v8, v9  }
0x1a6: {  	v7 =	vmax.f32 v6, v4;
	vm2 =	vgt.f32 v4, v6  }
0x1a7: {  	vm3 =	vgt.f32 v5, v7;
	v4 =	vsel vm2, $0x1, v0;
	vm2 =	veq.s32 v2, $0x1  }
0x1a8: {  	v2 =	vsel vm3, $0x2, v4;
	v4 =	vsel vm1, $0x2, v1;
	vm0 =	vmand vm2, vm0  }
0x1a9: {  	v2 =	vsel vm0, v4, v2  }
0x1aa: {  	s13 =	simm.s32 $0x0;
	s14 =	rddreg [dreg:$0xf];
	[tilespmem:s15+$0x6010] =	vst v2  }
0x1ab: {  	[hbm4b:s14+s13] =	stream.linear.scatter [tilespmem:s7], [sflag:$0x3], $0x1000, $0x38;
	[tilespmem:$0x8000] =	vst v63  }
0x1ac: {  	s16 =	rddreg [dreg:$0x10]  }
0x1ad: {  	[tilespmem:s13], [sflag:$0x1] =	stream.linear.gather [hbm4b:s16+s13], $0x3000, $0x38;
	[tilespmem:$0x8000] =	vst v63  }
0x1ae: {  	_ =	swait.ge [sflag:s8], $0x3000  }
0x1af: {  	[sflag:s8] =	ssyncset.done $0x0  }
0x1b0: {  	[sflag:s8] =	ssyncadd.s32 $0xFFFFD000  }
0x1b1: {  	_ =	swait.ge [sflag:s11], $0x1000  }
0x1b2: {  	[sflag:s11] =	ssyncset.done $0x0  }
0x1b3: {  	s13 =	simm.s32 $0x3030;
	[sflag:s11] =	ssyncadd.s32 $0xFFFFF000  }
0x1b4: {  	v4 =	vld [tilespmem:s13+$0xFFFFFFD0]  }
0x1b5: {  	v5 =	vld [tilespmem:s13+$0xFFFFFFE0]  }
0x1b6: {  	v6 =	vld [tilespmem:s13+$0xFFFFFFF0];
	_ =	sdelay $0x2  }
0x1b7: {  	v4 =	vadd.f32 $-2.302585120e+00, v4  }
0x1b8: {  	v7 =	vadd.f32 $-2.231435330e-01, v5;
	v5 =	vadd.f32 $-1.177830320e-01, v5  }
0x1b9: {  	vm3 =	veq.s32 v3, $0x1;
	v8 =	vadd.f32 $-2.302585120e+00, v6;
	v6 =	vadd.f32 $-2.197224620e+00, v6  }
0x1ba: {  	vm1 =	veq.s32 v2, $0x2;
	v9 =	vmax.f32 v4, v7;
	vm2 =	vgt.f32 v7, v4  }
0x1bb: {  	vm0 =	vgt.f32 v8, v9;
	v3 =	vsel vm2, $0x1, v0;
	vm2 =	vgt.f32 v6, v5  }
0x1bc: {  	vm1 =	vmand vm1, vm3;
	v3 =	vsel vm0, $0x2, v3;
	v4 =	vsel vm2, $0x2, v1  }
0x1bd: {  	s15 =	simm.s32 $0x0;
	v3 =	vsel vm1, v4, v3  }
0x1be: {  	[tilespmem:s15+$0x7000] =	vst v3  }
0x1bf: {  	v5 =	vld [tilespmem:s13+$0x20]  }
0x1c0: {  	v4 =	vld [tilespmem:s13+$0x10];
	_ =	sdelay $0x1  }
0x1c1: {  	v6 =	vld [tilespmem:s13+$0x0];
	_ =	sdelay $0x2  }
0x1c2: {  	v7 =	vadd.f32 $-2.197224620e+00, v5;
	v8 =	vadd.f32 $-1.177830320e-01, v4  }
0x1c3: {  	v4 =	vadd.f32 $-2.231435330e-01, v4  }
0x1c4: {  	s14 =	simm.s32 $0x80;
	v6 =	vadd.f32 $-2.302585120e+00, v6;
	v5 =	vadd.f32 $-2.302585120e+00, v5;
	vm1 =	vgt.f32 v7, v8  }
.LBB2_17:
0x1c5: {  	p1 =	sne.s32 s14, $0x3F80  }
0x1c6: {  	v7 =	vmax.f32 v6, v4;
	vm2 =	vgt.f32 v4, v6;
	s13 =	sadd.s32 $0x60, s13;
	s16 =	smov.u32 s14;
	s14 =	sadd.s32 $0x80, s14  }
0x1c7: {  	vm3 =	vgt.f32 v5, v7;
	v4 =	vsel vm2, $0x1, v0;
	vm2 =	veq.s32 v2, $0x1  }
0x1c8: {  	v2 =	vsel vm3, $0x2, v4;
	v4 =	vsel vm1, $0x2, v1;
	vm0 =	vmand vm2, vm0  }
0x1c9: {  	v2 =	vsel vm0, v4, v2  }
0x1ca: {  	[tilespmem:s15+$0x7010] =	vst v2  }
0x1cb: {  	vm1 =	veq.s32 v2, $0x2;
	v4 =	vld [tilespmem:s13+$0xFFFFFFD0]  }
0x1cc: {  	v5 =	vld [tilespmem:s13+$0xFFFFFFE0]  }
0x1cd: {  	v6 =	vld [tilespmem:s13+$0xFFFFFFF0];
	_ =	sdelay $0x2  }
0x1ce: {  	v4 =	vadd.f32 $-2.302585120e+00, v4  }
0x1cf: {  	v7 =	vadd.f32 $-2.231435330e-01, v5;
	v5 =	vadd.f32 $-1.177830320e-01, v5  }
0x1d0: {  	v8 =	vadd.f32 $-2.302585120e+00, v6;
	v6 =	vadd.f32 $-2.197224620e+00, v6  }
0x1d1: {  	vm3 =	veq.s32 v3, $0x1;
	v9 =	vmax.f32 v4, v7;
	vm2 =	vgt.f32 v7, v4  }
0x1d2: {  	vm0 =	vgt.f32 v8, v9;
	v3 =	vsel vm2, $0x1, v0;
	vm2 =	vgt.f32 v6, v5  }
0x1d3: {  	vm1 =	vmand vm1, vm3;
	v3 =	vsel vm0, $0x2, v3;
	v4 =	vsel vm2, $0x2, v1  }
0x1d4: {  	s15 =	sshra.s32 s16, $0x2;
	v3 =	vsel vm1, v4, v3  }
0x1d5: {  	[tilespmem:s15+$0x7000] =	vst v3  }
0x1d6: {  	v5 =	vld [tilespmem:s13+$0x20]  }
0x1d7: {  	v6 =	vld [tilespmem:s13+$0x10]  }
0x1d8: {  	v7 =	vld [tilespmem:s13+$0x0];
	_ =	sdelay $0x1  }
.Ltmp8:
0x1d9: {  	(pc) =	sbr.rel @p1 .LBB2_17-.Ltmp8, $4  }
0x1da: {  	v8 =	vadd.f32 $-2.197224620e+00, v5  }
0x1db: {  	v4 =	vadd.f32 $-2.231435330e-01, v6;
	v9 =	vadd.f32 $-1.177830320e-01, v6  }
0x1dc: {  	v6 =	vadd.f32 $-2.302585120e+00, v7  }
0x1dd: {  	v5 =	vadd.f32 $-2.302585120e+00, v5;
	vm1 =	vgt.f32 v8, v9  }
0x1de: {  	v7 =	vmax.f32 v6, v4;
	vm2 =	vgt.f32 v4, v6  }
0x1df: {  	vm3 =	vgt.f32 v5, v7;
	v4 =	vsel vm2, $0x1, v0;
	vm2 =	veq.s32 v2, $0x1  }
0x1e0: {  	v2 =	vsel vm3, $0x2, v4;
	v4 =	vsel vm1, $0x2, v1;
	vm0 =	vmand vm2, vm0  }
0x1e1: {  	v2 =	vsel vm0, v4, v2  }
0x1e2: {  	s13 =	simm.s32 $0x0;
	[tilespmem:s15+$0x7010] =	vst v2  }
0x1e3: {  	[hbm4b:s17+s13] =	stream.linear.scatter [tilespmem:s9], [sflag:$0x4], $0x1000, $0x38;
	[tilespmem:$0x8000] =	vst v63  }
0x1e4: {  	_ = 	snop  }
0x1e5: {  	[tilespmem:s5], [sflag:$0x2] =	stream.linear.gather [hbm4b:s18+s13], $0x3000, $0x38;
	[tilespmem:$0x8000] =	vst v63  }
0x1e6: {  	_ =	swait.ge [sflag:s6], $0x3000  }
0x1e7: {  	[sflag:s6] =	ssyncset.done $0x0  }
0x1e8: {  	[sflag:s6] =	ssyncadd.s32 $0xFFFFD000  }
0x1e9: {  	_ =	swait.ge [sflag:s10], $0x1000  }
0x1ea: {  	[sflag:s10] =	ssyncset.done $0x0  }
0x1eb: {  	s13 =	simm.s32 $0x30;
	[sflag:s10] =	ssyncadd.s32 $0xFFFFF000  }
0x1ec: {  	v4 =	vld [tilespmem:s13+$0xFFFFFFD0]  }
0x1ed: {  	v5 =	vld [tilespmem:s13+$0xFFFFFFE0]  }
0x1ee: {  	v6 =	vld [tilespmem:s13+$0xFFFFFFF0];
	_ =	sdelay $0x2  }
0x1ef: {  	v4 =	vadd.f32 $-2.302585120e+00, v4  }
0x1f0: {  	v7 =	vadd.f32 $-2.231435330e-01, v5;
	v5 =	vadd.f32 $-1.177830320e-01, v5  }
0x1f1: {  	vm3 =	veq.s32 v3, $0x1;
	v8 =	vadd.f32 $-2.302585120e+00, v6;
	v6 =	vadd.f32 $-2.197224620e+00, v6  }
0x1f2: {  	vm1 =	veq.s32 v2, $0x2;
	v9 =	vmax.f32 v4, v7;
	vm2 =	vgt.f32 v7, v4  }
0x1f3: {  	vm0 =	vgt.f32 v8, v9;
	v3 =	vsel vm2, $0x1, v0;
	vm2 =	vgt.f32 v6, v5  }
0x1f4: {  	vm1 =	vmand vm1, vm3;
	v3 =	vsel vm0, $0x2, v3;
	v4 =	vsel vm2, $0x2, v1  }
0x1f5: {  	s15 =	simm.s32 $0x0;
	v3 =	vsel vm1, v4, v3  }
0x1f6: {  	[tilespmem:s15+$0x6000] =	vst v3  }
0x1f7: {  	v5 =	vld [tilespmem:s13+$0x20]  }
0x1f8: {  	v4 =	vld [tilespmem:s13+$0x10];
	_ =	sdelay $0x1  }
0x1f9: {  	v6 =	vld [tilespmem:s13+$0x0];
	_ =	sdelay $0x2  }
0x1fa: {  	v7 =	vadd.f32 $-2.197224620e+00, v5;
	v8 =	vadd.f32 $-1.177830320e-01, v4  }
0x1fb: {  	v4 =	vadd.f32 $-2.231435330e-01, v4  }
0x1fc: {  	s14 =	simm.s32 $0x80;
	v6 =	vadd.f32 $-2.302585120e+00, v6;
	v5 =	vadd.f32 $-2.302585120e+00, v5;
	vm1 =	vgt.f32 v7, v8  }
.LBB2_19:
0x1fd: {  	p1 =	sne.s32 s14, $0x3F80  }
0x1fe: {  	v7 =	vmax.f32 v6, v4;
	vm2 =	vgt.f32 v4, v6;
	s13 =	sadd.s32 $0x60, s13;
	s16 =	smov.u32 s14;
	s14 =	sadd.s32 $0x80, s14  }
0x1ff: {  	vm3 =	vgt.f32 v5, v7;
	v4 =	vsel vm2, $0x1, v0;
	vm2 =	veq.s32 v2, $0x1  }
0x200: {  	v2 =	vsel vm3, $0x2, v4;
	v4 =	vsel vm1, $0x2, v1;
	vm0 =	vmand vm2, vm0  }
0x201: {  	v2 =	vsel vm0, v4, v2  }
0x202: {  	[tilespmem:s15+$0x6010] =	vst v2  }
0x203: {  	vm1 =	veq.s32 v2, $0x2;
	v4 =	vld [tilespmem:s13+$0xFFFFFFD0]  }
0x204: {  	v5 =	vld [tilespmem:s13+$0xFFFFFFE0]  }
0x205: {  	v6 =	vld [tilespmem:s13+$0xFFFFFFF0];
	_ =	sdelay $0x2  }
0x206: {  	v4 =	vadd.f32 $-2.302585120e+00, v4  }
0x207: {  	v7 =	vadd.f32 $-2.231435330e-01, v5;
	v5 =	vadd.f32 $-1.177830320e-01, v5  }
0x208: {  	v8 =	vadd.f32 $-2.302585120e+00, v6;
	v6 =	vadd.f32 $-2.197224620e+00, v6  }
0x209: {  	vm3 =	veq.s32 v3, $0x1;
	v9 =	vmax.f32 v4, v7;
	vm2 =	vgt.f32 v7, v4  }
0x20a: {  	vm0 =	vgt.f32 v8, v9;
	v3 =	vsel vm2, $0x1, v0;
	vm2 =	vgt.f32 v6, v5  }
0x20b: {  	vm1 =	vmand vm1, vm3;
	v3 =	vsel vm0, $0x2, v3;
	v4 =	vsel vm2, $0x2, v1  }
0x20c: {  	s15 =	sshra.s32 s16, $0x2;
	v3 =	vsel vm1, v4, v3  }
0x20d: {  	[tilespmem:s15+$0x6000] =	vst v3  }
0x20e: {  	v5 =	vld [tilespmem:s13+$0x20]  }
0x20f: {  	v6 =	vld [tilespmem:s13+$0x10]  }
0x210: {  	v7 =	vld [tilespmem:s13+$0x0];
	_ =	sdelay $0x1  }
.Ltmp9:
0x211: {  	(pc) =	sbr.rel @p1 .LBB2_19-.Ltmp9, $4  }
0x212: {  	v8 =	vadd.f32 $-2.197224620e+00, v5  }
0x213: {  	v4 =	vadd.f32 $-2.231435330e-01, v6;
	v9 =	vadd.f32 $-1.177830320e-01, v6  }
0x214: {  	v6 =	vadd.f32 $-2.302585120e+00, v7  }
0x215: {  	v5 =	vadd.f32 $-2.302585120e+00, v5;
	vm1 =	vgt.f32 v8, v9  }
0x216: {  	v7 =	vmax.f32 v6, v4;
	vm2 =	vgt.f32 v4, v6  }
0x217: {  	vm3 =	vgt.f32 v5, v7;
	v4 =	vsel vm2, $0x1, v0;
	vm2 =	veq.s32 v2, $0x1  }
0x218: {  	v2 =	vsel vm3, $0x2, v4;
	v4 =	vsel vm1, $0x2, v1;
	vm0 =	vmand vm2, vm0  }
0x219: {  	v2 =	vsel vm0, v4, v2  }
0x21a: {  	s13 =	simm.s32 $0x0;
	[tilespmem:s15+$0x6010] =	vst v2  }
0x21b: {  	[hbm4b:s19+s13] =	stream.linear.scatter [tilespmem:s7], [sflag:$0x3], $0x1000, $0x38;
	[tilespmem:$0x8000] =	vst v63  }
0x21c: {  	_ = 	snop  }
0x21d: {  	[tilespmem:s13], [sflag:$0x1] =	stream.linear.gather [hbm4b:s29+s13], $0x3000, $0x38;
	[tilespmem:$0x8000] =	vst v63  }
0x21e: {  	_ =	swait.ge [sflag:s8], $0x3000  }
0x21f: {  	[sflag:s8] =	ssyncset.done $0x0  }
0x220: {  	[sflag:s8] =	ssyncadd.s32 $0xFFFFD000  }
0x221: {  	_ =	swait.ge [sflag:s11], $0x1000  }
0x222: {  	[sflag:s11] =	ssyncset.done $0x0  }
0x223: {  	s13 =	simm.s32 $0x3030;
	[sflag:s11] =	ssyncadd.s32 $0xFFFFF000  }
0x224: {  	v4 =	vld [tilespmem:s13+$0xFFFFFFD0]  }
0x225: {  	v5 =	vld [tilespmem:s13+$0xFFFFFFE0]  }
0x226: {  	v6 =	vld [tilespmem:s13+$0xFFFFFFF0];
	_ =	sdelay $0x2  }
0x227: {  	v4 =	vadd.f32 $-2.302585120e+00, v4  }
0x228: {  	v7 =	vadd.f32 $-2.231435330e-01, v5;
	v5 =	vadd.f32 $-1.177830320e-01, v5  }
0x229: {  	vm3 =	veq.s32 v3, $0x1;
	v8 =	vadd.f32 $-2.302585120e+00, v6;
	v6 =	vadd.f32 $-2.197224620e+00, v6  }
0x22a: {  	vm1 =	veq.s32 v2, $0x2;
	v9 =	vmax.f32 v4, v7;
	vm2 =	vgt.f32 v7, v4  }
0x22b: {  	vm0 =	vgt.f32 v8, v9;
	v3 =	vsel vm2, $0x1, v0;
	vm2 =	vgt.f32 v6, v5  }
0x22c: {  	vm1 =	vmand vm1, vm3;
	v3 =	vsel vm0, $0x2, v3;
	v4 =	vsel vm2, $0x2, v1  }
0x22d: {  	s15 =	simm.s32 $0x0;
	v3 =	vsel vm1, v4, v3  }
0x22e: {  	[tilespmem:s15+$0x7000] =	vst v3  }
0x22f: {  	v5 =	vld [tilespmem:s13+$0x20]  }
0x230: {  	v4 =	vld [tilespmem:s13+$0x10];
	_ =	sdelay $0x1  }
0x231: {  	v6 =	vld [tilespmem:s13+$0x0];
	_ =	sdelay $0x2  }
0x232: {  	v7 =	vadd.f32 $-2.197224620e+00, v5;
	v8 =	vadd.f32 $-1.177830320e-01, v4  }
0x233: {  	v4 =	vadd.f32 $-2.231435330e-01, v4  }
0x234: {  	s14 =	simm.s32 $0x80;
	v6 =	vadd.f32 $-2.302585120e+00, v6;
	v5 =	vadd.f32 $-2.302585120e+00, v5;
	vm1 =	vgt.f32 v7, v8  }
.LBB2_21:
0x235: {  	p1 =	sne.s32 s14, $0x3F80  }
0x236: {  	v7 =	vmax.f32 v6, v4;
	vm2 =	vgt.f32 v4, v6;
	s13 =	sadd.s32 $0x60, s13;
	s16 =	smov.u32 s14;
	s14 =	sadd.s32 $0x80, s14  }
0x237: {  	vm3 =	vgt.f32 v5, v7;
	v4 =	vsel vm2, $0x1, v0;
	vm2 =	veq.s32 v2, $0x1  }
0x238: {  	v2 =	vsel vm3, $0x2, v4;
	v4 =	vsel vm1, $0x2, v1;
	vm0 =	vmand vm2, vm0  }
0x239: {  	v2 =	vsel vm0, v4, v2  }
0x23a: {  	[tilespmem:s15+$0x7010] =	vst v2  }
0x23b: {  	vm1 =	veq.s32 v2, $0x2;
	v4 =	vld [tilespmem:s13+$0xFFFFFFD0]  }
0x23c: {  	v5 =	vld [tilespmem:s13+$0xFFFFFFE0]  }
0x23d: {  	v6 =	vld [tilespmem:s13+$0xFFFFFFF0];
	_ =	sdelay $0x2  }
0x23e: {  	v4 =	vadd.f32 $-2.302585120e+00, v4  }
0x23f: {  	v7 =	vadd.f32 $-2.231435330e-01, v5;
	v5 =	vadd.f32 $-1.177830320e-01, v5  }
0x240: {  	v8 =	vadd.f32 $-2.302585120e+00, v6;
	v6 =	vadd.f32 $-2.197224620e+00, v6  }
0x241: {  	vm3 =	veq.s32 v3, $0x1;
	v9 =	vmax.f32 v4, v7;
	vm2 =	vgt.f32 v7, v4  }
0x242: {  	vm0 =	vgt.f32 v8, v9;
	v3 =	vsel vm2, $0x1, v0;
	vm2 =	vgt.f32 v6, v5  }
0x243: {  	vm1 =	vmand vm1, vm3;
	v3 =	vsel vm0, $0x2, v3;
	v4 =	vsel vm2, $0x2, v1  }
0x244: {  	s15 =	sshra.s32 s16, $0x2;
	v3 =	vsel vm1, v4, v3  }
0x245: {  	[tilespmem:s15+$0x7000] =	vst v3  }
0x246: {  	v5 =	vld [tilespmem:s13+$0x20]  }
0x247: {  	v6 =	vld [tilespmem:s13+$0x10]  }
0x248: {  	v7 =	vld [tilespmem:s13+$0x0];
	_ =	sdelay $0x1  }
.Ltmp10:
0x249: {  	(pc) =	sbr.rel @p1 .LBB2_21-.Ltmp10, $4  }
0x24a: {  	v8 =	vadd.f32 $-2.197224620e+00, v5  }
0x24b: {  	v4 =	vadd.f32 $-2.231435330e-01, v6;
	v9 =	vadd.f32 $-1.177830320e-01, v6  }
0x24c: {  	v6 =	vadd.f32 $-2.302585120e+00, v7  }
0x24d: {  	v5 =	vadd.f32 $-2.302585120e+00, v5;
	vm1 =	vgt.f32 v8, v9  }
0x24e: {  	v7 =	vmax.f32 v6, v4;
	vm2 =	vgt.f32 v4, v6  }
0x24f: {  	vm3 =	vgt.f32 v5, v7;
	v4 =	vsel vm2, $0x1, v0;
	vm2 =	veq.s32 v2, $0x1  }
0x250: {  	v2 =	vsel vm3, $0x2, v4;
	v4 =	vsel vm1, $0x2, v1;
	vm0 =	vmand vm2, vm0  }
0x251: {  	v2 =	vsel vm0, v4, v2  }
0x252: {  	s13 =	simm.s32 $0x0;
	[tilespmem:s15+$0x7010] =	vst v2  }
0x253: {  	[hbm4b:s20+s13] =	stream.linear.scatter [tilespmem:s9], [sflag:$0x4], $0x1000, $0x38;
	[tilespmem:$0x8000] =	vst v63  }
0x254: {  	_ = 	snop  }
0x255: {  	[tilespmem:s5], [sflag:$0x2] =	stream.linear.gather [hbm4b:s30+s13], $0x3000, $0x38;
	[tilespmem:$0x8000] =	vst v63  }
0x256: {  	_ =	swait.ge [sflag:s6], $0x3000  }
0x257: {  	[sflag:s6] =	ssyncset.done $0x0  }
0x258: {  	[sflag:s6] =	ssyncadd.s32 $0xFFFFD000  }
0x259: {  	_ =	swait.ge [sflag:s10], $0x1000  }
0x25a: {  	[sflag:s10] =	ssyncset.done $0x0  }
0x25b: {  	s13 =	simm.s32 $0x30;
	[sflag:s10] =	ssyncadd.s32 $0xFFFFF000  }
0x25c: {  	v4 =	vld [tilespmem:s13+$0xFFFFFFD0]  }
0x25d: {  	v5 =	vld [tilespmem:s13+$0xFFFFFFE0]  }
0x25e: {  	v6 =	vld [tilespmem:s13+$0xFFFFFFF0];
	_ =	sdelay $0x2  }
0x25f: {  	v4 =	vadd.f32 $-2.302585120e+00, v4  }
0x260: {  	v7 =	vadd.f32 $-2.231435330e-01, v5;
	v5 =	vadd.f32 $-1.177830320e-01, v5  }
0x261: {  	vm3 =	veq.s32 v3, $0x1;
	v8 =	vadd.f32 $-2.302585120e+00, v6;
	v6 =	vadd.f32 $-2.197224620e+00, v6  }
0x262: {  	vm1 =	veq.s32 v2, $0x2;
	v9 =	vmax.f32 v4, v7;
	vm2 =	vgt.f32 v7, v4  }
0x263: {  	vm0 =	vgt.f32 v8, v9;
	v3 =	vsel vm2, $0x1, v0;
	vm2 =	vgt.f32 v6, v5  }
0x264: {  	vm1 =	vmand vm1, vm3;
	v3 =	vsel vm0, $0x2, v3;
	v4 =	vsel vm2, $0x2, v1  }
0x265: {  	s15 =	simm.s32 $0x0;
	v3 =	vsel vm1, v4, v3  }
0x266: {  	[tilespmem:s15+$0x6000] =	vst v3  }
0x267: {  	v5 =	vld [tilespmem:s13+$0x20]  }
0x268: {  	v4 =	vld [tilespmem:s13+$0x10];
	_ =	sdelay $0x1  }
0x269: {  	v6 =	vld [tilespmem:s13+$0x0];
	_ =	sdelay $0x2  }
0x26a: {  	v7 =	vadd.f32 $-2.197224620e+00, v5;
	v8 =	vadd.f32 $-1.177830320e-01, v4  }
0x26b: {  	v4 =	vadd.f32 $-2.231435330e-01, v4  }
0x26c: {  	s14 =	simm.s32 $0x80;
	v6 =	vadd.f32 $-2.302585120e+00, v6;
	v5 =	vadd.f32 $-2.302585120e+00, v5;
	vm1 =	vgt.f32 v7, v8  }
.LBB2_23:
0x26d: {  	p1 =	sne.s32 s14, $0x3F80  }
0x26e: {  	v7 =	vmax.f32 v6, v4;
	vm2 =	vgt.f32 v4, v6;
	s13 =	sadd.s32 $0x60, s13;
	s16 =	smov.u32 s14;
	s14 =	sadd.s32 $0x80, s14  }
0x26f: {  	vm3 =	vgt.f32 v5, v7;
	v4 =	vsel vm2, $0x1, v0;
	vm2 =	veq.s32 v2, $0x1  }
0x270: {  	v2 =	vsel vm3, $0x2, v4;
	v4 =	vsel vm1, $0x2, v1;
	vm0 =	vmand vm2, vm0  }
0x271: {  	v2 =	vsel vm0, v4, v2  }
0x272: {  	[tilespmem:s15+$0x6010] =	vst v2  }
0x273: {  	vm1 =	veq.s32 v2, $0x2;
	v4 =	vld [tilespmem:s13+$0xFFFFFFD0]  }
0x274: {  	v5 =	vld [tilespmem:s13+$0xFFFFFFE0]  }
0x275: {  	v6 =	vld [tilespmem:s13+$0xFFFFFFF0];
	_ =	sdelay $0x2  }
0x276: {  	v4 =	vadd.f32 $-2.302585120e+00, v4  }
0x277: {  	v7 =	vadd.f32 $-2.231435330e-01, v5;
	v5 =	vadd.f32 $-1.177830320e-01, v5  }
0x278: {  	v8 =	vadd.f32 $-2.302585120e+00, v6;
	v6 =	vadd.f32 $-2.197224620e+00, v6  }
0x279: {  	vm3 =	veq.s32 v3, $0x1;
	v9 =	vmax.f32 v4, v7;
	vm2 =	vgt.f32 v7, v4  }
0x27a: {  	vm0 =	vgt.f32 v8, v9;
	v3 =	vsel vm2, $0x1, v0;
	vm2 =	vgt.f32 v6, v5  }
0x27b: {  	vm1 =	vmand vm1, vm3;
	v3 =	vsel vm0, $0x2, v3;
	v4 =	vsel vm2, $0x2, v1  }
0x27c: {  	s15 =	sshra.s32 s16, $0x2;
	v3 =	vsel vm1, v4, v3  }
0x27d: {  	[tilespmem:s15+$0x6000] =	vst v3  }
0x27e: {  	v5 =	vld [tilespmem:s13+$0x20]  }
0x27f: {  	v6 =	vld [tilespmem:s13+$0x10]  }
0x280: {  	v7 =	vld [tilespmem:s13+$0x0];
	_ =	sdelay $0x1  }
.Ltmp11:
0x281: {  	(pc) =	sbr.rel @p1 .LBB2_23-.Ltmp11, $4  }
0x282: {  	v8 =	vadd.f32 $-2.197224620e+00, v5  }
0x283: {  	v4 =	vadd.f32 $-2.231435330e-01, v6;
	v9 =	vadd.f32 $-1.177830320e-01, v6  }
0x284: {  	v6 =	vadd.f32 $-2.302585120e+00, v7  }
0x285: {  	v5 =	vadd.f32 $-2.302585120e+00, v5;
	vm1 =	vgt.f32 v8, v9  }
0x286: {  	v7 =	vmax.f32 v6, v4;
	vm2 =	vgt.f32 v4, v6  }
0x287: {  	vm3 =	vgt.f32 v5, v7;
	v4 =	vsel vm2, $0x1, v0;
	vm2 =	veq.s32 v2, $0x1  }
0x288: {  	v2 =	vsel vm3, $0x2, v4;
	v4 =	vsel vm1, $0x2, v1;
	vm0 =	vmand vm2, vm0  }
0x289: {  	v2 =	vsel vm0, v4, v2  }
0x28a: {  	s13 =	simm.s32 $0x0;
	[tilespmem:s15+$0x6010] =	vst v2  }
0x28b: {  	[hbm4b:s21+s13] =	stream.linear.scatter [tilespmem:s7], [sflag:$0x3], $0x1000, $0x38;
	[tilespmem:$0x8000] =	vst v63  }
0x28c: {  	_ = 	snop  }
0x28d: {  	[tilespmem:s13], [sflag:$0x1] =	stream.linear.gather [hbm4b:s31+s13], $0x3000, $0x38;
	[tilespmem:$0x8000] =	vst v63  }
0x28e: {  	_ =	swait.ge [sflag:s8], $0x3000  }
0x28f: {  	[sflag:s8] =	ssyncset.done $0x0  }
0x290: {  	[sflag:s8] =	ssyncadd.s32 $0xFFFFD000  }
0x291: {  	_ =	swait.ge [sflag:s11], $0x1000  }
0x292: {  	[sflag:s11] =	ssyncset.done $0x0  }
0x293: {  	s13 =	simm.s32 $0x3030;
	[sflag:s11] =	ssyncadd.s32 $0xFFFFF000  }
0x294: {  	v4 =	vld [tilespmem:s13+$0xFFFFFFD0]  }
0x295: {  	v5 =	vld [tilespmem:s13+$0xFFFFFFE0]  }
0x296: {  	v6 =	vld [tilespmem:s13+$0xFFFFFFF0];
	_ =	sdelay $0x2  }
0x297: {  	v4 =	vadd.f32 $-2.302585120e+00, v4  }
0x298: {  	v7 =	vadd.f32 $-2.231435330e-01, v5;
	v5 =	vadd.f32 $-1.177830320e-01, v5  }
0x299: {  	vm3 =	veq.s32 v3, $0x1;
	v8 =	vadd.f32 $-2.302585120e+00, v6;
	v6 =	vadd.f32 $-2.197224620e+00, v6  }
0x29a: {  	vm1 =	veq.s32 v2, $0x2;
	v9 =	vmax.f32 v4, v7;
	vm2 =	vgt.f32 v7, v4  }
0x29b: {  	vm0 =	vgt.f32 v8, v9;
	v3 =	vsel vm2, $0x1, v0;
	vm2 =	vgt.f32 v6, v5  }
0x29c: {  	vm1 =	vmand vm1, vm3;
	v3 =	vsel vm0, $0x2, v3;
	v4 =	vsel vm2, $0x2, v1  }
0x29d: {  	s15 =	simm.s32 $0x0;
	v3 =	vsel vm1, v4, v3  }
0x29e: {  	[tilespmem:s15+$0x7000] =	vst v3  }
0x29f: {  	v5 =	vld [tilespmem:s13+$0x20]  }
0x2a0: {  	v4 =	vld [tilespmem:s13+$0x10];
	_ =	sdelay $0x1  }
0x2a1: {  	v6 =	vld [tilespmem:s13+$0x0];
	_ =	sdelay $0x2  }
0x2a2: {  	v7 =	vadd.f32 $-2.197224620e+00, v5;
	v8 =	vadd.f32 $-1.177830320e-01, v4  }
0x2a3: {  	v4 =	vadd.f32 $-2.231435330e-01, v4  }
0x2a4: {  	s14 =	simm.s32 $0x80;
	v6 =	vadd.f32 $-2.302585120e+00, v6;
	v5 =	vadd.f32 $-2.302585120e+00, v5;
	vm1 =	vgt.f32 v7, v8  }
.LBB2_25:
0x2a5: {  	p1 =	sne.s32 s14, $0x3F80  }
0x2a6: {  	v7 =	vmax.f32 v6, v4;
	vm2 =	vgt.f32 v4, v6;
	s13 =	sadd.s32 $0x60, s13;
	s16 =	smov.u32 s14;
	s14 =	sadd.s32 $0x80, s14  }
0x2a7: {  	vm3 =	vgt.f32 v5, v7;
	v4 =	vsel vm2, $0x1, v0;
	vm2 =	veq.s32 v2, $0x1  }
0x2a8: {  	v2 =	vsel vm3, $0x2, v4;
	v4 =	vsel vm1, $0x2, v1;
	vm0 =	vmand vm2, vm0  }
0x2a9: {  	v2 =	vsel vm0, v4, v2  }
0x2aa: {  	[tilespmem:s15+$0x7010] =	vst v2  }
0x2ab: {  	vm1 =	veq.s32 v2, $0x2;
	v4 =	vld [tilespmem:s13+$0xFFFFFFD0]  }
0x2ac: {  	v5 =	vld [tilespmem:s13+$0xFFFFFFE0]  }
0x2ad: {  	v6 =	vld [tilespmem:s13+$0xFFFFFFF0];
	_ =	sdelay $0x2  }
0x2ae: {  	v4 =	vadd.f32 $-2.302585120e+00, v4  }
0x2af: {  	v7 =	vadd.f32 $-2.231435330e-01, v5;
	v5 =	vadd.f32 $-1.177830320e-01, v5  }
0x2b0: {  	v8 =	vadd.f32 $-2.302585120e+00, v6;
	v6 =	vadd.f32 $-2.197224620e+00, v6  }
0x2b1: {  	vm3 =	veq.s32 v3, $0x1;
	v9 =	vmax.f32 v4, v7;
	vm2 =	vgt.f32 v7, v4  }
0x2b2: {  	vm0 =	vgt.f32 v8, v9;
	v3 =	vsel vm2, $0x1, v0;
	vm2 =	vgt.f32 v6, v5  }
0x2b3: {  	vm1 =	vmand vm1, vm3;
	v3 =	vsel vm0, $0x2, v3;
	v4 =	vsel vm2, $0x2, v1  }
0x2b4: {  	s15 =	sshra.s32 s16, $0x2;
	v3 =	vsel vm1, v4, v3  }
0x2b5: {  	[tilespmem:s15+$0x7000] =	vst v3  }
0x2b6: {  	v5 =	vld [tilespmem:s13+$0x20]  }
0x2b7: {  	v6 =	vld [tilespmem:s13+$0x10]  }
0x2b8: {  	v7 =	vld [tilespmem:s13+$0x0];
	_ =	sdelay $0x1  }
.Ltmp12:
0x2b9: {  	(pc) =	sbr.rel @p1 .LBB2_25-.Ltmp12, $4  }
0x2ba: {  	v8 =	vadd.f32 $-2.197224620e+00, v5  }
0x2bb: {  	v4 =	vadd.f32 $-2.231435330e-01, v6;
	v9 =	vadd.f32 $-1.177830320e-01, v6  }
0x2bc: {  	v6 =	vadd.f32 $-2.302585120e+00, v7  }
0x2bd: {  	v5 =	vadd.f32 $-2.302585120e+00, v5;
	vm1 =	vgt.f32 v8, v9  }
0x2be: {  	v7 =	vmax.f32 v6, v4;
	vm2 =	vgt.f32 v4, v6  }
0x2bf: {  	vm3 =	vgt.f32 v5, v7;
	v4 =	vsel vm2, $0x1, v0;
	vm2 =	veq.s32 v2, $0x1  }
0x2c0: {  	v2 =	vsel vm3, $0x2, v4;
	v4 =	vsel vm1, $0x2, v1;
	vm0 =	vmand vm2, vm0  }
0x2c1: {  	v2 =	vsel vm0, v4, v2  }
0x2c2: {  	s13 =	simm.s32 $0x0;
	[tilespmem:s15+$0x7010] =	vst v2  }
0x2c3: {  	[hbm4b:s22+s13] =	stream.linear.scatter [tilespmem:s9], [sflag:$0x4], $0x1000, $0x38;
	[tilespmem:$0x8000] =	vst v63  }
0x2c4: {  	_ = 	snop  }
0x2c5: {  	[tilespmem:s5], [sflag:$0x2] =	stream.linear.gather [hbm4b:s0+s13], $0x3000, $0x38;
	[tilespmem:$0x8000] =	vst v63  }
0x2c6: {  	_ =	swait.ge [sflag:s6], $0x3000  }
0x2c7: {  	[sflag:s6] =	ssyncset.done $0x0  }
0x2c8: {  	[sflag:s6] =	ssyncadd.s32 $0xFFFFD000  }
0x2c9: {  	_ =	swait.ge [sflag:s10], $0x1000  }
0x2ca: {  	[sflag:s10] =	ssyncset.done $0x0  }
0x2cb: {  	s13 =	simm.s32 $0x30;
	[sflag:s10] =	ssyncadd.s32 $0xFFFFF000  }
0x2cc: {  	v4 =	vld [tilespmem:s13+$0xFFFFFFD0]  }
0x2cd: {  	v5 =	vld [tilespmem:s13+$0xFFFFFFE0]  }
0x2ce: {  	v6 =	vld [tilespmem:s13+$0xFFFFFFF0];
	_ =	sdelay $0x2  }
0x2cf: {  	v4 =	vadd.f32 $-2.302585120e+00, v4  }
0x2d0: {  	v7 =	vadd.f32 $-2.231435330e-01, v5;
	v5 =	vadd.f32 $-1.177830320e-01, v5  }
0x2d1: {  	vm3 =	veq.s32 v3, $0x1;
	v8 =	vadd.f32 $-2.302585120e+00, v6;
	v6 =	vadd.f32 $-2.197224620e+00, v6  }
0x2d2: {  	vm1 =	veq.s32 v2, $0x2;
	v9 =	vmax.f32 v4, v7;
	vm2 =	vgt.f32 v7, v4  }
0x2d3: {  	vm0 =	vgt.f32 v8, v9;
	v3 =	vsel vm2, $0x1, v0;
	vm2 =	vgt.f32 v6, v5  }
0x2d4: {  	vm1 =	vmand vm1, vm3;
	v3 =	vsel vm0, $0x2, v3;
	v4 =	vsel vm2, $0x2, v1  }
0x2d5: {  	s15 =	simm.s32 $0x0;
	v3 =	vsel vm1, v4, v3  }
0x2d6: {  	[tilespmem:s15+$0x6000] =	vst v3  }
0x2d7: {  	v5 =	vld [tilespmem:s13+$0x20]  }
0x2d8: {  	v4 =	vld [tilespmem:s13+$0x10];
	_ =	sdelay $0x1  }
0x2d9: {  	v6 =	vld [tilespmem:s13+$0x0];
	_ =	sdelay $0x2  }
0x2da: {  	v7 =	vadd.f32 $-2.197224620e+00, v5;
	v8 =	vadd.f32 $-1.177830320e-01, v4  }
0x2db: {  	v4 =	vadd.f32 $-2.231435330e-01, v4  }
0x2dc: {  	s14 =	simm.s32 $0x80;
	v6 =	vadd.f32 $-2.302585120e+00, v6;
	v5 =	vadd.f32 $-2.302585120e+00, v5;
	vm1 =	vgt.f32 v7, v8  }
.LBB2_27:
0x2dd: {  	p1 =	sne.s32 s14, $0x3F80  }
0x2de: {  	v7 =	vmax.f32 v6, v4;
	vm2 =	vgt.f32 v4, v6;
	s13 =	sadd.s32 $0x60, s13;
	s16 =	smov.u32 s14;
	s14 =	sadd.s32 $0x80, s14  }
0x2df: {  	vm3 =	vgt.f32 v5, v7;
	v4 =	vsel vm2, $0x1, v0;
	vm2 =	veq.s32 v2, $0x1  }
0x2e0: {  	v2 =	vsel vm3, $0x2, v4;
	v4 =	vsel vm1, $0x2, v1;
	vm0 =	vmand vm2, vm0  }
0x2e1: {  	v2 =	vsel vm0, v4, v2  }
0x2e2: {  	[tilespmem:s15+$0x6010] =	vst v2  }
0x2e3: {  	vm1 =	veq.s32 v2, $0x2;
	v4 =	vld [tilespmem:s13+$0xFFFFFFD0]  }
0x2e4: {  	v5 =	vld [tilespmem:s13+$0xFFFFFFE0]  }
0x2e5: {  	v6 =	vld [tilespmem:s13+$0xFFFFFFF0];
	_ =	sdelay $0x2  }
0x2e6: {  	v4 =	vadd.f32 $-2.302585120e+00, v4  }
0x2e7: {  	v7 =	vadd.f32 $-2.231435330e-01, v5;
	v5 =	vadd.f32 $-1.177830320e-01, v5  }
0x2e8: {  	v8 =	vadd.f32 $-2.302585120e+00, v6;
	v6 =	vadd.f32 $-2.197224620e+00, v6  }
0x2e9: {  	vm3 =	veq.s32 v3, $0x1;
	v9 =	vmax.f32 v4, v7;
	vm2 =	vgt.f32 v7, v4  }
0x2ea: {  	vm0 =	vgt.f32 v8, v9;
	v3 =	vsel vm2, $0x1, v0;
	vm2 =	vgt.f32 v6, v5  }
0x2eb: {  	vm1 =	vmand vm1, vm3;
	v3 =	vsel vm0, $0x2, v3;
	v4 =	vsel vm2, $0x2, v1  }
0x2ec: {  	s15 =	sshra.s32 s16, $0x2;
	v3 =	vsel vm1, v4, v3  }
0x2ed: {  	[tilespmem:s15+$0x6000] =	vst v3  }
0x2ee: {  	v5 =	vld [tilespmem:s13+$0x20]  }
0x2ef: {  	v6 =	vld [tilespmem:s13+$0x10]  }
0x2f0: {  	v7 =	vld [tilespmem:s13+$0x0];
	_ =	sdelay $0x1  }
.Ltmp13:
0x2f1: {  	(pc) =	sbr.rel @p1 .LBB2_27-.Ltmp13, $4  }
0x2f2: {  	v8 =	vadd.f32 $-2.197224620e+00, v5  }
0x2f3: {  	v4 =	vadd.f32 $-2.231435330e-01, v6;
	v9 =	vadd.f32 $-1.177830320e-01, v6  }
0x2f4: {  	v6 =	vadd.f32 $-2.302585120e+00, v7  }
0x2f5: {  	v5 =	vadd.f32 $-2.302585120e+00, v5;
	vm1 =	vgt.f32 v8, v9  }
0x2f6: {  	v7 =	vmax.f32 v6, v4;
	vm2 =	vgt.f32 v4, v6  }
0x2f7: {  	vm3 =	vgt.f32 v5, v7;
	v4 =	vsel vm2, $0x1, v0;
	vm2 =	veq.s32 v2, $0x1  }
0x2f8: {  	v2 =	vsel vm3, $0x2, v4;
	v4 =	vsel vm1, $0x2, v1;
	vm0 =	vmand vm2, vm0  }
0x2f9: {  	v2 =	vsel vm0, v4, v2  }
0x2fa: {  	s13 =	simm.s32 $0x0;
	[tilespmem:s15+$0x6010] =	vst v2  }
0x2fb: {  	[hbm4b:s23+s13] =	stream.linear.scatter [tilespmem:s7], [sflag:$0x3], $0x1000, $0x38;
	[tilespmem:$0x8000] =	vst v63  }
0x2fc: {  	_ = 	snop  }
0x2fd: {  	[tilespmem:s13], [sflag:$0x1] =	stream.linear.gather [hbm4b:s1+s13], $0x3000, $0x38;
	[tilespmem:$0x8000] =	vst v63  }
0x2fe: {  	_ =	swait.ge [sflag:s8], $0x3000  }
0x2ff: {  	[sflag:s8] =	ssyncset.done $0x0  }
0x300: {  	[sflag:s8] =	ssyncadd.s32 $0xFFFFD000  }
0x301: {  	_ =	swait.ge [sflag:s11], $0x1000  }
0x302: {  	[sflag:s11] =	ssyncset.done $0x0  }
0x303: {  	s13 =	simm.s32 $0x3030;
	[sflag:s11] =	ssyncadd.s32 $0xFFFFF000  }
0x304: {  	v4 =	vld [tilespmem:s13+$0xFFFFFFD0]  }
0x305: {  	v5 =	vld [tilespmem:s13+$0xFFFFFFE0]  }
0x306: {  	v6 =	vld [tilespmem:s13+$0xFFFFFFF0];
	_ =	sdelay $0x2  }
0x307: {  	v4 =	vadd.f32 $-2.302585120e+00, v4  }
0x308: {  	v7 =	vadd.f32 $-2.231435330e-01, v5;
	v5 =	vadd.f32 $-1.177830320e-01, v5  }
0x309: {  	vm3 =	veq.s32 v3, $0x1;
	v8 =	vadd.f32 $-2.302585120e+00, v6;
	v6 =	vadd.f32 $-2.197224620e+00, v6  }
0x30a: {  	vm1 =	veq.s32 v2, $0x2;
	v9 =	vmax.f32 v4, v7;
	vm2 =	vgt.f32 v7, v4  }
0x30b: {  	vm0 =	vgt.f32 v8, v9;
	v3 =	vsel vm2, $0x1, v0;
	vm2 =	vgt.f32 v6, v5  }
0x30c: {  	vm1 =	vmand vm1, vm3;
	v3 =	vsel vm0, $0x2, v3;
	v4 =	vsel vm2, $0x2, v1  }
0x30d: {  	s15 =	simm.s32 $0x0;
	v3 =	vsel vm1, v4, v3  }
0x30e: {  	[tilespmem:s15+$0x7000] =	vst v3  }
0x30f: {  	v5 =	vld [tilespmem:s13+$0x20]  }
0x310: {  	v4 =	vld [tilespmem:s13+$0x10];
	_ =	sdelay $0x1  }
0x311: {  	v6 =	vld [tilespmem:s13+$0x0];
	_ =	sdelay $0x2  }
0x312: {  	v7 =	vadd.f32 $-2.197224620e+00, v5;
	v8 =	vadd.f32 $-1.177830320e-01, v4  }
0x313: {  	v4 =	vadd.f32 $-2.231435330e-01, v4  }
0x314: {  	s14 =	simm.s32 $0x80;
	v6 =	vadd.f32 $-2.302585120e+00, v6;
	v5 =	vadd.f32 $-2.302585120e+00, v5;
	vm1 =	vgt.f32 v7, v8  }
.LBB2_29:
0x315: {  	p1 =	sne.s32 s14, $0x3F80  }
0x316: {  	v7 =	vmax.f32 v6, v4;
	vm2 =	vgt.f32 v4, v6;
	s13 =	sadd.s32 $0x60, s13;
	s16 =	smov.u32 s14;
	s14 =	sadd.s32 $0x80, s14  }
0x317: {  	vm3 =	vgt.f32 v5, v7;
	v4 =	vsel vm2, $0x1, v0;
	vm2 =	veq.s32 v2, $0x1  }
0x318: {  	v2 =	vsel vm3, $0x2, v4;
	v4 =	vsel vm1, $0x2, v1;
	vm0 =	vmand vm2, vm0  }
0x319: {  	v2 =	vsel vm0, v4, v2  }
0x31a: {  	[tilespmem:s15+$0x7010] =	vst v2  }
0x31b: {  	vm1 =	veq.s32 v2, $0x2;
	v4 =	vld [tilespmem:s13+$0xFFFFFFD0]  }
0x31c: {  	v5 =	vld [tilespmem:s13+$0xFFFFFFE0]  }
0x31d: {  	v6 =	vld [tilespmem:s13+$0xFFFFFFF0];
	_ =	sdelay $0x2  }
0x31e: {  	v4 =	vadd.f32 $-2.302585120e+00, v4  }
0x31f: {  	v7 =	vadd.f32 $-2.231435330e-01, v5;
	v5 =	vadd.f32 $-1.177830320e-01, v5  }
0x320: {  	v8 =	vadd.f32 $-2.302585120e+00, v6;
	v6 =	vadd.f32 $-2.197224620e+00, v6  }
0x321: {  	vm3 =	veq.s32 v3, $0x1;
	v9 =	vmax.f32 v4, v7;
	vm2 =	vgt.f32 v7, v4  }
0x322: {  	vm0 =	vgt.f32 v8, v9;
	v3 =	vsel vm2, $0x1, v0;
	vm2 =	vgt.f32 v6, v5  }
0x323: {  	vm1 =	vmand vm1, vm3;
	v3 =	vsel vm0, $0x2, v3;
	v4 =	vsel vm2, $0x2, v1  }
0x324: {  	s15 =	sshra.s32 s16, $0x2;
	v3 =	vsel vm1, v4, v3  }
0x325: {  	[tilespmem:s15+$0x7000] =	vst v3  }
0x326: {  	v5 =	vld [tilespmem:s13+$0x20]  }
0x327: {  	v6 =	vld [tilespmem:s13+$0x10]  }
0x328: {  	v7 =	vld [tilespmem:s13+$0x0];
	_ =	sdelay $0x1  }
.Ltmp14:
0x329: {  	(pc) =	sbr.rel @p1 .LBB2_29-.Ltmp14, $4  }
0x32a: {  	v8 =	vadd.f32 $-2.197224620e+00, v5  }
0x32b: {  	v4 =	vadd.f32 $-2.231435330e-01, v6;
	v9 =	vadd.f32 $-1.177830320e-01, v6  }
0x32c: {  	v6 =	vadd.f32 $-2.302585120e+00, v7  }
0x32d: {  	v5 =	vadd.f32 $-2.302585120e+00, v5;
	vm1 =	vgt.f32 v8, v9  }
0x32e: {  	v7 =	vmax.f32 v6, v4;
	vm2 =	vgt.f32 v4, v6  }
0x32f: {  	vm3 =	vgt.f32 v5, v7;
	v4 =	vsel vm2, $0x1, v0;
	vm2 =	veq.s32 v2, $0x1  }
0x330: {  	v2 =	vsel vm3, $0x2, v4;
	v4 =	vsel vm1, $0x2, v1;
	vm0 =	vmand vm2, vm0  }
0x331: {  	v2 =	vsel vm0, v4, v2  }
0x332: {  	s13 =	simm.s32 $0x0;
	[tilespmem:s15+$0x7010] =	vst v2  }
0x333: {  	[hbm4b:s24+s13] =	stream.linear.scatter [tilespmem:s9], [sflag:$0x4], $0x1000, $0x38;
	[tilespmem:$0x8000] =	vst v63  }
0x334: {  	_ = 	snop  }
0x335: {  	[tilespmem:s5], [sflag:$0x2] =	stream.linear.gather [hbm4b:s2+s13], $0x3000, $0x38;
	[tilespmem:$0x8000] =	vst v63  }
0x336: {  	_ =	swait.ge [sflag:s6], $0x3000  }
0x337: {  	[sflag:s6] =	ssyncset.done $0x0  }
0x338: {  	[sflag:s6] =	ssyncadd.s32 $0xFFFFD000  }
0x339: {  	_ =	swait.ge [sflag:s10], $0x1000  }
0x33a: {  	[sflag:s10] =	ssyncset.done $0x0  }
0x33b: {  	s13 =	simm.s32 $0x30;
	[sflag:s10] =	ssyncadd.s32 $0xFFFFF000  }
0x33c: {  	v4 =	vld [tilespmem:s13+$0xFFFFFFD0]  }
0x33d: {  	v5 =	vld [tilespmem:s13+$0xFFFFFFE0]  }
0x33e: {  	v6 =	vld [tilespmem:s13+$0xFFFFFFF0];
	_ =	sdelay $0x2  }
0x33f: {  	v4 =	vadd.f32 $-2.302585120e+00, v4  }
0x340: {  	v7 =	vadd.f32 $-2.231435330e-01, v5;
	v5 =	vadd.f32 $-1.177830320e-01, v5  }
0x341: {  	vm3 =	veq.s32 v3, $0x1;
	v8 =	vadd.f32 $-2.302585120e+00, v6;
	v6 =	vadd.f32 $-2.197224620e+00, v6  }
0x342: {  	vm1 =	veq.s32 v2, $0x2;
	v9 =	vmax.f32 v4, v7;
	vm2 =	vgt.f32 v7, v4  }
0x343: {  	vm0 =	vgt.f32 v8, v9;
	v3 =	vsel vm2, $0x1, v0;
	vm2 =	vgt.f32 v6, v5  }
0x344: {  	vm1 =	vmand vm1, vm3;
	v3 =	vsel vm0, $0x2, v3;
	v4 =	vsel vm2, $0x2, v1  }
0x345: {  	s15 =	simm.s32 $0x0;
	v3 =	vsel vm1, v4, v3  }
0x346: {  	[tilespmem:s15+$0x6000] =	vst v3  }
0x347: {  	v5 =	vld [tilespmem:s13+$0x20]  }
0x348: {  	v4 =	vld [tilespmem:s13+$0x10];
	_ =	sdelay $0x1  }
0x349: {  	v6 =	vld [tilespmem:s13+$0x0];
	_ =	sdelay $0x2  }
0x34a: {  	v7 =	vadd.f32 $-2.197224620e+00, v5;
	v8 =	vadd.f32 $-1.177830320e-01, v4  }
0x34b: {  	v4 =	vadd.f32 $-2.231435330e-01, v4  }
0x34c: {  	s14 =	simm.s32 $0x80;
	v6 =	vadd.f32 $-2.302585120e+00, v6;
	v5 =	vadd.f32 $-2.302585120e+00, v5;
	vm1 =	vgt.f32 v7, v8  }
.LBB2_31:
0x34d: {  	p1 =	sne.s32 s14, $0x3F80  }
0x34e: {  	v7 =	vmax.f32 v6, v4;
	vm2 =	vgt.f32 v4, v6;
	s13 =	sadd.s32 $0x60, s13;
	s16 =	smov.u32 s14;
	s14 =	sadd.s32 $0x80, s14  }
0x34f: {  	vm3 =	vgt.f32 v5, v7;
	v4 =	vsel vm2, $0x1, v0;
	vm2 =	veq.s32 v2, $0x1  }
0x350: {  	v2 =	vsel vm3, $0x2, v4;
	v4 =	vsel vm1, $0x2, v1;
	vm0 =	vmand vm2, vm0  }
0x351: {  	v2 =	vsel vm0, v4, v2  }
0x352: {  	[tilespmem:s15+$0x6010] =	vst v2  }
0x353: {  	vm1 =	veq.s32 v2, $0x2;
	v4 =	vld [tilespmem:s13+$0xFFFFFFD0]  }
0x354: {  	v5 =	vld [tilespmem:s13+$0xFFFFFFE0]  }
0x355: {  	v6 =	vld [tilespmem:s13+$0xFFFFFFF0];
	_ =	sdelay $0x2  }
0x356: {  	v4 =	vadd.f32 $-2.302585120e+00, v4  }
0x357: {  	v7 =	vadd.f32 $-2.231435330e-01, v5;
	v5 =	vadd.f32 $-1.177830320e-01, v5  }
0x358: {  	v8 =	vadd.f32 $-2.302585120e+00, v6;
	v6 =	vadd.f32 $-2.197224620e+00, v6  }
0x359: {  	vm3 =	veq.s32 v3, $0x1;
	v9 =	vmax.f32 v4, v7;
	vm2 =	vgt.f32 v7, v4  }
0x35a: {  	vm0 =	vgt.f32 v8, v9;
	v3 =	vsel vm2, $0x1, v0;
	vm2 =	vgt.f32 v6, v5  }
0x35b: {  	vm1 =	vmand vm1, vm3;
	v3 =	vsel vm0, $0x2, v3;
	v4 =	vsel vm2, $0x2, v1  }
0x35c: {  	s15 =	sshra.s32 s16, $0x2;
	v3 =	vsel vm1, v4, v3  }
0x35d: {  	[tilespmem:s15+$0x6000] =	vst v3  }
0x35e: {  	v5 =	vld [tilespmem:s13+$0x20]  }
0x35f: {  	v6 =	vld [tilespmem:s13+$0x10]  }
0x360: {  	v7 =	vld [tilespmem:s13+$0x0];
	_ =	sdelay $0x1  }
.Ltmp15:
0x361: {  	(pc) =	sbr.rel @p1 .LBB2_31-.Ltmp15, $4  }
0x362: {  	v8 =	vadd.f32 $-2.197224620e+00, v5  }
0x363: {  	v4 =	vadd.f32 $-2.231435330e-01, v6;
	v9 =	vadd.f32 $-1.177830320e-01, v6  }
0x364: {  	v6 =	vadd.f32 $-2.302585120e+00, v7  }
0x365: {  	v5 =	vadd.f32 $-2.302585120e+00, v5;
	vm1 =	vgt.f32 v8, v9  }
0x366: {  	v7 =	vmax.f32 v6, v4;
	vm2 =	vgt.f32 v4, v6  }
0x367: {  	vm3 =	vgt.f32 v5, v7;
	v4 =	vsel vm2, $0x1, v0;
	vm2 =	veq.s32 v2, $0x1  }
0x368: {  	v2 =	vsel vm3, $0x2, v4;
	v4 =	vsel vm1, $0x2, v1;
	vm0 =	vmand vm2, vm0  }
0x369: {  	v2 =	vsel vm0, v4, v2  }
0x36a: {  	s13 =	simm.s32 $0x0;
	[tilespmem:s15+$0x6010] =	vst v2  }
0x36b: {  	[hbm4b:s25+s13] =	stream.linear.scatter [tilespmem:s7], [sflag:$0x3], $0x1000, $0x38;
	[tilespmem:$0x8000] =	vst v63  }
0x36c: {  	_ =	swait.ge [sflag:s8], $0x3000  }
0x36d: {  	[sflag:s8] =	ssyncset.done $0x0  }
0x36e: {  	[sflag:s8] =	ssyncadd.s32 $0xFFFFD000  }
0x36f: {  	_ =	swait.ge [sflag:s11], $0x1000  }
0x370: {  	[sflag:s11] =	ssyncset.done $0x0  }
0x371: {  	s13 =	simm.s32 $0x3030;
	[sflag:s11] =	ssyncadd.s32 $0xFFFFF000  }
0x372: {  	v4 =	vld [tilespmem:s13+$0xFFFFFFD0]  }
0x373: {  	v5 =	vld [tilespmem:s13+$0xFFFFFFE0]  }
0x374: {  	v6 =	vld [tilespmem:s13+$0xFFFFFFF0];
	_ =	sdelay $0x2  }
0x375: {  	v4 =	vadd.f32 $-2.302585120e+00, v4  }
0x376: {  	v7 =	vadd.f32 $-2.231435330e-01, v5;
	v5 =	vadd.f32 $-1.177830320e-01, v5  }
0x377: {  	vm3 =	veq.s32 v3, $0x1;
	v8 =	vadd.f32 $-2.302585120e+00, v6;
	v6 =	vadd.f32 $-2.197224620e+00, v6  }
0x378: {  	vm1 =	veq.s32 v2, $0x2;
	v9 =	vmax.f32 v4, v7;
	vm2 =	vgt.f32 v7, v4  }
0x379: {  	vm0 =	vgt.f32 v8, v9;
	v3 =	vsel vm2, $0x1, v0;
	vm2 =	vgt.f32 v6, v5  }
0x37a: {  	vm1 =	vmand vm1, vm3;
	v3 =	vsel vm0, $0x2, v3;
	v4 =	vsel vm2, $0x2, v1  }
0x37b: {  	s15 =	simm.s32 $0x0;
	v3 =	vsel vm1, v4, v3  }
0x37c: {  	[tilespmem:s15+$0x7000] =	vst v3  }
0x37d: {  	v5 =	vld [tilespmem:s13+$0x20]  }
0x37e: {  	v4 =	vld [tilespmem:s13+$0x10];
	_ =	sdelay $0x1  }
0x37f: {  	v6 =	vld [tilespmem:s13+$0x0];
	_ =	sdelay $0x2  }
0x380: {  	v7 =	vadd.f32 $-2.197224620e+00, v5;
	v8 =	vadd.f32 $-1.177830320e-01, v4  }
0x381: {  	v4 =	vadd.f32 $-2.231435330e-01, v4  }
0x382: {  	s14 =	simm.s32 $0x80;
	v6 =	vadd.f32 $-2.302585120e+00, v6;
	v5 =	vadd.f32 $-2.302585120e+00, v5;
	vm1 =	vgt.f32 v7, v8  }
.LBB2_33:
0x383: {  	p1 =	sne.s32 s14, $0x3F80  }
0x384: {  	v7 =	vmax.f32 v6, v4;
	vm2 =	vgt.f32 v4, v6;
	s13 =	sadd.s32 $0x60, s13;
	s16 =	smov.u32 s14;
	s14 =	sadd.s32 $0x80, s14  }
0x385: {  	vm3 =	vgt.f32 v5, v7;
	v4 =	vsel vm2, $0x1, v0;
	vm2 =	veq.s32 v2, $0x1  }
0x386: {  	v2 =	vsel vm3, $0x2, v4;
	v4 =	vsel vm1, $0x2, v1;
	vm0 =	vmand vm2, vm0  }
0x387: {  	v2 =	vsel vm0, v4, v2  }
0x388: {  	[tilespmem:s15+$0x7010] =	vst v2  }
0x389: {  	vm1 =	veq.s32 v2, $0x2;
	v4 =	vld [tilespmem:s13+$0xFFFFFFD0]  }
0x38a: {  	v5 =	vld [tilespmem:s13+$0xFFFFFFE0]  }
0x38b: {  	v6 =	vld [tilespmem:s13+$0xFFFFFFF0];
	_ =	sdelay $0x2  }
0x38c: {  	v4 =	vadd.f32 $-2.302585120e+00, v4  }
0x38d: {  	v7 =	vadd.f32 $-2.231435330e-01, v5;
	v5 =	vadd.f32 $-1.177830320e-01, v5  }
0x38e: {  	v8 =	vadd.f32 $-2.302585120e+00, v6;
	v6 =	vadd.f32 $-2.197224620e+00, v6  }
0x38f: {  	vm3 =	veq.s32 v3, $0x1;
	v9 =	vmax.f32 v4, v7;
	vm2 =	vgt.f32 v7, v4  }
0x390: {  	vm0 =	vgt.f32 v8, v9;
	v3 =	vsel vm2, $0x1, v0;
	vm2 =	vgt.f32 v6, v5  }
0x391: {  	vm1 =	vmand vm1, vm3;
	v3 =	vsel vm0, $0x2, v3;
	v4 =	vsel vm2, $0x2, v1  }
0x392: {  	s15 =	sshra.s32 s16, $0x2;
	v3 =	vsel vm1, v4, v3  }
0x393: {  	[tilespmem:s15+$0x7000] =	vst v3  }
0x394: {  	v5 =	vld [tilespmem:s13+$0x20]  }
0x395: {  	v6 =	vld [tilespmem:s13+$0x10]  }
0x396: {  	v7 =	vld [tilespmem:s13+$0x0];
	_ =	sdelay $0x1  }
.Ltmp16:
0x397: {  	(pc) =	sbr.rel @p1 .LBB2_33-.Ltmp16, $4  }
0x398: {  	v8 =	vadd.f32 $-2.197224620e+00, v5  }
0x399: {  	v4 =	vadd.f32 $-2.231435330e-01, v6;
	v9 =	vadd.f32 $-1.177830320e-01, v6  }
0x39a: {  	v6 =	vadd.f32 $-2.302585120e+00, v7  }
0x39b: {  	v5 =	vadd.f32 $-2.302585120e+00, v5;
	vm1 =	vgt.f32 v8, v9  }
0x39c: {  	v3 =	vmax.f32 v6, v4;
	vm2 =	vgt.f32 v4, v6  }
0x39d: {  	vm15 =	veq.s32 v2, $0x1;
	vm3 =	vgt.f32 v5, v3;
	v3 =	vsel vm2, $0x1, v0  }
0x39e: {  	vm0 =	vmand vm15, vm0;
	v2 =	vsel vm3, $0x2, v3;
	v3 =	vsel vm1, $0x2, v1  }
0x39f: {  	v2 =	vsel vm0, v3, v2  }
0x3a0: {  	s13 =	simm.s32 $0x0;
	s12 =	sadd.s32 $0x1, s12;
	[tilespmem:s15+$0x7010] =	vst v2  }
0x3a1: {  	[hbm4b:s26+s13] =	stream.linear.scatter [tilespmem:s9], [sflag:$0x4], $0x1000, $0x38;
	[tilespmem:$0x8000] =	vst v63  }
0x3a2: {  	p1 =	sne.s32 s12, s28;
	_ =	swait.ge [sflag:s10], $0x1000  }
.Ltmp17:
0x3a3: {  	[sflag:s10] =	ssyncset.done $0x0;
	(pc) =	sbr.rel @p1 .LBB2_2-.Ltmp17, $4  }
0x3a4: {  	[sflag:s10] =	ssyncadd.s32 $0xFFFFF000  }
0x3a5: {  	_ =	swait.ge [sflag:s11], $0x1000  }
0x3a6: {  	[sflag:s11] =	ssyncset.done $0x0  }
0x3a7: {  	[sflag:s11] =	ssyncadd.s32 $0xFFFFF000  }
.LBB2_35:
0x3a8: {  	_ =	sfence.sel $0x180000  }
0x3a9: {  	[bflag:$0x0] =	sbarrier.arrive $0xFFFF  }
0x3aa: {  	_ =	strace $0x90000047  }
0x3ab: {  	[bflag:$0x2] =	sbarrier.arrive $0xFFFF  }
0x3ac: {  	s0 =	rddreg [dreg:$0x2]  }
0x3ad: {  	s0 =	sadd.s32 @!p0 $0x100000, s0  }
0x3ae: {  	[sflag:s0] =	ssyncadd.tile.s32 @!p0 $0x1;
	_ =	shalt  }
.Lfunc_end2:
_tile_overlayer_lowered:
.L_overlay_start_2:
0x3af: {  	(tag) =	ssettag $0x2  }
0x3b0: {  	s0 =	rddreg [dreg:$0x0];
	s2 =	stileid.u32  }
0x3b1: {  	s1 =	rddreg [dreg:$0x1];
	p0 =	sne.s32 s2, $0x0  }
0x3b2: {  	s3 =	rddreg [dreg:$0x2];
	[bflag:$0x3] =	sbarrier.arrive $0xFFFF;
	s2 =	simm.s32 @!p0 $0x1C05  }
0x3b3: {  	[timem:s3], [sflag:s2] =	dma.local @!p0 [hbm:s0], s1  }
0x3b4: {  	s0 =	simm.s32 @!p0 $0x5  }
0x3b5: {  	_ =	swait.ge @!p0 [sflag:s0], s1  }
0x3b6: {  	s1 =	ssub.s32 @!p0 $0x0, s1;
	[sflag:s0] =	ssyncset.done @!p0 $0x0  }
0x3b7: {  	[sflag:s0] =	ssyncadd.s32 @!p0 s1  }
0x3b8: {  	[bflag:$0x3] =	sbarrier.arrive $0xFFFF  }
0x3b9: {  	_ =	shalt  }

</sc_bundles>
